<compile_context>
chip_gen: v7x
topology: tpu7x:2x2x1
jax: 0.10.2.dev20260603
libtpu: 0.0.44.dev20260713+nightly
codegen_flags: <defaults>
</compile_context>

<pallas_src>
import jax
import jax.numpy as jnp
from jax import lax
from jax.experimental import pallas as pl
from jax.experimental.pallas import tpu as pltpu
from jax.experimental.pallas import tpu_sc as plsc

N_ROWS = 1000000
D = 32
B = 16384
PAIRS_TOTAL = N_ROWS * (N_ROWS - 1) / 2.0

NC = 2
NS = 16
L = 16
NW = NC * NS
NIDX = 2 * B
RPW = 32768
CH = 1024
NCHK = RPW // CH
TAIL = 999936
MAXCS = 998912
CAPH = 2048
CAPC = 128
NPAD = 16
SROWS = NIDX + NPAD


def _gather_body(wT_hbm, idx_hbm, stage_hbm,
                 idxv, hrow, hslot, ch0, ch1, tailb, outb, crow, cslot,
                 sem_i, sem_c0, sem_c1, sem_t, sem_s):
    wid = lax.axis_index("s") * NC + lax.axis_index("c")
    lo = wid * RPW
    hi = jnp.minimum(lo + RPW, TAIL)
    iota = lax.iota(jnp.int32, L)

    def cstart(c):
        return jnp.minimum(lo + c * CH, MAXCS)

    pltpu.make_async_copy(
        wT_hbm.at[:, pl.ds(cstart(0), CH)], ch0, sem_c0).start()
    pltpu.make_async_copy(
        wT_hbm.at[:, pl.ds(cstart(1), CH)], ch1, sem_c1).start()
    pltpu.make_async_copy(
        wT_hbm.at[:, pl.ds(TAIL, N_ROWS - TAIL)], tailb, sem_t).start()
    pltpu.async_copy(idx_hbm, idxv, sem_i).wait()

    def zero_outb16(q, c):
        for col in range(0, 128, L):
            outb[q, pl.ds(col, L)] = jnp.zeros((L,), jnp.float32)
        return c

    lax.fori_loop(0, CAPC, zero_outb16, 0)

    def init_hits(q, c):
        hrow[pl.ds(q * L, L)] = jnp.full((L,), 0, jnp.int32) + lo
        hslot[pl.ds(q * L, L)] = NIDX + iota
        return c

    lax.fori_loop(0, CAPH // L, init_hits, 0)

    def scan4(v4, cnt):
        parts = []
        for k in range(4):
            vec = idxv[pl.ds((v4 * 4 + k) * L, L)]
            m = ((vec >= lo) & (vec < hi)) | (vec >= TAIL)
            npop = jnp.max(plsc.all_reduce_population_count(m))
            parts.append((vec, m, npop))
        base = cnt
        for k, (vec, m, npop) in enumerate(parts):
            @pl.when(npop > 0)
            def _(vec=vec, m=m, base=base, k=k):
                b = jnp.minimum(base, CAPH - L)
                plsc.store_compressed(hrow.at[pl.ds(b, L)], vec, mask=m)
                plsc.store_compressed(
                    hslot.at[pl.ds(b, L)], (v4 * 4 + k) * L + iota, mask=m)
            base = base + npop
        return base

    count = lax.fori_loop(0, NIDX // L // 4, scan4, jnp.int32(0))
    nhv = (count + L - 1) // L

    def compact(c, rlow, nvalid):
        def initc(q, cc):
            crow[pl.ds(q * L, L)] = jnp.full((L,), 0, jnp.int32) + lo
            cslot[pl.ds(q * L, L)] = NIDX + iota
            return cc

        lax.fori_loop(0, CAPC // L, initc, 0)

        def comp4(q, ccnt):
            parts = []
            for k in range(4):
                hv = q * 4 + k
                rvec = hrow[pl.ds(hv * L, L)]
                svec = hslot[pl.ds(hv * L, L)]
                if c is None:
                    m = rvec >= TAIL
                else:
                    m = ((rvec - lo) >> 10 == c) & (rvec < TAIL) & (rvec >= lo)
                npop = jnp.max(plsc.all_reduce_population_count(m))
                parts.append((rvec, svec, m, npop))
            base = ccnt
            for rvec, svec, m, npop in parts:
                @pl.when(npop > 0)
                def _(rvec=rvec, svec=svec, m=m, base=base):
                    b = jnp.minimum(base, CAPC - L)
                    plsc.store_compressed(crow.at[pl.ds(b, L)], rvec, mask=m)
                    plsc.store_compressed(cslot.at[pl.ds(b, L)], svec, mask=m)
                base = base + npop
            return base

        ccnt = lax.fori_loop(0, (nhv + 3) // 4, comp4, jnp.int32(0))
        return jnp.minimum((ccnt + L - 1) // L, CAPC // L)

    def extract_and_scatter(buf, rlow, span, ngrp):
        def egroup(g, cc):
            rvec = crow[pl.ds(g * L, L)]
            svec = cslot[pl.ds(g * L, L)]
            rloc = jnp.clip(rvec - rlow, 0, span - 1)
            for d in range(D):
                vals = plsc.load_gather(
                    buf, [jnp.full((L,), d, jnp.int32), rloc])
                plsc.store_scatter(
                    outb, [g * L + iota, jnp.full((L,), d, jnp.int32)], vals)
            return cc

        lax.fori_loop(0, ngrp, egroup, 0)

        def sgroup(g, cc):
            pltpu.make_async_copy(
                outb.at[pl.ds(g * L, L)], stage_hbm.at[cslot[pl.ds(g * L, L)]],
                sem_s).start()
            return cc

        lax.fori_loop(0, ngrp, sgroup, 0)
        return ngrp

    def drain(nprev):
        def dgroup(g, cc):
            pltpu.make_async_copy(
                outb.at[pl.ds(0, L)], stage_hbm.at[pl.ds(0, L)], sem_s).wait()
            return cc

        lax.fori_loop(0, nprev, dgroup, 0)

    def chunk_iter(c, nprev):
        drain(nprev)

        ngrp = compact(c, cstart(c), 0)

        @pl.when(c % 2 == 0)
        def _():
            pltpu.make_async_copy(
                wT_hbm.at[:, pl.ds(0, CH)], ch0, sem_c0).wait()
            extract_and_scatter(ch0, cstart(c), CH, ngrp)

        @pl.when(c % 2 == 1)
        def _():
            pltpu.make_async_copy(
                wT_hbm.at[:, pl.ds(0, CH)], ch1, sem_c1).wait()
            extract_and_scatter(ch1, cstart(c), CH, ngrp)

        nxt = c + 2

        @pl.when((nxt < NCHK) & (nxt % 2 == 0))
        def _():
            pltpu.make_async_copy(
                wT_hbm.at[:, pl.ds(cstart(nxt), CH)], ch0, sem_c0).start()

        @pl.when((nxt < NCHK) & (nxt % 2 == 1))
        def _():
            pltpu.make_async_copy(
                wT_hbm.at[:, pl.ds(cstart(nxt), CH)], ch1, sem_c1).start()

        return ngrp

    nprev = lax.fori_loop(0, NCHK, chunk_iter, jnp.int32(0))

    drain(nprev)
    pltpu.make_async_copy(
        wT_hbm.at[:, pl.ds(TAIL, N_ROWS - TAIL)], tailb, sem_t).wait()
    ngrp_t = compact(None, TAIL, 0)
    extract_and_scatter(tailb, TAIL, N_ROWS - TAIL, ngrp_t)
    drain(ngrp_t)


def _tc_loss_body(stage_ref, val_ref, out_ref):
    u = stage_ref[pl.ds(0, B), :]
    v = stage_ref[pl.ds(B, B), :]
    vals = val_ref[...].reshape(B)
    nu = jnp.sum(u * u, axis=1)
    nv = jnp.sum(v * v, axis=1)
    t = u - v
    dd = jnp.sum(t * t, axis=1)
    denom = (1.0 - nu) * (1.0 - nv)
    uu = 1.0 + (2.0 * dd) / denom
    dist = jnp.log(uu + jnp.sqrt(uu * uu - 1.0))
    term = jnp.exp(2.0 * (1.0 - vals)) * (dist / vals - 1.0) ** 2 / PAIRS_TOTAL
    out_ref[0, 0] = jnp.sum(term)


def kernel(idx, values, w, scale):
    del scale
    wT = w.T
    idx_all = jnp.concatenate(
        [idx[:, 0].astype(jnp.int32), idx[:, 1].astype(jnp.int32)])

    mesh = plsc.VectorSubcoreMesh(
        core_axis_name="c", subcore_axis_name="s",
        num_cores=NC, num_subcores=NS)
    staging = pl.kernel(
        _gather_body,
        out_type=jax.ShapeDtypeStruct((SROWS, 128), jnp.float32),
        mesh=mesh,
        scratch_types=[
            pltpu.VMEM((NIDX,), jnp.int32),
            pltpu.VMEM((CAPH,), jnp.int32),
            pltpu.VMEM((CAPH,), jnp.int32),
            pltpu.VMEM((32, CH), jnp.float32),
            pltpu.VMEM((32, CH), jnp.float32),
            pltpu.VMEM((32, N_ROWS - TAIL), jnp.float32),
            pltpu.VMEM((CAPC, 128), jnp.float32),
            pltpu.VMEM((CAPC,), jnp.int32),
            pltpu.VMEM((CAPC,), jnp.int32),
            pltpu.SemaphoreType.DMA,
            pltpu.SemaphoreType.DMA,
            pltpu.SemaphoreType.DMA,
            pltpu.SemaphoreType.DMA,
            pltpu.SemaphoreType.DMA,
        ],
        compiler_params=pltpu.CompilerParams(
            needs_layout_passes=False,
        ),
    )(wT, idx_all)

    loss2d = pl.pallas_call(
        _tc_loss_body,
        out_shape=jax.ShapeDtypeStruct((1, 1), jnp.float32),
        out_specs=pl.BlockSpec(memory_space=pltpu.SMEM),
    )(staging, values.reshape(128, 128))
    return loss2d[0, 0]

# --- scband reference (transcript-rebuilt; emitter-appended) ---
"""Pipeline reference for scband-hyperbolic-emb-1803886265744 (READ-ONLY COPY).

The authoritative reference and input builder live on the scoring server;
editing this copy changes nothing except your own understanding.
"""

import jax, jax.numpy as jnp
import numpy as np

N = 1000000
D = 32
B = 16384
LO_SCALE = -0.99
HI_SCALE = 10.0
LEARN_SCALE = False
ABSOLUTE_LOSS = False


def h_proj(x, eps=1e-05):
    norms = jnp.linalg.norm(x, ord=2, axis=-1)
    modified = jnp.where(norms < 1.0, 1.0, 1.0 / ((1.0 + eps) * norms))
    return x * modified[..., None]


def _acosh(x):
    return jnp.log(x + jnp.sqrt(x ** 2 - 1.0))


def _dist(u, v):
    z = 2.0 * jnp.linalg.norm(u - v, ord=2, axis=1) ** 2
    uu = 1.0 + z / ((1.0 - jnp.linalg.norm(u, ord=2, axis=1) ** 2) * (1.0 - jnp.linalg.norm(v, ord=2, axis=1) ** 2))
    return _acosh(uu)


def setup_inputs(seed: int = 0) -> dict:
    key = jax.random.key(seed)
    k1, k2, k3 = jax.random.split(key, 3)
    idx = jax.random.randint(k1, (B, 2), 0, N)
    # avoid i==j pairs (dist gradient singular at coincident points)
    same = idx[:, 0] == idx[:, 1]
    idx = idx.at[:, 1].set(jnp.where(same, (idx[:, 1] + 1) % N, idx[:, 1]))
    values = jax.random.uniform(k2, (B,), dtype=jnp.float32)
    # learned embedding table, initialized exactly like the torch module:
    # h_proj(0.001 * rand(n, d))
    w = h_proj(0.001 * jax.random.uniform(k3, (N, D), dtype=jnp.float32))
    scale = jnp.zeros((1,), dtype=jnp.float32)
    return {"idx": idx, "values": values, "w": w, "scale": scale}


def reference(idx, values, w, scale):
    # Hyperbolic_Emb.loss((idx, values)) with project=True, learn_scale=False,
    # absolute_loss=False, exponential_rescale=True
    wi = jnp.take(w, idx[:, 0], axis=0)
    wj = jnp.take(w, idx[:, 1], axis=0)
    _scale = 1.0 + jnp.clip(scale, LO_SCALE, HI_SCALE)  # computed but unused (learn_scale=False)
    term_rescale = jnp.exp(2.0 * (1.0 - values))
    pairs = N * (N - 1) / 2.0
    _s = _scale if LEARN_SCALE else 1.0
    loss = jnp.sum(term_rescale * _s * (_dist(wi, wj) / values - 1.0) ** 2 / pairs)
    return loss

if __name__ == "__main__":
    import jax
    _d = setup_inputs()
    print(jax.jit(kernel)(*tuple(_d.values())))

</pallas_src>

<mosaic_0001>
#map = affine_map<(d0, d1) -> (0, 0)>
#map1 = affine_map<(d0, d1) -> (0)>
module attributes {stable_mosaic.version = 14 : i64} {
  func.func @_gather_body(%arg0: i32, %arg1: i32, %arg2: memref<32x1000000xf32, #tpu.memory_space<hbm>>, %arg3: memref<32768xi32, #tpu.memory_space<hbm>>, %arg4: memref<32784x128xf32, #tpu.memory_space<hbm>>, %arg5: memref<32768xi32, #tpu.memory_space<vmem>>, %arg6: memref<2048xi32, #tpu.memory_space<vmem>>, %arg7: memref<2048xi32, #tpu.memory_space<vmem>>, %arg8: memref<32x1024xf32, #tpu.memory_space<vmem>>, %arg9: memref<32x1024xf32, #tpu.memory_space<vmem>>, %arg10: memref<32x64xf32, #tpu.memory_space<vmem>>, %arg11: memref<128x128xf32, #tpu.memory_space<vmem>>, %arg12: memref<128xi32, #tpu.memory_space<vmem>>, %arg13: memref<128xi32, #tpu.memory_space<vmem>>, %arg14: memref<!tpu.dma_semaphore, #tpu.memory_space<semaphore_mem>>, %arg15: memref<!tpu.dma_semaphore, #tpu.memory_space<semaphore_mem>>, %arg16: memref<!tpu.dma_semaphore, #tpu.memory_space<semaphore_mem>>, %arg17: memref<!tpu.dma_semaphore, #tpu.memory_space<semaphore_mem>>, %arg18: memref<!tpu.dma_semaphore, #tpu.memory_space<semaphore_mem>>) attributes {dimension_semantics = [#tpu.dimension_semantics<core_parallel>, #tpu.dimension_semantics<subcore_parallel>], iteration_bounds = array<i64: 2, 16>, scalar_prefetch = 0 : i64, scratch_operands = 14 : i64, tpu.core_type = #tpu.core_type<sc_vector_subcore>, window_params = [{transform_indices = #map}, {transform_indices = #map1}, {transform_indices = #map}]} {
    %mul3A = arith.constant 2 : i32
    %mul3A_0 = arith.muli %arg1, %mul3A : i32
    %add3A = arith.addi %mul3A_0, %arg0 : i32
    %mul3A_1 = arith.constant 32768 : i32
    %mul3A_2 = arith.muli %add3A, %mul3A_1 : i32
    %add3A_3 = arith.constant 32768 : i32
    %add3A_4 = arith.addi %mul3A_2, %add3A_3 : i32
    %min3A = arith.constant 999936 : i32
    %min3A_5 = arith.minsi %add3A_4, %min3A : i32
    %iota3A = tpu.iota {dimensions = array<i32: 0>} : vector<16xi32>
    %add3A_6 = arith.constant 0 : i32
    %add3A_7 = arith.addi %mul3A_2, %add3A_6 : i32
    %min3A_8 = arith.constant 998912 : i32
    %min3A_9 = arith.minsi %add3A_7, %min3A_8 : i32
    %dma_start3A = arith.constant 0 : i32
    %dma_start3A_10 = tpu.memref_slice %arg2[%dma_start3A, %min3A_9] : memref<32x1000000xf32, #tpu.memory_space<hbm>> -> memref<32x1024xf32, #tpu.memory_space<hbm>>
    %dma_start3A_11 = arith.constant 0 : i32
    %dma_start3A_12 = tpu.memref_slice %arg2[%dma_start3A_11, %min3A_9] : memref<32x1000000xf32, #tpu.memory_space<hbm>> -> memref<32x1024xf32, #tpu.memory_space<hbm>>
    tpu.enqueue_dma source(%dma_start3A_12 : memref<32x1024xf32, #tpu.memory_space<hbm>>) target(%arg8 : memref<32x1024xf32, #tpu.memory_space<vmem>>) target_semaphore(%arg15 : memref<!tpu.dma_semaphore, #tpu.memory_space<semaphore_mem>>)
    %add3A_13 = arith.constant 1024 : i32
    %add3A_14 = arith.addi %mul3A_2, %add3A_13 : i32
    %min3A_15 = arith.constant 998912 : i32
    %min3A_16 = arith.minsi %add3A_14, %min3A_15 : i32
    %dma_start3A_17 = arith.constant 0 : i32
    %dma_start3A_18 = tpu.memref_slice %arg2[%dma_start3A_17, %min3A_16] : memref<32x1000000xf32, #tpu.memory_space<hbm>> -> memref<32x1024xf32, #tpu.memory_space<hbm>>
    %dma_start3A_19 = arith.constant 0 : i32
    %dma_start3A_20 = tpu.memref_slice %arg2[%dma_start3A_19, %min3A_16] : memref<32x1000000xf32, #tpu.memory_space<hbm>> -> memref<32x1024xf32, #tpu.memory_space<hbm>>
    tpu.enqueue_dma source(%dma_start3A_20 : memref<32x1024xf32, #tpu.memory_space<hbm>>) target(%arg9 : memref<32x1024xf32, #tpu.memory_space<vmem>>) target_semaphore(%arg16 : memref<!tpu.dma_semaphore, #tpu.memory_space<semaphore_mem>>)
    %dma_start3A_21 = arith.constant 0 : i32
    %dma_start3A_22 = arith.constant 999936 : i32
    %dma_start3A_23 = tpu.memref_slice %arg2[%dma_start3A_21, %dma_start3A_22] : memref<32x1000000xf32, #tpu.memory_space<hbm>> -> memref<32x64xf32, #tpu.memory_space<hbm>>
    %dma_start3A_24 = arith.constant 0 : i32
    %dma_start3A_25 = arith.constant 999936 : i32
    %dma_start3A_26 = tpu.memref_slice %arg2[%dma_start3A_24, %dma_start3A_25] : memref<32x1000000xf32, #tpu.memory_space<hbm>> -> memref<32x64xf32, #tpu.memory_space<hbm>>
    tpu.enqueue_dma source(%dma_start3A_26 : memref<32x64xf32, #tpu.memory_space<hbm>>) target(%arg10 : memref<32x64xf32, #tpu.memory_space<vmem>>) target_semaphore(%arg17 : memref<!tpu.dma_semaphore, #tpu.memory_space<semaphore_mem>>)
    tpu.enqueue_dma source(%arg3 : memref<32768xi32, #tpu.memory_space<hbm>>) target(%arg5 : memref<32768xi32, #tpu.memory_space<vmem>>) target_semaphore(%arg14 : memref<!tpu.dma_semaphore, #tpu.memory_space<semaphore_mem>>)
    tpu.wait_dma2 semaphore(%arg14 : memref<!tpu.dma_semaphore, #tpu.memory_space<semaphore_mem>>) src(%arg3 : memref<32768xi32, #tpu.memory_space<hbm>>) dst(%arg5 : memref<32768xi32, #tpu.memory_space<vmem>>)
    %scan3A = arith.constant 0 : i32
    %scan3A_27 = arith.constant 0 : i32
    %scan3A_28 = arith.constant 128 : i32
    %scan3A_29 = arith.addi %scan3A_27, %scan3A_28 : i32
    %scan3A_30 = arith.constant 1 : i32
    scf.for %scan3A_190 = %scan3A_27 to %scan3A_29 step %scan3A_30  : i32 {
      %broadcast_in_dim3A = arith.constant 0.000000e+00 : f32
      %broadcast_in_dim3A_191 = vector.broadcast %broadcast_in_dim3A : f32 to vector<16xf32>
      %swap3A = arith.index_cast %scan3A_190 : i32 to index
      %swap3A_192 = arith.constant 0 : index
      %swap3A_193 = tpu.vector_load %arg11[%swap3A, %swap3A_192] {strides = array<i32>} : memref<128x128xf32, #tpu.memory_space<vmem>>, vector<16xf32>,
      tpu.vector_store %arg11[%swap3A, %swap3A_192], %broadcast_in_dim3A_191 {strides = array<i32>} : memref<128x128xf32, #tpu.memory_space<vmem>>, vector<16xf32>,
      %broadcast_in_dim3A_194 = arith.constant 0.000000e+00 : f32
      %broadcast_in_dim3A_195 = vector.broadcast %broadcast_in_dim3A_194 : f32 to vector<16xf32>
      %swap3A_196 = arith.index_cast %scan3A_190 : i32 to index
      %swap3A_197 = arith.constant 16 : index
      %swap3A_198 = tpu.vector_load %arg11[%swap3A_196, %swap3A_197] {strides = array<i32>} : memref<128x128xf32, #tpu.memory_space<vmem>>, vector<16xf32>,
      tpu.vector_store %arg11[%swap3A_196, %swap3A_197], %broadcast_in_dim3A_195 {strides = array<i32>} : memref<128x128xf32, #tpu.memory_space<vmem>>, vector<16xf32>,
      %broadcast_in_dim3A_199 = arith.constant 0.000000e+00 : f32
      %broadcast_in_dim3A_200 = vector.broadcast %broadcast_in_dim3A_199 : f32 to vector<16xf32>
      %swap3A_201 = arith.index_cast %scan3A_190 : i32 to index
      %swap3A_202 = arith.constant 32 : index
      %swap3A_203 = tpu.vector_load %arg11[%swap3A_201, %swap3A_202] {strides = array<i32>} : memref<128x128xf32, #tpu.memory_space<vmem>>, vector<16xf32>,
      tpu.vector_store %arg11[%swap3A_201, %swap3A_202], %broadcast_in_dim3A_200 {strides = array<i32>} : memref<128x128xf32, #tpu.memory_space<vmem>>, vector<16xf32>,
      %broadcast_in_dim3A_204 = arith.constant 0.000000e+00 : f32
      %broadcast_in_dim3A_205 = vector.broadcast %broadcast_in_dim3A_204 : f32 to vector<16xf32>
      %swap3A_206 = arith.index_cast %scan3A_190 : i32 to index
      %swap3A_207 = arith.constant 48 : index
      %swap3A_208 = tpu.vector_load %arg11[%swap3A_206, %swap3A_207] {strides = array<i32>} : memref<128x128xf32, #tpu.memory_space<vmem>>, vector<16xf32>,
      tpu.vector_store %arg11[%swap3A_206, %swap3A_207], %broadcast_in_dim3A_205 {strides = array<i32>} : memref<128x128xf32, #tpu.memory_space<vmem>>, vector<16xf32>,
      %broadcast_in_dim3A_209 = arith.constant 0.000000e+00 : f32
      %broadcast_in_dim3A_210 = vector.broadcast %broadcast_in_dim3A_209 : f32 to vector<16xf32>
      %swap3A_211 = arith.index_cast %scan3A_190 : i32 to index
      %swap3A_212 = arith.constant 64 : index
      %swap3A_213 = tpu.vector_load %arg11[%swap3A_211, %swap3A_212] {strides = array<i32>} : memref<128x128xf32, #tpu.memory_space<vmem>>, vector<16xf32>,
      tpu.vector_store %arg11[%swap3A_211, %swap3A_212], %broadcast_in_dim3A_210 {strides = array<i32>} : memref<128x128xf32, #tpu.memory_space<vmem>>, vector<16xf32>,
      %broadcast_in_dim3A_214 = arith.constant 0.000000e+00 : f32
      %broadcast_in_dim3A_215 = vector.broadcast %broadcast_in_dim3A_214 : f32 to vector<16xf32>
      %swap3A_216 = arith.index_cast %scan3A_190 : i32 to index
      %swap3A_217 = arith.constant 80 : index
      %swap3A_218 = tpu.vector_load %arg11[%swap3A_216, %swap3A_217] {strides = array<i32>} : memref<128x128xf32, #tpu.memory_space<vmem>>, vector<16xf32>,
      tpu.vector_store %arg11[%swap3A_216, %swap3A_217], %broadcast_in_dim3A_215 {strides = array<i32>} : memref<128x128xf32, #tpu.memory_space<vmem>>, vector<16xf32>,
      %broadcast_in_dim3A_219 = arith.constant 0.000000e+00 : f32
      %broadcast_in_dim3A_220 = vector.broadcast %broadcast_in_dim3A_219 : f32 to vector<16xf32>
      %swap3A_221 = arith.index_cast %scan3A_190 : i32 to index
      %swap3A_222 = arith.constant 96 : index
      %swap3A_223 = tpu.vector_load %arg11[%swap3A_221, %swap3A_222] {strides = array<i32>} : memref<128x128xf32, #tpu.memory_space<vmem>>, vector<16xf32>,
      tpu.vector_store %arg11[%swap3A_221, %swap3A_222], %broadcast_in_dim3A_220 {strides = array<i32>} : memref<128x128xf32, #tpu.memory_space<vmem>>, vector<16xf32>,
      %broadcast_in_dim3A_224 = arith.constant 0.000000e+00 : f32
      %broadcast_in_dim3A_225 = vector.broadcast %broadcast_in_dim3A_224 : f32 to vector<16xf32>
      %swap3A_226 = arith.index_cast %scan3A_190 : i32 to index
      %swap3A_227 = arith.constant 112 : index
      %swap3A_228 = tpu.vector_load %arg11[%swap3A_226, %swap3A_227] {strides = array<i32>} : memref<128x128xf32, #tpu.memory_space<vmem>>, vector<16xf32>,
      tpu.vector_store %arg11[%swap3A_226, %swap3A_227], %broadcast_in_dim3A_225 {strides = array<i32>} : memref<128x128xf32, #tpu.memory_space<vmem>>, vector<16xf32>,
    }
    %scan3A_31 = arith.constant 128 : i32
    %scan3A_32 = arith.constant 0 : i32
    %scan3A_33 = arith.constant 0 : i32
    %scan3A_34 = arith.constant 128 : i32
    %scan3A_35 = arith.addi %scan3A_33, %scan3A_34 : i32
    %scan3A_36 = arith.constant 1 : i32
    scf.for %scan3A_190 = %scan3A_33 to %scan3A_35 step %scan3A_36  : i32 {
      %broadcast_in_dim3A = arith.constant 0 : i32
      %broadcast_in_dim3A_191 = vector.broadcast %broadcast_in_dim3A : i32 to vector<16xi32>
      %add3A_192 = vector.broadcast %mul3A_2 : i32 to vector<16xi32>
      %add3A_193 = arith.addi %broadcast_in_dim3A_191, %add3A_192 : vector<16xi32>
      %mul3A_194 = arith.constant 16 : i32
      %mul3A_195 = arith.muli %scan3A_190, %mul3A_194 : i32
      %swap3A = arith.index_cast %mul3A_195 : i32 to index
      %swap3A_196 = tpu.vector_load %arg6[%swap3A] {strides = array<i32>} : memref<2048xi32, #tpu.memory_space<vmem>>, vector<16xi32>,
      tpu.vector_store %arg6[%swap3A], %add3A_193 {strides = array<i32>} : memref<2048xi32, #tpu.memory_space<vmem>>, vector<16xi32>,
      %add3A_197 = arith.constant 32768 : i32
      %add3A_198 = vector.broadcast %add3A_197 : i32 to vector<16xi32>
      %add3A_199 = arith.addi %add3A_198, %iota3A : vector<16xi32>
      %mul3A_200 = arith.constant 16 : i32
      %mul3A_201 = arith.muli %scan3A_190, %mul3A_200 : i32
      %swap3A_202 = arith.index_cast %mul3A_201 : i32 to index
      %swap3A_203 = tpu.vector_load %arg7[%swap3A_202] {strides = array<i32>} : memref<2048xi32, #tpu.memory_space<vmem>>, vector<16xi32>,
      tpu.vector_store %arg7[%swap3A_202], %add3A_199 {strides = array<i32>} : memref<2048xi32, #tpu.memory_space<vmem>>, vector<16xi32>,
    }
    %scan3A_37 = arith.constant 128 : i32
    %scan3A_38 = arith.constant 0 : i32
    %scan3A_39 = arith.constant 0 : i32
    %scan3A_40 = arith.constant 512 : i32
    %scan3A_41 = arith.addi %scan3A_39, %scan3A_40 : i32
    %scan3A_42 = arith.constant 1 : i32
    %scan3A_43 = scf.for %scan3A_190 = %scan3A_39 to %scan3A_41 step %scan3A_42 iter_args(%scan3A_191 = %scan3A_38) -> (i32)  : i32 {
      %mul3A_192 = arith.constant 4 : i32
      %mul3A_193 = arith.muli %scan3A_190, %mul3A_192 : i32
      %add3A_194 = arith.constant 0 : i32
      %add3A_195 = arith.addi %mul3A_193, %add3A_194 : i32
      %mul3A_196 = arith.constant 16 : i32
      %mul3A_197 = arith.muli %add3A_195, %mul3A_196 : i32
      %get3A = arith.index_cast %mul3A_197 : i32 to index
      %get3A_198 = tpu.vector_load %arg5[%get3A] {strides = array<i32>} : memref<32768xi32, #tpu.memory_space<vmem>>, vector<16xi32>,
      %ge3A = vector.broadcast %mul3A_2 : i32 to vector<16xi32>
      %ge3A_199 = arith.cmpi sge, %get3A_198, %ge3A : vector<16xi32>
      %lt3A = vector.broadcast %min3A_5 : i32 to vector<16xi32>
      %lt3A_200 = arith.cmpi slt, %get3A_198, %lt3A : vector<16xi32>
      %and3A_201 = arith.andi %ge3A_199, %lt3A_200 : vector<16xi1>
      %ge3A_202 = arith.constant 999936 : i32
      %ge3A_203 = vector.broadcast %ge3A_202 : i32 to vector<16xi32>
      %ge3A_204 = arith.cmpi sge, %get3A_198, %ge3A_203 : vector<16xi32>
      %or3A = arith.ori %and3A_201, %ge3A_204 : vector<16xi1>
      %all_reduce_population_count3A = tpu.all_reduce %or3A {dim = 0 : i64, kind = #tpu.reduction_kind<sum>} : vector<16xi1> -> vector<16xi32>
      %reduce_max3A = arith.constant true
      %reduce_max3A_205 = vector.broadcast %reduce_max3A : i1 to vector<16xi1>
      %reduce_max3A_206 = arith.constant -2147483648 : i32
      %reduce_max3A_207 = vector.broadcast %reduce_max3A_206 : i32 to vector<16xi32>
      %reduce_max3A_208 = arith.xori %all_reduce_population_count3A, %reduce_max3A_207 : vector<16xi32>
      %reduce_max3A_209 = tpu.scan <max>, %reduce_max3A_208 masked %reduce_max3A_205 : vector<16xi32>, vector<16xi1> -> vector<16xi32>
      %reduce_max3A_210 = arith.xori %reduce_max3A_209, %reduce_max3A_207 : vector<16xi32>
      %reduce_max3A_211 = vector.extract %reduce_max3A_210[15] : i32 from vector<16xi32>
      %mul3A_212 = arith.constant 4 : i32
      %mul3A_213 = arith.muli %scan3A_190, %mul3A_212 : i32
      %add3A_214 = arith.constant 1 : i32
      %add3A_215 = arith.addi %mul3A_213, %add3A_214 : i32
      %mul3A_216 = arith.constant 16 : i32
      %mul3A_217 = arith.muli %add3A_215, %mul3A_216 : i32
      %get3A_218 = arith.index_cast %mul3A_217 : i32 to index
      %get3A_219 = tpu.vector_load %arg5[%get3A_218] {strides = array<i32>} : memref<32768xi32, #tpu.memory_space<vmem>>, vector<16xi32>,
      %ge3A_220 = vector.broadcast %mul3A_2 : i32 to vector<16xi32>
      %ge3A_221 = arith.cmpi sge, %get3A_219, %ge3A_220 : vector<16xi32>
      %lt3A_222 = vector.broadcast %min3A_5 : i32 to vector<16xi32>
      %lt3A_223 = arith.cmpi slt, %get3A_219, %lt3A_222 : vector<16xi32>
      %and3A_224 = arith.andi %ge3A_221, %lt3A_223 : vector<16xi1>
      %ge3A_225 = arith.constant 999936 : i32
      %ge3A_226 = vector.broadcast %ge3A_225 : i32 to vector<16xi32>
      %ge3A_227 = arith.cmpi sge, %get3A_219, %ge3A_226 : vector<16xi32>
      %or3A_228 = arith.ori %and3A_224, %ge3A_227 : vector<16xi1>
      %all_reduce_population_count3A_229 = tpu.all_reduce %or3A_228 {dim = 0 : i64, kind = #tpu.reduction_kind<sum>} : vector<16xi1> -> vector<16xi32>
      %reduce_max3A_230 = arith.constant true
      %reduce_max3A_231 = vector.broadcast %reduce_max3A_230 : i1 to vector<16xi1>
      %reduce_max3A_232 = arith.constant -2147483648 : i32
      %reduce_max3A_233 = vector.broadcast %reduce_max3A_232 : i32 to vector<16xi32>
      %reduce_max3A_234 = arith.xori %all_reduce_population_count3A_229, %reduce_max3A_233 : vector<16xi32>
      %reduce_max3A_235 = tpu.scan <max>, %reduce_max3A_234 masked %reduce_max3A_231 : vector<16xi32>, vector<16xi1> -> vector<16xi32>
      %reduce_max3A_236 = arith.xori %reduce_max3A_235, %reduce_max3A_233 : vector<16xi32>
      %reduce_max3A_237 = vector.extract %reduce_max3A_236[15] : i32 from vector<16xi32>
      %mul3A_238 = arith.constant 4 : i32
      %mul3A_239 = arith.muli %scan3A_190, %mul3A_238 : i32
      %add3A_240 = arith.constant 2 : i32
      %add3A_241 = arith.addi %mul3A_239, %add3A_240 : i32
      %mul3A_242 = arith.constant 16 : i32
      %mul3A_243 = arith.muli %add3A_241, %mul3A_242 : i32
      %get3A_244 = arith.index_cast %mul3A_243 : i32 to index
      %get3A_245 = tpu.vector_load %arg5[%get3A_244] {strides = array<i32>} : memref<32768xi32, #tpu.memory_space<vmem>>, vector<16xi32>,
      %ge3A_246 = vector.broadcast %mul3A_2 : i32 to vector<16xi32>
      %ge3A_247 = arith.cmpi sge, %get3A_245, %ge3A_246 : vector<16xi32>
      %lt3A_248 = vector.broadcast %min3A_5 : i32 to vector<16xi32>
      %lt3A_249 = arith.cmpi slt, %get3A_245, %lt3A_248 : vector<16xi32>
      %and3A_250 = arith.andi %ge3A_247, %lt3A_249 : vector<16xi1>
      %ge3A_251 = arith.constant 999936 : i32
      %ge3A_252 = vector.broadcast %ge3A_251 : i32 to vector<16xi32>
      %ge3A_253 = arith.cmpi sge, %get3A_245, %ge3A_252 : vector<16xi32>
      %or3A_254 = arith.ori %and3A_250, %ge3A_253 : vector<16xi1>
      %all_reduce_population_count3A_255 = tpu.all_reduce %or3A_254 {dim = 0 : i64, kind = #tpu.reduction_kind<sum>} : vector<16xi1> -> vector<16xi32>
      %reduce_max3A_256 = arith.constant true
      %reduce_max3A_257 = vector.broadcast %reduce_max3A_256 : i1 to vector<16xi1>
      %reduce_max3A_258 = arith.constant -2147483648 : i32
      %reduce_max3A_259 = vector.broadcast %reduce_max3A_258 : i32 to vector<16xi32>
      %reduce_max3A_260 = arith.xori %all_reduce_population_count3A_255, %reduce_max3A_259 : vector<16xi32>
      %reduce_max3A_261 = tpu.scan <max>, %reduce_max3A_260 masked %reduce_max3A_257 : vector<16xi32>, vector<16xi1> -> vector<16xi32>
      %reduce_max3A_262 = arith.xori %reduce_max3A_261, %reduce_max3A_259 : vector<16xi32>
      %reduce_max3A_263 = vector.extract %reduce_max3A_262[15] : i32 from vector<16xi32>
      %mul3A_264 = arith.constant 4 : i32
      %mul3A_265 = arith.muli %scan3A_190, %mul3A_264 : i32
      %add3A_266 = arith.constant 3 : i32
      %add3A_267 = arith.addi %mul3A_265, %add3A_266 : i32
      %mul3A_268 = arith.constant 16 : i32
      %mul3A_269 = arith.muli %add3A_267, %mul3A_268 : i32
      %get3A_270 = arith.index_cast %mul3A_269 : i32 to index
      %get3A_271 = tpu.vector_load %arg5[%get3A_270] {strides = array<i32>} : memref<32768xi32, #tpu.memory_space<vmem>>, vector<16xi32>,
      %ge3A_272 = vector.broadcast %mul3A_2 : i32 to vector<16xi32>
      %ge3A_273 = arith.cmpi sge, %get3A_271, %ge3A_272 : vector<16xi32>
      %lt3A_274 = vector.broadcast %min3A_5 : i32 to vector<16xi32>
      %lt3A_275 = arith.cmpi slt, %get3A_271, %lt3A_274 : vector<16xi32>
      %and3A_276 = arith.andi %ge3A_273, %lt3A_275 : vector<16xi1>
      %ge3A_277 = arith.constant 999936 : i32
      %ge3A_278 = vector.broadcast %ge3A_277 : i32 to vector<16xi32>
      %ge3A_279 = arith.cmpi sge, %get3A_271, %ge3A_278 : vector<16xi32>
      %or3A_280 = arith.ori %and3A_276, %ge3A_279 : vector<16xi1>
      %all_reduce_population_count3A_281 = tpu.all_reduce %or3A_280 {dim = 0 : i64, kind = #tpu.reduction_kind<sum>} : vector<16xi1> -> vector<16xi32>
      %reduce_max3A_282 = arith.constant true
      %reduce_max3A_283 = vector.broadcast %reduce_max3A_282 : i1 to vector<16xi1>
      %reduce_max3A_284 = arith.constant -2147483648 : i32
      %reduce_max3A_285 = vector.broadcast %reduce_max3A_284 : i32 to vector<16xi32>
      %reduce_max3A_286 = arith.xori %all_reduce_population_count3A_281, %reduce_max3A_285 : vector<16xi32>
      %reduce_max3A_287 = tpu.scan <max>, %reduce_max3A_286 masked %reduce_max3A_283 : vector<16xi32>, vector<16xi1> -> vector<16xi32>
      %reduce_max3A_288 = arith.xori %reduce_max3A_287, %reduce_max3A_285 : vector<16xi32>
      %reduce_max3A_289 = vector.extract %reduce_max3A_288[15] : i32 from vector<16xi32>
      %gt3A = arith.constant 0 : i32
      %gt3A_290 = arith.cmpi sgt, %reduce_max3A_211, %gt3A : i32
      %convert_element_type3A = arith.extui %gt3A_290 : i1 to i32
      %cond3A = arith.constant 0 : i32
      %cond3A_291 = arith.cmpi ne, %convert_element_type3A, %cond3A : i32
      scf.if %cond3A_291 {
        %min3A_311 = arith.constant 2032 : i32
        %min3A_312 = arith.minsi %scan3A_191, %min3A_311 : i32
        %swap3A = arith.index_cast %min3A_312 : i32 to index
        %swap3A_313 = tpu.vector_load %arg6[%swap3A] masked %or3A {strides = array<i32>} : memref<2048xi32, #tpu.memory_space<vmem>>, vector<16xi32>, vector<16xi1>
        tpu.vector_store %arg6[%swap3A], %get3A_198 masked %or3A {strides = array<i32>} : memref<2048xi32, #tpu.memory_space<vmem>>, vector<16xi32>, vector<16xi1>
        %mul3A_314 = arith.constant 4 : i32
        %mul3A_315 = arith.muli %scan3A_190, %mul3A_314 : i32
        %add3A_316 = arith.constant 0 : i32
        %add3A_317 = arith.addi %mul3A_315, %add3A_316 : i32
        %mul3A_318 = arith.constant 16 : i32
        %mul3A_319 = arith.muli %add3A_317, %mul3A_318 : i32
        %add3A_320 = vector.broadcast %mul3A_319 : i32 to vector<16xi32>
        %add3A_321 = arith.addi %add3A_320, %iota3A : vector<16xi32>
        %swap3A_322 = arith.index_cast %min3A_312 : i32 to index
        %swap3A_323 = tpu.vector_load %arg7[%swap3A_322] masked %or3A {strides = array<i32>} : memref<2048xi32, #tpu.memory_space<vmem>>, vector<16xi32>, vector<16xi1>
        tpu.vector_store %arg7[%swap3A_322], %add3A_321 masked %or3A {strides = array<i32>} : memref<2048xi32, #tpu.memory_space<vmem>>, vector<16xi32>, vector<16xi1>
      } else {
      }
      %add3A_292 = arith.addi %scan3A_191, %reduce_max3A_211 : i32
      %gt3A_293 = arith.constant 0 : i32
      %gt3A_294 = arith.cmpi sgt, %reduce_max3A_237, %gt3A_293 : i32
      %convert_element_type3A_295 = arith.extui %gt3A_294 : i1 to i32
      %cond3A_296 = arith.constant 0 : i32
      %cond3A_297 = arith.cmpi ne, %convert_element_type3A_295, %cond3A_296 : i32
      scf.if %cond3A_297 {
        %min3A_311 = arith.constant 2032 : i32
        %min3A_312 = arith.minsi %add3A_292, %min3A_311 : i32
        %swap3A = arith.index_cast %min3A_312 : i32 to index
        %swap3A_313 = tpu.vector_load %arg6[%swap3A] masked %or3A_228 {strides = array<i32>} : memref<2048xi32, #tpu.memory_space<vmem>>, vector<16xi32>, vector<16xi1>
        tpu.vector_store %arg6[%swap3A], %get3A_219 masked %or3A_228 {strides = array<i32>} : memref<2048xi32, #tpu.memory_space<vmem>>, vector<16xi32>, vector<16xi1>
        %mul3A_314 = arith.constant 4 : i32
        %mul3A_315 = arith.muli %scan3A_190, %mul3A_314 : i32
        %add3A_316 = arith.constant 1 : i32
        %add3A_317 = arith.addi %mul3A_315, %add3A_316 : i32
        %mul3A_318 = arith.constant 16 : i32
        %mul3A_319 = arith.muli %add3A_317, %mul3A_318 : i32
        %add3A_320 = vector.broadcast %mul3A_319 : i32 to vector<16xi32>
        %add3A_321 = arith.addi %add3A_320, %iota3A : vector<16xi32>
        %swap3A_322 = arith.index_cast %min3A_312 : i32 to index
        %swap3A_323 = tpu.vector_load %arg7[%swap3A_322] masked %or3A_228 {strides = array<i32>} : memref<2048xi32, #tpu.memory_space<vmem>>, vector<16xi32>, vector<16xi1>
        tpu.vector_store %arg7[%swap3A_322], %add3A_321 masked %or3A_228 {strides = array<i32>} : memref<2048xi32, #tpu.memory_space<vmem>>, vector<16xi32>, vector<16xi1>
      } else {
      }
      %add3A_298 = arith.addi %add3A_292, %reduce_max3A_237 : i32
      %gt3A_299 = arith.constant 0 : i32
      %gt3A_300 = arith.cmpi sgt, %reduce_max3A_263, %gt3A_299 : i32
      %convert_element_type3A_301 = arith.extui %gt3A_300 : i1 to i32
      %cond3A_302 = arith.constant 0 : i32
      %cond3A_303 = arith.cmpi ne, %convert_element_type3A_301, %cond3A_302 : i32
      scf.if %cond3A_303 {
        %min3A_311 = arith.constant 2032 : i32
        %min3A_312 = arith.minsi %add3A_298, %min3A_311 : i32
        %swap3A = arith.index_cast %min3A_312 : i32 to index
        %swap3A_313 = tpu.vector_load %arg6[%swap3A] masked %or3A_254 {strides = array<i32>} : memref<2048xi32, #tpu.memory_space<vmem>>, vector<16xi32>, vector<16xi1>
        tpu.vector_store %arg6[%swap3A], %get3A_245 masked %or3A_254 {strides = array<i32>} : memref<2048xi32, #tpu.memory_space<vmem>>, vector<16xi32>, vector<16xi1>
        %mul3A_314 = arith.constant 4 : i32
        %mul3A_315 = arith.muli %scan3A_190, %mul3A_314 : i32
        %add3A_316 = arith.constant 2 : i32
        %add3A_317 = arith.addi %mul3A_315, %add3A_316 : i32
        %mul3A_318 = arith.constant 16 : i32
        %mul3A_319 = arith.muli %add3A_317, %mul3A_318 : i32
        %add3A_320 = vector.broadcast %mul3A_319 : i32 to vector<16xi32>
        %add3A_321 = arith.addi %add3A_320, %iota3A : vector<16xi32>
        %swap3A_322 = arith.index_cast %min3A_312 : i32 to index
        %swap3A_323 = tpu.vector_load %arg7[%swap3A_322] masked %or3A_254 {strides = array<i32>} : memref<2048xi32, #tpu.memory_space<vmem>>, vector<16xi32>, vector<16xi1>
        tpu.vector_store %arg7[%swap3A_322], %add3A_321 masked %or3A_254 {strides = array<i32>} : memref<2048xi32, #tpu.memory_space<vmem>>, vector<16xi32>, vector<16xi1>
      } else {
      }
      %add3A_304 = arith.addi %add3A_298, %reduce_max3A_263 : i32
      %gt3A_305 = arith.constant 0 : i32
      %gt3A_306 = arith.cmpi sgt, %reduce_max3A_289, %gt3A_305 : i32
      %convert_element_type3A_307 = arith.extui %gt3A_306 : i1 to i32
      %cond3A_308 = arith.constant 0 : i32
      %cond3A_309 = arith.cmpi ne, %convert_element_type3A_307, %cond3A_308 : i32
      scf.if %cond3A_309 {
        %min3A_311 = arith.constant 2032 : i32
        %min3A_312 = arith.minsi %add3A_304, %min3A_311 : i32
        %swap3A = arith.index_cast %min3A_312 : i32 to index
        %swap3A_313 = tpu.vector_load %arg6[%swap3A] masked %or3A_280 {strides = array<i32>} : memref<2048xi32, #tpu.memory_space<vmem>>, vector<16xi32>, vector<16xi1>
        tpu.vector_store %arg6[%swap3A], %get3A_271 masked %or3A_280 {strides = array<i32>} : memref<2048xi32, #tpu.memory_space<vmem>>, vector<16xi32>, vector<16xi1>
        %mul3A_314 = arith.constant 4 : i32
        %mul3A_315 = arith.muli %scan3A_190, %mul3A_314 : i32
        %add3A_316 = arith.constant 3 : i32
        %add3A_317 = arith.addi %mul3A_315, %add3A_316 : i32
        %mul3A_318 = arith.constant 16 : i32
        %mul3A_319 = arith.muli %add3A_317, %mul3A_318 : i32
        %add3A_320 = vector.broadcast %mul3A_319 : i32 to vector<16xi32>
        %add3A_321 = arith.addi %add3A_320, %iota3A : vector<16xi32>
        %swap3A_322 = arith.index_cast %min3A_312 : i32 to index
        %swap3A_323 = tpu.vector_load %arg7[%swap3A_322] masked %or3A_280 {strides = array<i32>} : memref<2048xi32, #tpu.memory_space<vmem>>, vector<16xi32>, vector<16xi1>
        tpu.vector_store %arg7[%swap3A_322], %add3A_321 masked %or3A_280 {strides = array<i32>} : memref<2048xi32, #tpu.memory_space<vmem>>, vector<16xi32>, vector<16xi1>
      } else {
      }
      %add3A_310 = arith.addi %add3A_304, %reduce_max3A_289 : i32
      scf.yield %add3A_310 : i32
    }
    %scan3A_44 = arith.constant 512 : i32
    %add3A_45 = arith.constant 16 : i32
    %add3A_46 = arith.addi %scan3A_43, %add3A_45 : i32
    %sub3A = arith.constant 1 : i32
    %sub3A_47 = arith.subi %add3A_46, %sub3A : i32
    %jit3A = arith.constant 16 : i32
    %div3A = arith.divsi %sub3A_47, %jit3A : i32
    %sign3A = arith.constant 0 : i32
    %sign3A_48 = arith.cmpi sgt, %sub3A_47, %sign3A : i32
    %sign3A_49 = arith.extui %sign3A_48 : i1 to i32
    %sign3A_50 = arith.constant 0 : i32
    %sign3A_51 = arith.cmpi slt, %sub3A_47, %sign3A_50 : i32
    %sign3A_52 = arith.extui %sign3A_51 : i1 to i32
    %sign3A_53 = arith.subi %sign3A_49, %sign3A_52 : i32
    %sign3A_54 = arith.constant 0 : i32
    %sign3A_55 = arith.cmpi sgt, %jit3A, %sign3A_54 : i32
    %sign3A_56 = arith.extui %sign3A_55 : i1 to i32
    %sign3A_57 = arith.constant 0 : i32
    %sign3A_58 = arith.cmpi slt, %jit3A, %sign3A_57 : i32
    %sign3A_59 = arith.extui %sign3A_58 : i1 to i32
    %sign3A_60 = arith.subi %sign3A_56, %sign3A_59 : i32
    %ne3A = arith.cmpi ne, %sign3A_53, %sign3A_60 : i32
    %rem3A = arith.remsi %sub3A_47, %jit3A : i32
    %ne3A_61 = arith.constant 0 : i32
    %ne3A_62 = arith.cmpi ne, %rem3A, %ne3A_61 : i32
    %and3A = arith.andi %ne3A, %ne3A_62 : i1
    %sub3A_63 = arith.constant 1 : i32
    %sub3A_64 = arith.subi %div3A, %sub3A_63 : i32
    %select_n3A = arith.select %and3A, %sub3A_64, %div3A : i32
    %scan3A_65 = arith.constant 0 : i32
    %scan3A_66 = arith.constant 0 : i32
    %scan3A_67 = arith.constant 32 : i32
    %scan3A_68 = arith.addi %scan3A_66, %scan3A_67 : i32
    %scan3A_69 = arith.constant 1 : i32
    %scan3A_70 = scf.for %scan3A_190 = %scan3A_66 to %scan3A_68 step %scan3A_69 iter_args(%scan3A_191 = %scan3A_65) -> (i32)  : i32 {
      %while3A_192 = arith.constant 0 : i32
      %while3A_193 = arith.constant 0 : i32
      %while3A_194 = arith.subi %scan3A_191, %while3A_193 : i32
      %while3A_195 = arith.addi %while3A_193, %while3A_194 : i32
      %while3A_196 = arith.constant 1 : i32
      %while3A_197 = arith.divsi %while3A_194, %while3A_196 : i32
      %while3A_198 = arith.muli %while3A_197, %while3A_196 : i32
      %while3A_199 = arith.addi %while3A_193, %while3A_198 : i32
      %while3A_200 = arith.constant 1 : i32
      scf.for %while3A_369 = %while3A_193 to %while3A_199 step %while3A_200  : i32 {
        %dma_wait3A_370 = arith.constant 0 : i32
        %dma_wait3A_371 = arith.constant 0 : i32
        %dma_wait3A_372 = tpu.memref_slice %arg11[%dma_wait3A_370, %dma_wait3A_371] : memref<128x128xf32, #tpu.memory_space<vmem>> -> memref<16x128xf32, #tpu.memory_space<vmem>>
        %dma_wait3A_373 = arith.constant 0 : i32
        %dma_wait3A_374 = arith.constant 0 : i32
        %dma_wait3A_375 = tpu.memref_slice %arg4[%dma_wait3A_373, %dma_wait3A_374] : memref<32784x128xf32, #tpu.memory_space<hbm>> -> memref<16x128xf32, #tpu.memory_space<hbm>>
        %dma_wait3A_376 = arith.constant 0 : i32
        %dma_wait3A_377 = arith.constant 0 : i32
        %dma_wait3A_378 = tpu.memref_slice %arg4[%dma_wait3A_376, %dma_wait3A_377] : memref<32784x128xf32, #tpu.memory_space<hbm>> -> memref<16x128xf32, #tpu.memory_space<hbm>>
        %dma_wait3A_379 = arith.constant 0 : i32
        %dma_wait3A_380 = arith.constant 0 : i32
        %dma_wait3A_381 = tpu.memref_slice %arg11[%dma_wait3A_379, %dma_wait3A_380] : memref<128x128xf32, #tpu.memory_space<vmem>> -> memref<16x128xf32, #tpu.memory_space<vmem>>
        tpu.wait_dma2 semaphore(%arg18 : memref<!tpu.dma_semaphore, #tpu.memory_space<semaphore_mem>>) src(%dma_wait3A_381 : memref<16x128xf32, #tpu.memory_space<vmem>>) dst(%dma_wait3A_378 : memref<16x128xf32, #tpu.memory_space<hbm>>)
      }
      %while3A_201 = arith.constant 1 : i32
      scf.for %while3A_369 = %while3A_199 to %while3A_195 step %while3A_201  : i32 {
        %dma_wait3A_370 = arith.constant 0 : i32
        %dma_wait3A_371 = arith.constant 0 : i32
        %dma_wait3A_372 = tpu.memref_slice %arg11[%dma_wait3A_370, %dma_wait3A_371] : memref<128x128xf32, #tpu.memory_space<vmem>> -> memref<16x128xf32, #tpu.memory_space<vmem>>
        %dma_wait3A_373 = arith.constant 0 : i32
        %dma_wait3A_374 = arith.constant 0 : i32
        %dma_wait3A_375 = tpu.memref_slice %arg4[%dma_wait3A_373, %dma_wait3A_374] : memref<32784x128xf32, #tpu.memory_space<hbm>> -> memref<16x128xf32, #tpu.memory_space<hbm>>
        %dma_wait3A_376 = arith.constant 0 : i32
        %dma_wait3A_377 = arith.constant 0 : i32
        %dma_wait3A_378 = tpu.memref_slice %arg4[%dma_wait3A_376, %dma_wait3A_377] : memref<32784x128xf32, #tpu.memory_space<hbm>> -> memref<16x128xf32, #tpu.memory_space<hbm>>
        %dma_wait3A_379 = arith.constant 0 : i32
        %dma_wait3A_380 = arith.constant 0 : i32
        %dma_wait3A_381 = tpu.memref_slice %arg11[%dma_wait3A_379, %dma_wait3A_380] : memref<128x128xf32, #tpu.memory_space<vmem>> -> memref<16x128xf32, #tpu.memory_space<vmem>>
        tpu.wait_dma2 semaphore(%arg18 : memref<!tpu.dma_semaphore, #tpu.memory_space<semaphore_mem>>) src(%dma_wait3A_381 : memref<16x128xf32, #tpu.memory_space<vmem>>) dst(%dma_wait3A_378 : memref<16x128xf32, #tpu.memory_space<hbm>>)
      }
      %mul3A_202 = arith.constant 1024 : i32
      %mul3A_203 = arith.muli %scan3A_190, %mul3A_202 : i32
      %add3A_204 = arith.addi %mul3A_2, %mul3A_203 : i32
      %min3A_205 = arith.constant 998912 : i32
      %min3A_206 = arith.minsi %add3A_204, %min3A_205 : i32
      %scan3A_207 = arith.constant 0 : i32
      %scan3A_208 = arith.constant 0 : i32
      %scan3A_209 = arith.constant 8 : i32
      %scan3A_210 = arith.addi %scan3A_208, %scan3A_209 : i32
      %scan3A_211 = arith.constant 1 : i32
      scf.for %scan3A_369 = %scan3A_208 to %scan3A_210 step %scan3A_211  : i32 {
        %broadcast_in_dim3A = arith.constant 0 : i32
        %broadcast_in_dim3A_370 = vector.broadcast %broadcast_in_dim3A : i32 to vector<16xi32>
        %add3A_371 = vector.broadcast %mul3A_2 : i32 to vector<16xi32>
        %add3A_372 = arith.addi %broadcast_in_dim3A_370, %add3A_371 : vector<16xi32>
        %mul3A_373 = arith.constant 16 : i32
        %mul3A_374 = arith.muli %scan3A_369, %mul3A_373 : i32
        %swap3A = arith.index_cast %mul3A_374 : i32 to index
        %swap3A_375 = tpu.vector_load %arg12[%swap3A] {strides = array<i32>} : memref<128xi32, #tpu.memory_space<vmem>>, vector<16xi32>,
        tpu.vector_store %arg12[%swap3A], %add3A_372 {strides = array<i32>} : memref<128xi32, #tpu.memory_space<vmem>>, vector<16xi32>,
        %add3A_376 = arith.constant 32768 : i32
        %add3A_377 = vector.broadcast %add3A_376 : i32 to vector<16xi32>
        %add3A_378 = arith.addi %add3A_377, %iota3A : vector<16xi32>
        %mul3A_379 = arith.constant 16 : i32
        %mul3A_380 = arith.muli %scan3A_369, %mul3A_379 : i32
        %swap3A_381 = arith.index_cast %mul3A_380 : i32 to index
        %swap3A_382 = tpu.vector_load %arg13[%swap3A_381] {strides = array<i32>} : memref<128xi32, #tpu.memory_space<vmem>>, vector<16xi32>,
        tpu.vector_store %arg13[%swap3A_381], %add3A_378 {strides = array<i32>} : memref<128xi32, #tpu.memory_space<vmem>>, vector<16xi32>,
      }
      %scan3A_212 = arith.constant 8 : i32
      %add3A_213 = arith.constant 3 : i32
      %add3A_214 = arith.addi %select_n3A, %add3A_213 : i32
      %jit3A_215 = arith.constant 4 : i32
      %div3A_216 = arith.divsi %add3A_214, %jit3A_215 : i32
      %sign3A_217 = arith.constant 0 : i32
      %sign3A_218 = arith.cmpi sgt, %add3A_214, %sign3A_217 : i32
      %sign3A_219 = arith.extui %sign3A_218 : i1 to i32
      %sign3A_220 = arith.constant 0 : i32
      %sign3A_221 = arith.cmpi slt, %add3A_214, %sign3A_220 : i32
      %sign3A_222 = arith.extui %sign3A_221 : i1 to i32
      %sign3A_223 = arith.subi %sign3A_219, %sign3A_222 : i32
      %sign3A_224 = arith.constant 0 : i32
      %sign3A_225 = arith.cmpi sgt, %jit3A_215, %sign3A_224 : i32
      %sign3A_226 = arith.extui %sign3A_225 : i1 to i32
      %sign3A_227 = arith.constant 0 : i32
      %sign3A_228 = arith.cmpi slt, %jit3A_215, %sign3A_227 : i32
      %sign3A_229 = arith.extui %sign3A_228 : i1 to i32
      %sign3A_230 = arith.subi %sign3A_226, %sign3A_229 : i32
      %ne3A_231 = arith.cmpi ne, %sign3A_223, %sign3A_230 : i32
      %rem3A_232 = arith.remsi %add3A_214, %jit3A_215 : i32
      %ne3A_233 = arith.constant 0 : i32
      %ne3A_234 = arith.cmpi ne, %rem3A_232, %ne3A_233 : i32
      %and3A_235 = arith.andi %ne3A_231, %ne3A_234 : i1
      %sub3A_236 = arith.constant 1 : i32
      %sub3A_237 = arith.subi %div3A_216, %sub3A_236 : i32
      %select_n3A_238 = arith.select %and3A_235, %sub3A_237, %div3A_216 : i32
      %while3A_239 = arith.constant 0 : i32
      %while3A_240 = arith.constant 0 : i32
      %while3A_241 = arith.subi %select_n3A_238, %while3A_239 : i32
      %while3A_242 = arith.addi %while3A_239, %while3A_241 : i32
      %while3A_243 = arith.constant 1 : i32
      %while3A_244 = arith.divsi %while3A_241, %while3A_243 : i32
      %while3A_245 = arith.muli %while3A_244, %while3A_243 : i32
      %while3A_246 = arith.addi %while3A_239, %while3A_245 : i32
      %while3A_247 = arith.constant 1 : i32
      %while3A_248 = scf.for %while3A_369 = %while3A_239 to %while3A_246 step %while3A_247 iter_args(%while3A_370 = %while3A_240) -> (i32)  : i32 {
        %mul3A_371 = arith.constant 4 : i32
        %mul3A_372 = arith.muli %while3A_369, %mul3A_371 : i32
        %add3A_373 = arith.constant 0 : i32
        %add3A_374 = arith.addi %mul3A_372, %add3A_373 : i32
        %mul3A_375 = arith.constant 16 : i32
        %mul3A_376 = arith.muli %add3A_374, %mul3A_375 : i32
        %get3A = arith.index_cast %mul3A_376 : i32 to index
        %get3A_377 = tpu.vector_load %arg6[%get3A] {strides = array<i32>} : memref<2048xi32, #tpu.memory_space<vmem>>, vector<16xi32>,
        %mul3A_378 = arith.constant 16 : i32
        %mul3A_379 = arith.muli %add3A_374, %mul3A_378 : i32
        %get3A_380 = arith.index_cast %mul3A_379 : i32 to index
        %get3A_381 = tpu.vector_load %arg7[%get3A_380] {strides = array<i32>} : memref<2048xi32, #tpu.memory_space<vmem>>, vector<16xi32>,
        %sub3A_382 = vector.broadcast %mul3A_2 : i32 to vector<16xi32>
        %sub3A_383 = arith.subi %get3A_377, %sub3A_382 : vector<16xi32>
        %shift_right_arithmetic3A = arith.constant 10 : i32
        %shift_right_arithmetic3A_384 = vector.broadcast %shift_right_arithmetic3A : i32 to vector<16xi32>
        %shift_right_arithmetic3A_385 = arith.shrsi %sub3A_383, %shift_right_arithmetic3A_384 : vector<16xi32>
        %eq3A_386 = vector.broadcast %scan3A_190 : i32 to vector<16xi32>
        %eq3A_387 = arith.cmpi eq, %shift_right_arithmetic3A_385, %eq3A_386 : vector<16xi32>
        %lt3A_388 = arith.constant 999936 : i32
        %lt3A_389 = vector.broadcast %lt3A_388 : i32 to vector<16xi32>
        %lt3A_390 = arith.cmpi slt, %get3A_377, %lt3A_389 : vector<16xi32>
        %and3A_391 = arith.andi %eq3A_387, %lt3A_390 : vector<16xi1>
        %ge3A = vector.broadcast %mul3A_2 : i32 to vector<16xi32>
        %ge3A_392 = arith.cmpi sge, %get3A_377, %ge3A : vector<16xi32>
        %and3A_393 = arith.andi %and3A_391, %ge3A_392 : vector<16xi1>
        %all_reduce_population_count3A = tpu.all_reduce %and3A_393 {dim = 0 : i64, kind = #tpu.reduction_kind<sum>} : vector<16xi1> -> vector<16xi32>
        %reduce_max3A = arith.constant true
        %reduce_max3A_394 = vector.broadcast %reduce_max3A : i1 to vector<16xi1>
        %reduce_max3A_395 = arith.constant -2147483648 : i32
        %reduce_max3A_396 = vector.broadcast %reduce_max3A_395 : i32 to vector<16xi32>
        %reduce_max3A_397 = arith.xori %all_reduce_population_count3A, %reduce_max3A_396 : vector<16xi32>
        %reduce_max3A_398 = tpu.scan <max>, %reduce_max3A_397 masked %reduce_max3A_394 : vector<16xi32>, vector<16xi1> -> vector<16xi32>
        %reduce_max3A_399 = arith.xori %reduce_max3A_398, %reduce_max3A_396 : vector<16xi32>
        %reduce_max3A_400 = vector.extract %reduce_max3A_399[15] : i32 from vector<16xi32>
        %mul3A_401 = arith.constant 4 : i32
        %mul3A_402 = arith.muli %while3A_369, %mul3A_401 : i32
        %add3A_403 = arith.constant 1 : i32
        %add3A_404 = arith.addi %mul3A_402, %add3A_403 : i32
        %mul3A_405 = arith.constant 16 : i32
        %mul3A_406 = arith.muli %add3A_404, %mul3A_405 : i32
        %get3A_407 = arith.index_cast %mul3A_406 : i32 to index
        %get3A_408 = tpu.vector_load %arg6[%get3A_407] {strides = array<i32>} : memref<2048xi32, #tpu.memory_space<vmem>>, vector<16xi32>,
        %mul3A_409 = arith.constant 16 : i32
        %mul3A_410 = arith.muli %add3A_404, %mul3A_409 : i32
        %get3A_411 = arith.index_cast %mul3A_410 : i32 to index
        %get3A_412 = tpu.vector_load %arg7[%get3A_411] {strides = array<i32>} : memref<2048xi32, #tpu.memory_space<vmem>>, vector<16xi32>,
        %sub3A_413 = vector.broadcast %mul3A_2 : i32 to vector<16xi32>
        %sub3A_414 = arith.subi %get3A_408, %sub3A_413 : vector<16xi32>
        %shift_right_arithmetic3A_415 = arith.constant 10 : i32
        %shift_right_arithmetic3A_416 = vector.broadcast %shift_right_arithmetic3A_415 : i32 to vector<16xi32>
        %shift_right_arithmetic3A_417 = arith.shrsi %sub3A_414, %shift_right_arithmetic3A_416 : vector<16xi32>
        %eq3A_418 = vector.broadcast %scan3A_190 : i32 to vector<16xi32>
        %eq3A_419 = arith.cmpi eq, %shift_right_arithmetic3A_417, %eq3A_418 : vector<16xi32>
        %lt3A_420 = arith.constant 999936 : i32
        %lt3A_421 = vector.broadcast %lt3A_420 : i32 to vector<16xi32>
        %lt3A_422 = arith.cmpi slt, %get3A_408, %lt3A_421 : vector<16xi32>
        %and3A_423 = arith.andi %eq3A_419, %lt3A_422 : vector<16xi1>
        %ge3A_424 = vector.broadcast %mul3A_2 : i32 to vector<16xi32>
        %ge3A_425 = arith.cmpi sge, %get3A_408, %ge3A_424 : vector<16xi32>
        %and3A_426 = arith.andi %and3A_423, %ge3A_425 : vector<16xi1>
        %all_reduce_population_count3A_427 = tpu.all_reduce %and3A_426 {dim = 0 : i64, kind = #tpu.reduction_kind<sum>} : vector<16xi1> -> vector<16xi32>
        %reduce_max3A_428 = arith.constant true
        %reduce_max3A_429 = vector.broadcast %reduce_max3A_428 : i1 to vector<16xi1>
        %reduce_max3A_430 = arith.constant -2147483648 : i32
        %reduce_max3A_431 = vector.broadcast %reduce_max3A_430 : i32 to vector<16xi32>
        %reduce_max3A_432 = arith.xori %all_reduce_population_count3A_427, %reduce_max3A_431 : vector<16xi32>
        %reduce_max3A_433 = tpu.scan <max>, %reduce_max3A_432 masked %reduce_max3A_429 : vector<16xi32>, vector<16xi1> -> vector<16xi32>
        %reduce_max3A_434 = arith.xori %reduce_max3A_433, %reduce_max3A_431 : vector<16xi32>
        %reduce_max3A_435 = vector.extract %reduce_max3A_434[15] : i32 from vector<16xi32>
        %mul3A_436 = arith.constant 4 : i32
        %mul3A_437 = arith.muli %while3A_369, %mul3A_436 : i32
        %add3A_438 = arith.constant 2 : i32
        %add3A_439 = arith.addi %mul3A_437, %add3A_438 : i32
        %mul3A_440 = arith.constant 16 : i32
        %mul3A_441 = arith.muli %add3A_439, %mul3A_440 : i32
        %get3A_442 = arith.index_cast %mul3A_441 : i32 to index
        %get3A_443 = tpu.vector_load %arg6[%get3A_442] {strides = array<i32>} : memref<2048xi32, #tpu.memory_space<vmem>>, vector<16xi32>,
        %mul3A_444 = arith.constant 16 : i32
        %mul3A_445 = arith.muli %add3A_439, %mul3A_444 : i32
        %get3A_446 = arith.index_cast %mul3A_445 : i32 to index
        %get3A_447 = tpu.vector_load %arg7[%get3A_446] {strides = array<i32>} : memref<2048xi32, #tpu.memory_space<vmem>>, vector<16xi32>,
        %sub3A_448 = vector.broadcast %mul3A_2 : i32 to vector<16xi32>
        %sub3A_449 = arith.subi %get3A_443, %sub3A_448 : vector<16xi32>
        %shift_right_arithmetic3A_450 = arith.constant 10 : i32
        %shift_right_arithmetic3A_451 = vector.broadcast %shift_right_arithmetic3A_450 : i32 to vector<16xi32>
        %shift_right_arithmetic3A_452 = arith.shrsi %sub3A_449, %shift_right_arithmetic3A_451 : vector<16xi32>
        %eq3A_453 = vector.broadcast %scan3A_190 : i32 to vector<16xi32>
        %eq3A_454 = arith.cmpi eq, %shift_right_arithmetic3A_452, %eq3A_453 : vector<16xi32>
        %lt3A_455 = arith.constant 999936 : i32
        %lt3A_456 = vector.broadcast %lt3A_455 : i32 to vector<16xi32>
        %lt3A_457 = arith.cmpi slt, %get3A_443, %lt3A_456 : vector<16xi32>
        %and3A_458 = arith.andi %eq3A_454, %lt3A_457 : vector<16xi1>
        %ge3A_459 = vector.broadcast %mul3A_2 : i32 to vector<16xi32>
        %ge3A_460 = arith.cmpi sge, %get3A_443, %ge3A_459 : vector<16xi32>
        %and3A_461 = arith.andi %and3A_458, %ge3A_460 : vector<16xi1>
        %all_reduce_population_count3A_462 = tpu.all_reduce %and3A_461 {dim = 0 : i64, kind = #tpu.reduction_kind<sum>} : vector<16xi1> -> vector<16xi32>
        %reduce_max3A_463 = arith.constant true
        %reduce_max3A_464 = vector.broadcast %reduce_max3A_463 : i1 to vector<16xi1>
        %reduce_max3A_465 = arith.constant -2147483648 : i32
        %reduce_max3A_466 = vector.broadcast %reduce_max3A_465 : i32 to vector<16xi32>
        %reduce_max3A_467 = arith.xori %all_reduce_population_count3A_462, %reduce_max3A_466 : vector<16xi32>
        %reduce_max3A_468 = tpu.scan <max>, %reduce_max3A_467 masked %reduce_max3A_464 : vector<16xi32>, vector<16xi1> -> vector<16xi32>
        %reduce_max3A_469 = arith.xori %reduce_max3A_468, %reduce_max3A_466 : vector<16xi32>
        %reduce_max3A_470 = vector.extract %reduce_max3A_469[15] : i32 from vector<16xi32>
        %mul3A_471 = arith.constant 4 : i32
        %mul3A_472 = arith.muli %while3A_369, %mul3A_471 : i32
        %add3A_473 = arith.constant 3 : i32
        %add3A_474 = arith.addi %mul3A_472, %add3A_473 : i32
        %mul3A_475 = arith.constant 16 : i32
        %mul3A_476 = arith.muli %add3A_474, %mul3A_475 : i32
        %get3A_477 = arith.index_cast %mul3A_476 : i32 to index
        %get3A_478 = tpu.vector_load %arg6[%get3A_477] {strides = array<i32>} : memref<2048xi32, #tpu.memory_space<vmem>>, vector<16xi32>,
        %mul3A_479 = arith.constant 16 : i32
        %mul3A_480 = arith.muli %add3A_474, %mul3A_479 : i32
        %get3A_481 = arith.index_cast %mul3A_480 : i32 to index
        %get3A_482 = tpu.vector_load %arg7[%get3A_481] {strides = array<i32>} : memref<2048xi32, #tpu.memory_space<vmem>>, vector<16xi32>,
        %sub3A_483 = vector.broadcast %mul3A_2 : i32 to vector<16xi32>
        %sub3A_484 = arith.subi %get3A_478, %sub3A_483 : vector<16xi32>
        %shift_right_arithmetic3A_485 = arith.constant 10 : i32
        %shift_right_arithmetic3A_486 = vector.broadcast %shift_right_arithmetic3A_485 : i32 to vector<16xi32>
        %shift_right_arithmetic3A_487 = arith.shrsi %sub3A_484, %shift_right_arithmetic3A_486 : vector<16xi32>
        %eq3A_488 = vector.broadcast %scan3A_190 : i32 to vector<16xi32>
        %eq3A_489 = arith.cmpi eq, %shift_right_arithmetic3A_487, %eq3A_488 : vector<16xi32>
        %lt3A_490 = arith.constant 999936 : i32
        %lt3A_491 = vector.broadcast %lt3A_490 : i32 to vector<16xi32>
        %lt3A_492 = arith.cmpi slt, %get3A_478, %lt3A_491 : vector<16xi32>
        %and3A_493 = arith.andi %eq3A_489, %lt3A_492 : vector<16xi1>
        %ge3A_494 = vector.broadcast %mul3A_2 : i32 to vector<16xi32>
        %ge3A_495 = arith.cmpi sge, %get3A_478, %ge3A_494 : vector<16xi32>
        %and3A_496 = arith.andi %and3A_493, %ge3A_495 : vector<16xi1>
        %all_reduce_population_count3A_497 = tpu.all_reduce %and3A_496 {dim = 0 : i64, kind = #tpu.reduction_kind<sum>} : vector<16xi1> -> vector<16xi32>
        %reduce_max3A_498 = arith.constant true
        %reduce_max3A_499 = vector.broadcast %reduce_max3A_498 : i1 to vector<16xi1>
        %reduce_max3A_500 = arith.constant -2147483648 : i32
        %reduce_max3A_501 = vector.broadcast %reduce_max3A_500 : i32 to vector<16xi32>
        %reduce_max3A_502 = arith.xori %all_reduce_population_count3A_497, %reduce_max3A_501 : vector<16xi32>
        %reduce_max3A_503 = tpu.scan <max>, %reduce_max3A_502 masked %reduce_max3A_499 : vector<16xi32>, vector<16xi1> -> vector<16xi32>
        %reduce_max3A_504 = arith.xori %reduce_max3A_503, %reduce_max3A_501 : vector<16xi32>
        %reduce_max3A_505 = vector.extract %reduce_max3A_504[15] : i32 from vector<16xi32>
        %gt3A = arith.constant 0 : i32
        %gt3A_506 = arith.cmpi sgt, %reduce_max3A_400, %gt3A : i32
        %convert_element_type3A_507 = arith.extui %gt3A_506 : i1 to i32
        %cond3A_508 = arith.constant 0 : i32
        %cond3A_509 = arith.cmpi ne, %convert_element_type3A_507, %cond3A_508 : i32
        scf.if %cond3A_509 {
          %min3A_529 = arith.constant 112 : i32
          %min3A_530 = arith.minsi %while3A_370, %min3A_529 : i32
          %swap3A = arith.index_cast %min3A_530 : i32 to index
          %swap3A_531 = tpu.vector_load %arg12[%swap3A] masked %and3A_393 {strides = array<i32>} : memref<128xi32, #tpu.memory_space<vmem>>, vector<16xi32>, vector<16xi1>
          tpu.vector_store %arg12[%swap3A], %get3A_377 masked %and3A_393 {strides = array<i32>} : memref<128xi32, #tpu.memory_space<vmem>>, vector<16xi32>, vector<16xi1>
          %swap3A_532 = arith.index_cast %min3A_530 : i32 to index
          %swap3A_533 = tpu.vector_load %arg13[%swap3A_532] masked %and3A_393 {strides = array<i32>} : memref<128xi32, #tpu.memory_space<vmem>>, vector<16xi32>, vector<16xi1>
          tpu.vector_store %arg13[%swap3A_532], %get3A_381 masked %and3A_393 {strides = array<i32>} : memref<128xi32, #tpu.memory_space<vmem>>, vector<16xi32>, vector<16xi1>
        } else {
        }
        %add3A_510 = arith.addi %while3A_370, %reduce_max3A_400 : i32
        %gt3A_511 = arith.constant 0 : i32
        %gt3A_512 = arith.cmpi sgt, %reduce_max3A_435, %gt3A_511 : i32
        %convert_element_type3A_513 = arith.extui %gt3A_512 : i1 to i32
        %cond3A_514 = arith.constant 0 : i32
        %cond3A_515 = arith.cmpi ne, %convert_element_type3A_513, %cond3A_514 : i32
        scf.if %cond3A_515 {
          %min3A_529 = arith.constant 112 : i32
          %min3A_530 = arith.minsi %add3A_510, %min3A_529 : i32
          %swap3A = arith.index_cast %min3A_530 : i32 to index
          %swap3A_531 = tpu.vector_load %arg12[%swap3A] masked %and3A_426 {strides = array<i32>} : memref<128xi32, #tpu.memory_space<vmem>>, vector<16xi32>, vector<16xi1>
          tpu.vector_store %arg12[%swap3A], %get3A_408 masked %and3A_426 {strides = array<i32>} : memref<128xi32, #tpu.memory_space<vmem>>, vector<16xi32>, vector<16xi1>
          %swap3A_532 = arith.index_cast %min3A_530 : i32 to index
          %swap3A_533 = tpu.vector_load %arg13[%swap3A_532] masked %and3A_426 {strides = array<i32>} : memref<128xi32, #tpu.memory_space<vmem>>, vector<16xi32>, vector<16xi1>
          tpu.vector_store %arg13[%swap3A_532], %get3A_412 masked %and3A_426 {strides = array<i32>} : memref<128xi32, #tpu.memory_space<vmem>>, vector<16xi32>, vector<16xi1>
        } else {
        }
        %add3A_516 = arith.addi %add3A_510, %reduce_max3A_435 : i32
        %gt3A_517 = arith.constant 0 : i32
        %gt3A_518 = arith.cmpi sgt, %reduce_max3A_470, %gt3A_517 : i32
        %convert_element_type3A_519 = arith.extui %gt3A_518 : i1 to i32
        %cond3A_520 = arith.constant 0 : i32
        %cond3A_521 = arith.cmpi ne, %convert_element_type3A_519, %cond3A_520 : i32
        scf.if %cond3A_521 {
          %min3A_529 = arith.constant 112 : i32
          %min3A_530 = arith.minsi %add3A_516, %min3A_529 : i32
          %swap3A = arith.index_cast %min3A_530 : i32 to index
          %swap3A_531 = tpu.vector_load %arg12[%swap3A] masked %and3A_461 {strides = array<i32>} : memref<128xi32, #tpu.memory_space<vmem>>, vector<16xi32>, vector<16xi1>
          tpu.vector_store %arg12[%swap3A], %get3A_443 masked %and3A_461 {strides = array<i32>} : memref<128xi32, #tpu.memory_space<vmem>>, vector<16xi32>, vector<16xi1>
          %swap3A_532 = arith.index_cast %min3A_530 : i32 to index
          %swap3A_533 = tpu.vector_load %arg13[%swap3A_532] masked %and3A_461 {strides = array<i32>} : memref<128xi32, #tpu.memory_space<vmem>>, vector<16xi32>, vector<16xi1>
          tpu.vector_store %arg13[%swap3A_532], %get3A_447 masked %and3A_461 {strides = array<i32>} : memref<128xi32, #tpu.memory_space<vmem>>, vector<16xi32>, vector<16xi1>
        } else {
        }
        %add3A_522 = arith.addi %add3A_516, %reduce_max3A_470 : i32
        %gt3A_523 = arith.constant 0 : i32
        %gt3A_524 = arith.cmpi sgt, %reduce_max3A_505, %gt3A_523 : i32
        %convert_element_type3A_525 = arith.extui %gt3A_524 : i1 to i32
        %cond3A_526 = arith.constant 0 : i32
        %cond3A_527 = arith.cmpi ne, %convert_element_type3A_525, %cond3A_526 : i32
        scf.if %cond3A_527 {
          %min3A_529 = arith.constant 112 : i32
          %min3A_530 = arith.minsi %add3A_522, %min3A_529 : i32
          %swap3A = arith.index_cast %min3A_530 : i32 to index
          %swap3A_531 = tpu.vector_load %arg12[%swap3A] masked %and3A_496 {strides = array<i32>} : memref<128xi32, #tpu.memory_space<vmem>>, vector<16xi32>, vector<16xi1>
          tpu.vector_store %arg12[%swap3A], %get3A_478 masked %and3A_496 {strides = array<i32>} : memref<128xi32, #tpu.memory_space<vmem>>, vector<16xi32>, vector<16xi1>
          %swap3A_532 = arith.index_cast %min3A_530 : i32 to index
          %swap3A_533 = tpu.vector_load %arg13[%swap3A_532] masked %and3A_496 {strides = array<i32>} : memref<128xi32, #tpu.memory_space<vmem>>, vector<16xi32>, vector<16xi1>
          tpu.vector_store %arg13[%swap3A_532], %get3A_482 masked %and3A_496 {strides = array<i32>} : memref<128xi32, #tpu.memory_space<vmem>>, vector<16xi32>, vector<16xi1>
        } else {
        }
        %add3A_528 = arith.addi %add3A_522, %reduce_max3A_505 : i32
        scf.yield %add3A_528 : i32
      }
      %while3A_249 = arith.constant 1 : i32
      %while3A_250 = scf.for %while3A_369 = %while3A_246 to %while3A_242 step %while3A_249 iter_args(%while3A_370 = %while3A_248) -> (i32)  : i32 {
        %mul3A_371 = arith.constant 4 : i32
        %mul3A_372 = arith.muli %while3A_369, %mul3A_371 : i32
        %add3A_373 = arith.constant 0 : i32
        %add3A_374 = arith.addi %mul3A_372, %add3A_373 : i32
        %mul3A_375 = arith.constant 16 : i32
        %mul3A_376 = arith.muli %add3A_374, %mul3A_375 : i32
        %get3A = arith.index_cast %mul3A_376 : i32 to index
        %get3A_377 = tpu.vector_load %arg6[%get3A] {strides = array<i32>} : memref<2048xi32, #tpu.memory_space<vmem>>, vector<16xi32>,
        %mul3A_378 = arith.constant 16 : i32
        %mul3A_379 = arith.muli %add3A_374, %mul3A_378 : i32
        %get3A_380 = arith.index_cast %mul3A_379 : i32 to index
        %get3A_381 = tpu.vector_load %arg7[%get3A_380] {strides = array<i32>} : memref<2048xi32, #tpu.memory_space<vmem>>, vector<16xi32>,
        %sub3A_382 = vector.broadcast %mul3A_2 : i32 to vector<16xi32>
        %sub3A_383 = arith.subi %get3A_377, %sub3A_382 : vector<16xi32>
        %shift_right_arithmetic3A = arith.constant 10 : i32
        %shift_right_arithmetic3A_384 = vector.broadcast %shift_right_arithmetic3A : i32 to vector<16xi32>
        %shift_right_arithmetic3A_385 = arith.shrsi %sub3A_383, %shift_right_arithmetic3A_384 : vector<16xi32>
        %eq3A_386 = vector.broadcast %scan3A_190 : i32 to vector<16xi32>
        %eq3A_387 = arith.cmpi eq, %shift_right_arithmetic3A_385, %eq3A_386 : vector<16xi32>
        %lt3A_388 = arith.constant 999936 : i32
        %lt3A_389 = vector.broadcast %lt3A_388 : i32 to vector<16xi32>
        %lt3A_390 = arith.cmpi slt, %get3A_377, %lt3A_389 : vector<16xi32>
        %and3A_391 = arith.andi %eq3A_387, %lt3A_390 : vector<16xi1>
        %ge3A = vector.broadcast %mul3A_2 : i32 to vector<16xi32>
        %ge3A_392 = arith.cmpi sge, %get3A_377, %ge3A : vector<16xi32>
        %and3A_393 = arith.andi %and3A_391, %ge3A_392 : vector<16xi1>
        %all_reduce_population_count3A = tpu.all_reduce %and3A_393 {dim = 0 : i64, kind = #tpu.reduction_kind<sum>} : vector<16xi1> -> vector<16xi32>
        %reduce_max3A = arith.constant true
        %reduce_max3A_394 = vector.broadcast %reduce_max3A : i1 to vector<16xi1>
        %reduce_max3A_395 = arith.constant -2147483648 : i32
        %reduce_max3A_396 = vector.broadcast %reduce_max3A_395 : i32 to vector<16xi32>
        %reduce_max3A_397 = arith.xori %all_reduce_population_count3A, %reduce_max3A_396 : vector<16xi32>
        %reduce_max3A_398 = tpu.scan <max>, %reduce_max3A_397 masked %reduce_max3A_394 : vector<16xi32>, vector<16xi1> -> vector<16xi32>
        %reduce_max3A_399 = arith.xori %reduce_max3A_398, %reduce_max3A_396 : vector<16xi32>
        %reduce_max3A_400 = vector.extract %reduce_max3A_399[15] : i32 from vector<16xi32>
        %mul3A_401 = arith.constant 4 : i32
        %mul3A_402 = arith.muli %while3A_369, %mul3A_401 : i32
        %add3A_403 = arith.constant 1 : i32
        %add3A_404 = arith.addi %mul3A_402, %add3A_403 : i32
        %mul3A_405 = arith.constant 16 : i32
        %mul3A_406 = arith.muli %add3A_404, %mul3A_405 : i32
        %get3A_407 = arith.index_cast %mul3A_406 : i32 to index
        %get3A_408 = tpu.vector_load %arg6[%get3A_407] {strides = array<i32>} : memref<2048xi32, #tpu.memory_space<vmem>>, vector<16xi32>,
        %mul3A_409 = arith.constant 16 : i32
        %mul3A_410 = arith.muli %add3A_404, %mul3A_409 : i32
        %get3A_411 = arith.index_cast %mul3A_410 : i32 to index
        %get3A_412 = tpu.vector_load %arg7[%get3A_411] {strides = array<i32>} : memref<2048xi32, #tpu.memory_space<vmem>>, vector<16xi32>,
        %sub3A_413 = vector.broadcast %mul3A_2 : i32 to vector<16xi32>
        %sub3A_414 = arith.subi %get3A_408, %sub3A_413 : vector<16xi32>
        %shift_right_arithmetic3A_415 = arith.constant 10 : i32
        %shift_right_arithmetic3A_416 = vector.broadcast %shift_right_arithmetic3A_415 : i32 to vector<16xi32>
        %shift_right_arithmetic3A_417 = arith.shrsi %sub3A_414, %shift_right_arithmetic3A_416 : vector<16xi32>
        %eq3A_418 = vector.broadcast %scan3A_190 : i32 to vector<16xi32>
        %eq3A_419 = arith.cmpi eq, %shift_right_arithmetic3A_417, %eq3A_418 : vector<16xi32>
        %lt3A_420 = arith.constant 999936 : i32
        %lt3A_421 = vector.broadcast %lt3A_420 : i32 to vector<16xi32>
        %lt3A_422 = arith.cmpi slt, %get3A_408, %lt3A_421 : vector<16xi32>
        %and3A_423 = arith.andi %eq3A_419, %lt3A_422 : vector<16xi1>
        %ge3A_424 = vector.broadcast %mul3A_2 : i32 to vector<16xi32>
        %ge3A_425 = arith.cmpi sge, %get3A_408, %ge3A_424 : vector<16xi32>
        %and3A_426 = arith.andi %and3A_423, %ge3A_425 : vector<16xi1>
        %all_reduce_population_count3A_427 = tpu.all_reduce %and3A_426 {dim = 0 : i64, kind = #tpu.reduction_kind<sum>} : vector<16xi1> -> vector<16xi32>
        %reduce_max3A_428 = arith.constant true
        %reduce_max3A_429 = vector.broadcast %reduce_max3A_428 : i1 to vector<16xi1>
        %reduce_max3A_430 = arith.constant -2147483648 : i32
        %reduce_max3A_431 = vector.broadcast %reduce_max3A_430 : i32 to vector<16xi32>
        %reduce_max3A_432 = arith.xori %all_reduce_population_count3A_427, %reduce_max3A_431 : vector<16xi32>
        %reduce_max3A_433 = tpu.scan <max>, %reduce_max3A_432 masked %reduce_max3A_429 : vector<16xi32>, vector<16xi1> -> vector<16xi32>
        %reduce_max3A_434 = arith.xori %reduce_max3A_433, %reduce_max3A_431 : vector<16xi32>
        %reduce_max3A_435 = vector.extract %reduce_max3A_434[15] : i32 from vector<16xi32>
        %mul3A_436 = arith.constant 4 : i32
        %mul3A_437 = arith.muli %while3A_369, %mul3A_436 : i32
        %add3A_438 = arith.constant 2 : i32
        %add3A_439 = arith.addi %mul3A_437, %add3A_438 : i32
        %mul3A_440 = arith.constant 16 : i32
        %mul3A_441 = arith.muli %add3A_439, %mul3A_440 : i32
        %get3A_442 = arith.index_cast %mul3A_441 : i32 to index
        %get3A_443 = tpu.vector_load %arg6[%get3A_442] {strides = array<i32>} : memref<2048xi32, #tpu.memory_space<vmem>>, vector<16xi32>,
        %mul3A_444 = arith.constant 16 : i32
        %mul3A_445 = arith.muli %add3A_439, %mul3A_444 : i32
        %get3A_446 = arith.index_cast %mul3A_445 : i32 to index
        %get3A_447 = tpu.vector_load %arg7[%get3A_446] {strides = array<i32>} : memref<2048xi32, #tpu.memory_space<vmem>>, vector<16xi32>,
        %sub3A_448 = vector.broadcast %mul3A_2 : i32 to vector<16xi32>
        %sub3A_449 = arith.subi %get3A_443, %sub3A_448 : vector<16xi32>
        %shift_right_arithmetic3A_450 = arith.constant 10 : i32
        %shift_right_arithmetic3A_451 = vector.broadcast %shift_right_arithmetic3A_450 : i32 to vector<16xi32>
        %shift_right_arithmetic3A_452 = arith.shrsi %sub3A_449, %shift_right_arithmetic3A_451 : vector<16xi32>
        %eq3A_453 = vector.broadcast %scan3A_190 : i32 to vector<16xi32>
        %eq3A_454 = arith.cmpi eq, %shift_right_arithmetic3A_452, %eq3A_453 : vector<16xi32>
        %lt3A_455 = arith.constant 999936 : i32
        %lt3A_456 = vector.broadcast %lt3A_455 : i32 to vector<16xi32>
        %lt3A_457 = arith.cmpi slt, %get3A_443, %lt3A_456 : vector<16xi32>
        %and3A_458 = arith.andi %eq3A_454, %lt3A_457 : vector<16xi1>
        %ge3A_459 = vector.broadcast %mul3A_2 : i32 to vector<16xi32>
        %ge3A_460 = arith.cmpi sge, %get3A_443, %ge3A_459 : vector<16xi32>
        %and3A_461 = arith.andi %and3A_458, %ge3A_460 : vector<16xi1>
        %all_reduce_population_count3A_462 = tpu.all_reduce %and3A_461 {dim = 0 : i64, kind = #tpu.reduction_kind<sum>} : vector<16xi1> -> vector<16xi32>
        %reduce_max3A_463 = arith.constant true
        %reduce_max3A_464 = vector.broadcast %reduce_max3A_463 : i1 to vector<16xi1>
        %reduce_max3A_465 = arith.constant -2147483648 : i32
        %reduce_max3A_466 = vector.broadcast %reduce_max3A_465 : i32 to vector<16xi32>
        %reduce_max3A_467 = arith.xori %all_reduce_population_count3A_462, %reduce_max3A_466 : vector<16xi32>
        %reduce_max3A_468 = tpu.scan <max>, %reduce_max3A_467 masked %reduce_max3A_464 : vector<16xi32>, vector<16xi1> -> vector<16xi32>
        %reduce_max3A_469 = arith.xori %reduce_max3A_468, %reduce_max3A_466 : vector<16xi32>
        %reduce_max3A_470 = vector.extract %reduce_max3A_469[15] : i32 from vector<16xi32>
        %mul3A_471 = arith.constant 4 : i32
        %mul3A_472 = arith.muli %while3A_369, %mul3A_471 : i32
        %add3A_473 = arith.constant 3 : i32
        %add3A_474 = arith.addi %mul3A_472, %add3A_473 : i32
        %mul3A_475 = arith.constant 16 : i32
        %mul3A_476 = arith.muli %add3A_474, %mul3A_475 : i32
        %get3A_477 = arith.index_cast %mul3A_476 : i32 to index
        %get3A_478 = tpu.vector_load %arg6[%get3A_477] {strides = array<i32>} : memref<2048xi32, #tpu.memory_space<vmem>>, vector<16xi32>,
        %mul3A_479 = arith.constant 16 : i32
        %mul3A_480 = arith.muli %add3A_474, %mul3A_479 : i32
        %get3A_481 = arith.index_cast %mul3A_480 : i32 to index
        %get3A_482 = tpu.vector_load %arg7[%get3A_481] {strides = array<i32>} : memref<2048xi32, #tpu.memory_space<vmem>>, vector<16xi32>,
        %sub3A_483 = vector.broadcast %mul3A_2 : i32 to vector<16xi32>
        %sub3A_484 = arith.subi %get3A_478, %sub3A_483 : vector<16xi32>
        %shift_right_arithmetic3A_485 = arith.constant 10 : i32
        %shift_right_arithmetic3A_486 = vector.broadcast %shift_right_arithmetic3A_485 : i32 to vector<16xi32>
        %shift_right_arithmetic3A_487 = arith.shrsi %sub3A_484, %shift_right_arithmetic3A_486 : vector<16xi32>
        %eq3A_488 = vector.broadcast %scan3A_190 : i32 to vector<16xi32>
        %eq3A_489 = arith.cmpi eq, %shift_right_arithmetic3A_487, %eq3A_488 : vector<16xi32>
        %lt3A_490 = arith.constant 999936 : i32
        %lt3A_491 = vector.broadcast %lt3A_490 : i32 to vector<16xi32>
        %lt3A_492 = arith.cmpi slt, %get3A_478, %lt3A_491 : vector<16xi32>
        %and3A_493 = arith.andi %eq3A_489, %lt3A_492 : vector<16xi1>
        %ge3A_494 = vector.broadcast %mul3A_2 : i32 to vector<16xi32>
        %ge3A_495 = arith.cmpi sge, %get3A_478, %ge3A_494 : vector<16xi32>
        %and3A_496 = arith.andi %and3A_493, %ge3A_495 : vector<16xi1>
        %all_reduce_population_count3A_497 = tpu.all_reduce %and3A_496 {dim = 0 : i64, kind = #tpu.reduction_kind<sum>} : vector<16xi1> -> vector<16xi32>
        %reduce_max3A_498 = arith.constant true
        %reduce_max3A_499 = vector.broadcast %reduce_max3A_498 : i1 to vector<16xi1>
        %reduce_max3A_500 = arith.constant -2147483648 : i32
        %reduce_max3A_501 = vector.broadcast %reduce_max3A_500 : i32 to vector<16xi32>
        %reduce_max3A_502 = arith.xori %all_reduce_population_count3A_497, %reduce_max3A_501 : vector<16xi32>
        %reduce_max3A_503 = tpu.scan <max>, %reduce_max3A_502 masked %reduce_max3A_499 : vector<16xi32>, vector<16xi1> -> vector<16xi32>
        %reduce_max3A_504 = arith.xori %reduce_max3A_503, %reduce_max3A_501 : vector<16xi32>
        %reduce_max3A_505 = vector.extract %reduce_max3A_504[15] : i32 from vector<16xi32>
        %gt3A = arith.constant 0 : i32
        %gt3A_506 = arith.cmpi sgt, %reduce_max3A_400, %gt3A : i32
        %convert_element_type3A_507 = arith.extui %gt3A_506 : i1 to i32
        %cond3A_508 = arith.constant 0 : i32
        %cond3A_509 = arith.cmpi ne, %convert_element_type3A_507, %cond3A_508 : i32
        scf.if %cond3A_509 {
          %min3A_529 = arith.constant 112 : i32
          %min3A_530 = arith.minsi %while3A_370, %min3A_529 : i32
          %swap3A = arith.index_cast %min3A_530 : i32 to index
          %swap3A_531 = tpu.vector_load %arg12[%swap3A] masked %and3A_393 {strides = array<i32>} : memref<128xi32, #tpu.memory_space<vmem>>, vector<16xi32>, vector<16xi1>
          tpu.vector_store %arg12[%swap3A], %get3A_377 masked %and3A_393 {strides = array<i32>} : memref<128xi32, #tpu.memory_space<vmem>>, vector<16xi32>, vector<16xi1>
          %swap3A_532 = arith.index_cast %min3A_530 : i32 to index
          %swap3A_533 = tpu.vector_load %arg13[%swap3A_532] masked %and3A_393 {strides = array<i32>} : memref<128xi32, #tpu.memory_space<vmem>>, vector<16xi32>, vector<16xi1>
          tpu.vector_store %arg13[%swap3A_532], %get3A_381 masked %and3A_393 {strides = array<i32>} : memref<128xi32, #tpu.memory_space<vmem>>, vector<16xi32>, vector<16xi1>
        } else {
        }
        %add3A_510 = arith.addi %while3A_370, %reduce_max3A_400 : i32
        %gt3A_511 = arith.constant 0 : i32
        %gt3A_512 = arith.cmpi sgt, %reduce_max3A_435, %gt3A_511 : i32
        %convert_element_type3A_513 = arith.extui %gt3A_512 : i1 to i32
        %cond3A_514 = arith.constant 0 : i32
        %cond3A_515 = arith.cmpi ne, %convert_element_type3A_513, %cond3A_514 : i32
        scf.if %cond3A_515 {
          %min3A_529 = arith.constant 112 : i32
          %min3A_530 = arith.minsi %add3A_510, %min3A_529 : i32
          %swap3A = arith.index_cast %min3A_530 : i32 to index
          %swap3A_531 = tpu.vector_load %arg12[%swap3A] masked %and3A_426 {strides = array<i32>} : memref<128xi32, #tpu.memory_space<vmem>>, vector<16xi32>, vector<16xi1>
          tpu.vector_store %arg12[%swap3A], %get3A_408 masked %and3A_426 {strides = array<i32>} : memref<128xi32, #tpu.memory_space<vmem>>, vector<16xi32>, vector<16xi1>
          %swap3A_532 = arith.index_cast %min3A_530 : i32 to index
          %swap3A_533 = tpu.vector_load %arg13[%swap3A_532] masked %and3A_426 {strides = array<i32>} : memref<128xi32, #tpu.memory_space<vmem>>, vector<16xi32>, vector<16xi1>
          tpu.vector_store %arg13[%swap3A_532], %get3A_412 masked %and3A_426 {strides = array<i32>} : memref<128xi32, #tpu.memory_space<vmem>>, vector<16xi32>, vector<16xi1>
        } else {
        }
        %add3A_516 = arith.addi %add3A_510, %reduce_max3A_435 : i32
        %gt3A_517 = arith.constant 0 : i32
        %gt3A_518 = arith.cmpi sgt, %reduce_max3A_470, %gt3A_517 : i32
        %convert_element_type3A_519 = arith.extui %gt3A_518 : i1 to i32
        %cond3A_520 = arith.constant 0 : i32
        %cond3A_521 = arith.cmpi ne, %convert_element_type3A_519, %cond3A_520 : i32
        scf.if %cond3A_521 {
          %min3A_529 = arith.constant 112 : i32
          %min3A_530 = arith.minsi %add3A_516, %min3A_529 : i32
          %swap3A = arith.index_cast %min3A_530 : i32 to index
          %swap3A_531 = tpu.vector_load %arg12[%swap3A] masked %and3A_461 {strides = array<i32>} : memref<128xi32, #tpu.memory_space<vmem>>, vector<16xi32>, vector<16xi1>
          tpu.vector_store %arg12[%swap3A], %get3A_443 masked %and3A_461 {strides = array<i32>} : memref<128xi32, #tpu.memory_space<vmem>>, vector<16xi32>, vector<16xi1>
          %swap3A_532 = arith.index_cast %min3A_530 : i32 to index
          %swap3A_533 = tpu.vector_load %arg13[%swap3A_532] masked %and3A_461 {strides = array<i32>} : memref<128xi32, #tpu.memory_space<vmem>>, vector<16xi32>, vector<16xi1>
          tpu.vector_store %arg13[%swap3A_532], %get3A_447 masked %and3A_461 {strides = array<i32>} : memref<128xi32, #tpu.memory_space<vmem>>, vector<16xi32>, vector<16xi1>
        } else {
        }
        %add3A_522 = arith.addi %add3A_516, %reduce_max3A_470 : i32
        %gt3A_523 = arith.constant 0 : i32
        %gt3A_524 = arith.cmpi sgt, %reduce_max3A_505, %gt3A_523 : i32
        %convert_element_type3A_525 = arith.extui %gt3A_524 : i1 to i32
        %cond3A_526 = arith.constant 0 : i32
        %cond3A_527 = arith.cmpi ne, %convert_element_type3A_525, %cond3A_526 : i32
        scf.if %cond3A_527 {
          %min3A_529 = arith.constant 112 : i32
          %min3A_530 = arith.minsi %add3A_522, %min3A_529 : i32
          %swap3A = arith.index_cast %min3A_530 : i32 to index
          %swap3A_531 = tpu.vector_load %arg12[%swap3A] masked %and3A_496 {strides = array<i32>} : memref<128xi32, #tpu.memory_space<vmem>>, vector<16xi32>, vector<16xi1>
          tpu.vector_store %arg12[%swap3A], %get3A_478 masked %and3A_496 {strides = array<i32>} : memref<128xi32, #tpu.memory_space<vmem>>, vector<16xi32>, vector<16xi1>
          %swap3A_532 = arith.index_cast %min3A_530 : i32 to index
          %swap3A_533 = tpu.vector_load %arg13[%swap3A_532] masked %and3A_496 {strides = array<i32>} : memref<128xi32, #tpu.memory_space<vmem>>, vector<16xi32>, vector<16xi1>
          tpu.vector_store %arg13[%swap3A_532], %get3A_482 masked %and3A_496 {strides = array<i32>} : memref<128xi32, #tpu.memory_space<vmem>>, vector<16xi32>, vector<16xi1>
        } else {
        }
        %add3A_528 = arith.addi %add3A_522, %reduce_max3A_505 : i32
        scf.yield %add3A_528 : i32
      }
      %add3A_251 = arith.constant 16 : i32
      %add3A_252 = arith.addi %while3A_250, %add3A_251 : i32
      %sub3A_253 = arith.constant 1 : i32
      %sub3A_254 = arith.subi %add3A_252, %sub3A_253 : i32
      %jit3A_255 = arith.constant 16 : i32
      %div3A_256 = arith.divsi %sub3A_254, %jit3A_255 : i32
      %sign3A_257 = arith.constant 0 : i32
      %sign3A_258 = arith.cmpi sgt, %sub3A_254, %sign3A_257 : i32
      %sign3A_259 = arith.extui %sign3A_258 : i1 to i32
      %sign3A_260 = arith.constant 0 : i32
      %sign3A_261 = arith.cmpi slt, %sub3A_254, %sign3A_260 : i32
      %sign3A_262 = arith.extui %sign3A_261 : i1 to i32
      %sign3A_263 = arith.subi %sign3A_259, %sign3A_262 : i32
      %sign3A_264 = arith.constant 0 : i32
      %sign3A_265 = arith.cmpi sgt, %jit3A_255, %sign3A_264 : i32
      %sign3A_266 = arith.extui %sign3A_265 : i1 to i32
      %sign3A_267 = arith.constant 0 : i32
      %sign3A_268 = arith.cmpi slt, %jit3A_255, %sign3A_267 : i32
      %sign3A_269 = arith.extui %sign3A_268 : i1 to i32
      %sign3A_270 = arith.subi %sign3A_266, %sign3A_269 : i32
      %ne3A_271 = arith.cmpi ne, %sign3A_263, %sign3A_270 : i32
      %rem3A_272 = arith.remsi %sub3A_254, %jit3A_255 : i32
      %ne3A_273 = arith.constant 0 : i32
      %ne3A_274 = arith.cmpi ne, %rem3A_272, %ne3A_273 : i32
      %and3A_275 = arith.andi %ne3A_271, %ne3A_274 : i1
      %sub3A_276 = arith.constant 1 : i32
      %sub3A_277 = arith.subi %div3A_256, %sub3A_276 : i32
      %select_n3A_278 = arith.select %and3A_275, %sub3A_277, %div3A_256 : i32
      %min3A_279 = arith.constant 8 : i32
      %min3A_280 = arith.minsi %select_n3A_278, %min3A_279 : i32
      %jit3A_281 = arith.constant 2 : i32
      %eq3A = arith.constant 0 : i32
      %eq3A_282 = arith.cmpi eq, %jit3A_281, %eq3A : i32
      %jit3A_283 = arith.constant 1 : i32
      %select_n3A_284 = arith.select %eq3A_282, %jit3A_283, %jit3A_281 : i32
      %rem3A_285 = arith.remsi %scan3A_190, %select_n3A_284 : i32
      %ne3A_286 = arith.constant 0 : i32
      %ne3A_287 = arith.cmpi ne, %rem3A_285, %ne3A_286 : i32
      %lt3A = arith.constant 0 : i32
      %lt3A_288 = arith.cmpi slt, %rem3A_285, %lt3A : i32
      %lt3A_289 = arith.constant 0 : i32
      %lt3A_290 = arith.cmpi slt, %select_n3A_284, %lt3A_289 : i32
      %ne3A_291 = arith.xori %lt3A_288, %lt3A_290 : i1
      %and3A_292 = arith.andi %ne3A_291, %ne3A_287 : i1
      %add3A_293 = arith.addi %rem3A_285, %select_n3A_284 : i32
      %select_n3A_294 = arith.select %and3A_292, %add3A_293, %rem3A_285 : i32
      %eq3A_295 = arith.constant 0 : i32
      %eq3A_296 = arith.cmpi eq, %select_n3A_294, %eq3A_295 : i32
      %convert_element_type3A = arith.extui %eq3A_296 : i1 to i32
      %cond3A = arith.constant 0 : i32
      %cond3A_297 = arith.cmpi ne, %convert_element_type3A, %cond3A : i32
      scf.if %cond3A_297 {
        %dma_wait3A_369 = arith.constant 0 : i32
        %dma_wait3A_370 = arith.constant 0 : i32
        %dma_wait3A_371 = tpu.memref_slice %arg2[%dma_wait3A_369, %dma_wait3A_370] : memref<32x1000000xf32, #tpu.memory_space<hbm>> -> memref<32x1024xf32, #tpu.memory_space<hbm>>
        %dma_wait3A_372 = arith.constant 0 : i32
        %dma_wait3A_373 = arith.constant 0 : i32
        %dma_wait3A_374 = tpu.memref_slice %arg2[%dma_wait3A_372, %dma_wait3A_373] : memref<32x1000000xf32, #tpu.memory_space<hbm>> -> memref<32x1024xf32, #tpu.memory_space<hbm>>
        tpu.wait_dma2 semaphore(%arg15 : memref<!tpu.dma_semaphore, #tpu.memory_space<semaphore_mem>>) src(%dma_wait3A_374 : memref<32x1024xf32, #tpu.memory_space<hbm>>) dst(%arg8 : memref<32x1024xf32, #tpu.memory_space<vmem>>)
        %mul3A_375 = arith.constant 1024 : i32
        %mul3A_376 = arith.muli %scan3A_190, %mul3A_375 : i32
        %add3A_377 = arith.addi %mul3A_2, %mul3A_376 : i32
        %min3A_378 = arith.constant 998912 : i32
        %min3A_379 = arith.minsi %add3A_377, %min3A_378 : i32
        %while3A_380 = arith.constant 0 : i32
        %while3A_381 = arith.constant 0 : i32
        %while3A_382 = arith.subi %min3A_280, %while3A_381 : i32
        %while3A_383 = arith.addi %while3A_381, %while3A_382 : i32
        %while3A_384 = arith.constant 1 : i32
        %while3A_385 = arith.divsi %while3A_382, %while3A_384 : i32
        %while3A_386 = arith.muli %while3A_385, %while3A_384 : i32
        %while3A_387 = arith.addi %while3A_381, %while3A_386 : i32
        %while3A_388 = arith.constant 1 : i32
        scf.for %while3A_400 = %while3A_381 to %while3A_387 step %while3A_388  : i32 {
          %mul3A_401 = arith.constant 16 : i32
          %mul3A_402 = arith.muli %while3A_400, %mul3A_401 : i32
          %get3A = arith.index_cast %mul3A_402 : i32 to index
          %get3A_403 = tpu.vector_load %arg12[%get3A] {strides = array<i32>} : memref<128xi32, #tpu.memory_space<vmem>>, vector<16xi32>,
          %mul3A_404 = arith.constant 16 : i32
          %mul3A_405 = arith.muli %while3A_400, %mul3A_404 : i32
          %get3A_406 = arith.index_cast %mul3A_405 : i32 to index
          %get3A_407 = tpu.vector_load %arg13[%get3A_406] {strides = array<i32>} : memref<128xi32, #tpu.memory_space<vmem>>, vector<16xi32>,
          %sub3A_408 = vector.broadcast %min3A_379 : i32 to vector<16xi32>
          %sub3A_409 = arith.subi %get3A_403, %sub3A_408 : vector<16xi32>
          %jit3A_410 = arith.constant 0 : i32
          %jit3A_411 = arith.constant 1023 : i32
          %max3A = vector.broadcast %jit3A_410 : i32 to vector<16xi32>
          %max3A_412 = arith.maxsi %max3A, %sub3A_409 : vector<16xi32>
          %min3A_413 = vector.broadcast %jit3A_411 : i32 to vector<16xi32>
          %min3A_414 = arith.minsi %min3A_413, %max3A_412 : vector<16xi32>
          %broadcast_in_dim3A = arith.constant 0 : i32
          %broadcast_in_dim3A_415 = vector.broadcast %broadcast_in_dim3A : i32 to vector<16xi32>
          %gather3A = tpu.vector_load_idx %arg8[%broadcast_in_dim3A_415, %min3A_414] : memref<32x1024xf32, #tpu.memory_space<vmem>>[vector<16xi32>, vector<16xi32>], vector<16xf32>,
          %mul3A_416 = arith.constant 16 : i32
          %mul3A_417 = arith.muli %while3A_400, %mul3A_416 : i32
          %add3A_418 = vector.broadcast %mul3A_417 : i32 to vector<16xi32>
          %add3A_419 = arith.addi %add3A_418, %iota3A : vector<16xi32>
          %broadcast_in_dim3A_420 = arith.constant 0 : i32
          %broadcast_in_dim3A_421 = vector.broadcast %broadcast_in_dim3A_420 : i32 to vector<16xi32>
          tpu.vector_store_idx %arg11[%add3A_419, %broadcast_in_dim3A_421], %gather3A : memref<128x128xf32, #tpu.memory_space<vmem>>[vector<16xi32>, vector<16xi32>], vector<16xf32>,
          %broadcast_in_dim3A_422 = arith.constant 1 : i32
          %broadcast_in_dim3A_423 = vector.broadcast %broadcast_in_dim3A_422 : i32 to vector<16xi32>
          %gather3A_424 = tpu.vector_load_idx %arg8[%broadcast_in_dim3A_423, %min3A_414] : memref<32x1024xf32, #tpu.memory_space<vmem>>[vector<16xi32>, vector<16xi32>], vector<16xf32>,
          %mul3A_425 = arith.constant 16 : i32
          %mul3A_426 = arith.muli %while3A_400, %mul3A_425 : i32
          %add3A_427 = vector.broadcast %mul3A_426 : i32 to vector<16xi32>
          %add3A_428 = arith.addi %add3A_427, %iota3A : vector<16xi32>
          %broadcast_in_dim3A_429 = arith.constant 1 : i32
          %broadcast_in_dim3A_430 = vector.broadcast %broadcast_in_dim3A_429 : i32 to vector<16xi32>
          tpu.vector_store_idx %arg11[%add3A_428, %broadcast_in_dim3A_430], %gather3A_424 : memref<128x128xf32, #tpu.memory_space<vmem>>[vector<16xi32>, vector<16xi32>], vector<16xf32>,
          %broadcast_in_dim3A_431 = arith.constant 2 : i32
          %broadcast_in_dim3A_432 = vector.broadcast %broadcast_in_dim3A_431 : i32 to vector<16xi32>
          %gather3A_433 = tpu.vector_load_idx %arg8[%broadcast_in_dim3A_432, %min3A_414] : memref<32x1024xf32, #tpu.memory_space<vmem>>[vector<16xi32>, vector<16xi32>], vector<16xf32>,
          %mul3A_434 = arith.constant 16 : i32
          %mul3A_435 = arith.muli %while3A_400, %mul3A_434 : i32
          %add3A_436 = vector.broadcast %mul3A_435 : i32 to vector<16xi32>
          %add3A_437 = arith.addi %add3A_436, %iota3A : vector<16xi32>
          %broadcast_in_dim3A_438 = arith.constant 2 : i32
          %broadcast_in_dim3A_439 = vector.broadcast %broadcast_in_dim3A_438 : i32 to vector<16xi32>
          tpu.vector_store_idx %arg11[%add3A_437, %broadcast_in_dim3A_439], %gather3A_433 : memref<128x128xf32, #tpu.memory_space<vmem>>[vector<16xi32>, vector<16xi32>], vector<16xf32>,
          %broadcast_in_dim3A_440 = arith.constant 3 : i32
          %broadcast_in_dim3A_441 = vector.broadcast %broadcast_in_dim3A_440 : i32 to vector<16xi32>
          %gather3A_442 = tpu.vector_load_idx %arg8[%broadcast_in_dim3A_441, %min3A_414] : memref<32x1024xf32, #tpu.memory_space<vmem>>[vector<16xi32>, vector<16xi32>], vector<16xf32>,
          %mul3A_443 = arith.constant 16 : i32
          %mul3A_444 = arith.muli %while3A_400, %mul3A_443 : i32
          %add3A_445 = vector.broadcast %mul3A_444 : i32 to vector<16xi32>
          %add3A_446 = arith.addi %add3A_445, %iota3A : vector<16xi32>
          %broadcast_in_dim3A_447 = arith.constant 3 : i32
          %broadcast_in_dim3A_448 = vector.broadcast %broadcast_in_dim3A_447 : i32 to vector<16xi32>
          tpu.vector_store_idx %arg11[%add3A_446, %broadcast_in_dim3A_448], %gather3A_442 : memref<128x128xf32, #tpu.memory_space<vmem>>[vector<16xi32>, vector<16xi32>], vector<16xf32>,
          %broadcast_in_dim3A_449 = arith.constant 4 : i32
          %broadcast_in_dim3A_450 = vector.broadcast %broadcast_in_dim3A_449 : i32 to vector<16xi32>
          %gather3A_451 = tpu.vector_load_idx %arg8[%broadcast_in_dim3A_450, %min3A_414] : memref<32x1024xf32, #tpu.memory_space<vmem>>[vector<16xi32>, vector<16xi32>], vector<16xf32>,
          %mul3A_452 = arith.constant 16 : i32
          %mul3A_453 = arith.muli %while3A_400, %mul3A_452 : i32
          %add3A_454 = vector.broadcast %mul3A_453 : i32 to vector<16xi32>
          %add3A_455 = arith.addi %add3A_454, %iota3A : vector<16xi32>
          %broadcast_in_dim3A_456 = arith.constant 4 : i32
          %broadcast_in_dim3A_457 = vector.broadcast %broadcast_in_dim3A_456 : i32 to vector<16xi32>
          tpu.vector_store_idx %arg11[%add3A_455, %broadcast_in_dim3A_457], %gather3A_451 : memref<128x128xf32, #tpu.memory_space<vmem>>[vector<16xi32>, vector<16xi32>], vector<16xf32>,
          %broadcast_in_dim3A_458 = arith.constant 5 : i32
          %broadcast_in_dim3A_459 = vector.broadcast %broadcast_in_dim3A_458 : i32 to vector<16xi32>
          %gather3A_460 = tpu.vector_load_idx %arg8[%broadcast_in_dim3A_459, %min3A_414] : memref<32x1024xf32, #tpu.memory_space<vmem>>[vector<16xi32>, vector<16xi32>], vector<16xf32>,
          %mul3A_461 = arith.constant 16 : i32
          %mul3A_462 = arith.muli %while3A_400, %mul3A_461 : i32
          %add3A_463 = vector.broadcast %mul3A_462 : i32 to vector<16xi32>
          %add3A_464 = arith.addi %add3A_463, %iota3A : vector<16xi32>
          %broadcast_in_dim3A_465 = arith.constant 5 : i32
          %broadcast_in_dim3A_466 = vector.broadcast %broadcast_in_dim3A_465 : i32 to vector<16xi32>
          tpu.vector_store_idx %arg11[%add3A_464, %broadcast_in_dim3A_466], %gather3A_460 : memref<128x128xf32, #tpu.memory_space<vmem>>[vector<16xi32>, vector<16xi32>], vector<16xf32>,
          %broadcast_in_dim3A_467 = arith.constant 6 : i32
          %broadcast_in_dim3A_468 = vector.broadcast %broadcast_in_dim3A_467 : i32 to vector<16xi32>
          %gather3A_469 = tpu.vector_load_idx %arg8[%broadcast_in_dim3A_468, %min3A_414] : memref<32x1024xf32, #tpu.memory_space<vmem>>[vector<16xi32>, vector<16xi32>], vector<16xf32>,
          %mul3A_470 = arith.constant 16 : i32
          %mul3A_471 = arith.muli %while3A_400, %mul3A_470 : i32
          %add3A_472 = vector.broadcast %mul3A_471 : i32 to vector<16xi32>
          %add3A_473 = arith.addi %add3A_472, %iota3A : vector<16xi32>
          %broadcast_in_dim3A_474 = arith.constant 6 : i32
          %broadcast_in_dim3A_475 = vector.broadcast %broadcast_in_dim3A_474 : i32 to vector<16xi32>
          tpu.vector_store_idx %arg11[%add3A_473, %broadcast_in_dim3A_475], %gather3A_469 : memref<128x128xf32, #tpu.memory_space<vmem>>[vector<16xi32>, vector<16xi32>], vector<16xf32>,
          %broadcast_in_dim3A_476 = arith.constant 7 : i32
          %broadcast_in_dim3A_477 = vector.broadcast %broadcast_in_dim3A_476 : i32 to vector<16xi32>
          %gather3A_478 = tpu.vector_load_idx %arg8[%broadcast_in_dim3A_477, %min3A_414] : memref<32x1024xf32, #tpu.memory_space<vmem>>[vector<16xi32>, vector<16xi32>], vector<16xf32>,
          %mul3A_479 = arith.constant 16 : i32
          %mul3A_480 = arith.muli %while3A_400, %mul3A_479 : i32
          %add3A_481 = vector.broadcast %mul3A_480 : i32 to vector<16xi32>
          %add3A_482 = arith.addi %add3A_481, %iota3A : vector<16xi32>
          %broadcast_in_dim3A_483 = arith.constant 7 : i32
          %broadcast_in_dim3A_484 = vector.broadcast %broadcast_in_dim3A_483 : i32 to vector<16xi32>
          tpu.vector_store_idx %arg11[%add3A_482, %broadcast_in_dim3A_484], %gather3A_478 : memref<128x128xf32, #tpu.memory_space<vmem>>[vector<16xi32>, vector<16xi32>], vector<16xf32>,
          %broadcast_in_dim3A_485 = arith.constant 8 : i32
          %broadcast_in_dim3A_486 = vector.broadcast %broadcast_in_dim3A_485 : i32 to vector<16xi32>
          %gather3A_487 = tpu.vector_load_idx %arg8[%broadcast_in_dim3A_486, %min3A_414] : memref<32x1024xf32, #tpu.memory_space<vmem>>[vector<16xi32>, vector<16xi32>], vector<16xf32>,
          %mul3A_488 = arith.constant 16 : i32
          %mul3A_489 = arith.muli %while3A_400, %mul3A_488 : i32
          %add3A_490 = vector.broadcast %mul3A_489 : i32 to vector<16xi32>
          %add3A_491 = arith.addi %add3A_490, %iota3A : vector<16xi32>
          %broadcast_in_dim3A_492 = arith.constant 8 : i32
          %broadcast_in_dim3A_493 = vector.broadcast %broadcast_in_dim3A_492 : i32 to vector<16xi32>
          tpu.vector_store_idx %arg11[%add3A_491, %broadcast_in_dim3A_493], %gather3A_487 : memref<128x128xf32, #tpu.memory_space<vmem>>[vector<16xi32>, vector<16xi32>], vector<16xf32>,
          %broadcast_in_dim3A_494 = arith.constant 9 : i32
          %broadcast_in_dim3A_495 = vector.broadcast %broadcast_in_dim3A_494 : i32 to vector<16xi32>
          %gather3A_496 = tpu.vector_load_idx %arg8[%broadcast_in_dim3A_495, %min3A_414] : memref<32x1024xf32, #tpu.memory_space<vmem>>[vector<16xi32>, vector<16xi32>], vector<16xf32>,
          %mul3A_497 = arith.constant 16 : i32
          %mul3A_498 = arith.muli %while3A_400, %mul3A_497 : i32
          %add3A_499 = vector.broadcast %mul3A_498 : i32 to vector<16xi32>
          %add3A_500 = arith.addi %add3A_499, %iota3A : vector<16xi32>
          %broadcast_in_dim3A_501 = arith.constant 9 : i32
          %broadcast_in_dim3A_502 = vector.broadcast %broadcast_in_dim3A_501 : i32 to vector<16xi32>
          tpu.vector_store_idx %arg11[%add3A_500, %broadcast_in_dim3A_502], %gather3A_496 : memref<128x128xf32, #tpu.memory_space<vmem>>[vector<16xi32>, vector<16xi32>], vector<16xf32>,
          %broadcast_in_dim3A_503 = arith.constant 10 : i32
          %broadcast_in_dim3A_504 = vector.broadcast %broadcast_in_dim3A_503 : i32 to vector<16xi32>
          %gather3A_505 = tpu.vector_load_idx %arg8[%broadcast_in_dim3A_504, %min3A_414] : memref<32x1024xf32, #tpu.memory_space<vmem>>[vector<16xi32>, vector<16xi32>], vector<16xf32>,
          %mul3A_506 = arith.constant 16 : i32
          %mul3A_507 = arith.muli %while3A_400, %mul3A_506 : i32
          %add3A_508 = vector.broadcast %mul3A_507 : i32 to vector<16xi32>
          %add3A_509 = arith.addi %add3A_508, %iota3A : vector<16xi32>
          %broadcast_in_dim3A_510 = arith.constant 10 : i32
          %broadcast_in_dim3A_511 = vector.broadcast %broadcast_in_dim3A_510 : i32 to vector<16xi32>
          tpu.vector_store_idx %arg11[%add3A_509, %broadcast_in_dim3A_511], %gather3A_505 : memref<128x128xf32, #tpu.memory_space<vmem>>[vector<16xi32>, vector<16xi32>], vector<16xf32>,
          %broadcast_in_dim3A_512 = arith.constant 11 : i32
          %broadcast_in_dim3A_513 = vector.broadcast %broadcast_in_dim3A_512 : i32 to vector<16xi32>
          %gather3A_514 = tpu.vector_load_idx %arg8[%broadcast_in_dim3A_513, %min3A_414] : memref<32x1024xf32, #tpu.memory_space<vmem>>[vector<16xi32>, vector<16xi32>], vector<16xf32>,
          %mul3A_515 = arith.constant 16 : i32
          %mul3A_516 = arith.muli %while3A_400, %mul3A_515 : i32
          %add3A_517 = vector.broadcast %mul3A_516 : i32 to vector<16xi32>
          %add3A_518 = arith.addi %add3A_517, %iota3A : vector<16xi32>
          %broadcast_in_dim3A_519 = arith.constant 11 : i32
          %broadcast_in_dim3A_520 = vector.broadcast %broadcast_in_dim3A_519 : i32 to vector<16xi32>
          tpu.vector_store_idx %arg11[%add3A_518, %broadcast_in_dim3A_520], %gather3A_514 : memref<128x128xf32, #tpu.memory_space<vmem>>[vector<16xi32>, vector<16xi32>], vector<16xf32>,
          %broadcast_in_dim3A_521 = arith.constant 12 : i32
          %broadcast_in_dim3A_522 = vector.broadcast %broadcast_in_dim3A_521 : i32 to vector<16xi32>
          %gather3A_523 = tpu.vector_load_idx %arg8[%broadcast_in_dim3A_522, %min3A_414] : memref<32x1024xf32, #tpu.memory_space<vmem>>[vector<16xi32>, vector<16xi32>], vector<16xf32>,
          %mul3A_524 = arith.constant 16 : i32
          %mul3A_525 = arith.muli %while3A_400, %mul3A_524 : i32
          %add3A_526 = vector.broadcast %mul3A_525 : i32 to vector<16xi32>
          %add3A_527 = arith.addi %add3A_526, %iota3A : vector<16xi32>
          %broadcast_in_dim3A_528 = arith.constant 12 : i32
          %broadcast_in_dim3A_529 = vector.broadcast %broadcast_in_dim3A_528 : i32 to vector<16xi32>
          tpu.vector_store_idx %arg11[%add3A_527, %broadcast_in_dim3A_529], %gather3A_523 : memref<128x128xf32, #tpu.memory_space<vmem>>[vector<16xi32>, vector<16xi32>], vector<16xf32>,
          %broadcast_in_dim3A_530 = arith.constant 13 : i32
          %broadcast_in_dim3A_531 = vector.broadcast %broadcast_in_dim3A_530 : i32 to vector<16xi32>
          %gather3A_532 = tpu.vector_load_idx %arg8[%broadcast_in_dim3A_531, %min3A_414] : memref<32x1024xf32, #tpu.memory_space<vmem>>[vector<16xi32>, vector<16xi32>], vector<16xf32>,
          %mul3A_533 = arith.constant 16 : i32
          %mul3A_534 = arith.muli %while3A_400, %mul3A_533 : i32
          %add3A_535 = vector.broadcast %mul3A_534 : i32 to vector<16xi32>
          %add3A_536 = arith.addi %add3A_535, %iota3A : vector<16xi32>
          %broadcast_in_dim3A_537 = arith.constant 13 : i32
          %broadcast_in_dim3A_538 = vector.broadcast %broadcast_in_dim3A_537 : i32 to vector<16xi32>
          tpu.vector_store_idx %arg11[%add3A_536, %broadcast_in_dim3A_538], %gather3A_532 : memref<128x128xf32, #tpu.memory_space<vmem>>[vector<16xi32>, vector<16xi32>], vector<16xf32>,
          %broadcast_in_dim3A_539 = arith.constant 14 : i32
          %broadcast_in_dim3A_540 = vector.broadcast %broadcast_in_dim3A_539 : i32 to vector<16xi32>
          %gather3A_541 = tpu.vector_load_idx %arg8[%broadcast_in_dim3A_540, %min3A_414] : memref<32x1024xf32, #tpu.memory_space<vmem>>[vector<16xi32>, vector<16xi32>], vector<16xf32>,
          %mul3A_542 = arith.constant 16 : i32
          %mul3A_543 = arith.muli %while3A_400, %mul3A_542 : i32
          %add3A_544 = vector.broadcast %mul3A_543 : i32 to vector<16xi32>
          %add3A_545 = arith.addi %add3A_544, %iota3A : vector<16xi32>
          %broadcast_in_dim3A_546 = arith.constant 14 : i32
          %broadcast_in_dim3A_547 = vector.broadcast %broadcast_in_dim3A_546 : i32 to vector<16xi32>
          tpu.vector_store_idx %arg11[%add3A_545, %broadcast_in_dim3A_547], %gather3A_541 : memref<128x128xf32, #tpu.memory_space<vmem>>[vector<16xi32>, vector<16xi32>], vector<16xf32>,
          %broadcast_in_dim3A_548 = arith.constant 15 : i32
          %broadcast_in_dim3A_549 = vector.broadcast %broadcast_in_dim3A_548 : i32 to vector<16xi32>
          %gather3A_550 = tpu.vector_load_idx %arg8[%broadcast_in_dim3A_549, %min3A_414] : memref<32x1024xf32, #tpu.memory_space<vmem>>[vector<16xi32>, vector<16xi32>], vector<16xf32>,
          %mul3A_551 = arith.constant 16 : i32
          %mul3A_552 = arith.muli %while3A_400, %mul3A_551 : i32
          %add3A_553 = vector.broadcast %mul3A_552 : i32 to vector<16xi32>
          %add3A_554 = arith.addi %add3A_553, %iota3A : vector<16xi32>
          %broadcast_in_dim3A_555 = arith.constant 15 : i32
          %broadcast_in_dim3A_556 = vector.broadcast %broadcast_in_dim3A_555 : i32 to vector<16xi32>
          tpu.vector_store_idx %arg11[%add3A_554, %broadcast_in_dim3A_556], %gather3A_550 : memref<128x128xf32, #tpu.memory_space<vmem>>[vector<16xi32>, vector<16xi32>], vector<16xf32>,
          %broadcast_in_dim3A_557 = arith.constant 16 : i32
          %broadcast_in_dim3A_558 = vector.broadcast %broadcast_in_dim3A_557 : i32 to vector<16xi32>
          %gather3A_559 = tpu.vector_load_idx %arg8[%broadcast_in_dim3A_558, %min3A_414] : memref<32x1024xf32, #tpu.memory_space<vmem>>[vector<16xi32>, vector<16xi32>], vector<16xf32>,
          %mul3A_560 = arith.constant 16 : i32
          %mul3A_561 = arith.muli %while3A_400, %mul3A_560 : i32
          %add3A_562 = vector.broadcast %mul3A_561 : i32 to vector<16xi32>
          %add3A_563 = arith.addi %add3A_562, %iota3A : vector<16xi32>
          %broadcast_in_dim3A_564 = arith.constant 16 : i32
          %broadcast_in_dim3A_565 = vector.broadcast %broadcast_in_dim3A_564 : i32 to vector<16xi32>
          tpu.vector_store_idx %arg11[%add3A_563, %broadcast_in_dim3A_565], %gather3A_559 : memref<128x128xf32, #tpu.memory_space<vmem>>[vector<16xi32>, vector<16xi32>], vector<16xf32>,
          %broadcast_in_dim3A_566 = arith.constant 17 : i32
          %broadcast_in_dim3A_567 = vector.broadcast %broadcast_in_dim3A_566 : i32 to vector<16xi32>
          %gather3A_568 = tpu.vector_load_idx %arg8[%broadcast_in_dim3A_567, %min3A_414] : memref<32x1024xf32, #tpu.memory_space<vmem>>[vector<16xi32>, vector<16xi32>], vector<16xf32>,
          %mul3A_569 = arith.constant 16 : i32
          %mul3A_570 = arith.muli %while3A_400, %mul3A_569 : i32
          %add3A_571 = vector.broadcast %mul3A_570 : i32 to vector<16xi32>
          %add3A_572 = arith.addi %add3A_571, %iota3A : vector<16xi32>
          %broadcast_in_dim3A_573 = arith.constant 17 : i32
          %broadcast_in_dim3A_574 = vector.broadcast %broadcast_in_dim3A_573 : i32 to vector<16xi32>
          tpu.vector_store_idx %arg11[%add3A_572, %broadcast_in_dim3A_574], %gather3A_568 : memref<128x128xf32, #tpu.memory_space<vmem>>[vector<16xi32>, vector<16xi32>], vector<16xf32>,
          %broadcast_in_dim3A_575 = arith.constant 18 : i32
          %broadcast_in_dim3A_576 = vector.broadcast %broadcast_in_dim3A_575 : i32 to vector<16xi32>
          %gather3A_577 = tpu.vector_load_idx %arg8[%broadcast_in_dim3A_576, %min3A_414] : memref<32x1024xf32, #tpu.memory_space<vmem>>[vector<16xi32>, vector<16xi32>], vector<16xf32>,
          %mul3A_578 = arith.constant 16 : i32
          %mul3A_579 = arith.muli %while3A_400, %mul3A_578 : i32
          %add3A_580 = vector.broadcast %mul3A_579 : i32 to vector<16xi32>
          %add3A_581 = arith.addi %add3A_580, %iota3A : vector<16xi32>
          %broadcast_in_dim3A_582 = arith.constant 18 : i32
          %broadcast_in_dim3A_583 = vector.broadcast %broadcast_in_dim3A_582 : i32 to vector<16xi32>
          tpu.vector_store_idx %arg11[%add3A_581, %broadcast_in_dim3A_583], %gather3A_577 : memref<128x128xf32, #tpu.memory_space<vmem>>[vector<16xi32>, vector<16xi32>], vector<16xf32>,
          %broadcast_in_dim3A_584 = arith.constant 19 : i32
          %broadcast_in_dim3A_585 = vector.broadcast %broadcast_in_dim3A_584 : i32 to vector<16xi32>
          %gather3A_586 = tpu.vector_load_idx %arg8[%broadcast_in_dim3A_585, %min3A_414] : memref<32x1024xf32, #tpu.memory_space<vmem>>[vector<16xi32>, vector<16xi32>], vector<16xf32>,
          %mul3A_587 = arith.constant 16 : i32
          %mul3A_588 = arith.muli %while3A_400, %mul3A_587 : i32
          %add3A_589 = vector.broadcast %mul3A_588 : i32 to vector<16xi32>
          %add3A_590 = arith.addi %add3A_589, %iota3A : vector<16xi32>
          %broadcast_in_dim3A_591 = arith.constant 19 : i32
          %broadcast_in_dim3A_592 = vector.broadcast %broadcast_in_dim3A_591 : i32 to vector<16xi32>
          tpu.vector_store_idx %arg11[%add3A_590, %broadcast_in_dim3A_592], %gather3A_586 : memref<128x128xf32, #tpu.memory_space<vmem>>[vector<16xi32>, vector<16xi32>], vector<16xf32>,
          %broadcast_in_dim3A_593 = arith.constant 20 : i32
          %broadcast_in_dim3A_594 = vector.broadcast %broadcast_in_dim3A_593 : i32 to vector<16xi32>
          %gather3A_595 = tpu.vector_load_idx %arg8[%broadcast_in_dim3A_594, %min3A_414] : memref<32x1024xf32, #tpu.memory_space<vmem>>[vector<16xi32>, vector<16xi32>], vector<16xf32>,
          %mul3A_596 = arith.constant 16 : i32
          %mul3A_597 = arith.muli %while3A_400, %mul3A_596 : i32
          %add3A_598 = vector.broadcast %mul3A_597 : i32 to vector<16xi32>
          %add3A_599 = arith.addi %add3A_598, %iota3A : vector<16xi32>
          %broadcast_in_dim3A_600 = arith.constant 20 : i32
          %broadcast_in_dim3A_601 = vector.broadcast %broadcast_in_dim3A_600 : i32 to vector<16xi32>
          tpu.vector_store_idx %arg11[%add3A_599, %broadcast_in_dim3A_601], %gather3A_595 : memref<128x128xf32, #tpu.memory_space<vmem>>[vector<16xi32>, vector<16xi32>], vector<16xf32>,
          %broadcast_in_dim3A_602 = arith.constant 21 : i32
          %broadcast_in_dim3A_603 = vector.broadcast %broadcast_in_dim3A_602 : i32 to vector<16xi32>
          %gather3A_604 = tpu.vector_load_idx %arg8[%broadcast_in_dim3A_603, %min3A_414] : memref<32x1024xf32, #tpu.memory_space<vmem>>[vector<16xi32>, vector<16xi32>], vector<16xf32>,
          %mul3A_605 = arith.constant 16 : i32
          %mul3A_606 = arith.muli %while3A_400, %mul3A_605 : i32
          %add3A_607 = vector.broadcast %mul3A_606 : i32 to vector<16xi32>
          %add3A_608 = arith.addi %add3A_607, %iota3A : vector<16xi32>
          %broadcast_in_dim3A_609 = arith.constant 21 : i32
          %broadcast_in_dim3A_610 = vector.broadcast %broadcast_in_dim3A_609 : i32 to vector<16xi32>
          tpu.vector_store_idx %arg11[%add3A_608, %broadcast_in_dim3A_610], %gather3A_604 : memref<128x128xf32, #tpu.memory_space<vmem>>[vector<16xi32>, vector<16xi32>], vector<16xf32>,
          %broadcast_in_dim3A_611 = arith.constant 22 : i32
          %broadcast_in_dim3A_612 = vector.broadcast %broadcast_in_dim3A_611 : i32 to vector<16xi32>
          %gather3A_613 = tpu.vector_load_idx %arg8[%broadcast_in_dim3A_612, %min3A_414] : memref<32x1024xf32, #tpu.memory_space<vmem>>[vector<16xi32>, vector<16xi32>], vector<16xf32>,
          %mul3A_614 = arith.constant 16 : i32
          %mul3A_615 = arith.muli %while3A_400, %mul3A_614 : i32
          %add3A_616 = vector.broadcast %mul3A_615 : i32 to vector<16xi32>
          %add3A_617 = arith.addi %add3A_616, %iota3A : vector<16xi32>
          %broadcast_in_dim3A_618 = arith.constant 22 : i32
          %broadcast_in_dim3A_619 = vector.broadcast %broadcast_in_dim3A_618 : i32 to vector<16xi32>
          tpu.vector_store_idx %arg11[%add3A_617, %broadcast_in_dim3A_619], %gather3A_613 : memref<128x128xf32, #tpu.memory_space<vmem>>[vector<16xi32>, vector<16xi32>], vector<16xf32>,
          %broadcast_in_dim3A_620 = arith.constant 23 : i32
          %broadcast_in_dim3A_621 = vector.broadcast %broadcast_in_dim3A_620 : i32 to vector<16xi32>
          %gather3A_622 = tpu.vector_load_idx %arg8[%broadcast_in_dim3A_621, %min3A_414] : memref<32x1024xf32, #tpu.memory_space<vmem>>[vector<16xi32>, vector<16xi32>], vector<16xf32>,
          %mul3A_623 = arith.constant 16 : i32
          %mul3A_624 = arith.muli %while3A_400, %mul3A_623 : i32
          %add3A_625 = vector.broadcast %mul3A_624 : i32 to vector<16xi32>
          %add3A_626 = arith.addi %add3A_625, %iota3A : vector<16xi32>
          %broadcast_in_dim3A_627 = arith.constant 23 : i32
          %broadcast_in_dim3A_628 = vector.broadcast %broadcast_in_dim3A_627 : i32 to vector<16xi32>
          tpu.vector_store_idx %arg11[%add3A_626, %broadcast_in_dim3A_628], %gather3A_622 : memref<128x128xf32, #tpu.memory_space<vmem>>[vector<16xi32>, vector<16xi32>], vector<16xf32>,
          %broadcast_in_dim3A_629 = arith.constant 24 : i32
          %broadcast_in_dim3A_630 = vector.broadcast %broadcast_in_dim3A_629 : i32 to vector<16xi32>
          %gather3A_631 = tpu.vector_load_idx %arg8[%broadcast_in_dim3A_630, %min3A_414] : memref<32x1024xf32, #tpu.memory_space<vmem>>[vector<16xi32>, vector<16xi32>], vector<16xf32>,
          %mul3A_632 = arith.constant 16 : i32
          %mul3A_633 = arith.muli %while3A_400, %mul3A_632 : i32
          %add3A_634 = vector.broadcast %mul3A_633 : i32 to vector<16xi32>
          %add3A_635 = arith.addi %add3A_634, %iota3A : vector<16xi32>
          %broadcast_in_dim3A_636 = arith.constant 24 : i32
          %broadcast_in_dim3A_637 = vector.broadcast %broadcast_in_dim3A_636 : i32 to vector<16xi32>
          tpu.vector_store_idx %arg11[%add3A_635, %broadcast_in_dim3A_637], %gather3A_631 : memref<128x128xf32, #tpu.memory_space<vmem>>[vector<16xi32>, vector<16xi32>], vector<16xf32>,
          %broadcast_in_dim3A_638 = arith.constant 25 : i32
          %broadcast_in_dim3A_639 = vector.broadcast %broadcast_in_dim3A_638 : i32 to vector<16xi32>
          %gather3A_640 = tpu.vector_load_idx %arg8[%broadcast_in_dim3A_639, %min3A_414] : memref<32x1024xf32, #tpu.memory_space<vmem>>[vector<16xi32>, vector<16xi32>], vector<16xf32>,
          %mul3A_641 = arith.constant 16 : i32
          %mul3A_642 = arith.muli %while3A_400, %mul3A_641 : i32
          %add3A_643 = vector.broadcast %mul3A_642 : i32 to vector<16xi32>
          %add3A_644 = arith.addi %add3A_643, %iota3A : vector<16xi32>
          %broadcast_in_dim3A_645 = arith.constant 25 : i32
          %broadcast_in_dim3A_646 = vector.broadcast %broadcast_in_dim3A_645 : i32 to vector<16xi32>
          tpu.vector_store_idx %arg11[%add3A_644, %broadcast_in_dim3A_646], %gather3A_640 : memref<128x128xf32, #tpu.memory_space<vmem>>[vector<16xi32>, vector<16xi32>], vector<16xf32>,
          %broadcast_in_dim3A_647 = arith.constant 26 : i32
          %broadcast_in_dim3A_648 = vector.broadcast %broadcast_in_dim3A_647 : i32 to vector<16xi32>
          %gather3A_649 = tpu.vector_load_idx %arg8[%broadcast_in_dim3A_648, %min3A_414] : memref<32x1024xf32, #tpu.memory_space<vmem>>[vector<16xi32>, vector<16xi32>], vector<16xf32>,
          %mul3A_650 = arith.constant 16 : i32
          %mul3A_651 = arith.muli %while3A_400, %mul3A_650 : i32
          %add3A_652 = vector.broadcast %mul3A_651 : i32 to vector<16xi32>
          %add3A_653 = arith.addi %add3A_652, %iota3A : vector<16xi32>
          %broadcast_in_dim3A_654 = arith.constant 26 : i32
          %broadcast_in_dim3A_655 = vector.broadcast %broadcast_in_dim3A_654 : i32 to vector<16xi32>
          tpu.vector_store_idx %arg11[%add3A_653, %broadcast_in_dim3A_655], %gather3A_649 : memref<128x128xf32, #tpu.memory_space<vmem>>[vector<16xi32>, vector<16xi32>], vector<16xf32>,
          %broadcast_in_dim3A_656 = arith.constant 27 : i32
          %broadcast_in_dim3A_657 = vector.broadcast %broadcast_in_dim3A_656 : i32 to vector<16xi32>
          %gather3A_658 = tpu.vector_load_idx %arg8[%broadcast_in_dim3A_657, %min3A_414] : memref<32x1024xf32, #tpu.memory_space<vmem>>[vector<16xi32>, vector<16xi32>], vector<16xf32>,
          %mul3A_659 = arith.constant 16 : i32
          %mul3A_660 = arith.muli %while3A_400, %mul3A_659 : i32
          %add3A_661 = vector.broadcast %mul3A_660 : i32 to vector<16xi32>
          %add3A_662 = arith.addi %add3A_661, %iota3A : vector<16xi32>
          %broadcast_in_dim3A_663 = arith.constant 27 : i32
          %broadcast_in_dim3A_664 = vector.broadcast %broadcast_in_dim3A_663 : i32 to vector<16xi32>
          tpu.vector_store_idx %arg11[%add3A_662, %broadcast_in_dim3A_664], %gather3A_658 : memref<128x128xf32, #tpu.memory_space<vmem>>[vector<16xi32>, vector<16xi32>], vector<16xf32>,
          %broadcast_in_dim3A_665 = arith.constant 28 : i32
          %broadcast_in_dim3A_666 = vector.broadcast %broadcast_in_dim3A_665 : i32 to vector<16xi32>
          %gather3A_667 = tpu.vector_load_idx %arg8[%broadcast_in_dim3A_666, %min3A_414] : memref<32x1024xf32, #tpu.memory_space<vmem>>[vector<16xi32>, vector<16xi32>], vector<16xf32>,
          %mul3A_668 = arith.constant 16 : i32
          %mul3A_669 = arith.muli %while3A_400, %mul3A_668 : i32
          %add3A_670 = vector.broadcast %mul3A_669 : i32 to vector<16xi32>
          %add3A_671 = arith.addi %add3A_670, %iota3A : vector<16xi32>
          %broadcast_in_dim3A_672 = arith.constant 28 : i32
          %broadcast_in_dim3A_673 = vector.broadcast %broadcast_in_dim3A_672 : i32 to vector<16xi32>
          tpu.vector_store_idx %arg11[%add3A_671, %broadcast_in_dim3A_673], %gather3A_667 : memref<128x128xf32, #tpu.memory_space<vmem>>[vector<16xi32>, vector<16xi32>], vector<16xf32>,
          %broadcast_in_dim3A_674 = arith.constant 29 : i32
          %broadcast_in_dim3A_675 = vector.broadcast %broadcast_in_dim3A_674 : i32 to vector<16xi32>
          %gather3A_676 = tpu.vector_load_idx %arg8[%broadcast_in_dim3A_675, %min3A_414] : memref<32x1024xf32, #tpu.memory_space<vmem>>[vector<16xi32>, vector<16xi32>], vector<16xf32>,
          %mul3A_677 = arith.constant 16 : i32
          %mul3A_678 = arith.muli %while3A_400, %mul3A_677 : i32
          %add3A_679 = vector.broadcast %mul3A_678 : i32 to vector<16xi32>
          %add3A_680 = arith.addi %add3A_679, %iota3A : vector<16xi32>
          %broadcast_in_dim3A_681 = arith.constant 29 : i32
          %broadcast_in_dim3A_682 = vector.broadcast %broadcast_in_dim3A_681 : i32 to vector<16xi32>
          tpu.vector_store_idx %arg11[%add3A_680, %broadcast_in_dim3A_682], %gather3A_676 : memref<128x128xf32, #tpu.memory_space<vmem>>[vector<16xi32>, vector<16xi32>], vector<16xf32>,
          %broadcast_in_dim3A_683 = arith.constant 30 : i32
          %broadcast_in_dim3A_684 = vector.broadcast %broadcast_in_dim3A_683 : i32 to vector<16xi32>
          %gather3A_685 = tpu.vector_load_idx %arg8[%broadcast_in_dim3A_684, %min3A_414] : memref<32x1024xf32, #tpu.memory_space<vmem>>[vector<16xi32>, vector<16xi32>], vector<16xf32>,
          %mul3A_686 = arith.constant 16 : i32
          %mul3A_687 = arith.muli %while3A_400, %mul3A_686 : i32
          %add3A_688 = vector.broadcast %mul3A_687 : i32 to vector<16xi32>
          %add3A_689 = arith.addi %add3A_688, %iota3A : vector<16xi32>
          %broadcast_in_dim3A_690 = arith.constant 30 : i32
          %broadcast_in_dim3A_691 = vector.broadcast %broadcast_in_dim3A_690 : i32 to vector<16xi32>
          tpu.vector_store_idx %arg11[%add3A_689, %broadcast_in_dim3A_691], %gather3A_685 : memref<128x128xf32, #tpu.memory_space<vmem>>[vector<16xi32>, vector<16xi32>], vector<16xf32>,
          %broadcast_in_dim3A_692 = arith.constant 31 : i32
          %broadcast_in_dim3A_693 = vector.broadcast %broadcast_in_dim3A_692 : i32 to vector<16xi32>
          %gather3A_694 = tpu.vector_load_idx %arg8[%broadcast_in_dim3A_693, %min3A_414] : memref<32x1024xf32, #tpu.memory_space<vmem>>[vector<16xi32>, vector<16xi32>], vector<16xf32>,
          %mul3A_695 = arith.constant 16 : i32
          %mul3A_696 = arith.muli %while3A_400, %mul3A_695 : i32
          %add3A_697 = vector.broadcast %mul3A_696 : i32 to vector<16xi32>
          %add3A_698 = arith.addi %add3A_697, %iota3A : vector<16xi32>
          %broadcast_in_dim3A_699 = arith.constant 31 : i32
          %broadcast_in_dim3A_700 = vector.broadcast %broadcast_in_dim3A_699 : i32 to vector<16xi32>
          tpu.vector_store_idx %arg11[%add3A_698, %broadcast_in_dim3A_700], %gather3A_694 : memref<128x128xf32, #tpu.memory_space<vmem>>[vector<16xi32>, vector<16xi32>], vector<16xf32>,
        }
        %while3A_389 = arith.constant 1 : i32
        scf.for %while3A_400 = %while3A_387 to %while3A_383 step %while3A_389  : i32 {
          %mul3A_401 = arith.constant 16 : i32
          %mul3A_402 = arith.muli %while3A_400, %mul3A_401 : i32
          %get3A = arith.index_cast %mul3A_402 : i32 to index
          %get3A_403 = tpu.vector_load %arg12[%get3A] {strides = array<i32>} : memref<128xi32, #tpu.memory_space<vmem>>, vector<16xi32>,
          %mul3A_404 = arith.constant 16 : i32
          %mul3A_405 = arith.muli %while3A_400, %mul3A_404 : i32
          %get3A_406 = arith.index_cast %mul3A_405 : i32 to index
          %get3A_407 = tpu.vector_load %arg13[%get3A_406] {strides = array<i32>} : memref<128xi32, #tpu.memory_space<vmem>>, vector<16xi32>,
          %sub3A_408 = vector.broadcast %min3A_379 : i32 to vector<16xi32>
          %sub3A_409 = arith.subi %get3A_403, %sub3A_408 : vector<16xi32>
          %jit3A_410 = arith.constant 0 : i32
          %jit3A_411 = arith.constant 1023 : i32
          %max3A = vector.broadcast %jit3A_410 : i32 to vector<16xi32>
          %max3A_412 = arith.maxsi %max3A, %sub3A_409 : vector<16xi32>
          %min3A_413 = vector.broadcast %jit3A_411 : i32 to vector<16xi32>
          %min3A_414 = arith.minsi %min3A_413, %max3A_412 : vector<16xi32>
          %broadcast_in_dim3A = arith.constant 0 : i32
          %broadcast_in_dim3A_415 = vector.broadcast %broadcast_in_dim3A : i32 to vector<16xi32>
          %gather3A = tpu.vector_load_idx %arg8[%broadcast_in_dim3A_415, %min3A_414] : memref<32x1024xf32, #tpu.memory_space<vmem>>[vector<16xi32>, vector<16xi32>], vector<16xf32>,
          %mul3A_416 = arith.constant 16 : i32
          %mul3A_417 = arith.muli %while3A_400, %mul3A_416 : i32
          %add3A_418 = vector.broadcast %mul3A_417 : i32 to vector<16xi32>
          %add3A_419 = arith.addi %add3A_418, %iota3A : vector<16xi32>
          %broadcast_in_dim3A_420 = arith.constant 0 : i32
          %broadcast_in_dim3A_421 = vector.broadcast %broadcast_in_dim3A_420 : i32 to vector<16xi32>
          tpu.vector_store_idx %arg11[%add3A_419, %broadcast_in_dim3A_421], %gather3A : memref<128x128xf32, #tpu.memory_space<vmem>>[vector<16xi32>, vector<16xi32>], vector<16xf32>,
          %broadcast_in_dim3A_422 = arith.constant 1 : i32
          %broadcast_in_dim3A_423 = vector.broadcast %broadcast_in_dim3A_422 : i32 to vector<16xi32>
          %gather3A_424 = tpu.vector_load_idx %arg8[%broadcast_in_dim3A_423, %min3A_414] : memref<32x1024xf32, #tpu.memory_space<vmem>>[vector<16xi32>, vector<16xi32>], vector<16xf32>,
          %mul3A_425 = arith.constant 16 : i32
          %mul3A_426 = arith.muli %while3A_400, %mul3A_425 : i32
          %add3A_427 = vector.broadcast %mul3A_426 : i32 to vector<16xi32>
          %add3A_428 = arith.addi %add3A_427, %iota3A : vector<16xi32>
          %broadcast_in_dim3A_429 = arith.constant 1 : i32
          %broadcast_in_dim3A_430 = vector.broadcast %broadcast_in_dim3A_429 : i32 to vector<16xi32>
          tpu.vector_store_idx %arg11[%add3A_428, %broadcast_in_dim3A_430], %gather3A_424 : memref<128x128xf32, #tpu.memory_space<vmem>>[vector<16xi32>, vector<16xi32>], vector<16xf32>,
          %broadcast_in_dim3A_431 = arith.constant 2 : i32
          %broadcast_in_dim3A_432 = vector.broadcast %broadcast_in_dim3A_431 : i32 to vector<16xi32>
          %gather3A_433 = tpu.vector_load_idx %arg8[%broadcast_in_dim3A_432, %min3A_414] : memref<32x1024xf32, #tpu.memory_space<vmem>>[vector<16xi32>, vector<16xi32>], vector<16xf32>,
          %mul3A_434 = arith.constant 16 : i32
          %mul3A_435 = arith.muli %while3A_400, %mul3A_434 : i32
          %add3A_436 = vector.broadcast %mul3A_435 : i32 to vector<16xi32>
          %add3A_437 = arith.addi %add3A_436, %iota3A : vector<16xi32>
          %broadcast_in_dim3A_438 = arith.constant 2 : i32
          %broadcast_in_dim3A_439 = vector.broadcast %broadcast_in_dim3A_438 : i32 to vector<16xi32>
          tpu.vector_store_idx %arg11[%add3A_437, %broadcast_in_dim3A_439], %gather3A_433 : memref<128x128xf32, #tpu.memory_space<vmem>>[vector<16xi32>, vector<16xi32>], vector<16xf32>,
          %broadcast_in_dim3A_440 = arith.constant 3 : i32
          %broadcast_in_dim3A_441 = vector.broadcast %broadcast_in_dim3A_440 : i32 to vector<16xi32>
          %gather3A_442 = tpu.vector_load_idx %arg8[%broadcast_in_dim3A_441, %min3A_414] : memref<32x1024xf32, #tpu.memory_space<vmem>>[vector<16xi32>, vector<16xi32>], vector<16xf32>,
          %mul3A_443 = arith.constant 16 : i32
          %mul3A_444 = arith.muli %while3A_400, %mul3A_443 : i32
          %add3A_445 = vector.broadcast %mul3A_444 : i32 to vector<16xi32>
          %add3A_446 = arith.addi %add3A_445, %iota3A : vector<16xi32>
          %broadcast_in_dim3A_447 = arith.constant 3 : i32
          %broadcast_in_dim3A_448 = vector.broadcast %broadcast_in_dim3A_447 : i32 to vector<16xi32>
          tpu.vector_store_idx %arg11[%add3A_446, %broadcast_in_dim3A_448], %gather3A_442 : memref<128x128xf32, #tpu.memory_space<vmem>>[vector<16xi32>, vector<16xi32>], vector<16xf32>,
          %broadcast_in_dim3A_449 = arith.constant 4 : i32
          %broadcast_in_dim3A_450 = vector.broadcast %broadcast_in_dim3A_449 : i32 to vector<16xi32>
          %gather3A_451 = tpu.vector_load_idx %arg8[%broadcast_in_dim3A_450, %min3A_414] : memref<32x1024xf32, #tpu.memory_space<vmem>>[vector<16xi32>, vector<16xi32>], vector<16xf32>,
          %mul3A_452 = arith.constant 16 : i32
          %mul3A_453 = arith.muli %while3A_400, %mul3A_452 : i32
          %add3A_454 = vector.broadcast %mul3A_453 : i32 to vector<16xi32>
          %add3A_455 = arith.addi %add3A_454, %iota3A : vector<16xi32>
          %broadcast_in_dim3A_456 = arith.constant 4 : i32
          %broadcast_in_dim3A_457 = vector.broadcast %broadcast_in_dim3A_456 : i32 to vector<16xi32>
          tpu.vector_store_idx %arg11[%add3A_455, %broadcast_in_dim3A_457], %gather3A_451 : memref<128x128xf32, #tpu.memory_space<vmem>>[vector<16xi32>, vector<16xi32>], vector<16xf32>,
          %broadcast_in_dim3A_458 = arith.constant 5 : i32
          %broadcast_in_dim3A_459 = vector.broadcast %broadcast_in_dim3A_458 : i32 to vector<16xi32>
          %gather3A_460 = tpu.vector_load_idx %arg8[%broadcast_in_dim3A_459, %min3A_414] : memref<32x1024xf32, #tpu.memory_space<vmem>>[vector<16xi32>, vector<16xi32>], vector<16xf32>,
          %mul3A_461 = arith.constant 16 : i32
          %mul3A_462 = arith.muli %while3A_400, %mul3A_461 : i32
          %add3A_463 = vector.broadcast %mul3A_462 : i32 to vector<16xi32>
          %add3A_464 = arith.addi %add3A_463, %iota3A : vector<16xi32>
          %broadcast_in_dim3A_465 = arith.constant 5 : i32
          %broadcast_in_dim3A_466 = vector.broadcast %broadcast_in_dim3A_465 : i32 to vector<16xi32>
          tpu.vector_store_idx %arg11[%add3A_464, %broadcast_in_dim3A_466], %gather3A_460 : memref<128x128xf32, #tpu.memory_space<vmem>>[vector<16xi32>, vector<16xi32>], vector<16xf32>,
          %broadcast_in_dim3A_467 = arith.constant 6 : i32
          %broadcast_in_dim3A_468 = vector.broadcast %broadcast_in_dim3A_467 : i32 to vector<16xi32>
          %gather3A_469 = tpu.vector_load_idx %arg8[%broadcast_in_dim3A_468, %min3A_414] : memref<32x1024xf32, #tpu.memory_space<vmem>>[vector<16xi32>, vector<16xi32>], vector<16xf32>,
          %mul3A_470 = arith.constant 16 : i32
          %mul3A_471 = arith.muli %while3A_400, %mul3A_470 : i32
          %add3A_472 = vector.broadcast %mul3A_471 : i32 to vector<16xi32>
          %add3A_473 = arith.addi %add3A_472, %iota3A : vector<16xi32>
          %broadcast_in_dim3A_474 = arith.constant 6 : i32
          %broadcast_in_dim3A_475 = vector.broadcast %broadcast_in_dim3A_474 : i32 to vector<16xi32>
          tpu.vector_store_idx %arg11[%add3A_473, %broadcast_in_dim3A_475], %gather3A_469 : memref<128x128xf32, #tpu.memory_space<vmem>>[vector<16xi32>, vector<16xi32>], vector<16xf32>,
          %broadcast_in_dim3A_476 = arith.constant 7 : i32
          %broadcast_in_dim3A_477 = vector.broadcast %broadcast_in_dim3A_476 : i32 to vector<16xi32>
          %gather3A_478 = tpu.vector_load_idx %arg8[%broadcast_in_dim3A_477, %min3A_414] : memref<32x1024xf32, #tpu.memory_space<vmem>>[vector<16xi32>, vector<16xi32>], vector<16xf32>,
          %mul3A_479 = arith.constant 16 : i32
          %mul3A_480 = arith.muli %while3A_400, %mul3A_479 : i32
          %add3A_481 = vector.broadcast %mul3A_480 : i32 to vector<16xi32>
          %add3A_482 = arith.addi %add3A_481, %iota3A : vector<16xi32>
          %broadcast_in_dim3A_483 = arith.constant 7 : i32
          %broadcast_in_dim3A_484 = vector.broadcast %broadcast_in_dim3A_483 : i32 to vector<16xi32>
          tpu.vector_store_idx %arg11[%add3A_482, %broadcast_in_dim3A_484], %gather3A_478 : memref<128x128xf32, #tpu.memory_space<vmem>>[vector<16xi32>, vector<16xi32>], vector<16xf32>,
          %broadcast_in_dim3A_485 = arith.constant 8 : i32
          %broadcast_in_dim3A_486 = vector.broadcast %broadcast_in_dim3A_485 : i32 to vector<16xi32>
          %gather3A_487 = tpu.vector_load_idx %arg8[%broadcast_in_dim3A_486, %min3A_414] : memref<32x1024xf32, #tpu.memory_space<vmem>>[vector<16xi32>, vector<16xi32>], vector<16xf32>,
          %mul3A_488 = arith.constant 16 : i32
          %mul3A_489 = arith.muli %while3A_400, %mul3A_488 : i32
          %add3A_490 = vector.broadcast %mul3A_489 : i32 to vector<16xi32>
          %add3A_491 = arith.addi %add3A_490, %iota3A : vector<16xi32>
          %broadcast_in_dim3A_492 = arith.constant 8 : i32
          %broadcast_in_dim3A_493 = vector.broadcast %broadcast_in_dim3A_492 : i32 to vector<16xi32>
          tpu.vector_store_idx %arg11[%add3A_491, %broadcast_in_dim3A_493], %gather3A_487 : memref<128x128xf32, #tpu.memory_space<vmem>>[vector<16xi32>, vector<16xi32>], vector<16xf32>,
          %broadcast_in_dim3A_494 = arith.constant 9 : i32
          %broadcast_in_dim3A_495 = vector.broadcast %broadcast_in_dim3A_494 : i32 to vector<16xi32>
          %gather3A_496 = tpu.vector_load_idx %arg8[%broadcast_in_dim3A_495, %min3A_414] : memref<32x1024xf32, #tpu.memory_space<vmem>>[vector<16xi32>, vector<16xi32>], vector<16xf32>,
          %mul3A_497 = arith.constant 16 : i32
          %mul3A_498 = arith.muli %while3A_400, %mul3A_497 : i32
          %add3A_499 = vector.broadcast %mul3A_498 : i32 to vector<16xi32>
          %add3A_500 = arith.addi %add3A_499, %iota3A : vector<16xi32>
          %broadcast_in_dim3A_501 = arith.constant 9 : i32
          %broadcast_in_dim3A_502 = vector.broadcast %broadcast_in_dim3A_501 : i32 to vector<16xi32>
          tpu.vector_store_idx %arg11[%add3A_500, %broadcast_in_dim3A_502], %gather3A_496 : memref<128x128xf32, #tpu.memory_space<vmem>>[vector<16xi32>, vector<16xi32>], vector<16xf32>,
          %broadcast_in_dim3A_503 = arith.constant 10 : i32
          %broadcast_in_dim3A_504 = vector.broadcast %broadcast_in_dim3A_503 : i32 to vector<16xi32>
          %gather3A_505 = tpu.vector_load_idx %arg8[%broadcast_in_dim3A_504, %min3A_414] : memref<32x1024xf32, #tpu.memory_space<vmem>>[vector<16xi32>, vector<16xi32>], vector<16xf32>,
          %mul3A_506 = arith.constant 16 : i32
          %mul3A_507 = arith.muli %while3A_400, %mul3A_506 : i32
          %add3A_508 = vector.broadcast %mul3A_507 : i32 to vector<16xi32>
          %add3A_509 = arith.addi %add3A_508, %iota3A : vector<16xi32>
          %broadcast_in_dim3A_510 = arith.constant 10 : i32
          %broadcast_in_dim3A_511 = vector.broadcast %broadcast_in_dim3A_510 : i32 to vector<16xi32>
          tpu.vector_store_idx %arg11[%add3A_509, %broadcast_in_dim3A_511], %gather3A_505 : memref<128x128xf32, #tpu.memory_space<vmem>>[vector<16xi32>, vector<16xi32>], vector<16xf32>,
          %broadcast_in_dim3A_512 = arith.constant 11 : i32
          %broadcast_in_dim3A_513 = vector.broadcast %broadcast_in_dim3A_512 : i32 to vector<16xi32>
          %gather3A_514 = tpu.vector_load_idx %arg8[%broadcast_in_dim3A_513, %min3A_414] : memref<32x1024xf32, #tpu.memory_space<vmem>>[vector<16xi32>, vector<16xi32>], vector<16xf32>,
          %mul3A_515 = arith.constant 16 : i32
          %mul3A_516 = arith.muli %while3A_400, %mul3A_515 : i32
          %add3A_517 = vector.broadcast %mul3A_516 : i32 to vector<16xi32>
          %add3A_518 = arith.addi %add3A_517, %iota3A : vector<16xi32>
          %broadcast_in_dim3A_519 = arith.constant 11 : i32
          %broadcast_in_dim3A_520 = vector.broadcast %broadcast_in_dim3A_519 : i32 to vector<16xi32>
          tpu.vector_store_idx %arg11[%add3A_518, %broadcast_in_dim3A_520], %gather3A_514 : memref<128x128xf32, #tpu.memory_space<vmem>>[vector<16xi32>, vector<16xi32>], vector<16xf32>,
          %broadcast_in_dim3A_521 = arith.constant 12 : i32
          %broadcast_in_dim3A_522 = vector.broadcast %broadcast_in_dim3A_521 : i32 to vector<16xi32>
          %gather3A_523 = tpu.vector_load_idx %arg8[%broadcast_in_dim3A_522, %min3A_414] : memref<32x1024xf32, #tpu.memory_space<vmem>>[vector<16xi32>, vector<16xi32>], vector<16xf32>,
          %mul3A_524 = arith.constant 16 : i32
          %mul3A_525 = arith.muli %while3A_400, %mul3A_524 : i32
          %add3A_526 = vector.broadcast %mul3A_525 : i32 to vector<16xi32>
          %add3A_527 = arith.addi %add3A_526, %iota3A : vector<16xi32>
          %broadcast_in_dim3A_528 = arith.constant 12 : i32
          %broadcast_in_dim3A_529 = vector.broadcast %broadcast_in_dim3A_528 : i32 to vector<16xi32>
          tpu.vector_store_idx %arg11[%add3A_527, %broadcast_in_dim3A_529], %gather3A_523 : memref<128x128xf32, #tpu.memory_space<vmem>>[vector<16xi32>, vector<16xi32>], vector<16xf32>,
          %broadcast_in_dim3A_530 = arith.constant 13 : i32
          %broadcast_in_dim3A_531 = vector.broadcast %broadcast_in_dim3A_530 : i32 to vector<16xi32>
          %gather3A_532 = tpu.vector_load_idx %arg8[%broadcast_in_dim3A_531, %min3A_414] : memref<32x1024xf32, #tpu.memory_space<vmem>>[vector<16xi32>, vector<16xi32>], vector<16xf32>,
          %mul3A_533 = arith.constant 16 : i32
          %mul3A_534 = arith.muli %while3A_400, %mul3A_533 : i32
          %add3A_535 = vector.broadcast %mul3A_534 : i32 to vector<16xi32>
          %add3A_536 = arith.addi %add3A_535, %iota3A : vector<16xi32>
          %broadcast_in_dim3A_537 = arith.constant 13 : i32
          %broadcast_in_dim3A_538 = vector.broadcast %broadcast_in_dim3A_537 : i32 to vector<16xi32>
          tpu.vector_store_idx %arg11[%add3A_536, %broadcast_in_dim3A_538], %gather3A_532 : memref<128x128xf32, #tpu.memory_space<vmem>>[vector<16xi32>, vector<16xi32>], vector<16xf32>,
          %broadcast_in_dim3A_539 = arith.constant 14 : i32
          %broadcast_in_dim3A_540 = vector.broadcast %broadcast_in_dim3A_539 : i32 to vector<16xi32>
          %gather3A_541 = tpu.vector_load_idx %arg8[%broadcast_in_dim3A_540, %min3A_414] : memref<32x1024xf32, #tpu.memory_space<vmem>>[vector<16xi32>, vector<16xi32>], vector<16xf32>,
          %mul3A_542 = arith.constant 16 : i32
          %mul3A_543 = arith.muli %while3A_400, %mul3A_542 : i32
          %add3A_544 = vector.broadcast %mul3A_543 : i32 to vector<16xi32>
          %add3A_545 = arith.addi %add3A_544, %iota3A : vector<16xi32>
          %broadcast_in_dim3A_546 = arith.constant 14 : i32
          %broadcast_in_dim3A_547 = vector.broadcast %broadcast_in_dim3A_546 : i32 to vector<16xi32>
          tpu.vector_store_idx %arg11[%add3A_545, %broadcast_in_dim3A_547], %gather3A_541 : memref<128x128xf32, #tpu.memory_space<vmem>>[vector<16xi32>, vector<16xi32>], vector<16xf32>,
          %broadcast_in_dim3A_548 = arith.constant 15 : i32
          %broadcast_in_dim3A_549 = vector.broadcast %broadcast_in_dim3A_548 : i32 to vector<16xi32>
          %gather3A_550 = tpu.vector_load_idx %arg8[%broadcast_in_dim3A_549, %min3A_414] : memref<32x1024xf32, #tpu.memory_space<vmem>>[vector<16xi32>, vector<16xi32>], vector<16xf32>,
          %mul3A_551 = arith.constant 16 : i32
          %mul3A_552 = arith.muli %while3A_400, %mul3A_551 : i32
          %add3A_553 = vector.broadcast %mul3A_552 : i32 to vector<16xi32>
          %add3A_554 = arith.addi %add3A_553, %iota3A : vector<16xi32>
          %broadcast_in_dim3A_555 = arith.constant 15 : i32
          %broadcast_in_dim3A_556 = vector.broadcast %broadcast_in_dim3A_555 : i32 to vector<16xi32>
          tpu.vector_store_idx %arg11[%add3A_554, %broadcast_in_dim3A_556], %gather3A_550 : memref<128x128xf32, #tpu.memory_space<vmem>>[vector<16xi32>, vector<16xi32>], vector<16xf32>,
          %broadcast_in_dim3A_557 = arith.constant 16 : i32
          %broadcast_in_dim3A_558 = vector.broadcast %broadcast_in_dim3A_557 : i32 to vector<16xi32>
          %gather3A_559 = tpu.vector_load_idx %arg8[%broadcast_in_dim3A_558, %min3A_414] : memref<32x1024xf32, #tpu.memory_space<vmem>>[vector<16xi32>, vector<16xi32>], vector<16xf32>,
          %mul3A_560 = arith.constant 16 : i32
          %mul3A_561 = arith.muli %while3A_400, %mul3A_560 : i32
          %add3A_562 = vector.broadcast %mul3A_561 : i32 to vector<16xi32>
          %add3A_563 = arith.addi %add3A_562, %iota3A : vector<16xi32>
          %broadcast_in_dim3A_564 = arith.constant 16 : i32
          %broadcast_in_dim3A_565 = vector.broadcast %broadcast_in_dim3A_564 : i32 to vector<16xi32>
          tpu.vector_store_idx %arg11[%add3A_563, %broadcast_in_dim3A_565], %gather3A_559 : memref<128x128xf32, #tpu.memory_space<vmem>>[vector<16xi32>, vector<16xi32>], vector<16xf32>,
          %broadcast_in_dim3A_566 = arith.constant 17 : i32
          %broadcast_in_dim3A_567 = vector.broadcast %broadcast_in_dim3A_566 : i32 to vector<16xi32>
          %gather3A_568 = tpu.vector_load_idx %arg8[%broadcast_in_dim3A_567, %min3A_414] : memref<32x1024xf32, #tpu.memory_space<vmem>>[vector<16xi32>, vector<16xi32>], vector<16xf32>,
          %mul3A_569 = arith.constant 16 : i32
          %mul3A_570 = arith.muli %while3A_400, %mul3A_569 : i32
          %add3A_571 = vector.broadcast %mul3A_570 : i32 to vector<16xi32>
          %add3A_572 = arith.addi %add3A_571, %iota3A : vector<16xi32>
          %broadcast_in_dim3A_573 = arith.constant 17 : i32
          %broadcast_in_dim3A_574 = vector.broadcast %broadcast_in_dim3A_573 : i32 to vector<16xi32>
          tpu.vector_store_idx %arg11[%add3A_572, %broadcast_in_dim3A_574], %gather3A_568 : memref<128x128xf32, #tpu.memory_space<vmem>>[vector<16xi32>, vector<16xi32>], vector<16xf32>,
          %broadcast_in_dim3A_575 = arith.constant 18 : i32
          %broadcast_in_dim3A_576 = vector.broadcast %broadcast_in_dim3A_575 : i32 to vector<16xi32>
          %gather3A_577 = tpu.vector_load_idx %arg8[%broadcast_in_dim3A_576, %min3A_414] : memref<32x1024xf32, #tpu.memory_space<vmem>>[vector<16xi32>, vector<16xi32>], vector<16xf32>,
          %mul3A_578 = arith.constant 16 : i32
          %mul3A_579 = arith.muli %while3A_400, %mul3A_578 : i32
          %add3A_580 = vector.broadcast %mul3A_579 : i32 to vector<16xi32>
          %add3A_581 = arith.addi %add3A_580, %iota3A : vector<16xi32>
          %broadcast_in_dim3A_582 = arith.constant 18 : i32
          %broadcast_in_dim3A_583 = vector.broadcast %broadcast_in_dim3A_582 : i32 to vector<16xi32>
          tpu.vector_store_idx %arg11[%add3A_581, %broadcast_in_dim3A_583], %gather3A_577 : memref<128x128xf32, #tpu.memory_space<vmem>>[vector<16xi32>, vector<16xi32>], vector<16xf32>,
          %broadcast_in_dim3A_584 = arith.constant 19 : i32
          %broadcast_in_dim3A_585 = vector.broadcast %broadcast_in_dim3A_584 : i32 to vector<16xi32>
          %gather3A_586 = tpu.vector_load_idx %arg8[%broadcast_in_dim3A_585, %min3A_414] : memref<32x1024xf32, #tpu.memory_space<vmem>>[vector<16xi32>, vector<16xi32>], vector<16xf32>,
          %mul3A_587 = arith.constant 16 : i32
          %mul3A_588 = arith.muli %while3A_400, %mul3A_587 : i32
          %add3A_589 = vector.broadcast %mul3A_588 : i32 to vector<16xi32>
          %add3A_590 = arith.addi %add3A_589, %iota3A : vector<16xi32>
          %broadcast_in_dim3A_591 = arith.constant 19 : i32
          %broadcast_in_dim3A_592 = vector.broadcast %broadcast_in_dim3A_591 : i32 to vector<16xi32>
          tpu.vector_store_idx %arg11[%add3A_590, %broadcast_in_dim3A_592], %gather3A_586 : memref<128x128xf32, #tpu.memory_space<vmem>>[vector<16xi32>, vector<16xi32>], vector<16xf32>,
          %broadcast_in_dim3A_593 = arith.constant 20 : i32
          %broadcast_in_dim3A_594 = vector.broadcast %broadcast_in_dim3A_593 : i32 to vector<16xi32>
          %gather3A_595 = tpu.vector_load_idx %arg8[%broadcast_in_dim3A_594, %min3A_414] : memref<32x1024xf32, #tpu.memory_space<vmem>>[vector<16xi32>, vector<16xi32>], vector<16xf32>,
          %mul3A_596 = arith.constant 16 : i32
          %mul3A_597 = arith.muli %while3A_400, %mul3A_596 : i32
          %add3A_598 = vector.broadcast %mul3A_597 : i32 to vector<16xi32>
          %add3A_599 = arith.addi %add3A_598, %iota3A : vector<16xi32>
          %broadcast_in_dim3A_600 = arith.constant 20 : i32
          %broadcast_in_dim3A_601 = vector.broadcast %broadcast_in_dim3A_600 : i32 to vector<16xi32>
          tpu.vector_store_idx %arg11[%add3A_599, %broadcast_in_dim3A_601], %gather3A_595 : memref<128x128xf32, #tpu.memory_space<vmem>>[vector<16xi32>, vector<16xi32>], vector<16xf32>,
          %broadcast_in_dim3A_602 = arith.constant 21 : i32
          %broadcast_in_dim3A_603 = vector.broadcast %broadcast_in_dim3A_602 : i32 to vector<16xi32>
          %gather3A_604 = tpu.vector_load_idx %arg8[%broadcast_in_dim3A_603, %min3A_414] : memref<32x1024xf32, #tpu.memory_space<vmem>>[vector<16xi32>, vector<16xi32>], vector<16xf32>,
          %mul3A_605 = arith.constant 16 : i32
          %mul3A_606 = arith.muli %while3A_400, %mul3A_605 : i32
          %add3A_607 = vector.broadcast %mul3A_606 : i32 to vector<16xi32>
          %add3A_608 = arith.addi %add3A_607, %iota3A : vector<16xi32>
          %broadcast_in_dim3A_609 = arith.constant 21 : i32
          %broadcast_in_dim3A_610 = vector.broadcast %broadcast_in_dim3A_609 : i32 to vector<16xi32>
          tpu.vector_store_idx %arg11[%add3A_608, %broadcast_in_dim3A_610], %gather3A_604 : memref<128x128xf32, #tpu.memory_space<vmem>>[vector<16xi32>, vector<16xi32>], vector<16xf32>,
          %broadcast_in_dim3A_611 = arith.constant 22 : i32
          %broadcast_in_dim3A_612 = vector.broadcast %broadcast_in_dim3A_611 : i32 to vector<16xi32>
          %gather3A_613 = tpu.vector_load_idx %arg8[%broadcast_in_dim3A_612, %min3A_414] : memref<32x1024xf32, #tpu.memory_space<vmem>>[vector<16xi32>, vector<16xi32>], vector<16xf32>,
          %mul3A_614 = arith.constant 16 : i32
          %mul3A_615 = arith.muli %while3A_400, %mul3A_614 : i32
          %add3A_616 = vector.broadcast %mul3A_615 : i32 to vector<16xi32>
          %add3A_617 = arith.addi %add3A_616, %iota3A : vector<16xi32>
          %broadcast_in_dim3A_618 = arith.constant 22 : i32
          %broadcast_in_dim3A_619 = vector.broadcast %broadcast_in_dim3A_618 : i32 to vector<16xi32>
          tpu.vector_store_idx %arg11[%add3A_617, %broadcast_in_dim3A_619], %gather3A_613 : memref<128x128xf32, #tpu.memory_space<vmem>>[vector<16xi32>, vector<16xi32>], vector<16xf32>,
          %broadcast_in_dim3A_620 = arith.constant 23 : i32
          %broadcast_in_dim3A_621 = vector.broadcast %broadcast_in_dim3A_620 : i32 to vector<16xi32>
          %gather3A_622 = tpu.vector_load_idx %arg8[%broadcast_in_dim3A_621, %min3A_414] : memref<32x1024xf32, #tpu.memory_space<vmem>>[vector<16xi32>, vector<16xi32>], vector<16xf32>,
          %mul3A_623 = arith.constant 16 : i32
          %mul3A_624 = arith.muli %while3A_400, %mul3A_623 : i32
          %add3A_625 = vector.broadcast %mul3A_624 : i32 to vector<16xi32>
          %add3A_626 = arith.addi %add3A_625, %iota3A : vector<16xi32>
          %broadcast_in_dim3A_627 = arith.constant 23 : i32
          %broadcast_in_dim3A_628 = vector.broadcast %broadcast_in_dim3A_627 : i32 to vector<16xi32>
          tpu.vector_store_idx %arg11[%add3A_626, %broadcast_in_dim3A_628], %gather3A_622 : memref<128x128xf32, #tpu.memory_space<vmem>>[vector<16xi32>, vector<16xi32>], vector<16xf32>,
          %broadcast_in_dim3A_629 = arith.constant 24 : i32
          %broadcast_in_dim3A_630 = vector.broadcast %broadcast_in_dim3A_629 : i32 to vector<16xi32>
          %gather3A_631 = tpu.vector_load_idx %arg8[%broadcast_in_dim3A_630, %min3A_414] : memref<32x1024xf32, #tpu.memory_space<vmem>>[vector<16xi32>, vector<16xi32>], vector<16xf32>,
          %mul3A_632 = arith.constant 16 : i32
          %mul3A_633 = arith.muli %while3A_400, %mul3A_632 : i32
          %add3A_634 = vector.broadcast %mul3A_633 : i32 to vector<16xi32>
          %add3A_635 = arith.addi %add3A_634, %iota3A : vector<16xi32>
          %broadcast_in_dim3A_636 = arith.constant 24 : i32
          %broadcast_in_dim3A_637 = vector.broadcast %broadcast_in_dim3A_636 : i32 to vector<16xi32>
          tpu.vector_store_idx %arg11[%add3A_635, %broadcast_in_dim3A_637], %gather3A_631 : memref<128x128xf32, #tpu.memory_space<vmem>>[vector<16xi32>, vector<16xi32>], vector<16xf32>,
          %broadcast_in_dim3A_638 = arith.constant 25 : i32
          %broadcast_in_dim3A_639 = vector.broadcast %broadcast_in_dim3A_638 : i32 to vector<16xi32>
          %gather3A_640 = tpu.vector_load_idx %arg8[%broadcast_in_dim3A_639, %min3A_414] : memref<32x1024xf32, #tpu.memory_space<vmem>>[vector<16xi32>, vector<16xi32>], vector<16xf32>,
          %mul3A_641 = arith.constant 16 : i32
          %mul3A_642 = arith.muli %while3A_400, %mul3A_641 : i32
          %add3A_643 = vector.broadcast %mul3A_642 : i32 to vector<16xi32>
          %add3A_644 = arith.addi %add3A_643, %iota3A : vector<16xi32>
          %broadcast_in_dim3A_645 = arith.constant 25 : i32
          %broadcast_in_dim3A_646 = vector.broadcast %broadcast_in_dim3A_645 : i32 to vector<16xi32>
          tpu.vector_store_idx %arg11[%add3A_644, %broadcast_in_dim3A_646], %gather3A_640 : memref<128x128xf32, #tpu.memory_space<vmem>>[vector<16xi32>, vector<16xi32>], vector<16xf32>,
          %broadcast_in_dim3A_647 = arith.constant 26 : i32
          %broadcast_in_dim3A_648 = vector.broadcast %broadcast_in_dim3A_647 : i32 to vector<16xi32>
          %gather3A_649 = tpu.vector_load_idx %arg8[%broadcast_in_dim3A_648, %min3A_414] : memref<32x1024xf32, #tpu.memory_space<vmem>>[vector<16xi32>, vector<16xi32>], vector<16xf32>,
          %mul3A_650 = arith.constant 16 : i32
          %mul3A_651 = arith.muli %while3A_400, %mul3A_650 : i32
          %add3A_652 = vector.broadcast %mul3A_651 : i32 to vector<16xi32>
          %add3A_653 = arith.addi %add3A_652, %iota3A : vector<16xi32>
          %broadcast_in_dim3A_654 = arith.constant 26 : i32
          %broadcast_in_dim3A_655 = vector.broadcast %broadcast_in_dim3A_654 : i32 to vector<16xi32>
          tpu.vector_store_idx %arg11[%add3A_653, %broadcast_in_dim3A_655], %gather3A_649 : memref<128x128xf32, #tpu.memory_space<vmem>>[vector<16xi32>, vector<16xi32>], vector<16xf32>,
          %broadcast_in_dim3A_656 = arith.constant 27 : i32
          %broadcast_in_dim3A_657 = vector.broadcast %broadcast_in_dim3A_656 : i32 to vector<16xi32>
          %gather3A_658 = tpu.vector_load_idx %arg8[%broadcast_in_dim3A_657, %min3A_414] : memref<32x1024xf32, #tpu.memory_space<vmem>>[vector<16xi32>, vector<16xi32>], vector<16xf32>,
          %mul3A_659 = arith.constant 16 : i32
          %mul3A_660 = arith.muli %while3A_400, %mul3A_659 : i32
          %add3A_661 = vector.broadcast %mul3A_660 : i32 to vector<16xi32>
          %add3A_662 = arith.addi %add3A_661, %iota3A : vector<16xi32>
          %broadcast_in_dim3A_663 = arith.constant 27 : i32
          %broadcast_in_dim3A_664 = vector.broadcast %broadcast_in_dim3A_663 : i32 to vector<16xi32>
          tpu.vector_store_idx %arg11[%add3A_662, %broadcast_in_dim3A_664], %gather3A_658 : memref<128x128xf32, #tpu.memory_space<vmem>>[vector<16xi32>, vector<16xi32>], vector<16xf32>,
          %broadcast_in_dim3A_665 = arith.constant 28 : i32
          %broadcast_in_dim3A_666 = vector.broadcast %broadcast_in_dim3A_665 : i32 to vector<16xi32>
          %gather3A_667 = tpu.vector_load_idx %arg8[%broadcast_in_dim3A_666, %min3A_414] : memref<32x1024xf32, #tpu.memory_space<vmem>>[vector<16xi32>, vector<16xi32>], vector<16xf32>,
          %mul3A_668 = arith.constant 16 : i32
          %mul3A_669 = arith.muli %while3A_400, %mul3A_668 : i32
          %add3A_670 = vector.broadcast %mul3A_669 : i32 to vector<16xi32>
          %add3A_671 = arith.addi %add3A_670, %iota3A : vector<16xi32>
          %broadcast_in_dim3A_672 = arith.constant 28 : i32
          %broadcast_in_dim3A_673 = vector.broadcast %broadcast_in_dim3A_672 : i32 to vector<16xi32>
          tpu.vector_store_idx %arg11[%add3A_671, %broadcast_in_dim3A_673], %gather3A_667 : memref<128x128xf32, #tpu.memory_space<vmem>>[vector<16xi32>, vector<16xi32>], vector<16xf32>,
          %broadcast_in_dim3A_674 = arith.constant 29 : i32
          %broadcast_in_dim3A_675 = vector.broadcast %broadcast_in_dim3A_674 : i32 to vector<16xi32>
          %gather3A_676 = tpu.vector_load_idx %arg8[%broadcast_in_dim3A_675, %min3A_414] : memref<32x1024xf32, #tpu.memory_space<vmem>>[vector<16xi32>, vector<16xi32>], vector<16xf32>,
          %mul3A_677 = arith.constant 16 : i32
          %mul3A_678 = arith.muli %while3A_400, %mul3A_677 : i32
          %add3A_679 = vector.broadcast %mul3A_678 : i32 to vector<16xi32>
          %add3A_680 = arith.addi %add3A_679, %iota3A : vector<16xi32>
          %broadcast_in_dim3A_681 = arith.constant 29 : i32
          %broadcast_in_dim3A_682 = vector.broadcast %broadcast_in_dim3A_681 : i32 to vector<16xi32>
          tpu.vector_store_idx %arg11[%add3A_680, %broadcast_in_dim3A_682], %gather3A_676 : memref<128x128xf32, #tpu.memory_space<vmem>>[vector<16xi32>, vector<16xi32>], vector<16xf32>,
          %broadcast_in_dim3A_683 = arith.constant 30 : i32
          %broadcast_in_dim3A_684 = vector.broadcast %broadcast_in_dim3A_683 : i32 to vector<16xi32>
          %gather3A_685 = tpu.vector_load_idx %arg8[%broadcast_in_dim3A_684, %min3A_414] : memref<32x1024xf32, #tpu.memory_space<vmem>>[vector<16xi32>, vector<16xi32>], vector<16xf32>,
          %mul3A_686 = arith.constant 16 : i32
          %mul3A_687 = arith.muli %while3A_400, %mul3A_686 : i32
          %add3A_688 = vector.broadcast %mul3A_687 : i32 to vector<16xi32>
          %add3A_689 = arith.addi %add3A_688, %iota3A : vector<16xi32>
          %broadcast_in_dim3A_690 = arith.constant 30 : i32
          %broadcast_in_dim3A_691 = vector.broadcast %broadcast_in_dim3A_690 : i32 to vector<16xi32>
          tpu.vector_store_idx %arg11[%add3A_689, %broadcast_in_dim3A_691], %gather3A_685 : memref<128x128xf32, #tpu.memory_space<vmem>>[vector<16xi32>, vector<16xi32>], vector<16xf32>,
          %broadcast_in_dim3A_692 = arith.constant 31 : i32
          %broadcast_in_dim3A_693 = vector.broadcast %broadcast_in_dim3A_692 : i32 to vector<16xi32>
          %gather3A_694 = tpu.vector_load_idx %arg8[%broadcast_in_dim3A_693, %min3A_414] : memref<32x1024xf32, #tpu.memory_space<vmem>>[vector<16xi32>, vector<16xi32>], vector<16xf32>,
          %mul3A_695 = arith.constant 16 : i32
          %mul3A_696 = arith.muli %while3A_400, %mul3A_695 : i32
          %add3A_697 = vector.broadcast %mul3A_696 : i32 to vector<16xi32>
          %add3A_698 = arith.addi %add3A_697, %iota3A : vector<16xi32>
          %broadcast_in_dim3A_699 = arith.constant 31 : i32
          %broadcast_in_dim3A_700 = vector.broadcast %broadcast_in_dim3A_699 : i32 to vector<16xi32>
          tpu.vector_store_idx %arg11[%add3A_698, %broadcast_in_dim3A_700], %gather3A_694 : memref<128x128xf32, #tpu.memory_space<vmem>>[vector<16xi32>, vector<16xi32>], vector<16xf32>,
        }
        %while3A_390 = arith.constant 0 : i32
        %while3A_391 = arith.constant 0 : i32
        %while3A_392 = arith.subi %min3A_280, %while3A_391 : i32
        %while3A_393 = arith.addi %while3A_391, %while3A_392 : i32
        %while3A_394 = arith.constant 1 : i32
        %while3A_395 = arith.divsi %while3A_392, %while3A_394 : i32
        %while3A_396 = arith.muli %while3A_395, %while3A_394 : i32
        %while3A_397 = arith.addi %while3A_391, %while3A_396 : i32
        %while3A_398 = arith.constant 1 : i32
        scf.for %while3A_400 = %while3A_391 to %while3A_397 step %while3A_398  : i32 {
          %mul3A_401 = arith.constant 16 : i32
          %mul3A_402 = arith.muli %while3A_400, %mul3A_401 : i32
          %mul3A_403 = arith.constant 16 : i32
          %mul3A_404 = arith.muli %while3A_400, %mul3A_403 : i32
          %get3A = arith.index_cast %mul3A_404 : i32 to index
          %get3A_405 = tpu.vector_load %arg13[%get3A] {strides = array<i32>} : memref<128xi32, #tpu.memory_space<vmem>>, vector<16xi32>,
          %dma_start3A_406 = arith.constant 0 : i32
          %dma_start3A_407 = tpu.memref_slice %arg11[%mul3A_402, %dma_start3A_406] : memref<128x128xf32, #tpu.memory_space<vmem>> -> memref<16x128xf32, #tpu.memory_space<vmem>>
          %dma_start3A_408 = arith.constant 0 : i32
          %dma_start3A_409 = arith.constant 0 : i32
          %dma_start3A_410 = tpu.memref_slice %arg4[%dma_start3A_408, %dma_start3A_409] : memref<32784x128xf32, #tpu.memory_space<hbm>> -> memref<32784x128xf32, #tpu.memory_space<hbm>>
          tpu.enqueue_indirect_dma source(%dma_start3A_407 : memref<16x128xf32, #tpu.memory_space<vmem>>) target(%dma_start3A_410 : memref<32784x128xf32, #tpu.memory_space<hbm>>) offsets(%get3A_405 : vector<16xi32>) semaphore(%arg18 : memref<!tpu.dma_semaphore, #tpu.memory_space<semaphore_mem>>)
        }
        %while3A_399 = arith.constant 1 : i32
        scf.for %while3A_400 = %while3A_397 to %while3A_393 step %while3A_399  : i32 {
          %mul3A_401 = arith.constant 16 : i32
          %mul3A_402 = arith.muli %while3A_400, %mul3A_401 : i32
          %mul3A_403 = arith.constant 16 : i32
          %mul3A_404 = arith.muli %while3A_400, %mul3A_403 : i32
          %get3A = arith.index_cast %mul3A_404 : i32 to index
          %get3A_405 = tpu.vector_load %arg13[%get3A] {strides = array<i32>} : memref<128xi32, #tpu.memory_space<vmem>>, vector<16xi32>,
          %dma_start3A_406 = arith.constant 0 : i32
          %dma_start3A_407 = tpu.memref_slice %arg11[%mul3A_402, %dma_start3A_406] : memref<128x128xf32, #tpu.memory_space<vmem>> -> memref<16x128xf32, #tpu.memory_space<vmem>>
          %dma_start3A_408 = arith.constant 0 : i32
          %dma_start3A_409 = arith.constant 0 : i32
          %dma_start3A_410 = tpu.memref_slice %arg4[%dma_start3A_408, %dma_start3A_409] : memref<32784x128xf32, #tpu.memory_space<hbm>> -> memref<32784x128xf32, #tpu.memory_space<hbm>>
          tpu.enqueue_indirect_dma source(%dma_start3A_407 : memref<16x128xf32, #tpu.memory_space<vmem>>) target(%dma_start3A_410 : memref<32784x128xf32, #tpu.memory_space<hbm>>) offsets(%get3A_405 : vector<16xi32>) semaphore(%arg18 : memref<!tpu.dma_semaphore, #tpu.memory_space<semaphore_mem>>)
        }
      } else {
      }
      %jit3A_298 = arith.constant 2 : i32
      %eq3A_299 = arith.constant 0 : i32
      %eq3A_300 = arith.cmpi eq, %jit3A_298, %eq3A_299 : i32
      %jit3A_301 = arith.constant 1 : i32
      %select_n3A_302 = arith.select %eq3A_300, %jit3A_301, %jit3A_298 : i32
      %rem3A_303 = arith.remsi %scan3A_190, %select_n3A_302 : i32
      %ne3A_304 = arith.constant 0 : i32
      %ne3A_305 = arith.cmpi ne, %rem3A_303, %ne3A_304 : i32
      %lt3A_306 = arith.constant 0 : i32
      %lt3A_307 = arith.cmpi slt, %rem3A_303, %lt3A_306 : i32
      %lt3A_308 = arith.constant 0 : i32
      %lt3A_309 = arith.cmpi slt, %select_n3A_302, %lt3A_308 : i32
      %ne3A_310 = arith.xori %lt3A_307, %lt3A_309 : i1
      %and3A_311 = arith.andi %ne3A_310, %ne3A_305 : i1
      %add3A_312 = arith.addi %rem3A_303, %select_n3A_302 : i32
      %select_n3A_313 = arith.select %and3A_311, %add3A_312, %rem3A_303 : i32
      %eq3A_314 = arith.constant 1 : i32
      %eq3A_315 = arith.cmpi eq, %select_n3A_313, %eq3A_314 : i32
      %convert_element_type3A_316 = arith.extui %eq3A_315 : i1 to i32
      %cond3A_317 = arith.constant 0 : i32
      %cond3A_318 = arith.cmpi ne, %convert_element_type3A_316, %cond3A_317 : i32
      scf.if %cond3A_318 {
        %dma_wait3A_369 = arith.constant 0 : i32
        %dma_wait3A_370 = arith.constant 0 : i32
        %dma_wait3A_371 = tpu.memref_slice %arg2[%dma_wait3A_369, %dma_wait3A_370] : memref<32x1000000xf32, #tpu.memory_space<hbm>> -> memref<32x1024xf32, #tpu.memory_space<hbm>>
        %dma_wait3A_372 = arith.constant 0 : i32
        %dma_wait3A_373 = arith.constant 0 : i32
        %dma_wait3A_374 = tpu.memref_slice %arg2[%dma_wait3A_372, %dma_wait3A_373] : memref<32x1000000xf32, #tpu.memory_space<hbm>> -> memref<32x1024xf32, #tpu.memory_space<hbm>>
        tpu.wait_dma2 semaphore(%arg16 : memref<!tpu.dma_semaphore, #tpu.memory_space<semaphore_mem>>) src(%dma_wait3A_374 : memref<32x1024xf32, #tpu.memory_space<hbm>>) dst(%arg9 : memref<32x1024xf32, #tpu.memory_space<vmem>>)
        %mul3A_375 = arith.constant 1024 : i32
        %mul3A_376 = arith.muli %scan3A_190, %mul3A_375 : i32
        %add3A_377 = arith.addi %mul3A_2, %mul3A_376 : i32
        %min3A_378 = arith.constant 998912 : i32
        %min3A_379 = arith.minsi %add3A_377, %min3A_378 : i32
        %while3A_380 = arith.constant 0 : i32
        %while3A_381 = arith.constant 0 : i32
        %while3A_382 = arith.subi %min3A_280, %while3A_381 : i32
        %while3A_383 = arith.addi %while3A_381, %while3A_382 : i32
        %while3A_384 = arith.constant 1 : i32
        %while3A_385 = arith.divsi %while3A_382, %while3A_384 : i32
        %while3A_386 = arith.muli %while3A_385, %while3A_384 : i32
        %while3A_387 = arith.addi %while3A_381, %while3A_386 : i32
        %while3A_388 = arith.constant 1 : i32
        scf.for %while3A_400 = %while3A_381 to %while3A_387 step %while3A_388  : i32 {
          %mul3A_401 = arith.constant 16 : i32
          %mul3A_402 = arith.muli %while3A_400, %mul3A_401 : i32
          %get3A = arith.index_cast %mul3A_402 : i32 to index
          %get3A_403 = tpu.vector_load %arg12[%get3A] {strides = array<i32>} : memref<128xi32, #tpu.memory_space<vmem>>, vector<16xi32>,
          %mul3A_404 = arith.constant 16 : i32
          %mul3A_405 = arith.muli %while3A_400, %mul3A_404 : i32
          %get3A_406 = arith.index_cast %mul3A_405 : i32 to index
          %get3A_407 = tpu.vector_load %arg13[%get3A_406] {strides = array<i32>} : memref<128xi32, #tpu.memory_space<vmem>>, vector<16xi32>,
          %sub3A_408 = vector.broadcast %min3A_379 : i32 to vector<16xi32>
          %sub3A_409 = arith.subi %get3A_403, %sub3A_408 : vector<16xi32>
          %jit3A_410 = arith.constant 0 : i32
          %jit3A_411 = arith.constant 1023 : i32
          %max3A = vector.broadcast %jit3A_410 : i32 to vector<16xi32>
          %max3A_412 = arith.maxsi %max3A, %sub3A_409 : vector<16xi32>
          %min3A_413 = vector.broadcast %jit3A_411 : i32 to vector<16xi32>
          %min3A_414 = arith.minsi %min3A_413, %max3A_412 : vector<16xi32>
          %broadcast_in_dim3A = arith.constant 0 : i32
          %broadcast_in_dim3A_415 = vector.broadcast %broadcast_in_dim3A : i32 to vector<16xi32>
          %gather3A = tpu.vector_load_idx %arg9[%broadcast_in_dim3A_415, %min3A_414] : memref<32x1024xf32, #tpu.memory_space<vmem>>[vector<16xi32>, vector<16xi32>], vector<16xf32>,
          %mul3A_416 = arith.constant 16 : i32
          %mul3A_417 = arith.muli %while3A_400, %mul3A_416 : i32
          %add3A_418 = vector.broadcast %mul3A_417 : i32 to vector<16xi32>
          %add3A_419 = arith.addi %add3A_418, %iota3A : vector<16xi32>
          %broadcast_in_dim3A_420 = arith.constant 0 : i32
          %broadcast_in_dim3A_421 = vector.broadcast %broadcast_in_dim3A_420 : i32 to vector<16xi32>
          tpu.vector_store_idx %arg11[%add3A_419, %broadcast_in_dim3A_421], %gather3A : memref<128x128xf32, #tpu.memory_space<vmem>>[vector<16xi32>, vector<16xi32>], vector<16xf32>,
          %broadcast_in_dim3A_422 = arith.constant 1 : i32
          %broadcast_in_dim3A_423 = vector.broadcast %broadcast_in_dim3A_422 : i32 to vector<16xi32>
          %gather3A_424 = tpu.vector_load_idx %arg9[%broadcast_in_dim3A_423, %min3A_414] : memref<32x1024xf32, #tpu.memory_space<vmem>>[vector<16xi32>, vector<16xi32>], vector<16xf32>,
          %mul3A_425 = arith.constant 16 : i32
          %mul3A_426 = arith.muli %while3A_400, %mul3A_425 : i32
          %add3A_427 = vector.broadcast %mul3A_426 : i32 to vector<16xi32>
          %add3A_428 = arith.addi %add3A_427, %iota3A : vector<16xi32>
          %broadcast_in_dim3A_429 = arith.constant 1 : i32
          %broadcast_in_dim3A_430 = vector.broadcast %broadcast_in_dim3A_429 : i32 to vector<16xi32>
          tpu.vector_store_idx %arg11[%add3A_428, %broadcast_in_dim3A_430], %gather3A_424 : memref<128x128xf32, #tpu.memory_space<vmem>>[vector<16xi32>, vector<16xi32>], vector<16xf32>,
          %broadcast_in_dim3A_431 = arith.constant 2 : i32
          %broadcast_in_dim3A_432 = vector.broadcast %broadcast_in_dim3A_431 : i32 to vector<16xi32>
          %gather3A_433 = tpu.vector_load_idx %arg9[%broadcast_in_dim3A_432, %min3A_414] : memref<32x1024xf32, #tpu.memory_space<vmem>>[vector<16xi32>, vector<16xi32>], vector<16xf32>,
          %mul3A_434 = arith.constant 16 : i32
          %mul3A_435 = arith.muli %while3A_400, %mul3A_434 : i32
          %add3A_436 = vector.broadcast %mul3A_435 : i32 to vector<16xi32>
          %add3A_437 = arith.addi %add3A_436, %iota3A : vector<16xi32>
          %broadcast_in_dim3A_438 = arith.constant 2 : i32
          %broadcast_in_dim3A_439 = vector.broadcast %broadcast_in_dim3A_438 : i32 to vector<16xi32>
          tpu.vector_store_idx %arg11[%add3A_437, %broadcast_in_dim3A_439], %gather3A_433 : memref<128x128xf32, #tpu.memory_space<vmem>>[vector<16xi32>, vector<16xi32>], vector<16xf32>,
          %broadcast_in_dim3A_440 = arith.constant 3 : i32
          %broadcast_in_dim3A_441 = vector.broadcast %broadcast_in_dim3A_440 : i32 to vector<16xi32>
          %gather3A_442 = tpu.vector_load_idx %arg9[%broadcast_in_dim3A_441, %min3A_414] : memref<32x1024xf32, #tpu.memory_space<vmem>>[vector<16xi32>, vector<16xi32>], vector<16xf32>,
          %mul3A_443 = arith.constant 16 : i32
          %mul3A_444 = arith.muli %while3A_400, %mul3A_443 : i32
          %add3A_445 = vector.broadcast %mul3A_444 : i32 to vector<16xi32>
          %add3A_446 = arith.addi %add3A_445, %iota3A : vector<16xi32>
          %broadcast_in_dim3A_447 = arith.constant 3 : i32
          %broadcast_in_dim3A_448 = vector.broadcast %broadcast_in_dim3A_447 : i32 to vector<16xi32>
          tpu.vector_store_idx %arg11[%add3A_446, %broadcast_in_dim3A_448], %gather3A_442 : memref<128x128xf32, #tpu.memory_space<vmem>>[vector<16xi32>, vector<16xi32>], vector<16xf32>,
          %broadcast_in_dim3A_449 = arith.constant 4 : i32
          %broadcast_in_dim3A_450 = vector.broadcast %broadcast_in_dim3A_449 : i32 to vector<16xi32>
          %gather3A_451 = tpu.vector_load_idx %arg9[%broadcast_in_dim3A_450, %min3A_414] : memref<32x1024xf32, #tpu.memory_space<vmem>>[vector<16xi32>, vector<16xi32>], vector<16xf32>,
          %mul3A_452 = arith.constant 16 : i32
          %mul3A_453 = arith.muli %while3A_400, %mul3A_452 : i32
          %add3A_454 = vector.broadcast %mul3A_453 : i32 to vector<16xi32>
          %add3A_455 = arith.addi %add3A_454, %iota3A : vector<16xi32>
          %broadcast_in_dim3A_456 = arith.constant 4 : i32
          %broadcast_in_dim3A_457 = vector.broadcast %broadcast_in_dim3A_456 : i32 to vector<16xi32>
          tpu.vector_store_idx %arg11[%add3A_455, %broadcast_in_dim3A_457], %gather3A_451 : memref<128x128xf32, #tpu.memory_space<vmem>>[vector<16xi32>, vector<16xi32>], vector<16xf32>,
          %broadcast_in_dim3A_458 = arith.constant 5 : i32
          %broadcast_in_dim3A_459 = vector.broadcast %broadcast_in_dim3A_458 : i32 to vector<16xi32>
          %gather3A_460 = tpu.vector_load_idx %arg9[%broadcast_in_dim3A_459, %min3A_414] : memref<32x1024xf32, #tpu.memory_space<vmem>>[vector<16xi32>, vector<16xi32>], vector<16xf32>,
          %mul3A_461 = arith.constant 16 : i32
          %mul3A_462 = arith.muli %while3A_400, %mul3A_461 : i32
          %add3A_463 = vector.broadcast %mul3A_462 : i32 to vector<16xi32>
          %add3A_464 = arith.addi %add3A_463, %iota3A : vector<16xi32>
          %broadcast_in_dim3A_465 = arith.constant 5 : i32
          %broadcast_in_dim3A_466 = vector.broadcast %broadcast_in_dim3A_465 : i32 to vector<16xi32>
          tpu.vector_store_idx %arg11[%add3A_464, %broadcast_in_dim3A_466], %gather3A_460 : memref<128x128xf32, #tpu.memory_space<vmem>>[vector<16xi32>, vector<16xi32>], vector<16xf32>,
          %broadcast_in_dim3A_467 = arith.constant 6 : i32
          %broadcast_in_dim3A_468 = vector.broadcast %broadcast_in_dim3A_467 : i32 to vector<16xi32>
          %gather3A_469 = tpu.vector_load_idx %arg9[%broadcast_in_dim3A_468, %min3A_414] : memref<32x1024xf32, #tpu.memory_space<vmem>>[vector<16xi32>, vector<16xi32>], vector<16xf32>,
          %mul3A_470 = arith.constant 16 : i32
          %mul3A_471 = arith.muli %while3A_400, %mul3A_470 : i32
          %add3A_472 = vector.broadcast %mul3A_471 : i32 to vector<16xi32>
          %add3A_473 = arith.addi %add3A_472, %iota3A : vector<16xi32>
          %broadcast_in_dim3A_474 = arith.constant 6 : i32
          %broadcast_in_dim3A_475 = vector.broadcast %broadcast_in_dim3A_474 : i32 to vector<16xi32>
          tpu.vector_store_idx %arg11[%add3A_473, %broadcast_in_dim3A_475], %gather3A_469 : memref<128x128xf32, #tpu.memory_space<vmem>>[vector<16xi32>, vector<16xi32>], vector<16xf32>,
          %broadcast_in_dim3A_476 = arith.constant 7 : i32
          %broadcast_in_dim3A_477 = vector.broadcast %broadcast_in_dim3A_476 : i32 to vector<16xi32>
          %gather3A_478 = tpu.vector_load_idx %arg9[%broadcast_in_dim3A_477, %min3A_414] : memref<32x1024xf32, #tpu.memory_space<vmem>>[vector<16xi32>, vector<16xi32>], vector<16xf32>,
          %mul3A_479 = arith.constant 16 : i32
          %mul3A_480 = arith.muli %while3A_400, %mul3A_479 : i32
          %add3A_481 = vector.broadcast %mul3A_480 : i32 to vector<16xi32>
          %add3A_482 = arith.addi %add3A_481, %iota3A : vector<16xi32>
          %broadcast_in_dim3A_483 = arith.constant 7 : i32
          %broadcast_in_dim3A_484 = vector.broadcast %broadcast_in_dim3A_483 : i32 to vector<16xi32>
          tpu.vector_store_idx %arg11[%add3A_482, %broadcast_in_dim3A_484], %gather3A_478 : memref<128x128xf32, #tpu.memory_space<vmem>>[vector<16xi32>, vector<16xi32>], vector<16xf32>,
          %broadcast_in_dim3A_485 = arith.constant 8 : i32
          %broadcast_in_dim3A_486 = vector.broadcast %broadcast_in_dim3A_485 : i32 to vector<16xi32>
          %gather3A_487 = tpu.vector_load_idx %arg9[%broadcast_in_dim3A_486, %min3A_414] : memref<32x1024xf32, #tpu.memory_space<vmem>>[vector<16xi32>, vector<16xi32>], vector<16xf32>,
          %mul3A_488 = arith.constant 16 : i32
          %mul3A_489 = arith.muli %while3A_400, %mul3A_488 : i32
          %add3A_490 = vector.broadcast %mul3A_489 : i32 to vector<16xi32>
          %add3A_491 = arith.addi %add3A_490, %iota3A : vector<16xi32>
          %broadcast_in_dim3A_492 = arith.constant 8 : i32
          %broadcast_in_dim3A_493 = vector.broadcast %broadcast_in_dim3A_492 : i32 to vector<16xi32>
          tpu.vector_store_idx %arg11[%add3A_491, %broadcast_in_dim3A_493], %gather3A_487 : memref<128x128xf32, #tpu.memory_space<vmem>>[vector<16xi32>, vector<16xi32>], vector<16xf32>,
          %broadcast_in_dim3A_494 = arith.constant 9 : i32
          %broadcast_in_dim3A_495 = vector.broadcast %broadcast_in_dim3A_494 : i32 to vector<16xi32>
          %gather3A_496 = tpu.vector_load_idx %arg9[%broadcast_in_dim3A_495, %min3A_414] : memref<32x1024xf32, #tpu.memory_space<vmem>>[vector<16xi32>, vector<16xi32>], vector<16xf32>,
          %mul3A_497 = arith.constant 16 : i32
          %mul3A_498 = arith.muli %while3A_400, %mul3A_497 : i32
          %add3A_499 = vector.broadcast %mul3A_498 : i32 to vector<16xi32>
          %add3A_500 = arith.addi %add3A_499, %iota3A : vector<16xi32>
          %broadcast_in_dim3A_501 = arith.constant 9 : i32
          %broadcast_in_dim3A_502 = vector.broadcast %broadcast_in_dim3A_501 : i32 to vector<16xi32>
          tpu.vector_store_idx %arg11[%add3A_500, %broadcast_in_dim3A_502], %gather3A_496 : memref<128x128xf32, #tpu.memory_space<vmem>>[vector<16xi32>, vector<16xi32>], vector<16xf32>,
          %broadcast_in_dim3A_503 = arith.constant 10 : i32
          %broadcast_in_dim3A_504 = vector.broadcast %broadcast_in_dim3A_503 : i32 to vector<16xi32>
          %gather3A_505 = tpu.vector_load_idx %arg9[%broadcast_in_dim3A_504, %min3A_414] : memref<32x1024xf32, #tpu.memory_space<vmem>>[vector<16xi32>, vector<16xi32>], vector<16xf32>,
          %mul3A_506 = arith.constant 16 : i32
          %mul3A_507 = arith.muli %while3A_400, %mul3A_506 : i32
          %add3A_508 = vector.broadcast %mul3A_507 : i32 to vector<16xi32>
          %add3A_509 = arith.addi %add3A_508, %iota3A : vector<16xi32>
          %broadcast_in_dim3A_510 = arith.constant 10 : i32
          %broadcast_in_dim3A_511 = vector.broadcast %broadcast_in_dim3A_510 : i32 to vector<16xi32>
          tpu.vector_store_idx %arg11[%add3A_509, %broadcast_in_dim3A_511], %gather3A_505 : memref<128x128xf32, #tpu.memory_space<vmem>>[vector<16xi32>, vector<16xi32>], vector<16xf32>,
          %broadcast_in_dim3A_512 = arith.constant 11 : i32
          %broadcast_in_dim3A_513 = vector.broadcast %broadcast_in_dim3A_512 : i32 to vector<16xi32>
          %gather3A_514 = tpu.vector_load_idx %arg9[%broadcast_in_dim3A_513, %min3A_414] : memref<32x1024xf32, #tpu.memory_space<vmem>>[vector<16xi32>, vector<16xi32>], vector<16xf32>,
          %mul3A_515 = arith.constant 16 : i32
          %mul3A_516 = arith.muli %while3A_400, %mul3A_515 : i32
          %add3A_517 = vector.broadcast %mul3A_516 : i32 to vector<16xi32>
          %add3A_518 = arith.addi %add3A_517, %iota3A : vector<16xi32>
          %broadcast_in_dim3A_519 = arith.constant 11 : i32
          %broadcast_in_dim3A_520 = vector.broadcast %broadcast_in_dim3A_519 : i32 to vector<16xi32>
          tpu.vector_store_idx %arg11[%add3A_518, %broadcast_in_dim3A_520], %gather3A_514 : memref<128x128xf32, #tpu.memory_space<vmem>>[vector<16xi32>, vector<16xi32>], vector<16xf32>,
          %broadcast_in_dim3A_521 = arith.constant 12 : i32
          %broadcast_in_dim3A_522 = vector.broadcast %broadcast_in_dim3A_521 : i32 to vector<16xi32>
          %gather3A_523 = tpu.vector_load_idx %arg9[%broadcast_in_dim3A_522, %min3A_414] : memref<32x1024xf32, #tpu.memory_space<vmem>>[vector<16xi32>, vector<16xi32>], vector<16xf32>,
          %mul3A_524 = arith.constant 16 : i32
          %mul3A_525 = arith.muli %while3A_400, %mul3A_524 : i32
          %add3A_526 = vector.broadcast %mul3A_525 : i32 to vector<16xi32>
          %add3A_527 = arith.addi %add3A_526, %iota3A : vector<16xi32>
          %broadcast_in_dim3A_528 = arith.constant 12 : i32
          %broadcast_in_dim3A_529 = vector.broadcast %broadcast_in_dim3A_528 : i32 to vector<16xi32>
          tpu.vector_store_idx %arg11[%add3A_527, %broadcast_in_dim3A_529], %gather3A_523 : memref<128x128xf32, #tpu.memory_space<vmem>>[vector<16xi32>, vector<16xi32>], vector<16xf32>,
          %broadcast_in_dim3A_530 = arith.constant 13 : i32
          %broadcast_in_dim3A_531 = vector.broadcast %broadcast_in_dim3A_530 : i32 to vector<16xi32>
          %gather3A_532 = tpu.vector_load_idx %arg9[%broadcast_in_dim3A_531, %min3A_414] : memref<32x1024xf32, #tpu.memory_space<vmem>>[vector<16xi32>, vector<16xi32>], vector<16xf32>,
          %mul3A_533 = arith.constant 16 : i32
          %mul3A_534 = arith.muli %while3A_400, %mul3A_533 : i32
          %add3A_535 = vector.broadcast %mul3A_534 : i32 to vector<16xi32>
          %add3A_536 = arith.addi %add3A_535, %iota3A : vector<16xi32>
          %broadcast_in_dim3A_537 = arith.constant 13 : i32
          %broadcast_in_dim3A_538 = vector.broadcast %broadcast_in_dim3A_537 : i32 to vector<16xi32>
          tpu.vector_store_idx %arg11[%add3A_536, %broadcast_in_dim3A_538], %gather3A_532 : memref<128x128xf32, #tpu.memory_space<vmem>>[vector<16xi32>, vector<16xi32>], vector<16xf32>,
          %broadcast_in_dim3A_539 = arith.constant 14 : i32
          %broadcast_in_dim3A_540 = vector.broadcast %broadcast_in_dim3A_539 : i32 to vector<16xi32>
          %gather3A_541 = tpu.vector_load_idx %arg9[%broadcast_in_dim3A_540, %min3A_414] : memref<32x1024xf32, #tpu.memory_space<vmem>>[vector<16xi32>, vector<16xi32>], vector<16xf32>,
          %mul3A_542 = arith.constant 16 : i32
          %mul3A_543 = arith.muli %while3A_400, %mul3A_542 : i32
          %add3A_544 = vector.broadcast %mul3A_543 : i32 to vector<16xi32>
          %add3A_545 = arith.addi %add3A_544, %iota3A : vector<16xi32>
          %broadcast_in_dim3A_546 = arith.constant 14 : i32
          %broadcast_in_dim3A_547 = vector.broadcast %broadcast_in_dim3A_546 : i32 to vector<16xi32>
          tpu.vector_store_idx %arg11[%add3A_545, %broadcast_in_dim3A_547], %gather3A_541 : memref<128x128xf32, #tpu.memory_space<vmem>>[vector<16xi32>, vector<16xi32>], vector<16xf32>,
          %broadcast_in_dim3A_548 = arith.constant 15 : i32
          %broadcast_in_dim3A_549 = vector.broadcast %broadcast_in_dim3A_548 : i32 to vector<16xi32>
          %gather3A_550 = tpu.vector_load_idx %arg9[%broadcast_in_dim3A_549, %min3A_414] : memref<32x1024xf32, #tpu.memory_space<vmem>>[vector<16xi32>, vector<16xi32>], vector<16xf32>,
          %mul3A_551 = arith.constant 16 : i32
          %mul3A_552 = arith.muli %while3A_400, %mul3A_551 : i32
          %add3A_553 = vector.broadcast %mul3A_552 : i32 to vector<16xi32>
          %add3A_554 = arith.addi %add3A_553, %iota3A : vector<16xi32>
          %broadcast_in_dim3A_555 = arith.constant 15 : i32
          %broadcast_in_dim3A_556 = vector.broadcast %broadcast_in_dim3A_555 : i32 to vector<16xi32>
          tpu.vector_store_idx %arg11[%add3A_554, %broadcast_in_dim3A_556], %gather3A_550 : memref<128x128xf32, #tpu.memory_space<vmem>>[vector<16xi32>, vector<16xi32>], vector<16xf32>,
          %broadcast_in_dim3A_557 = arith.constant 16 : i32
          %broadcast_in_dim3A_558 = vector.broadcast %broadcast_in_dim3A_557 : i32 to vector<16xi32>
          %gather3A_559 = tpu.vector_load_idx %arg9[%broadcast_in_dim3A_558, %min3A_414] : memref<32x1024xf32, #tpu.memory_space<vmem>>[vector<16xi32>, vector<16xi32>], vector<16xf32>,
          %mul3A_560 = arith.constant 16 : i32
          %mul3A_561 = arith.muli %while3A_400, %mul3A_560 : i32
          %add3A_562 = vector.broadcast %mul3A_561 : i32 to vector<16xi32>
          %add3A_563 = arith.addi %add3A_562, %iota3A : vector<16xi32>
          %broadcast_in_dim3A_564 = arith.constant 16 : i32
          %broadcast_in_dim3A_565 = vector.broadcast %broadcast_in_dim3A_564 : i32 to vector<16xi32>
          tpu.vector_store_idx %arg11[%add3A_563, %broadcast_in_dim3A_565], %gather3A_559 : memref<128x128xf32, #tpu.memory_space<vmem>>[vector<16xi32>, vector<16xi32>], vector<16xf32>,
          %broadcast_in_dim3A_566 = arith.constant 17 : i32
          %broadcast_in_dim3A_567 = vector.broadcast %broadcast_in_dim3A_566 : i32 to vector<16xi32>
          %gather3A_568 = tpu.vector_load_idx %arg9[%broadcast_in_dim3A_567, %min3A_414] : memref<32x1024xf32, #tpu.memory_space<vmem>>[vector<16xi32>, vector<16xi32>], vector<16xf32>,
          %mul3A_569 = arith.constant 16 : i32
          %mul3A_570 = arith.muli %while3A_400, %mul3A_569 : i32
          %add3A_571 = vector.broadcast %mul3A_570 : i32 to vector<16xi32>
          %add3A_572 = arith.addi %add3A_571, %iota3A : vector<16xi32>
          %broadcast_in_dim3A_573 = arith.constant 17 : i32
          %broadcast_in_dim3A_574 = vector.broadcast %broadcast_in_dim3A_573 : i32 to vector<16xi32>
          tpu.vector_store_idx %arg11[%add3A_572, %broadcast_in_dim3A_574], %gather3A_568 : memref<128x128xf32, #tpu.memory_space<vmem>>[vector<16xi32>, vector<16xi32>], vector<16xf32>,
          %broadcast_in_dim3A_575 = arith.constant 18 : i32
          %broadcast_in_dim3A_576 = vector.broadcast %broadcast_in_dim3A_575 : i32 to vector<16xi32>
          %gather3A_577 = tpu.vector_load_idx %arg9[%broadcast_in_dim3A_576, %min3A_414] : memref<32x1024xf32, #tpu.memory_space<vmem>>[vector<16xi32>, vector<16xi32>], vector<16xf32>,
          %mul3A_578 = arith.constant 16 : i32
          %mul3A_579 = arith.muli %while3A_400, %mul3A_578 : i32
          %add3A_580 = vector.broadcast %mul3A_579 : i32 to vector<16xi32>
          %add3A_581 = arith.addi %add3A_580, %iota3A : vector<16xi32>
          %broadcast_in_dim3A_582 = arith.constant 18 : i32
          %broadcast_in_dim3A_583 = vector.broadcast %broadcast_in_dim3A_582 : i32 to vector<16xi32>
          tpu.vector_store_idx %arg11[%add3A_581, %broadcast_in_dim3A_583], %gather3A_577 : memref<128x128xf32, #tpu.memory_space<vmem>>[vector<16xi32>, vector<16xi32>], vector<16xf32>,
          %broadcast_in_dim3A_584 = arith.constant 19 : i32
          %broadcast_in_dim3A_585 = vector.broadcast %broadcast_in_dim3A_584 : i32 to vector<16xi32>
          %gather3A_586 = tpu.vector_load_idx %arg9[%broadcast_in_dim3A_585, %min3A_414] : memref<32x1024xf32, #tpu.memory_space<vmem>>[vector<16xi32>, vector<16xi32>], vector<16xf32>,
          %mul3A_587 = arith.constant 16 : i32
          %mul3A_588 = arith.muli %while3A_400, %mul3A_587 : i32
          %add3A_589 = vector.broadcast %mul3A_588 : i32 to vector<16xi32>
          %add3A_590 = arith.addi %add3A_589, %iota3A : vector<16xi32>
          %broadcast_in_dim3A_591 = arith.constant 19 : i32
          %broadcast_in_dim3A_592 = vector.broadcast %broadcast_in_dim3A_591 : i32 to vector<16xi32>
          tpu.vector_store_idx %arg11[%add3A_590, %broadcast_in_dim3A_592], %gather3A_586 : memref<128x128xf32, #tpu.memory_space<vmem>>[vector<16xi32>, vector<16xi32>], vector<16xf32>,
          %broadcast_in_dim3A_593 = arith.constant 20 : i32
          %broadcast_in_dim3A_594 = vector.broadcast %broadcast_in_dim3A_593 : i32 to vector<16xi32>
          %gather3A_595 = tpu.vector_load_idx %arg9[%broadcast_in_dim3A_594, %min3A_414] : memref<32x1024xf32, #tpu.memory_space<vmem>>[vector<16xi32>, vector<16xi32>], vector<16xf32>,
          %mul3A_596 = arith.constant 16 : i32
          %mul3A_597 = arith.muli %while3A_400, %mul3A_596 : i32
          %add3A_598 = vector.broadcast %mul3A_597 : i32 to vector<16xi32>
          %add3A_599 = arith.addi %add3A_598, %iota3A : vector<16xi32>
          %broadcast_in_dim3A_600 = arith.constant 20 : i32
          %broadcast_in_dim3A_601 = vector.broadcast %broadcast_in_dim3A_600 : i32 to vector<16xi32>
          tpu.vector_store_idx %arg11[%add3A_599, %broadcast_in_dim3A_601], %gather3A_595 : memref<128x128xf32, #tpu.memory_space<vmem>>[vector<16xi32>, vector<16xi32>], vector<16xf32>,
          %broadcast_in_dim3A_602 = arith.constant 21 : i32
          %broadcast_in_dim3A_603 = vector.broadcast %broadcast_in_dim3A_602 : i32 to vector<16xi32>
          %gather3A_604 = tpu.vector_load_idx %arg9[%broadcast_in_dim3A_603, %min3A_414] : memref<32x1024xf32, #tpu.memory_space<vmem>>[vector<16xi32>, vector<16xi32>], vector<16xf32>,
          %mul3A_605 = arith.constant 16 : i32
          %mul3A_606 = arith.muli %while3A_400, %mul3A_605 : i32
          %add3A_607 = vector.broadcast %mul3A_606 : i32 to vector<16xi32>
          %add3A_608 = arith.addi %add3A_607, %iota3A : vector<16xi32>
          %broadcast_in_dim3A_609 = arith.constant 21 : i32
          %broadcast_in_dim3A_610 = vector.broadcast %broadcast_in_dim3A_609 : i32 to vector<16xi32>
          tpu.vector_store_idx %arg11[%add3A_608, %broadcast_in_dim3A_610], %gather3A_604 : memref<128x128xf32, #tpu.memory_space<vmem>>[vector<16xi32>, vector<16xi32>], vector<16xf32>,
          %broadcast_in_dim3A_611 = arith.constant 22 : i32
          %broadcast_in_dim3A_612 = vector.broadcast %broadcast_in_dim3A_611 : i32 to vector<16xi32>
          %gather3A_613 = tpu.vector_load_idx %arg9[%broadcast_in_dim3A_612, %min3A_414] : memref<32x1024xf32, #tpu.memory_space<vmem>>[vector<16xi32>, vector<16xi32>], vector<16xf32>,
          %mul3A_614 = arith.constant 16 : i32
          %mul3A_615 = arith.muli %while3A_400, %mul3A_614 : i32
          %add3A_616 = vector.broadcast %mul3A_615 : i32 to vector<16xi32>
          %add3A_617 = arith.addi %add3A_616, %iota3A : vector<16xi32>
          %broadcast_in_dim3A_618 = arith.constant 22 : i32
          %broadcast_in_dim3A_619 = vector.broadcast %broadcast_in_dim3A_618 : i32 to vector<16xi32>
          tpu.vector_store_idx %arg11[%add3A_617, %broadcast_in_dim3A_619], %gather3A_613 : memref<128x128xf32, #tpu.memory_space<vmem>>[vector<16xi32>, vector<16xi32>], vector<16xf32>,
          %broadcast_in_dim3A_620 = arith.constant 23 : i32
          %broadcast_in_dim3A_621 = vector.broadcast %broadcast_in_dim3A_620 : i32 to vector<16xi32>
          %gather3A_622 = tpu.vector_load_idx %arg9[%broadcast_in_dim3A_621, %min3A_414] : memref<32x1024xf32, #tpu.memory_space<vmem>>[vector<16xi32>, vector<16xi32>], vector<16xf32>,
          %mul3A_623 = arith.constant 16 : i32
          %mul3A_624 = arith.muli %while3A_400, %mul3A_623 : i32
          %add3A_625 = vector.broadcast %mul3A_624 : i32 to vector<16xi32>
          %add3A_626 = arith.addi %add3A_625, %iota3A : vector<16xi32>
          %broadcast_in_dim3A_627 = arith.constant 23 : i32
          %broadcast_in_dim3A_628 = vector.broadcast %broadcast_in_dim3A_627 : i32 to vector<16xi32>
          tpu.vector_store_idx %arg11[%add3A_626, %broadcast_in_dim3A_628], %gather3A_622 : memref<128x128xf32, #tpu.memory_space<vmem>>[vector<16xi32>, vector<16xi32>], vector<16xf32>,
          %broadcast_in_dim3A_629 = arith.constant 24 : i32
          %broadcast_in_dim3A_630 = vector.broadcast %broadcast_in_dim3A_629 : i32 to vector<16xi32>
          %gather3A_631 = tpu.vector_load_idx %arg9[%broadcast_in_dim3A_630, %min3A_414] : memref<32x1024xf32, #tpu.memory_space<vmem>>[vector<16xi32>, vector<16xi32>], vector<16xf32>,
          %mul3A_632 = arith.constant 16 : i32
          %mul3A_633 = arith.muli %while3A_400, %mul3A_632 : i32
          %add3A_634 = vector.broadcast %mul3A_633 : i32 to vector<16xi32>
          %add3A_635 = arith.addi %add3A_634, %iota3A : vector<16xi32>
          %broadcast_in_dim3A_636 = arith.constant 24 : i32
          %broadcast_in_dim3A_637 = vector.broadcast %broadcast_in_dim3A_636 : i32 to vector<16xi32>
          tpu.vector_store_idx %arg11[%add3A_635, %broadcast_in_dim3A_637], %gather3A_631 : memref<128x128xf32, #tpu.memory_space<vmem>>[vector<16xi32>, vector<16xi32>], vector<16xf32>,
          %broadcast_in_dim3A_638 = arith.constant 25 : i32
          %broadcast_in_dim3A_639 = vector.broadcast %broadcast_in_dim3A_638 : i32 to vector<16xi32>
          %gather3A_640 = tpu.vector_load_idx %arg9[%broadcast_in_dim3A_639, %min3A_414] : memref<32x1024xf32, #tpu.memory_space<vmem>>[vector<16xi32>, vector<16xi32>], vector<16xf32>,
          %mul3A_641 = arith.constant 16 : i32
          %mul3A_642 = arith.muli %while3A_400, %mul3A_641 : i32
          %add3A_643 = vector.broadcast %mul3A_642 : i32 to vector<16xi32>
          %add3A_644 = arith.addi %add3A_643, %iota3A : vector<16xi32>
          %broadcast_in_dim3A_645 = arith.constant 25 : i32
          %broadcast_in_dim3A_646 = vector.broadcast %broadcast_in_dim3A_645 : i32 to vector<16xi32>
          tpu.vector_store_idx %arg11[%add3A_644, %broadcast_in_dim3A_646], %gather3A_640 : memref<128x128xf32, #tpu.memory_space<vmem>>[vector<16xi32>, vector<16xi32>], vector<16xf32>,
          %broadcast_in_dim3A_647 = arith.constant 26 : i32
          %broadcast_in_dim3A_648 = vector.broadcast %broadcast_in_dim3A_647 : i32 to vector<16xi32>
          %gather3A_649 = tpu.vector_load_idx %arg9[%broadcast_in_dim3A_648, %min3A_414] : memref<32x1024xf32, #tpu.memory_space<vmem>>[vector<16xi32>, vector<16xi32>], vector<16xf32>,
          %mul3A_650 = arith.constant 16 : i32
          %mul3A_651 = arith.muli %while3A_400, %mul3A_650 : i32
          %add3A_652 = vector.broadcast %mul3A_651 : i32 to vector<16xi32>
          %add3A_653 = arith.addi %add3A_652, %iota3A : vector<16xi32>
          %broadcast_in_dim3A_654 = arith.constant 26 : i32
          %broadcast_in_dim3A_655 = vector.broadcast %broadcast_in_dim3A_654 : i32 to vector<16xi32>
          tpu.vector_store_idx %arg11[%add3A_653, %broadcast_in_dim3A_655], %gather3A_649 : memref<128x128xf32, #tpu.memory_space<vmem>>[vector<16xi32>, vector<16xi32>], vector<16xf32>,
          %broadcast_in_dim3A_656 = arith.constant 27 : i32
          %broadcast_in_dim3A_657 = vector.broadcast %broadcast_in_dim3A_656 : i32 to vector<16xi32>
          %gather3A_658 = tpu.vector_load_idx %arg9[%broadcast_in_dim3A_657, %min3A_414] : memref<32x1024xf32, #tpu.memory_space<vmem>>[vector<16xi32>, vector<16xi32>], vector<16xf32>,
          %mul3A_659 = arith.constant 16 : i32
          %mul3A_660 = arith.muli %while3A_400, %mul3A_659 : i32
          %add3A_661 = vector.broadcast %mul3A_660 : i32 to vector<16xi32>
          %add3A_662 = arith.addi %add3A_661, %iota3A : vector<16xi32>
          %broadcast_in_dim3A_663 = arith.constant 27 : i32
          %broadcast_in_dim3A_664 = vector.broadcast %broadcast_in_dim3A_663 : i32 to vector<16xi32>
          tpu.vector_store_idx %arg11[%add3A_662, %broadcast_in_dim3A_664], %gather3A_658 : memref<128x128xf32, #tpu.memory_space<vmem>>[vector<16xi32>, vector<16xi32>], vector<16xf32>,
          %broadcast_in_dim3A_665 = arith.constant 28 : i32
          %broadcast_in_dim3A_666 = vector.broadcast %broadcast_in_dim3A_665 : i32 to vector<16xi32>
          %gather3A_667 = tpu.vector_load_idx %arg9[%broadcast_in_dim3A_666, %min3A_414] : memref<32x1024xf32, #tpu.memory_space<vmem>>[vector<16xi32>, vector<16xi32>], vector<16xf32>,
          %mul3A_668 = arith.constant 16 : i32
          %mul3A_669 = arith.muli %while3A_400, %mul3A_668 : i32
          %add3A_670 = vector.broadcast %mul3A_669 : i32 to vector<16xi32>
          %add3A_671 = arith.addi %add3A_670, %iota3A : vector<16xi32>
          %broadcast_in_dim3A_672 = arith.constant 28 : i32
          %broadcast_in_dim3A_673 = vector.broadcast %broadcast_in_dim3A_672 : i32 to vector<16xi32>
          tpu.vector_store_idx %arg11[%add3A_671, %broadcast_in_dim3A_673], %gather3A_667 : memref<128x128xf32, #tpu.memory_space<vmem>>[vector<16xi32>, vector<16xi32>], vector<16xf32>,
          %broadcast_in_dim3A_674 = arith.constant 29 : i32
          %broadcast_in_dim3A_675 = vector.broadcast %broadcast_in_dim3A_674 : i32 to vector<16xi32>
          %gather3A_676 = tpu.vector_load_idx %arg9[%broadcast_in_dim3A_675, %min3A_414] : memref<32x1024xf32, #tpu.memory_space<vmem>>[vector<16xi32>, vector<16xi32>], vector<16xf32>,
          %mul3A_677 = arith.constant 16 : i32
          %mul3A_678 = arith.muli %while3A_400, %mul3A_677 : i32
          %add3A_679 = vector.broadcast %mul3A_678 : i32 to vector<16xi32>
          %add3A_680 = arith.addi %add3A_679, %iota3A : vector<16xi32>
          %broadcast_in_dim3A_681 = arith.constant 29 : i32
          %broadcast_in_dim3A_682 = vector.broadcast %broadcast_in_dim3A_681 : i32 to vector<16xi32>
          tpu.vector_store_idx %arg11[%add3A_680, %broadcast_in_dim3A_682], %gather3A_676 : memref<128x128xf32, #tpu.memory_space<vmem>>[vector<16xi32>, vector<16xi32>], vector<16xf32>,
          %broadcast_in_dim3A_683 = arith.constant 30 : i32
          %broadcast_in_dim3A_684 = vector.broadcast %broadcast_in_dim3A_683 : i32 to vector<16xi32>
          %gather3A_685 = tpu.vector_load_idx %arg9[%broadcast_in_dim3A_684, %min3A_414] : memref<32x1024xf32, #tpu.memory_space<vmem>>[vector<16xi32>, vector<16xi32>], vector<16xf32>,
          %mul3A_686 = arith.constant 16 : i32
          %mul3A_687 = arith.muli %while3A_400, %mul3A_686 : i32
          %add3A_688 = vector.broadcast %mul3A_687 : i32 to vector<16xi32>
          %add3A_689 = arith.addi %add3A_688, %iota3A : vector<16xi32>
          %broadcast_in_dim3A_690 = arith.constant 30 : i32
          %broadcast_in_dim3A_691 = vector.broadcast %broadcast_in_dim3A_690 : i32 to vector<16xi32>
          tpu.vector_store_idx %arg11[%add3A_689, %broadcast_in_dim3A_691], %gather3A_685 : memref<128x128xf32, #tpu.memory_space<vmem>>[vector<16xi32>, vector<16xi32>], vector<16xf32>,
          %broadcast_in_dim3A_692 = arith.constant 31 : i32
          %broadcast_in_dim3A_693 = vector.broadcast %broadcast_in_dim3A_692 : i32 to vector<16xi32>
          %gather3A_694 = tpu.vector_load_idx %arg9[%broadcast_in_dim3A_693, %min3A_414] : memref<32x1024xf32, #tpu.memory_space<vmem>>[vector<16xi32>, vector<16xi32>], vector<16xf32>,
          %mul3A_695 = arith.constant 16 : i32
          %mul3A_696 = arith.muli %while3A_400, %mul3A_695 : i32
          %add3A_697 = vector.broadcast %mul3A_696 : i32 to vector<16xi32>
          %add3A_698 = arith.addi %add3A_697, %iota3A : vector<16xi32>
          %broadcast_in_dim3A_699 = arith.constant 31 : i32
          %broadcast_in_dim3A_700 = vector.broadcast %broadcast_in_dim3A_699 : i32 to vector<16xi32>
          tpu.vector_store_idx %arg11[%add3A_698, %broadcast_in_dim3A_700], %gather3A_694 : memref<128x128xf32, #tpu.memory_space<vmem>>[vector<16xi32>, vector<16xi32>], vector<16xf32>,
        }
        %while3A_389 = arith.constant 1 : i32
        scf.for %while3A_400 = %while3A_387 to %while3A_383 step %while3A_389  : i32 {
          %mul3A_401 = arith.constant 16 : i32
          %mul3A_402 = arith.muli %while3A_400, %mul3A_401 : i32
          %get3A = arith.index_cast %mul3A_402 : i32 to index
          %get3A_403 = tpu.vector_load %arg12[%get3A] {strides = array<i32>} : memref<128xi32, #tpu.memory_space<vmem>>, vector<16xi32>,
          %mul3A_404 = arith.constant 16 : i32
          %mul3A_405 = arith.muli %while3A_400, %mul3A_404 : i32
          %get3A_406 = arith.index_cast %mul3A_405 : i32 to index
          %get3A_407 = tpu.vector_load %arg13[%get3A_406] {strides = array<i32>} : memref<128xi32, #tpu.memory_space<vmem>>, vector<16xi32>,
          %sub3A_408 = vector.broadcast %min3A_379 : i32 to vector<16xi32>
          %sub3A_409 = arith.subi %get3A_403, %sub3A_408 : vector<16xi32>
          %jit3A_410 = arith.constant 0 : i32
          %jit3A_411 = arith.constant 1023 : i32
          %max3A = vector.broadcast %jit3A_410 : i32 to vector<16xi32>
          %max3A_412 = arith.maxsi %max3A, %sub3A_409 : vector<16xi32>
          %min3A_413 = vector.broadcast %jit3A_411 : i32 to vector<16xi32>
          %min3A_414 = arith.minsi %min3A_413, %max3A_412 : vector<16xi32>
          %broadcast_in_dim3A = arith.constant 0 : i32
          %broadcast_in_dim3A_415 = vector.broadcast %broadcast_in_dim3A : i32 to vector<16xi32>
          %gather3A = tpu.vector_load_idx %arg9[%broadcast_in_dim3A_415, %min3A_414] : memref<32x1024xf32, #tpu.memory_space<vmem>>[vector<16xi32>, vector<16xi32>], vector<16xf32>,
          %mul3A_416 = arith.constant 16 : i32
          %mul3A_417 = arith.muli %while3A_400, %mul3A_416 : i32
          %add3A_418 = vector.broadcast %mul3A_417 : i32 to vector<16xi32>
          %add3A_419 = arith.addi %add3A_418, %iota3A : vector<16xi32>
          %broadcast_in_dim3A_420 = arith.constant 0 : i32
          %broadcast_in_dim3A_421 = vector.broadcast %broadcast_in_dim3A_420 : i32 to vector<16xi32>
          tpu.vector_store_idx %arg11[%add3A_419, %broadcast_in_dim3A_421], %gather3A : memref<128x128xf32, #tpu.memory_space<vmem>>[vector<16xi32>, vector<16xi32>], vector<16xf32>,
          %broadcast_in_dim3A_422 = arith.constant 1 : i32
          %broadcast_in_dim3A_423 = vector.broadcast %broadcast_in_dim3A_422 : i32 to vector<16xi32>
          %gather3A_424 = tpu.vector_load_idx %arg9[%broadcast_in_dim3A_423, %min3A_414] : memref<32x1024xf32, #tpu.memory_space<vmem>>[vector<16xi32>, vector<16xi32>], vector<16xf32>,
          %mul3A_425 = arith.constant 16 : i32
          %mul3A_426 = arith.muli %while3A_400, %mul3A_425 : i32
          %add3A_427 = vector.broadcast %mul3A_426 : i32 to vector<16xi32>
          %add3A_428 = arith.addi %add3A_427, %iota3A : vector<16xi32>
          %broadcast_in_dim3A_429 = arith.constant 1 : i32
          %broadcast_in_dim3A_430 = vector.broadcast %broadcast_in_dim3A_429 : i32 to vector<16xi32>
          tpu.vector_store_idx %arg11[%add3A_428, %broadcast_in_dim3A_430], %gather3A_424 : memref<128x128xf32, #tpu.memory_space<vmem>>[vector<16xi32>, vector<16xi32>], vector<16xf32>,
          %broadcast_in_dim3A_431 = arith.constant 2 : i32
          %broadcast_in_dim3A_432 = vector.broadcast %broadcast_in_dim3A_431 : i32 to vector<16xi32>
          %gather3A_433 = tpu.vector_load_idx %arg9[%broadcast_in_dim3A_432, %min3A_414] : memref<32x1024xf32, #tpu.memory_space<vmem>>[vector<16xi32>, vector<16xi32>], vector<16xf32>,
          %mul3A_434 = arith.constant 16 : i32
          %mul3A_435 = arith.muli %while3A_400, %mul3A_434 : i32
          %add3A_436 = vector.broadcast %mul3A_435 : i32 to vector<16xi32>
          %add3A_437 = arith.addi %add3A_436, %iota3A : vector<16xi32>
          %broadcast_in_dim3A_438 = arith.constant 2 : i32
          %broadcast_in_dim3A_439 = vector.broadcast %broadcast_in_dim3A_438 : i32 to vector<16xi32>
          tpu.vector_store_idx %arg11[%add3A_437, %broadcast_in_dim3A_439], %gather3A_433 : memref<128x128xf32, #tpu.memory_space<vmem>>[vector<16xi32>, vector<16xi32>], vector<16xf32>,
          %broadcast_in_dim3A_440 = arith.constant 3 : i32
          %broadcast_in_dim3A_441 = vector.broadcast %broadcast_in_dim3A_440 : i32 to vector<16xi32>
          %gather3A_442 = tpu.vector_load_idx %arg9[%broadcast_in_dim3A_441, %min3A_414] : memref<32x1024xf32, #tpu.memory_space<vmem>>[vector<16xi32>, vector<16xi32>], vector<16xf32>,
          %mul3A_443 = arith.constant 16 : i32
          %mul3A_444 = arith.muli %while3A_400, %mul3A_443 : i32
          %add3A_445 = vector.broadcast %mul3A_444 : i32 to vector<16xi32>
          %add3A_446 = arith.addi %add3A_445, %iota3A : vector<16xi32>
          %broadcast_in_dim3A_447 = arith.constant 3 : i32
          %broadcast_in_dim3A_448 = vector.broadcast %broadcast_in_dim3A_447 : i32 to vector<16xi32>
          tpu.vector_store_idx %arg11[%add3A_446, %broadcast_in_dim3A_448], %gather3A_442 : memref<128x128xf32, #tpu.memory_space<vmem>>[vector<16xi32>, vector<16xi32>], vector<16xf32>,
          %broadcast_in_dim3A_449 = arith.constant 4 : i32
          %broadcast_in_dim3A_450 = vector.broadcast %broadcast_in_dim3A_449 : i32 to vector<16xi32>
          %gather3A_451 = tpu.vector_load_idx %arg9[%broadcast_in_dim3A_450, %min3A_414] : memref<32x1024xf32, #tpu.memory_space<vmem>>[vector<16xi32>, vector<16xi32>], vector<16xf32>,
          %mul3A_452 = arith.constant 16 : i32
          %mul3A_453 = arith.muli %while3A_400, %mul3A_452 : i32
          %add3A_454 = vector.broadcast %mul3A_453 : i32 to vector<16xi32>
          %add3A_455 = arith.addi %add3A_454, %iota3A : vector<16xi32>
          %broadcast_in_dim3A_456 = arith.constant 4 : i32
          %broadcast_in_dim3A_457 = vector.broadcast %broadcast_in_dim3A_456 : i32 to vector<16xi32>
          tpu.vector_store_idx %arg11[%add3A_455, %broadcast_in_dim3A_457], %gather3A_451 : memref<128x128xf32, #tpu.memory_space<vmem>>[vector<16xi32>, vector<16xi32>], vector<16xf32>,
          %broadcast_in_dim3A_458 = arith.constant 5 : i32
          %broadcast_in_dim3A_459 = vector.broadcast %broadcast_in_dim3A_458 : i32 to vector<16xi32>
          %gather3A_460 = tpu.vector_load_idx %arg9[%broadcast_in_dim3A_459, %min3A_414] : memref<32x1024xf32, #tpu.memory_space<vmem>>[vector<16xi32>, vector<16xi32>], vector<16xf32>,
          %mul3A_461 = arith.constant 16 : i32
          %mul3A_462 = arith.muli %while3A_400, %mul3A_461 : i32
          %add3A_463 = vector.broadcast %mul3A_462 : i32 to vector<16xi32>
          %add3A_464 = arith.addi %add3A_463, %iota3A : vector<16xi32>
          %broadcast_in_dim3A_465 = arith.constant 5 : i32
          %broadcast_in_dim3A_466 = vector.broadcast %broadcast_in_dim3A_465 : i32 to vector<16xi32>
          tpu.vector_store_idx %arg11[%add3A_464, %broadcast_in_dim3A_466], %gather3A_460 : memref<128x128xf32, #tpu.memory_space<vmem>>[vector<16xi32>, vector<16xi32>], vector<16xf32>,
          %broadcast_in_dim3A_467 = arith.constant 6 : i32
          %broadcast_in_dim3A_468 = vector.broadcast %broadcast_in_dim3A_467 : i32 to vector<16xi32>
          %gather3A_469 = tpu.vector_load_idx %arg9[%broadcast_in_dim3A_468, %min3A_414] : memref<32x1024xf32, #tpu.memory_space<vmem>>[vector<16xi32>, vector<16xi32>], vector<16xf32>,
          %mul3A_470 = arith.constant 16 : i32
          %mul3A_471 = arith.muli %while3A_400, %mul3A_470 : i32
          %add3A_472 = vector.broadcast %mul3A_471 : i32 to vector<16xi32>
          %add3A_473 = arith.addi %add3A_472, %iota3A : vector<16xi32>
          %broadcast_in_dim3A_474 = arith.constant 6 : i32
          %broadcast_in_dim3A_475 = vector.broadcast %broadcast_in_dim3A_474 : i32 to vector<16xi32>
          tpu.vector_store_idx %arg11[%add3A_473, %broadcast_in_dim3A_475], %gather3A_469 : memref<128x128xf32, #tpu.memory_space<vmem>>[vector<16xi32>, vector<16xi32>], vector<16xf32>,
          %broadcast_in_dim3A_476 = arith.constant 7 : i32
          %broadcast_in_dim3A_477 = vector.broadcast %broadcast_in_dim3A_476 : i32 to vector<16xi32>
          %gather3A_478 = tpu.vector_load_idx %arg9[%broadcast_in_dim3A_477, %min3A_414] : memref<32x1024xf32, #tpu.memory_space<vmem>>[vector<16xi32>, vector<16xi32>], vector<16xf32>,
          %mul3A_479 = arith.constant 16 : i32
          %mul3A_480 = arith.muli %while3A_400, %mul3A_479 : i32
          %add3A_481 = vector.broadcast %mul3A_480 : i32 to vector<16xi32>
          %add3A_482 = arith.addi %add3A_481, %iota3A : vector<16xi32>
          %broadcast_in_dim3A_483 = arith.constant 7 : i32
          %broadcast_in_dim3A_484 = vector.broadcast %broadcast_in_dim3A_483 : i32 to vector<16xi32>
          tpu.vector_store_idx %arg11[%add3A_482, %broadcast_in_dim3A_484], %gather3A_478 : memref<128x128xf32, #tpu.memory_space<vmem>>[vector<16xi32>, vector<16xi32>], vector<16xf32>,
          %broadcast_in_dim3A_485 = arith.constant 8 : i32
          %broadcast_in_dim3A_486 = vector.broadcast %broadcast_in_dim3A_485 : i32 to vector<16xi32>
          %gather3A_487 = tpu.vector_load_idx %arg9[%broadcast_in_dim3A_486, %min3A_414] : memref<32x1024xf32, #tpu.memory_space<vmem>>[vector<16xi32>, vector<16xi32>], vector<16xf32>,
          %mul3A_488 = arith.constant 16 : i32
          %mul3A_489 = arith.muli %while3A_400, %mul3A_488 : i32
          %add3A_490 = vector.broadcast %mul3A_489 : i32 to vector<16xi32>
          %add3A_491 = arith.addi %add3A_490, %iota3A : vector<16xi32>
          %broadcast_in_dim3A_492 = arith.constant 8 : i32
          %broadcast_in_dim3A_493 = vector.broadcast %broadcast_in_dim3A_492 : i32 to vector<16xi32>
          tpu.vector_store_idx %arg11[%add3A_491, %broadcast_in_dim3A_493], %gather3A_487 : memref<128x128xf32, #tpu.memory_space<vmem>>[vector<16xi32>, vector<16xi32>], vector<16xf32>,
          %broadcast_in_dim3A_494 = arith.constant 9 : i32
          %broadcast_in_dim3A_495 = vector.broadcast %broadcast_in_dim3A_494 : i32 to vector<16xi32>
          %gather3A_496 = tpu.vector_load_idx %arg9[%broadcast_in_dim3A_495, %min3A_414] : memref<32x1024xf32, #tpu.memory_space<vmem>>[vector<16xi32>, vector<16xi32>], vector<16xf32>,
          %mul3A_497 = arith.constant 16 : i32
          %mul3A_498 = arith.muli %while3A_400, %mul3A_497 : i32
          %add3A_499 = vector.broadcast %mul3A_498 : i32 to vector<16xi32>
          %add3A_500 = arith.addi %add3A_499, %iota3A : vector<16xi32>
          %broadcast_in_dim3A_501 = arith.constant 9 : i32
          %broadcast_in_dim3A_502 = vector.broadcast %broadcast_in_dim3A_501 : i32 to vector<16xi32>
          tpu.vector_store_idx %arg11[%add3A_500, %broadcast_in_dim3A_502], %gather3A_496 : memref<128x128xf32, #tpu.memory_space<vmem>>[vector<16xi32>, vector<16xi32>], vector<16xf32>,
          %broadcast_in_dim3A_503 = arith.constant 10 : i32
          %broadcast_in_dim3A_504 = vector.broadcast %broadcast_in_dim3A_503 : i32 to vector<16xi32>
          %gather3A_505 = tpu.vector_load_idx %arg9[%broadcast_in_dim3A_504, %min3A_414] : memref<32x1024xf32, #tpu.memory_space<vmem>>[vector<16xi32>, vector<16xi32>], vector<16xf32>,
          %mul3A_506 = arith.constant 16 : i32
          %mul3A_507 = arith.muli %while3A_400, %mul3A_506 : i32
          %add3A_508 = vector.broadcast %mul3A_507 : i32 to vector<16xi32>
          %add3A_509 = arith.addi %add3A_508, %iota3A : vector<16xi32>
          %broadcast_in_dim3A_510 = arith.constant 10 : i32
          %broadcast_in_dim3A_511 = vector.broadcast %broadcast_in_dim3A_510 : i32 to vector<16xi32>
          tpu.vector_store_idx %arg11[%add3A_509, %broadcast_in_dim3A_511], %gather3A_505 : memref<128x128xf32, #tpu.memory_space<vmem>>[vector<16xi32>, vector<16xi32>], vector<16xf32>,
          %broadcast_in_dim3A_512 = arith.constant 11 : i32
          %broadcast_in_dim3A_513 = vector.broadcast %broadcast_in_dim3A_512 : i32 to vector<16xi32>
          %gather3A_514 = tpu.vector_load_idx %arg9[%broadcast_in_dim3A_513, %min3A_414] : memref<32x1024xf32, #tpu.memory_space<vmem>>[vector<16xi32>, vector<16xi32>], vector<16xf32>,
          %mul3A_515 = arith.constant 16 : i32
          %mul3A_516 = arith.muli %while3A_400, %mul3A_515 : i32
          %add3A_517 = vector.broadcast %mul3A_516 : i32 to vector<16xi32>
          %add3A_518 = arith.addi %add3A_517, %iota3A : vector<16xi32>
          %broadcast_in_dim3A_519 = arith.constant 11 : i32
          %broadcast_in_dim3A_520 = vector.broadcast %broadcast_in_dim3A_519 : i32 to vector<16xi32>
          tpu.vector_store_idx %arg11[%add3A_518, %broadcast_in_dim3A_520], %gather3A_514 : memref<128x128xf32, #tpu.memory_space<vmem>>[vector<16xi32>, vector<16xi32>], vector<16xf32>,
          %broadcast_in_dim3A_521 = arith.constant 12 : i32
          %broadcast_in_dim3A_522 = vector.broadcast %broadcast_in_dim3A_521 : i32 to vector<16xi32>
          %gather3A_523 = tpu.vector_load_idx %arg9[%broadcast_in_dim3A_522, %min3A_414] : memref<32x1024xf32, #tpu.memory_space<vmem>>[vector<16xi32>, vector<16xi32>], vector<16xf32>,
          %mul3A_524 = arith.constant 16 : i32
          %mul3A_525 = arith.muli %while3A_400, %mul3A_524 : i32
          %add3A_526 = vector.broadcast %mul3A_525 : i32 to vector<16xi32>
          %add3A_527 = arith.addi %add3A_526, %iota3A : vector<16xi32>
          %broadcast_in_dim3A_528 = arith.constant 12 : i32
          %broadcast_in_dim3A_529 = vector.broadcast %broadcast_in_dim3A_528 : i32 to vector<16xi32>
          tpu.vector_store_idx %arg11[%add3A_527, %broadcast_in_dim3A_529], %gather3A_523 : memref<128x128xf32, #tpu.memory_space<vmem>>[vector<16xi32>, vector<16xi32>], vector<16xf32>,
          %broadcast_in_dim3A_530 = arith.constant 13 : i32
          %broadcast_in_dim3A_531 = vector.broadcast %broadcast_in_dim3A_530 : i32 to vector<16xi32>
          %gather3A_532 = tpu.vector_load_idx %arg9[%broadcast_in_dim3A_531, %min3A_414] : memref<32x1024xf32, #tpu.memory_space<vmem>>[vector<16xi32>, vector<16xi32>], vector<16xf32>,
          %mul3A_533 = arith.constant 16 : i32
          %mul3A_534 = arith.muli %while3A_400, %mul3A_533 : i32
          %add3A_535 = vector.broadcast %mul3A_534 : i32 to vector<16xi32>
          %add3A_536 = arith.addi %add3A_535, %iota3A : vector<16xi32>
          %broadcast_in_dim3A_537 = arith.constant 13 : i32
          %broadcast_in_dim3A_538 = vector.broadcast %broadcast_in_dim3A_537 : i32 to vector<16xi32>
          tpu.vector_store_idx %arg11[%add3A_536, %broadcast_in_dim3A_538], %gather3A_532 : memref<128x128xf32, #tpu.memory_space<vmem>>[vector<16xi32>, vector<16xi32>], vector<16xf32>,
          %broadcast_in_dim3A_539 = arith.constant 14 : i32
          %broadcast_in_dim3A_540 = vector.broadcast %broadcast_in_dim3A_539 : i32 to vector<16xi32>
          %gather3A_541 = tpu.vector_load_idx %arg9[%broadcast_in_dim3A_540, %min3A_414] : memref<32x1024xf32, #tpu.memory_space<vmem>>[vector<16xi32>, vector<16xi32>], vector<16xf32>,
          %mul3A_542 = arith.constant 16 : i32
          %mul3A_543 = arith.muli %while3A_400, %mul3A_542 : i32
          %add3A_544 = vector.broadcast %mul3A_543 : i32 to vector<16xi32>
          %add3A_545 = arith.addi %add3A_544, %iota3A : vector<16xi32>
          %broadcast_in_dim3A_546 = arith.constant 14 : i32
          %broadcast_in_dim3A_547 = vector.broadcast %broadcast_in_dim3A_546 : i32 to vector<16xi32>
          tpu.vector_store_idx %arg11[%add3A_545, %broadcast_in_dim3A_547], %gather3A_541 : memref<128x128xf32, #tpu.memory_space<vmem>>[vector<16xi32>, vector<16xi32>], vector<16xf32>,
          %broadcast_in_dim3A_548 = arith.constant 15 : i32
          %broadcast_in_dim3A_549 = vector.broadcast %broadcast_in_dim3A_548 : i32 to vector<16xi32>
          %gather3A_550 = tpu.vector_load_idx %arg9[%broadcast_in_dim3A_549, %min3A_414] : memref<32x1024xf32, #tpu.memory_space<vmem>>[vector<16xi32>, vector<16xi32>], vector<16xf32>,
          %mul3A_551 = arith.constant 16 : i32
          %mul3A_552 = arith.muli %while3A_400, %mul3A_551 : i32
          %add3A_553 = vector.broadcast %mul3A_552 : i32 to vector<16xi32>
          %add3A_554 = arith.addi %add3A_553, %iota3A : vector<16xi32>
          %broadcast_in_dim3A_555 = arith.constant 15 : i32
          %broadcast_in_dim3A_556 = vector.broadcast %broadcast_in_dim3A_555 : i32 to vector<16xi32>
          tpu.vector_store_idx %arg11[%add3A_554, %broadcast_in_dim3A_556], %gather3A_550 : memref<128x128xf32, #tpu.memory_space<vmem>>[vector<16xi32>, vector<16xi32>], vector<16xf32>,
          %broadcast_in_dim3A_557 = arith.constant 16 : i32
          %broadcast_in_dim3A_558 = vector.broadcast %broadcast_in_dim3A_557 : i32 to vector<16xi32>
          %gather3A_559 = tpu.vector_load_idx %arg9[%broadcast_in_dim3A_558, %min3A_414] : memref<32x1024xf32, #tpu.memory_space<vmem>>[vector<16xi32>, vector<16xi32>], vector<16xf32>,
          %mul3A_560 = arith.constant 16 : i32
          %mul3A_561 = arith.muli %while3A_400, %mul3A_560 : i32
          %add3A_562 = vector.broadcast %mul3A_561 : i32 to vector<16xi32>
          %add3A_563 = arith.addi %add3A_562, %iota3A : vector<16xi32>
          %broadcast_in_dim3A_564 = arith.constant 16 : i32
          %broadcast_in_dim3A_565 = vector.broadcast %broadcast_in_dim3A_564 : i32 to vector<16xi32>
          tpu.vector_store_idx %arg11[%add3A_563, %broadcast_in_dim3A_565], %gather3A_559 : memref<128x128xf32, #tpu.memory_space<vmem>>[vector<16xi32>, vector<16xi32>], vector<16xf32>,
          %broadcast_in_dim3A_566 = arith.constant 17 : i32
          %broadcast_in_dim3A_567 = vector.broadcast %broadcast_in_dim3A_566 : i32 to vector<16xi32>
          %gather3A_568 = tpu.vector_load_idx %arg9[%broadcast_in_dim3A_567, %min3A_414] : memref<32x1024xf32, #tpu.memory_space<vmem>>[vector<16xi32>, vector<16xi32>], vector<16xf32>,
          %mul3A_569 = arith.constant 16 : i32
          %mul3A_570 = arith.muli %while3A_400, %mul3A_569 : i32
          %add3A_571 = vector.broadcast %mul3A_570 : i32 to vector<16xi32>
          %add3A_572 = arith.addi %add3A_571, %iota3A : vector<16xi32>
          %broadcast_in_dim3A_573 = arith.constant 17 : i32
          %broadcast_in_dim3A_574 = vector.broadcast %broadcast_in_dim3A_573 : i32 to vector<16xi32>
          tpu.vector_store_idx %arg11[%add3A_572, %broadcast_in_dim3A_574], %gather3A_568 : memref<128x128xf32, #tpu.memory_space<vmem>>[vector<16xi32>, vector<16xi32>], vector<16xf32>,
          %broadcast_in_dim3A_575 = arith.constant 18 : i32
          %broadcast_in_dim3A_576 = vector.broadcast %broadcast_in_dim3A_575 : i32 to vector<16xi32>
          %gather3A_577 = tpu.vector_load_idx %arg9[%broadcast_in_dim3A_576, %min3A_414] : memref<32x1024xf32, #tpu.memory_space<vmem>>[vector<16xi32>, vector<16xi32>], vector<16xf32>,
          %mul3A_578 = arith.constant 16 : i32
          %mul3A_579 = arith.muli %while3A_400, %mul3A_578 : i32
          %add3A_580 = vector.broadcast %mul3A_579 : i32 to vector<16xi32>
          %add3A_581 = arith.addi %add3A_580, %iota3A : vector<16xi32>
          %broadcast_in_dim3A_582 = arith.constant 18 : i32
          %broadcast_in_dim3A_583 = vector.broadcast %broadcast_in_dim3A_582 : i32 to vector<16xi32>
          tpu.vector_store_idx %arg11[%add3A_581, %broadcast_in_dim3A_583], %gather3A_577 : memref<128x128xf32, #tpu.memory_space<vmem>>[vector<16xi32>, vector<16xi32>], vector<16xf32>,
          %broadcast_in_dim3A_584 = arith.constant 19 : i32
          %broadcast_in_dim3A_585 = vector.broadcast %broadcast_in_dim3A_584 : i32 to vector<16xi32>
          %gather3A_586 = tpu.vector_load_idx %arg9[%broadcast_in_dim3A_585, %min3A_414] : memref<32x1024xf32, #tpu.memory_space<vmem>>[vector<16xi32>, vector<16xi32>], vector<16xf32>,
          %mul3A_587 = arith.constant 16 : i32
          %mul3A_588 = arith.muli %while3A_400, %mul3A_587 : i32
          %add3A_589 = vector.broadcast %mul3A_588 : i32 to vector<16xi32>
          %add3A_590 = arith.addi %add3A_589, %iota3A : vector<16xi32>
          %broadcast_in_dim3A_591 = arith.constant 19 : i32
          %broadcast_in_dim3A_592 = vector.broadcast %broadcast_in_dim3A_591 : i32 to vector<16xi32>
          tpu.vector_store_idx %arg11[%add3A_590, %broadcast_in_dim3A_592], %gather3A_586 : memref<128x128xf32, #tpu.memory_space<vmem>>[vector<16xi32>, vector<16xi32>], vector<16xf32>,
          %broadcast_in_dim3A_593 = arith.constant 20 : i32
          %broadcast_in_dim3A_594 = vector.broadcast %broadcast_in_dim3A_593 : i32 to vector<16xi32>
          %gather3A_595 = tpu.vector_load_idx %arg9[%broadcast_in_dim3A_594, %min3A_414] : memref<32x1024xf32, #tpu.memory_space<vmem>>[vector<16xi32>, vector<16xi32>], vector<16xf32>,
          %mul3A_596 = arith.constant 16 : i32
          %mul3A_597 = arith.muli %while3A_400, %mul3A_596 : i32
          %add3A_598 = vector.broadcast %mul3A_597 : i32 to vector<16xi32>
          %add3A_599 = arith.addi %add3A_598, %iota3A : vector<16xi32>
          %broadcast_in_dim3A_600 = arith.constant 20 : i32
          %broadcast_in_dim3A_601 = vector.broadcast %broadcast_in_dim3A_600 : i32 to vector<16xi32>
          tpu.vector_store_idx %arg11[%add3A_599, %broadcast_in_dim3A_601], %gather3A_595 : memref<128x128xf32, #tpu.memory_space<vmem>>[vector<16xi32>, vector<16xi32>], vector<16xf32>,
          %broadcast_in_dim3A_602 = arith.constant 21 : i32
          %broadcast_in_dim3A_603 = vector.broadcast %broadcast_in_dim3A_602 : i32 to vector<16xi32>
          %gather3A_604 = tpu.vector_load_idx %arg9[%broadcast_in_dim3A_603, %min3A_414] : memref<32x1024xf32, #tpu.memory_space<vmem>>[vector<16xi32>, vector<16xi32>], vector<16xf32>,
          %mul3A_605 = arith.constant 16 : i32
          %mul3A_606 = arith.muli %while3A_400, %mul3A_605 : i32
          %add3A_607 = vector.broadcast %mul3A_606 : i32 to vector<16xi32>
          %add3A_608 = arith.addi %add3A_607, %iota3A : vector<16xi32>
          %broadcast_in_dim3A_609 = arith.constant 21 : i32
          %broadcast_in_dim3A_610 = vector.broadcast %broadcast_in_dim3A_609 : i32 to vector<16xi32>
          tpu.vector_store_idx %arg11[%add3A_608, %broadcast_in_dim3A_610], %gather3A_604 : memref<128x128xf32, #tpu.memory_space<vmem>>[vector<16xi32>, vector<16xi32>], vector<16xf32>,
          %broadcast_in_dim3A_611 = arith.constant 22 : i32
          %broadcast_in_dim3A_612 = vector.broadcast %broadcast_in_dim3A_611 : i32 to vector<16xi32>
          %gather3A_613 = tpu.vector_load_idx %arg9[%broadcast_in_dim3A_612, %min3A_414] : memref<32x1024xf32, #tpu.memory_space<vmem>>[vector<16xi32>, vector<16xi32>], vector<16xf32>,
          %mul3A_614 = arith.constant 16 : i32
          %mul3A_615 = arith.muli %while3A_400, %mul3A_614 : i32
          %add3A_616 = vector.broadcast %mul3A_615 : i32 to vector<16xi32>
          %add3A_617 = arith.addi %add3A_616, %iota3A : vector<16xi32>
          %broadcast_in_dim3A_618 = arith.constant 22 : i32
          %broadcast_in_dim3A_619 = vector.broadcast %broadcast_in_dim3A_618 : i32 to vector<16xi32>
          tpu.vector_store_idx %arg11[%add3A_617, %broadcast_in_dim3A_619], %gather3A_613 : memref<128x128xf32, #tpu.memory_space<vmem>>[vector<16xi32>, vector<16xi32>], vector<16xf32>,
          %broadcast_in_dim3A_620 = arith.constant 23 : i32
          %broadcast_in_dim3A_621 = vector.broadcast %broadcast_in_dim3A_620 : i32 to vector<16xi32>
          %gather3A_622 = tpu.vector_load_idx %arg9[%broadcast_in_dim3A_621, %min3A_414] : memref<32x1024xf32, #tpu.memory_space<vmem>>[vector<16xi32>, vector<16xi32>], vector<16xf32>,
          %mul3A_623 = arith.constant 16 : i32
          %mul3A_624 = arith.muli %while3A_400, %mul3A_623 : i32
          %add3A_625 = vector.broadcast %mul3A_624 : i32 to vector<16xi32>
          %add3A_626 = arith.addi %add3A_625, %iota3A : vector<16xi32>
          %broadcast_in_dim3A_627 = arith.constant 23 : i32
          %broadcast_in_dim3A_628 = vector.broadcast %broadcast_in_dim3A_627 : i32 to vector<16xi32>
          tpu.vector_store_idx %arg11[%add3A_626, %broadcast_in_dim3A_628], %gather3A_622 : memref<128x128xf32, #tpu.memory_space<vmem>>[vector<16xi32>, vector<16xi32>], vector<16xf32>,
          %broadcast_in_dim3A_629 = arith.constant 24 : i32
          %broadcast_in_dim3A_630 = vector.broadcast %broadcast_in_dim3A_629 : i32 to vector<16xi32>
          %gather3A_631 = tpu.vector_load_idx %arg9[%broadcast_in_dim3A_630, %min3A_414] : memref<32x1024xf32, #tpu.memory_space<vmem>>[vector<16xi32>, vector<16xi32>], vector<16xf32>,
          %mul3A_632 = arith.constant 16 : i32
          %mul3A_633 = arith.muli %while3A_400, %mul3A_632 : i32
          %add3A_634 = vector.broadcast %mul3A_633 : i32 to vector<16xi32>
          %add3A_635 = arith.addi %add3A_634, %iota3A : vector<16xi32>
          %broadcast_in_dim3A_636 = arith.constant 24 : i32
          %broadcast_in_dim3A_637 = vector.broadcast %broadcast_in_dim3A_636 : i32 to vector<16xi32>
          tpu.vector_store_idx %arg11[%add3A_635, %broadcast_in_dim3A_637], %gather3A_631 : memref<128x128xf32, #tpu.memory_space<vmem>>[vector<16xi32>, vector<16xi32>], vector<16xf32>,
          %broadcast_in_dim3A_638 = arith.constant 25 : i32
          %broadcast_in_dim3A_639 = vector.broadcast %broadcast_in_dim3A_638 : i32 to vector<16xi32>
          %gather3A_640 = tpu.vector_load_idx %arg9[%broadcast_in_dim3A_639, %min3A_414] : memref<32x1024xf32, #tpu.memory_space<vmem>>[vector<16xi32>, vector<16xi32>], vector<16xf32>,
          %mul3A_641 = arith.constant 16 : i32
          %mul3A_642 = arith.muli %while3A_400, %mul3A_641 : i32
          %add3A_643 = vector.broadcast %mul3A_642 : i32 to vector<16xi32>
          %add3A_644 = arith.addi %add3A_643, %iota3A : vector<16xi32>
          %broadcast_in_dim3A_645 = arith.constant 25 : i32
          %broadcast_in_dim3A_646 = vector.broadcast %broadcast_in_dim3A_645 : i32 to vector<16xi32>
          tpu.vector_store_idx %arg11[%add3A_644, %broadcast_in_dim3A_646], %gather3A_640 : memref<128x128xf32, #tpu.memory_space<vmem>>[vector<16xi32>, vector<16xi32>], vector<16xf32>,
          %broadcast_in_dim3A_647 = arith.constant 26 : i32
          %broadcast_in_dim3A_648 = vector.broadcast %broadcast_in_dim3A_647 : i32 to vector<16xi32>
          %gather3A_649 = tpu.vector_load_idx %arg9[%broadcast_in_dim3A_648, %min3A_414] : memref<32x1024xf32, #tpu.memory_space<vmem>>[vector<16xi32>, vector<16xi32>], vector<16xf32>,
          %mul3A_650 = arith.constant 16 : i32
          %mul3A_651 = arith.muli %while3A_400, %mul3A_650 : i32
          %add3A_652 = vector.broadcast %mul3A_651 : i32 to vector<16xi32>
          %add3A_653 = arith.addi %add3A_652, %iota3A : vector<16xi32>
          %broadcast_in_dim3A_654 = arith.constant 26 : i32
          %broadcast_in_dim3A_655 = vector.broadcast %broadcast_in_dim3A_654 : i32 to vector<16xi32>
          tpu.vector_store_idx %arg11[%add3A_653, %broadcast_in_dim3A_655], %gather3A_649 : memref<128x128xf32, #tpu.memory_space<vmem>>[vector<16xi32>, vector<16xi32>], vector<16xf32>,
          %broadcast_in_dim3A_656 = arith.constant 27 : i32
          %broadcast_in_dim3A_657 = vector.broadcast %broadcast_in_dim3A_656 : i32 to vector<16xi32>
          %gather3A_658 = tpu.vector_load_idx %arg9[%broadcast_in_dim3A_657, %min3A_414] : memref<32x1024xf32, #tpu.memory_space<vmem>>[vector<16xi32>, vector<16xi32>], vector<16xf32>,
          %mul3A_659 = arith.constant 16 : i32
          %mul3A_660 = arith.muli %while3A_400, %mul3A_659 : i32
          %add3A_661 = vector.broadcast %mul3A_660 : i32 to vector<16xi32>
          %add3A_662 = arith.addi %add3A_661, %iota3A : vector<16xi32>
          %broadcast_in_dim3A_663 = arith.constant 27 : i32
          %broadcast_in_dim3A_664 = vector.broadcast %broadcast_in_dim3A_663 : i32 to vector<16xi32>
          tpu.vector_store_idx %arg11[%add3A_662, %broadcast_in_dim3A_664], %gather3A_658 : memref<128x128xf32, #tpu.memory_space<vmem>>[vector<16xi32>, vector<16xi32>], vector<16xf32>,
          %broadcast_in_dim3A_665 = arith.constant 28 : i32
          %broadcast_in_dim3A_666 = vector.broadcast %broadcast_in_dim3A_665 : i32 to vector<16xi32>
          %gather3A_667 = tpu.vector_load_idx %arg9[%broadcast_in_dim3A_666, %min3A_414] : memref<32x1024xf32, #tpu.memory_space<vmem>>[vector<16xi32>, vector<16xi32>], vector<16xf32>,
          %mul3A_668 = arith.constant 16 : i32
          %mul3A_669 = arith.muli %while3A_400, %mul3A_668 : i32
          %add3A_670 = vector.broadcast %mul3A_669 : i32 to vector<16xi32>
          %add3A_671 = arith.addi %add3A_670, %iota3A : vector<16xi32>
          %broadcast_in_dim3A_672 = arith.constant 28 : i32
          %broadcast_in_dim3A_673 = vector.broadcast %broadcast_in_dim3A_672 : i32 to vector<16xi32>
          tpu.vector_store_idx %arg11[%add3A_671, %broadcast_in_dim3A_673], %gather3A_667 : memref<128x128xf32, #tpu.memory_space<vmem>>[vector<16xi32>, vector<16xi32>], vector<16xf32>,
          %broadcast_in_dim3A_674 = arith.constant 29 : i32
          %broadcast_in_dim3A_675 = vector.broadcast %broadcast_in_dim3A_674 : i32 to vector<16xi32>
          %gather3A_676 = tpu.vector_load_idx %arg9[%broadcast_in_dim3A_675, %min3A_414] : memref<32x1024xf32, #tpu.memory_space<vmem>>[vector<16xi32>, vector<16xi32>], vector<16xf32>,
          %mul3A_677 = arith.constant 16 : i32
          %mul3A_678 = arith.muli %while3A_400, %mul3A_677 : i32
          %add3A_679 = vector.broadcast %mul3A_678 : i32 to vector<16xi32>
          %add3A_680 = arith.addi %add3A_679, %iota3A : vector<16xi32>
          %broadcast_in_dim3A_681 = arith.constant 29 : i32
          %broadcast_in_dim3A_682 = vector.broadcast %broadcast_in_dim3A_681 : i32 to vector<16xi32>
          tpu.vector_store_idx %arg11[%add3A_680, %broadcast_in_dim3A_682], %gather3A_676 : memref<128x128xf32, #tpu.memory_space<vmem>>[vector<16xi32>, vector<16xi32>], vector<16xf32>,
          %broadcast_in_dim3A_683 = arith.constant 30 : i32
          %broadcast_in_dim3A_684 = vector.broadcast %broadcast_in_dim3A_683 : i32 to vector<16xi32>
          %gather3A_685 = tpu.vector_load_idx %arg9[%broadcast_in_dim3A_684, %min3A_414] : memref<32x1024xf32, #tpu.memory_space<vmem>>[vector<16xi32>, vector<16xi32>], vector<16xf32>,
          %mul3A_686 = arith.constant 16 : i32
          %mul3A_687 = arith.muli %while3A_400, %mul3A_686 : i32
          %add3A_688 = vector.broadcast %mul3A_687 : i32 to vector<16xi32>
          %add3A_689 = arith.addi %add3A_688, %iota3A : vector<16xi32>
          %broadcast_in_dim3A_690 = arith.constant 30 : i32
          %broadcast_in_dim3A_691 = vector.broadcast %broadcast_in_dim3A_690 : i32 to vector<16xi32>
          tpu.vector_store_idx %arg11[%add3A_689, %broadcast_in_dim3A_691], %gather3A_685 : memref<128x128xf32, #tpu.memory_space<vmem>>[vector<16xi32>, vector<16xi32>], vector<16xf32>,
          %broadcast_in_dim3A_692 = arith.constant 31 : i32
          %broadcast_in_dim3A_693 = vector.broadcast %broadcast_in_dim3A_692 : i32 to vector<16xi32>
          %gather3A_694 = tpu.vector_load_idx %arg9[%broadcast_in_dim3A_693, %min3A_414] : memref<32x1024xf32, #tpu.memory_space<vmem>>[vector<16xi32>, vector<16xi32>], vector<16xf32>,
          %mul3A_695 = arith.constant 16 : i32
          %mul3A_696 = arith.muli %while3A_400, %mul3A_695 : i32
          %add3A_697 = vector.broadcast %mul3A_696 : i32 to vector<16xi32>
          %add3A_698 = arith.addi %add3A_697, %iota3A : vector<16xi32>
          %broadcast_in_dim3A_699 = arith.constant 31 : i32
          %broadcast_in_dim3A_700 = vector.broadcast %broadcast_in_dim3A_699 : i32 to vector<16xi32>
          tpu.vector_store_idx %arg11[%add3A_698, %broadcast_in_dim3A_700], %gather3A_694 : memref<128x128xf32, #tpu.memory_space<vmem>>[vector<16xi32>, vector<16xi32>], vector<16xf32>,
        }
        %while3A_390 = arith.constant 0 : i32
        %while3A_391 = arith.constant 0 : i32
        %while3A_392 = arith.subi %min3A_280, %while3A_391 : i32
        %while3A_393 = arith.addi %while3A_391, %while3A_392 : i32
        %while3A_394 = arith.constant 1 : i32
        %while3A_395 = arith.divsi %while3A_392, %while3A_394 : i32
        %while3A_396 = arith.muli %while3A_395, %while3A_394 : i32
        %while3A_397 = arith.addi %while3A_391, %while3A_396 : i32
        %while3A_398 = arith.constant 1 : i32
        scf.for %while3A_400 = %while3A_391 to %while3A_397 step %while3A_398  : i32 {
          %mul3A_401 = arith.constant 16 : i32
          %mul3A_402 = arith.muli %while3A_400, %mul3A_401 : i32
          %mul3A_403 = arith.constant 16 : i32
          %mul3A_404 = arith.muli %while3A_400, %mul3A_403 : i32
          %get3A = arith.index_cast %mul3A_404 : i32 to index
          %get3A_405 = tpu.vector_load %arg13[%get3A] {strides = array<i32>} : memref<128xi32, #tpu.memory_space<vmem>>, vector<16xi32>,
          %dma_start3A_406 = arith.constant 0 : i32
          %dma_start3A_407 = tpu.memref_slice %arg11[%mul3A_402, %dma_start3A_406] : memref<128x128xf32, #tpu.memory_space<vmem>> -> memref<16x128xf32, #tpu.memory_space<vmem>>
          %dma_start3A_408 = arith.constant 0 : i32
          %dma_start3A_409 = arith.constant 0 : i32
          %dma_start3A_410 = tpu.memref_slice %arg4[%dma_start3A_408, %dma_start3A_409] : memref<32784x128xf32, #tpu.memory_space<hbm>> -> memref<32784x128xf32, #tpu.memory_space<hbm>>
          tpu.enqueue_indirect_dma source(%dma_start3A_407 : memref<16x128xf32, #tpu.memory_space<vmem>>) target(%dma_start3A_410 : memref<32784x128xf32, #tpu.memory_space<hbm>>) offsets(%get3A_405 : vector<16xi32>) semaphore(%arg18 : memref<!tpu.dma_semaphore, #tpu.memory_space<semaphore_mem>>)
        }
        %while3A_399 = arith.constant 1 : i32
        scf.for %while3A_400 = %while3A_397 to %while3A_393 step %while3A_399  : i32 {
          %mul3A_401 = arith.constant 16 : i32
          %mul3A_402 = arith.muli %while3A_400, %mul3A_401 : i32
          %mul3A_403 = arith.constant 16 : i32
          %mul3A_404 = arith.muli %while3A_400, %mul3A_403 : i32
          %get3A = arith.index_cast %mul3A_404 : i32 to index
          %get3A_405 = tpu.vector_load %arg13[%get3A] {strides = array<i32>} : memref<128xi32, #tpu.memory_space<vmem>>, vector<16xi32>,
          %dma_start3A_406 = arith.constant 0 : i32
          %dma_start3A_407 = tpu.memref_slice %arg11[%mul3A_402, %dma_start3A_406] : memref<128x128xf32, #tpu.memory_space<vmem>> -> memref<16x128xf32, #tpu.memory_space<vmem>>
          %dma_start3A_408 = arith.constant 0 : i32
          %dma_start3A_409 = arith.constant 0 : i32
          %dma_start3A_410 = tpu.memref_slice %arg4[%dma_start3A_408, %dma_start3A_409] : memref<32784x128xf32, #tpu.memory_space<hbm>> -> memref<32784x128xf32, #tpu.memory_space<hbm>>
          tpu.enqueue_indirect_dma source(%dma_start3A_407 : memref<16x128xf32, #tpu.memory_space<vmem>>) target(%dma_start3A_410 : memref<32784x128xf32, #tpu.memory_space<hbm>>) offsets(%get3A_405 : vector<16xi32>) semaphore(%arg18 : memref<!tpu.dma_semaphore, #tpu.memory_space<semaphore_mem>>)
        }
      } else {
      }
      %add3A_319 = arith.constant 2 : i32
      %add3A_320 = arith.addi %scan3A_190, %add3A_319 : i32
      %lt3A_321 = arith.constant 32 : i32
      %lt3A_322 = arith.cmpi slt, %add3A_320, %lt3A_321 : i32
      %jit3A_323 = arith.constant 2 : i32
      %eq3A_324 = arith.constant 0 : i32
      %eq3A_325 = arith.cmpi eq, %jit3A_323, %eq3A_324 : i32
      %jit3A_326 = arith.constant 1 : i32
      %select_n3A_327 = arith.select %eq3A_325, %jit3A_326, %jit3A_323 : i32
      %rem3A_328 = arith.remsi %add3A_320, %select_n3A_327 : i32
      %ne3A_329 = arith.constant 0 : i32
      %ne3A_330 = arith.cmpi ne, %rem3A_328, %ne3A_329 : i32
      %lt3A_331 = arith.constant 0 : i32
      %lt3A_332 = arith.cmpi slt, %rem3A_328, %lt3A_331 : i32
      %lt3A_333 = arith.constant 0 : i32
      %lt3A_334 = arith.cmpi slt, %select_n3A_327, %lt3A_333 : i32
      %ne3A_335 = arith.xori %lt3A_332, %lt3A_334 : i1
      %and3A_336 = arith.andi %ne3A_335, %ne3A_330 : i1
      %add3A_337 = arith.addi %rem3A_328, %select_n3A_327 : i32
      %select_n3A_338 = arith.select %and3A_336, %add3A_337, %rem3A_328 : i32
      %eq3A_339 = arith.constant 0 : i32
      %eq3A_340 = arith.cmpi eq, %select_n3A_338, %eq3A_339 : i32
      %and3A_341 = arith.andi %lt3A_322, %eq3A_340 : i1
      %convert_element_type3A_342 = arith.extui %and3A_341 : i1 to i32
      %cond3A_343 = arith.constant 0 : i32
      %cond3A_344 = arith.cmpi ne, %convert_element_type3A_342, %cond3A_343 : i32
      scf.if %cond3A_344 {
        %mul3A_369 = arith.constant 1024 : i32
        %mul3A_370 = arith.muli %add3A_320, %mul3A_369 : i32
        %add3A_371 = arith.addi %mul3A_2, %mul3A_370 : i32
        %min3A_372 = arith.constant 998912 : i32
        %min3A_373 = arith.minsi %add3A_371, %min3A_372 : i32
        %dma_start3A_374 = arith.constant 0 : i32
        %dma_start3A_375 = tpu.memref_slice %arg2[%dma_start3A_374, %min3A_373] : memref<32x1000000xf32, #tpu.memory_space<hbm>> -> memref<32x1024xf32, #tpu.memory_space<hbm>>
        %dma_start3A_376 = arith.constant 0 : i32
        %dma_start3A_377 = tpu.memref_slice %arg2[%dma_start3A_376, %min3A_373] : memref<32x1000000xf32, #tpu.memory_space<hbm>> -> memref<32x1024xf32, #tpu.memory_space<hbm>>
        tpu.enqueue_dma source(%dma_start3A_377 : memref<32x1024xf32, #tpu.memory_space<hbm>>) target(%arg8 : memref<32x1024xf32, #tpu.memory_space<vmem>>) target_semaphore(%arg15 : memref<!tpu.dma_semaphore, #tpu.memory_space<semaphore_mem>>)
      } else {
      }
      %lt3A_345 = arith.constant 32 : i32
      %lt3A_346 = arith.cmpi slt, %add3A_320, %lt3A_345 : i32
      %jit3A_347 = arith.constant 2 : i32
      %eq3A_348 = arith.constant 0 : i32
      %eq3A_349 = arith.cmpi eq, %jit3A_347, %eq3A_348 : i32
      %jit3A_350 = arith.constant 1 : i32
      %select_n3A_351 = arith.select %eq3A_349, %jit3A_350, %jit3A_347 : i32
      %rem3A_352 = arith.remsi %add3A_320, %select_n3A_351 : i32
      %ne3A_353 = arith.constant 0 : i32
      %ne3A_354 = arith.cmpi ne, %rem3A_352, %ne3A_353 : i32
      %lt3A_355 = arith.constant 0 : i32
      %lt3A_356 = arith.cmpi slt, %rem3A_352, %lt3A_355 : i32
      %lt3A_357 = arith.constant 0 : i32
      %lt3A_358 = arith.cmpi slt, %select_n3A_351, %lt3A_357 : i32
      %ne3A_359 = arith.xori %lt3A_356, %lt3A_358 : i1
      %and3A_360 = arith.andi %ne3A_359, %ne3A_354 : i1
      %add3A_361 = arith.addi %rem3A_352, %select_n3A_351 : i32
      %select_n3A_362 = arith.select %and3A_360, %add3A_361, %rem3A_352 : i32
      %eq3A_363 = arith.constant 1 : i32
      %eq3A_364 = arith.cmpi eq, %select_n3A_362, %eq3A_363 : i32
      %and3A_365 = arith.andi %lt3A_346, %eq3A_364 : i1
      %convert_element_type3A_366 = arith.extui %and3A_365 : i1 to i32
      %cond3A_367 = arith.constant 0 : i32
      %cond3A_368 = arith.cmpi ne, %convert_element_type3A_366, %cond3A_367 : i32
      scf.if %cond3A_368 {
        %mul3A_369 = arith.constant 1024 : i32
        %mul3A_370 = arith.muli %add3A_320, %mul3A_369 : i32
        %add3A_371 = arith.addi %mul3A_2, %mul3A_370 : i32
        %min3A_372 = arith.constant 998912 : i32
        %min3A_373 = arith.minsi %add3A_371, %min3A_372 : i32
        %dma_start3A_374 = arith.constant 0 : i32
        %dma_start3A_375 = tpu.memref_slice %arg2[%dma_start3A_374, %min3A_373] : memref<32x1000000xf32, #tpu.memory_space<hbm>> -> memref<32x1024xf32, #tpu.memory_space<hbm>>
        %dma_start3A_376 = arith.constant 0 : i32
        %dma_start3A_377 = tpu.memref_slice %arg2[%dma_start3A_376, %min3A_373] : memref<32x1000000xf32, #tpu.memory_space<hbm>> -> memref<32x1024xf32, #tpu.memory_space<hbm>>
        tpu.enqueue_dma source(%dma_start3A_377 : memref<32x1024xf32, #tpu.memory_space<hbm>>) target(%arg9 : memref<32x1024xf32, #tpu.memory_space<vmem>>) target_semaphore(%arg16 : memref<!tpu.dma_semaphore, #tpu.memory_space<semaphore_mem>>)
      } else {
      }
      scf.yield %min3A_280 : i32
    }
    %scan3A_71 = arith.constant 32 : i32
    %while3A = arith.constant 0 : i32
    %while3A_72 = arith.constant 0 : i32
    %while3A_73 = arith.subi %scan3A_70, %while3A_72 : i32
    %while3A_74 = arith.addi %while3A_72, %while3A_73 : i32
    %while3A_75 = arith.constant 1 : i32
    %while3A_76 = arith.divsi %while3A_73, %while3A_75 : i32
    %while3A_77 = arith.muli %while3A_76, %while3A_75 : i32
    %while3A_78 = arith.addi %while3A_72, %while3A_77 : i32
    %while3A_79 = arith.constant 1 : i32
    scf.for %while3A_190 = %while3A_72 to %while3A_78 step %while3A_79  : i32 {
      %dma_wait3A_191 = arith.constant 0 : i32
      %dma_wait3A_192 = arith.constant 0 : i32
      %dma_wait3A_193 = tpu.memref_slice %arg11[%dma_wait3A_191, %dma_wait3A_192] : memref<128x128xf32, #tpu.memory_space<vmem>> -> memref<16x128xf32, #tpu.memory_space<vmem>>
      %dma_wait3A_194 = arith.constant 0 : i32
      %dma_wait3A_195 = arith.constant 0 : i32
      %dma_wait3A_196 = tpu.memref_slice %arg4[%dma_wait3A_194, %dma_wait3A_195] : memref<32784x128xf32, #tpu.memory_space<hbm>> -> memref<16x128xf32, #tpu.memory_space<hbm>>
      %dma_wait3A_197 = arith.constant 0 : i32
      %dma_wait3A_198 = arith.constant 0 : i32
      %dma_wait3A_199 = tpu.memref_slice %arg4[%dma_wait3A_197, %dma_wait3A_198] : memref<32784x128xf32, #tpu.memory_space<hbm>> -> memref<16x128xf32, #tpu.memory_space<hbm>>
      %dma_wait3A_200 = arith.constant 0 : i32
      %dma_wait3A_201 = arith.constant 0 : i32
      %dma_wait3A_202 = tpu.memref_slice %arg11[%dma_wait3A_200, %dma_wait3A_201] : memref<128x128xf32, #tpu.memory_space<vmem>> -> memref<16x128xf32, #tpu.memory_space<vmem>>
      tpu.wait_dma2 semaphore(%arg18 : memref<!tpu.dma_semaphore, #tpu.memory_space<semaphore_mem>>) src(%dma_wait3A_202 : memref<16x128xf32, #tpu.memory_space<vmem>>) dst(%dma_wait3A_199 : memref<16x128xf32, #tpu.memory_space<hbm>>)
    }
    %while3A_80 = arith.constant 1 : i32
    scf.for %while3A_190 = %while3A_78 to %while3A_74 step %while3A_80  : i32 {
      %dma_wait3A_191 = arith.constant 0 : i32
      %dma_wait3A_192 = arith.constant 0 : i32
      %dma_wait3A_193 = tpu.memref_slice %arg11[%dma_wait3A_191, %dma_wait3A_192] : memref<128x128xf32, #tpu.memory_space<vmem>> -> memref<16x128xf32, #tpu.memory_space<vmem>>
      %dma_wait3A_194 = arith.constant 0 : i32
      %dma_wait3A_195 = arith.constant 0 : i32
      %dma_wait3A_196 = tpu.memref_slice %arg4[%dma_wait3A_194, %dma_wait3A_195] : memref<32784x128xf32, #tpu.memory_space<hbm>> -> memref<16x128xf32, #tpu.memory_space<hbm>>
      %dma_wait3A_197 = arith.constant 0 : i32
      %dma_wait3A_198 = arith.constant 0 : i32
      %dma_wait3A_199 = tpu.memref_slice %arg4[%dma_wait3A_197, %dma_wait3A_198] : memref<32784x128xf32, #tpu.memory_space<hbm>> -> memref<16x128xf32, #tpu.memory_space<hbm>>
      %dma_wait3A_200 = arith.constant 0 : i32
      %dma_wait3A_201 = arith.constant 0 : i32
      %dma_wait3A_202 = tpu.memref_slice %arg11[%dma_wait3A_200, %dma_wait3A_201] : memref<128x128xf32, #tpu.memory_space<vmem>> -> memref<16x128xf32, #tpu.memory_space<vmem>>
      tpu.wait_dma2 semaphore(%arg18 : memref<!tpu.dma_semaphore, #tpu.memory_space<semaphore_mem>>) src(%dma_wait3A_202 : memref<16x128xf32, #tpu.memory_space<vmem>>) dst(%dma_wait3A_199 : memref<16x128xf32, #tpu.memory_space<hbm>>)
    }
    %dma_wait3A = arith.constant 0 : i32
    %dma_wait3A_81 = arith.constant 999936 : i32
    %dma_wait3A_82 = tpu.memref_slice %arg2[%dma_wait3A, %dma_wait3A_81] : memref<32x1000000xf32, #tpu.memory_space<hbm>> -> memref<32x64xf32, #tpu.memory_space<hbm>>
    %dma_wait3A_83 = arith.constant 0 : i32
    %dma_wait3A_84 = arith.constant 999936 : i32
    %dma_wait3A_85 = tpu.memref_slice %arg2[%dma_wait3A_83, %dma_wait3A_84] : memref<32x1000000xf32, #tpu.memory_space<hbm>> -> memref<32x64xf32, #tpu.memory_space<hbm>>
    tpu.wait_dma2 semaphore(%arg17 : memref<!tpu.dma_semaphore, #tpu.memory_space<semaphore_mem>>) src(%dma_wait3A_85 : memref<32x64xf32, #tpu.memory_space<hbm>>) dst(%arg10 : memref<32x64xf32, #tpu.memory_space<vmem>>)
    %scan3A_86 = arith.constant 0 : i32
    %scan3A_87 = arith.constant 0 : i32
    %scan3A_88 = arith.constant 8 : i32
    %scan3A_89 = arith.addi %scan3A_87, %scan3A_88 : i32
    %scan3A_90 = arith.constant 1 : i32
    scf.for %scan3A_190 = %scan3A_87 to %scan3A_89 step %scan3A_90  : i32 {
      %broadcast_in_dim3A = arith.constant 0 : i32
      %broadcast_in_dim3A_191 = vector.broadcast %broadcast_in_dim3A : i32 to vector<16xi32>
      %add3A_192 = vector.broadcast %mul3A_2 : i32 to vector<16xi32>
      %add3A_193 = arith.addi %broadcast_in_dim3A_191, %add3A_192 : vector<16xi32>
      %mul3A_194 = arith.constant 16 : i32
      %mul3A_195 = arith.muli %scan3A_190, %mul3A_194 : i32
      %swap3A = arith.index_cast %mul3A_195 : i32 to index
      %swap3A_196 = tpu.vector_load %arg12[%swap3A] {strides = array<i32>} : memref<128xi32, #tpu.memory_space<vmem>>, vector<16xi32>,
      tpu.vector_store %arg12[%swap3A], %add3A_193 {strides = array<i32>} : memref<128xi32, #tpu.memory_space<vmem>>, vector<16xi32>,
      %add3A_197 = arith.constant 32768 : i32
      %add3A_198 = vector.broadcast %add3A_197 : i32 to vector<16xi32>
      %add3A_199 = arith.addi %add3A_198, %iota3A : vector<16xi32>
      %mul3A_200 = arith.constant 16 : i32
      %mul3A_201 = arith.muli %scan3A_190, %mul3A_200 : i32
      %swap3A_202 = arith.index_cast %mul3A_201 : i32 to index
      %swap3A_203 = tpu.vector_load %arg13[%swap3A_202] {strides = array<i32>} : memref<128xi32, #tpu.memory_space<vmem>>, vector<16xi32>,
      tpu.vector_store %arg13[%swap3A_202], %add3A_199 {strides = array<i32>} : memref<128xi32, #tpu.memory_space<vmem>>, vector<16xi32>,
    }
    %scan3A_91 = arith.constant 8 : i32
    %add3A_92 = arith.constant 3 : i32
    %add3A_93 = arith.addi %select_n3A, %add3A_92 : i32
    %jit3A_94 = arith.constant 4 : i32
    %div3A_95 = arith.divsi %add3A_93, %jit3A_94 : i32
    %sign3A_96 = arith.constant 0 : i32
    %sign3A_97 = arith.cmpi sgt, %add3A_93, %sign3A_96 : i32
    %sign3A_98 = arith.extui %sign3A_97 : i1 to i32
    %sign3A_99 = arith.constant 0 : i32
    %sign3A_100 = arith.cmpi slt, %add3A_93, %sign3A_99 : i32
    %sign3A_101 = arith.extui %sign3A_100 : i1 to i32
    %sign3A_102 = arith.subi %sign3A_98, %sign3A_101 : i32
    %sign3A_103 = arith.constant 0 : i32
    %sign3A_104 = arith.cmpi sgt, %jit3A_94, %sign3A_103 : i32
    %sign3A_105 = arith.extui %sign3A_104 : i1 to i32
    %sign3A_106 = arith.constant 0 : i32
    %sign3A_107 = arith.cmpi slt, %jit3A_94, %sign3A_106 : i32
    %sign3A_108 = arith.extui %sign3A_107 : i1 to i32
    %sign3A_109 = arith.subi %sign3A_105, %sign3A_108 : i32
    %ne3A_110 = arith.cmpi ne, %sign3A_102, %sign3A_109 : i32
    %rem3A_111 = arith.remsi %add3A_93, %jit3A_94 : i32
    %ne3A_112 = arith.constant 0 : i32
    %ne3A_113 = arith.cmpi ne, %rem3A_111, %ne3A_112 : i32
    %and3A_114 = arith.andi %ne3A_110, %ne3A_113 : i1
    %sub3A_115 = arith.constant 1 : i32
    %sub3A_116 = arith.subi %div3A_95, %sub3A_115 : i32
    %select_n3A_117 = arith.select %and3A_114, %sub3A_116, %div3A_95 : i32
    %while3A_118 = arith.constant 0 : i32
    %while3A_119 = arith.constant 0 : i32
    %while3A_120 = arith.subi %select_n3A_117, %while3A_118 : i32
    %while3A_121 = arith.addi %while3A_118, %while3A_120 : i32
    %while3A_122 = arith.constant 1 : i32
    %while3A_123 = arith.divsi %while3A_120, %while3A_122 : i32
    %while3A_124 = arith.muli %while3A_123, %while3A_122 : i32
    %while3A_125 = arith.addi %while3A_118, %while3A_124 : i32
    %while3A_126 = arith.constant 1 : i32
    %while3A_127 = scf.for %while3A_190 = %while3A_118 to %while3A_125 step %while3A_126 iter_args(%while3A_191 = %while3A_119) -> (i32)  : i32 {
      %mul3A_192 = arith.constant 4 : i32
      %mul3A_193 = arith.muli %while3A_190, %mul3A_192 : i32
      %add3A_194 = arith.constant 0 : i32
      %add3A_195 = arith.addi %mul3A_193, %add3A_194 : i32
      %mul3A_196 = arith.constant 16 : i32
      %mul3A_197 = arith.muli %add3A_195, %mul3A_196 : i32
      %get3A = arith.index_cast %mul3A_197 : i32 to index
      %get3A_198 = tpu.vector_load %arg6[%get3A] {strides = array<i32>} : memref<2048xi32, #tpu.memory_space<vmem>>, vector<16xi32>,
      %mul3A_199 = arith.constant 16 : i32
      %mul3A_200 = arith.muli %add3A_195, %mul3A_199 : i32
      %get3A_201 = arith.index_cast %mul3A_200 : i32 to index
      %get3A_202 = tpu.vector_load %arg7[%get3A_201] {strides = array<i32>} : memref<2048xi32, #tpu.memory_space<vmem>>, vector<16xi32>,
      %ge3A = arith.constant 999936 : i32
      %ge3A_203 = vector.broadcast %ge3A : i32 to vector<16xi32>
      %ge3A_204 = arith.cmpi sge, %get3A_198, %ge3A_203 : vector<16xi32>
      %all_reduce_population_count3A = tpu.all_reduce %ge3A_204 {dim = 0 : i64, kind = #tpu.reduction_kind<sum>} : vector<16xi1> -> vector<16xi32>
      %reduce_max3A = arith.constant true
      %reduce_max3A_205 = vector.broadcast %reduce_max3A : i1 to vector<16xi1>
      %reduce_max3A_206 = arith.constant -2147483648 : i32
      %reduce_max3A_207 = vector.broadcast %reduce_max3A_206 : i32 to vector<16xi32>
      %reduce_max3A_208 = arith.xori %all_reduce_population_count3A, %reduce_max3A_207 : vector<16xi32>
      %reduce_max3A_209 = tpu.scan <max>, %reduce_max3A_208 masked %reduce_max3A_205 : vector<16xi32>, vector<16xi1> -> vector<16xi32>
      %reduce_max3A_210 = arith.xori %reduce_max3A_209, %reduce_max3A_207 : vector<16xi32>
      %reduce_max3A_211 = vector.extract %reduce_max3A_210[15] : i32 from vector<16xi32>
      %mul3A_212 = arith.constant 4 : i32
      %mul3A_213 = arith.muli %while3A_190, %mul3A_212 : i32
      %add3A_214 = arith.constant 1 : i32
      %add3A_215 = arith.addi %mul3A_213, %add3A_214 : i32
      %mul3A_216 = arith.constant 16 : i32
      %mul3A_217 = arith.muli %add3A_215, %mul3A_216 : i32
      %get3A_218 = arith.index_cast %mul3A_217 : i32 to index
      %get3A_219 = tpu.vector_load %arg6[%get3A_218] {strides = array<i32>} : memref<2048xi32, #tpu.memory_space<vmem>>, vector<16xi32>,
      %mul3A_220 = arith.constant 16 : i32
      %mul3A_221 = arith.muli %add3A_215, %mul3A_220 : i32
      %get3A_222 = arith.index_cast %mul3A_221 : i32 to index
      %get3A_223 = tpu.vector_load %arg7[%get3A_222] {strides = array<i32>} : memref<2048xi32, #tpu.memory_space<vmem>>, vector<16xi32>,
      %ge3A_224 = arith.constant 999936 : i32
      %ge3A_225 = vector.broadcast %ge3A_224 : i32 to vector<16xi32>
      %ge3A_226 = arith.cmpi sge, %get3A_219, %ge3A_225 : vector<16xi32>
      %all_reduce_population_count3A_227 = tpu.all_reduce %ge3A_226 {dim = 0 : i64, kind = #tpu.reduction_kind<sum>} : vector<16xi1> -> vector<16xi32>
      %reduce_max3A_228 = arith.constant true
      %reduce_max3A_229 = vector.broadcast %reduce_max3A_228 : i1 to vector<16xi1>
      %reduce_max3A_230 = arith.constant -2147483648 : i32
      %reduce_max3A_231 = vector.broadcast %reduce_max3A_230 : i32 to vector<16xi32>
      %reduce_max3A_232 = arith.xori %all_reduce_population_count3A_227, %reduce_max3A_231 : vector<16xi32>
      %reduce_max3A_233 = tpu.scan <max>, %reduce_max3A_232 masked %reduce_max3A_229 : vector<16xi32>, vector<16xi1> -> vector<16xi32>
      %reduce_max3A_234 = arith.xori %reduce_max3A_233, %reduce_max3A_231 : vector<16xi32>
      %reduce_max3A_235 = vector.extract %reduce_max3A_234[15] : i32 from vector<16xi32>
      %mul3A_236 = arith.constant 4 : i32
      %mul3A_237 = arith.muli %while3A_190, %mul3A_236 : i32
      %add3A_238 = arith.constant 2 : i32
      %add3A_239 = arith.addi %mul3A_237, %add3A_238 : i32
      %mul3A_240 = arith.constant 16 : i32
      %mul3A_241 = arith.muli %add3A_239, %mul3A_240 : i32
      %get3A_242 = arith.index_cast %mul3A_241 : i32 to index
      %get3A_243 = tpu.vector_load %arg6[%get3A_242] {strides = array<i32>} : memref<2048xi32, #tpu.memory_space<vmem>>, vector<16xi32>,
      %mul3A_244 = arith.constant 16 : i32
      %mul3A_245 = arith.muli %add3A_239, %mul3A_244 : i32
      %get3A_246 = arith.index_cast %mul3A_245 : i32 to index
      %get3A_247 = tpu.vector_load %arg7[%get3A_246] {strides = array<i32>} : memref<2048xi32, #tpu.memory_space<vmem>>, vector<16xi32>,
      %ge3A_248 = arith.constant 999936 : i32
      %ge3A_249 = vector.broadcast %ge3A_248 : i32 to vector<16xi32>
      %ge3A_250 = arith.cmpi sge, %get3A_243, %ge3A_249 : vector<16xi32>
      %all_reduce_population_count3A_251 = tpu.all_reduce %ge3A_250 {dim = 0 : i64, kind = #tpu.reduction_kind<sum>} : vector<16xi1> -> vector<16xi32>
      %reduce_max3A_252 = arith.constant true
      %reduce_max3A_253 = vector.broadcast %reduce_max3A_252 : i1 to vector<16xi1>
      %reduce_max3A_254 = arith.constant -2147483648 : i32
      %reduce_max3A_255 = vector.broadcast %reduce_max3A_254 : i32 to vector<16xi32>
      %reduce_max3A_256 = arith.xori %all_reduce_population_count3A_251, %reduce_max3A_255 : vector<16xi32>
      %reduce_max3A_257 = tpu.scan <max>, %reduce_max3A_256 masked %reduce_max3A_253 : vector<16xi32>, vector<16xi1> -> vector<16xi32>
      %reduce_max3A_258 = arith.xori %reduce_max3A_257, %reduce_max3A_255 : vector<16xi32>
      %reduce_max3A_259 = vector.extract %reduce_max3A_258[15] : i32 from vector<16xi32>
      %mul3A_260 = arith.constant 4 : i32
      %mul3A_261 = arith.muli %while3A_190, %mul3A_260 : i32
      %add3A_262 = arith.constant 3 : i32
      %add3A_263 = arith.addi %mul3A_261, %add3A_262 : i32
      %mul3A_264 = arith.constant 16 : i32
      %mul3A_265 = arith.muli %add3A_263, %mul3A_264 : i32
      %get3A_266 = arith.index_cast %mul3A_265 : i32 to index
      %get3A_267 = tpu.vector_load %arg6[%get3A_266] {strides = array<i32>} : memref<2048xi32, #tpu.memory_space<vmem>>, vector<16xi32>,
      %mul3A_268 = arith.constant 16 : i32
      %mul3A_269 = arith.muli %add3A_263, %mul3A_268 : i32
      %get3A_270 = arith.index_cast %mul3A_269 : i32 to index
      %get3A_271 = tpu.vector_load %arg7[%get3A_270] {strides = array<i32>} : memref<2048xi32, #tpu.memory_space<vmem>>, vector<16xi32>,
      %ge3A_272 = arith.constant 999936 : i32
      %ge3A_273 = vector.broadcast %ge3A_272 : i32 to vector<16xi32>
      %ge3A_274 = arith.cmpi sge, %get3A_267, %ge3A_273 : vector<16xi32>
      %all_reduce_population_count3A_275 = tpu.all_reduce %ge3A_274 {dim = 0 : i64, kind = #tpu.reduction_kind<sum>} : vector<16xi1> -> vector<16xi32>
      %reduce_max3A_276 = arith.constant true
      %reduce_max3A_277 = vector.broadcast %reduce_max3A_276 : i1 to vector<16xi1>
      %reduce_max3A_278 = arith.constant -2147483648 : i32
      %reduce_max3A_279 = vector.broadcast %reduce_max3A_278 : i32 to vector<16xi32>
      %reduce_max3A_280 = arith.xori %all_reduce_population_count3A_275, %reduce_max3A_279 : vector<16xi32>
      %reduce_max3A_281 = tpu.scan <max>, %reduce_max3A_280 masked %reduce_max3A_277 : vector<16xi32>, vector<16xi1> -> vector<16xi32>
      %reduce_max3A_282 = arith.xori %reduce_max3A_281, %reduce_max3A_279 : vector<16xi32>
      %reduce_max3A_283 = vector.extract %reduce_max3A_282[15] : i32 from vector<16xi32>
      %gt3A = arith.constant 0 : i32
      %gt3A_284 = arith.cmpi sgt, %reduce_max3A_211, %gt3A : i32
      %convert_element_type3A = arith.extui %gt3A_284 : i1 to i32
      %cond3A = arith.constant 0 : i32
      %cond3A_285 = arith.cmpi ne, %convert_element_type3A, %cond3A : i32
      scf.if %cond3A_285 {
        %min3A_305 = arith.constant 112 : i32
        %min3A_306 = arith.minsi %while3A_191, %min3A_305 : i32
        %swap3A = arith.index_cast %min3A_306 : i32 to index
        %swap3A_307 = tpu.vector_load %arg12[%swap3A] masked %ge3A_204 {strides = array<i32>} : memref<128xi32, #tpu.memory_space<vmem>>, vector<16xi32>, vector<16xi1>
        tpu.vector_store %arg12[%swap3A], %get3A_198 masked %ge3A_204 {strides = array<i32>} : memref<128xi32, #tpu.memory_space<vmem>>, vector<16xi32>, vector<16xi1>
        %swap3A_308 = arith.index_cast %min3A_306 : i32 to index
        %swap3A_309 = tpu.vector_load %arg13[%swap3A_308] masked %ge3A_204 {strides = array<i32>} : memref<128xi32, #tpu.memory_space<vmem>>, vector<16xi32>, vector<16xi1>
        tpu.vector_store %arg13[%swap3A_308], %get3A_202 masked %ge3A_204 {strides = array<i32>} : memref<128xi32, #tpu.memory_space<vmem>>, vector<16xi32>, vector<16xi1>
      } else {
      }
      %add3A_286 = arith.addi %while3A_191, %reduce_max3A_211 : i32
      %gt3A_287 = arith.constant 0 : i32
      %gt3A_288 = arith.cmpi sgt, %reduce_max3A_235, %gt3A_287 : i32
      %convert_element_type3A_289 = arith.extui %gt3A_288 : i1 to i32
      %cond3A_290 = arith.constant 0 : i32
      %cond3A_291 = arith.cmpi ne, %convert_element_type3A_289, %cond3A_290 : i32
      scf.if %cond3A_291 {
        %min3A_305 = arith.constant 112 : i32
        %min3A_306 = arith.minsi %add3A_286, %min3A_305 : i32
        %swap3A = arith.index_cast %min3A_306 : i32 to index
        %swap3A_307 = tpu.vector_load %arg12[%swap3A] masked %ge3A_226 {strides = array<i32>} : memref<128xi32, #tpu.memory_space<vmem>>, vector<16xi32>, vector<16xi1>
        tpu.vector_store %arg12[%swap3A], %get3A_219 masked %ge3A_226 {strides = array<i32>} : memref<128xi32, #tpu.memory_space<vmem>>, vector<16xi32>, vector<16xi1>
        %swap3A_308 = arith.index_cast %min3A_306 : i32 to index
        %swap3A_309 = tpu.vector_load %arg13[%swap3A_308] masked %ge3A_226 {strides = array<i32>} : memref<128xi32, #tpu.memory_space<vmem>>, vector<16xi32>, vector<16xi1>
        tpu.vector_store %arg13[%swap3A_308], %get3A_223 masked %ge3A_226 {strides = array<i32>} : memref<128xi32, #tpu.memory_space<vmem>>, vector<16xi32>, vector<16xi1>
      } else {
      }
      %add3A_292 = arith.addi %add3A_286, %reduce_max3A_235 : i32
      %gt3A_293 = arith.constant 0 : i32
      %gt3A_294 = arith.cmpi sgt, %reduce_max3A_259, %gt3A_293 : i32
      %convert_element_type3A_295 = arith.extui %gt3A_294 : i1 to i32
      %cond3A_296 = arith.constant 0 : i32
      %cond3A_297 = arith.cmpi ne, %convert_element_type3A_295, %cond3A_296 : i32
      scf.if %cond3A_297 {
        %min3A_305 = arith.constant 112 : i32
        %min3A_306 = arith.minsi %add3A_292, %min3A_305 : i32
        %swap3A = arith.index_cast %min3A_306 : i32 to index
        %swap3A_307 = tpu.vector_load %arg12[%swap3A] masked %ge3A_250 {strides = array<i32>} : memref<128xi32, #tpu.memory_space<vmem>>, vector<16xi32>, vector<16xi1>
        tpu.vector_store %arg12[%swap3A], %get3A_243 masked %ge3A_250 {strides = array<i32>} : memref<128xi32, #tpu.memory_space<vmem>>, vector<16xi32>, vector<16xi1>
        %swap3A_308 = arith.index_cast %min3A_306 : i32 to index
        %swap3A_309 = tpu.vector_load %arg13[%swap3A_308] masked %ge3A_250 {strides = array<i32>} : memref<128xi32, #tpu.memory_space<vmem>>, vector<16xi32>, vector<16xi1>
        tpu.vector_store %arg13[%swap3A_308], %get3A_247 masked %ge3A_250 {strides = array<i32>} : memref<128xi32, #tpu.memory_space<vmem>>, vector<16xi32>, vector<16xi1>
      } else {
      }
      %add3A_298 = arith.addi %add3A_292, %reduce_max3A_259 : i32
      %gt3A_299 = arith.constant 0 : i32
      %gt3A_300 = arith.cmpi sgt, %reduce_max3A_283, %gt3A_299 : i32
      %convert_element_type3A_301 = arith.extui %gt3A_300 : i1 to i32
      %cond3A_302 = arith.constant 0 : i32
      %cond3A_303 = arith.cmpi ne, %convert_element_type3A_301, %cond3A_302 : i32
      scf.if %cond3A_303 {
        %min3A_305 = arith.constant 112 : i32
        %min3A_306 = arith.minsi %add3A_298, %min3A_305 : i32
        %swap3A = arith.index_cast %min3A_306 : i32 to index
        %swap3A_307 = tpu.vector_load %arg12[%swap3A] masked %ge3A_274 {strides = array<i32>} : memref<128xi32, #tpu.memory_space<vmem>>, vector<16xi32>, vector<16xi1>
        tpu.vector_store %arg12[%swap3A], %get3A_267 masked %ge3A_274 {strides = array<i32>} : memref<128xi32, #tpu.memory_space<vmem>>, vector<16xi32>, vector<16xi1>
        %swap3A_308 = arith.index_cast %min3A_306 : i32 to index
        %swap3A_309 = tpu.vector_load %arg13[%swap3A_308] masked %ge3A_274 {strides = array<i32>} : memref<128xi32, #tpu.memory_space<vmem>>, vector<16xi32>, vector<16xi1>
        tpu.vector_store %arg13[%swap3A_308], %get3A_271 masked %ge3A_274 {strides = array<i32>} : memref<128xi32, #tpu.memory_space<vmem>>, vector<16xi32>, vector<16xi1>
      } else {
      }
      %add3A_304 = arith.addi %add3A_298, %reduce_max3A_283 : i32
      scf.yield %add3A_304 : i32
    }
    %while3A_128 = arith.constant 1 : i32
    %while3A_129 = scf.for %while3A_190 = %while3A_125 to %while3A_121 step %while3A_128 iter_args(%while3A_191 = %while3A_127) -> (i32)  : i32 {
      %mul3A_192 = arith.constant 4 : i32
      %mul3A_193 = arith.muli %while3A_190, %mul3A_192 : i32
      %add3A_194 = arith.constant 0 : i32
      %add3A_195 = arith.addi %mul3A_193, %add3A_194 : i32
      %mul3A_196 = arith.constant 16 : i32
      %mul3A_197 = arith.muli %add3A_195, %mul3A_196 : i32
      %get3A = arith.index_cast %mul3A_197 : i32 to index
      %get3A_198 = tpu.vector_load %arg6[%get3A] {strides = array<i32>} : memref<2048xi32, #tpu.memory_space<vmem>>, vector<16xi32>,
      %mul3A_199 = arith.constant 16 : i32
      %mul3A_200 = arith.muli %add3A_195, %mul3A_199 : i32
      %get3A_201 = arith.index_cast %mul3A_200 : i32 to index
      %get3A_202 = tpu.vector_load %arg7[%get3A_201] {strides = array<i32>} : memref<2048xi32, #tpu.memory_space<vmem>>, vector<16xi32>,
      %ge3A = arith.constant 999936 : i32
      %ge3A_203 = vector.broadcast %ge3A : i32 to vector<16xi32>
      %ge3A_204 = arith.cmpi sge, %get3A_198, %ge3A_203 : vector<16xi32>
      %all_reduce_population_count3A = tpu.all_reduce %ge3A_204 {dim = 0 : i64, kind = #tpu.reduction_kind<sum>} : vector<16xi1> -> vector<16xi32>
      %reduce_max3A = arith.constant true
      %reduce_max3A_205 = vector.broadcast %reduce_max3A : i1 to vector<16xi1>
      %reduce_max3A_206 = arith.constant -2147483648 : i32
      %reduce_max3A_207 = vector.broadcast %reduce_max3A_206 : i32 to vector<16xi32>
      %reduce_max3A_208 = arith.xori %all_reduce_population_count3A, %reduce_max3A_207 : vector<16xi32>
      %reduce_max3A_209 = tpu.scan <max>, %reduce_max3A_208 masked %reduce_max3A_205 : vector<16xi32>, vector<16xi1> -> vector<16xi32>
      %reduce_max3A_210 = arith.xori %reduce_max3A_209, %reduce_max3A_207 : vector<16xi32>
      %reduce_max3A_211 = vector.extract %reduce_max3A_210[15] : i32 from vector<16xi32>
      %mul3A_212 = arith.constant 4 : i32
      %mul3A_213 = arith.muli %while3A_190, %mul3A_212 : i32
      %add3A_214 = arith.constant 1 : i32
      %add3A_215 = arith.addi %mul3A_213, %add3A_214 : i32
      %mul3A_216 = arith.constant 16 : i32
      %mul3A_217 = arith.muli %add3A_215, %mul3A_216 : i32
      %get3A_218 = arith.index_cast %mul3A_217 : i32 to index
      %get3A_219 = tpu.vector_load %arg6[%get3A_218] {strides = array<i32>} : memref<2048xi32, #tpu.memory_space<vmem>>, vector<16xi32>,
      %mul3A_220 = arith.constant 16 : i32
      %mul3A_221 = arith.muli %add3A_215, %mul3A_220 : i32
      %get3A_222 = arith.index_cast %mul3A_221 : i32 to index
      %get3A_223 = tpu.vector_load %arg7[%get3A_222] {strides = array<i32>} : memref<2048xi32, #tpu.memory_space<vmem>>, vector<16xi32>,
      %ge3A_224 = arith.constant 999936 : i32
      %ge3A_225 = vector.broadcast %ge3A_224 : i32 to vector<16xi32>
      %ge3A_226 = arith.cmpi sge, %get3A_219, %ge3A_225 : vector<16xi32>
      %all_reduce_population_count3A_227 = tpu.all_reduce %ge3A_226 {dim = 0 : i64, kind = #tpu.reduction_kind<sum>} : vector<16xi1> -> vector<16xi32>
      %reduce_max3A_228 = arith.constant true
      %reduce_max3A_229 = vector.broadcast %reduce_max3A_228 : i1 to vector<16xi1>
      %reduce_max3A_230 = arith.constant -2147483648 : i32
      %reduce_max3A_231 = vector.broadcast %reduce_max3A_230 : i32 to vector<16xi32>
      %reduce_max3A_232 = arith.xori %all_reduce_population_count3A_227, %reduce_max3A_231 : vector<16xi32>
      %reduce_max3A_233 = tpu.scan <max>, %reduce_max3A_232 masked %reduce_max3A_229 : vector<16xi32>, vector<16xi1> -> vector<16xi32>
      %reduce_max3A_234 = arith.xori %reduce_max3A_233, %reduce_max3A_231 : vector<16xi32>
      %reduce_max3A_235 = vector.extract %reduce_max3A_234[15] : i32 from vector<16xi32>
      %mul3A_236 = arith.constant 4 : i32
      %mul3A_237 = arith.muli %while3A_190, %mul3A_236 : i32
      %add3A_238 = arith.constant 2 : i32
      %add3A_239 = arith.addi %mul3A_237, %add3A_238 : i32
      %mul3A_240 = arith.constant 16 : i32
      %mul3A_241 = arith.muli %add3A_239, %mul3A_240 : i32
      %get3A_242 = arith.index_cast %mul3A_241 : i32 to index
      %get3A_243 = tpu.vector_load %arg6[%get3A_242] {strides = array<i32>} : memref<2048xi32, #tpu.memory_space<vmem>>, vector<16xi32>,
      %mul3A_244 = arith.constant 16 : i32
      %mul3A_245 = arith.muli %add3A_239, %mul3A_244 : i32
      %get3A_246 = arith.index_cast %mul3A_245 : i32 to index
      %get3A_247 = tpu.vector_load %arg7[%get3A_246] {strides = array<i32>} : memref<2048xi32, #tpu.memory_space<vmem>>, vector<16xi32>,
      %ge3A_248 = arith.constant 999936 : i32
      %ge3A_249 = vector.broadcast %ge3A_248 : i32 to vector<16xi32>
      %ge3A_250 = arith.cmpi sge, %get3A_243, %ge3A_249 : vector<16xi32>
      %all_reduce_population_count3A_251 = tpu.all_reduce %ge3A_250 {dim = 0 : i64, kind = #tpu.reduction_kind<sum>} : vector<16xi1> -> vector<16xi32>
      %reduce_max3A_252 = arith.constant true
      %reduce_max3A_253 = vector.broadcast %reduce_max3A_252 : i1 to vector<16xi1>
      %reduce_max3A_254 = arith.constant -2147483648 : i32
      %reduce_max3A_255 = vector.broadcast %reduce_max3A_254 : i32 to vector<16xi32>
      %reduce_max3A_256 = arith.xori %all_reduce_population_count3A_251, %reduce_max3A_255 : vector<16xi32>
      %reduce_max3A_257 = tpu.scan <max>, %reduce_max3A_256 masked %reduce_max3A_253 : vector<16xi32>, vector<16xi1> -> vector<16xi32>
      %reduce_max3A_258 = arith.xori %reduce_max3A_257, %reduce_max3A_255 : vector<16xi32>
      %reduce_max3A_259 = vector.extract %reduce_max3A_258[15] : i32 from vector<16xi32>
      %mul3A_260 = arith.constant 4 : i32
      %mul3A_261 = arith.muli %while3A_190, %mul3A_260 : i32
      %add3A_262 = arith.constant 3 : i32
      %add3A_263 = arith.addi %mul3A_261, %add3A_262 : i32
      %mul3A_264 = arith.constant 16 : i32
      %mul3A_265 = arith.muli %add3A_263, %mul3A_264 : i32
      %get3A_266 = arith.index_cast %mul3A_265 : i32 to index
      %get3A_267 = tpu.vector_load %arg6[%get3A_266] {strides = array<i32>} : memref<2048xi32, #tpu.memory_space<vmem>>, vector<16xi32>,
      %mul3A_268 = arith.constant 16 : i32
      %mul3A_269 = arith.muli %add3A_263, %mul3A_268 : i32
      %get3A_270 = arith.index_cast %mul3A_269 : i32 to index
      %get3A_271 = tpu.vector_load %arg7[%get3A_270] {strides = array<i32>} : memref<2048xi32, #tpu.memory_space<vmem>>, vector<16xi32>,
      %ge3A_272 = arith.constant 999936 : i32
      %ge3A_273 = vector.broadcast %ge3A_272 : i32 to vector<16xi32>
      %ge3A_274 = arith.cmpi sge, %get3A_267, %ge3A_273 : vector<16xi32>
      %all_reduce_population_count3A_275 = tpu.all_reduce %ge3A_274 {dim = 0 : i64, kind = #tpu.reduction_kind<sum>} : vector<16xi1> -> vector<16xi32>
      %reduce_max3A_276 = arith.constant true
      %reduce_max3A_277 = vector.broadcast %reduce_max3A_276 : i1 to vector<16xi1>
      %reduce_max3A_278 = arith.constant -2147483648 : i32
      %reduce_max3A_279 = vector.broadcast %reduce_max3A_278 : i32 to vector<16xi32>
      %reduce_max3A_280 = arith.xori %all_reduce_population_count3A_275, %reduce_max3A_279 : vector<16xi32>
      %reduce_max3A_281 = tpu.scan <max>, %reduce_max3A_280 masked %reduce_max3A_277 : vector<16xi32>, vector<16xi1> -> vector<16xi32>
      %reduce_max3A_282 = arith.xori %reduce_max3A_281, %reduce_max3A_279 : vector<16xi32>
      %reduce_max3A_283 = vector.extract %reduce_max3A_282[15] : i32 from vector<16xi32>
      %gt3A = arith.constant 0 : i32
      %gt3A_284 = arith.cmpi sgt, %reduce_max3A_211, %gt3A : i32
      %convert_element_type3A = arith.extui %gt3A_284 : i1 to i32
      %cond3A = arith.constant 0 : i32
      %cond3A_285 = arith.cmpi ne, %convert_element_type3A, %cond3A : i32
      scf.if %cond3A_285 {
        %min3A_305 = arith.constant 112 : i32
        %min3A_306 = arith.minsi %while3A_191, %min3A_305 : i32
        %swap3A = arith.index_cast %min3A_306 : i32 to index
        %swap3A_307 = tpu.vector_load %arg12[%swap3A] masked %ge3A_204 {strides = array<i32>} : memref<128xi32, #tpu.memory_space<vmem>>, vector<16xi32>, vector<16xi1>
        tpu.vector_store %arg12[%swap3A], %get3A_198 masked %ge3A_204 {strides = array<i32>} : memref<128xi32, #tpu.memory_space<vmem>>, vector<16xi32>, vector<16xi1>
        %swap3A_308 = arith.index_cast %min3A_306 : i32 to index
        %swap3A_309 = tpu.vector_load %arg13[%swap3A_308] masked %ge3A_204 {strides = array<i32>} : memref<128xi32, #tpu.memory_space<vmem>>, vector<16xi32>, vector<16xi1>
        tpu.vector_store %arg13[%swap3A_308], %get3A_202 masked %ge3A_204 {strides = array<i32>} : memref<128xi32, #tpu.memory_space<vmem>>, vector<16xi32>, vector<16xi1>
      } else {
      }
      %add3A_286 = arith.addi %while3A_191, %reduce_max3A_211 : i32
      %gt3A_287 = arith.constant 0 : i32
      %gt3A_288 = arith.cmpi sgt, %reduce_max3A_235, %gt3A_287 : i32
      %convert_element_type3A_289 = arith.extui %gt3A_288 : i1 to i32
      %cond3A_290 = arith.constant 0 : i32
      %cond3A_291 = arith.cmpi ne, %convert_element_type3A_289, %cond3A_290 : i32
      scf.if %cond3A_291 {
        %min3A_305 = arith.constant 112 : i32
        %min3A_306 = arith.minsi %add3A_286, %min3A_305 : i32
        %swap3A = arith.index_cast %min3A_306 : i32 to index
        %swap3A_307 = tpu.vector_load %arg12[%swap3A] masked %ge3A_226 {strides = array<i32>} : memref<128xi32, #tpu.memory_space<vmem>>, vector<16xi32>, vector<16xi1>
        tpu.vector_store %arg12[%swap3A], %get3A_219 masked %ge3A_226 {strides = array<i32>} : memref<128xi32, #tpu.memory_space<vmem>>, vector<16xi32>, vector<16xi1>
        %swap3A_308 = arith.index_cast %min3A_306 : i32 to index
        %swap3A_309 = tpu.vector_load %arg13[%swap3A_308] masked %ge3A_226 {strides = array<i32>} : memref<128xi32, #tpu.memory_space<vmem>>, vector<16xi32>, vector<16xi1>
        tpu.vector_store %arg13[%swap3A_308], %get3A_223 masked %ge3A_226 {strides = array<i32>} : memref<128xi32, #tpu.memory_space<vmem>>, vector<16xi32>, vector<16xi1>
      } else {
      }
      %add3A_292 = arith.addi %add3A_286, %reduce_max3A_235 : i32
      %gt3A_293 = arith.constant 0 : i32
      %gt3A_294 = arith.cmpi sgt, %reduce_max3A_259, %gt3A_293 : i32
      %convert_element_type3A_295 = arith.extui %gt3A_294 : i1 to i32
      %cond3A_296 = arith.constant 0 : i32
      %cond3A_297 = arith.cmpi ne, %convert_element_type3A_295, %cond3A_296 : i32
      scf.if %cond3A_297 {
        %min3A_305 = arith.constant 112 : i32
        %min3A_306 = arith.minsi %add3A_292, %min3A_305 : i32
        %swap3A = arith.index_cast %min3A_306 : i32 to index
        %swap3A_307 = tpu.vector_load %arg12[%swap3A] masked %ge3A_250 {strides = array<i32>} : memref<128xi32, #tpu.memory_space<vmem>>, vector<16xi32>, vector<16xi1>
        tpu.vector_store %arg12[%swap3A], %get3A_243 masked %ge3A_250 {strides = array<i32>} : memref<128xi32, #tpu.memory_space<vmem>>, vector<16xi32>, vector<16xi1>
        %swap3A_308 = arith.index_cast %min3A_306 : i32 to index
        %swap3A_309 = tpu.vector_load %arg13[%swap3A_308] masked %ge3A_250 {strides = array<i32>} : memref<128xi32, #tpu.memory_space<vmem>>, vector<16xi32>, vector<16xi1>
        tpu.vector_store %arg13[%swap3A_308], %get3A_247 masked %ge3A_250 {strides = array<i32>} : memref<128xi32, #tpu.memory_space<vmem>>, vector<16xi32>, vector<16xi1>
      } else {
      }
      %add3A_298 = arith.addi %add3A_292, %reduce_max3A_259 : i32
      %gt3A_299 = arith.constant 0 : i32
      %gt3A_300 = arith.cmpi sgt, %reduce_max3A_283, %gt3A_299 : i32
      %convert_element_type3A_301 = arith.extui %gt3A_300 : i1 to i32
      %cond3A_302 = arith.constant 0 : i32
      %cond3A_303 = arith.cmpi ne, %convert_element_type3A_301, %cond3A_302 : i32
      scf.if %cond3A_303 {
        %min3A_305 = arith.constant 112 : i32
        %min3A_306 = arith.minsi %add3A_298, %min3A_305 : i32
        %swap3A = arith.index_cast %min3A_306 : i32 to index
        %swap3A_307 = tpu.vector_load %arg12[%swap3A] masked %ge3A_274 {strides = array<i32>} : memref<128xi32, #tpu.memory_space<vmem>>, vector<16xi32>, vector<16xi1>
        tpu.vector_store %arg12[%swap3A], %get3A_267 masked %ge3A_274 {strides = array<i32>} : memref<128xi32, #tpu.memory_space<vmem>>, vector<16xi32>, vector<16xi1>
        %swap3A_308 = arith.index_cast %min3A_306 : i32 to index
        %swap3A_309 = tpu.vector_load %arg13[%swap3A_308] masked %ge3A_274 {strides = array<i32>} : memref<128xi32, #tpu.memory_space<vmem>>, vector<16xi32>, vector<16xi1>
        tpu.vector_store %arg13[%swap3A_308], %get3A_271 masked %ge3A_274 {strides = array<i32>} : memref<128xi32, #tpu.memory_space<vmem>>, vector<16xi32>, vector<16xi1>
      } else {
      }
      %add3A_304 = arith.addi %add3A_298, %reduce_max3A_283 : i32
      scf.yield %add3A_304 : i32
    }
    %add3A_130 = arith.constant 16 : i32
    %add3A_131 = arith.addi %while3A_129, %add3A_130 : i32
    %sub3A_132 = arith.constant 1 : i32
    %sub3A_133 = arith.subi %add3A_131, %sub3A_132 : i32
    %jit3A_134 = arith.constant 16 : i32
    %div3A_135 = arith.divsi %sub3A_133, %jit3A_134 : i32
    %sign3A_136 = arith.constant 0 : i32
    %sign3A_137 = arith.cmpi sgt, %sub3A_133, %sign3A_136 : i32
    %sign3A_138 = arith.extui %sign3A_137 : i1 to i32
    %sign3A_139 = arith.constant 0 : i32
    %sign3A_140 = arith.cmpi slt, %sub3A_133, %sign3A_139 : i32
    %sign3A_141 = arith.extui %sign3A_140 : i1 to i32
    %sign3A_142 = arith.subi %sign3A_138, %sign3A_141 : i32
    %sign3A_143 = arith.constant 0 : i32
    %sign3A_144 = arith.cmpi sgt, %jit3A_134, %sign3A_143 : i32
    %sign3A_145 = arith.extui %sign3A_144 : i1 to i32
    %sign3A_146 = arith.constant 0 : i32
    %sign3A_147 = arith.cmpi slt, %jit3A_134, %sign3A_146 : i32
    %sign3A_148 = arith.extui %sign3A_147 : i1 to i32
    %sign3A_149 = arith.subi %sign3A_145, %sign3A_148 : i32
    %ne3A_150 = arith.cmpi ne, %sign3A_142, %sign3A_149 : i32
    %rem3A_151 = arith.remsi %sub3A_133, %jit3A_134 : i32
    %ne3A_152 = arith.constant 0 : i32
    %ne3A_153 = arith.cmpi ne, %rem3A_151, %ne3A_152 : i32
    %and3A_154 = arith.andi %ne3A_150, %ne3A_153 : i1
    %sub3A_155 = arith.constant 1 : i32
    %sub3A_156 = arith.subi %div3A_135, %sub3A_155 : i32
    %select_n3A_157 = arith.select %and3A_154, %sub3A_156, %div3A_135 : i32
    %min3A_158 = arith.constant 8 : i32
    %min3A_159 = arith.minsi %select_n3A_157, %min3A_158 : i32
    %while3A_160 = arith.constant 0 : i32
    %while3A_161 = arith.constant 0 : i32
    %while3A_162 = arith.subi %min3A_159, %while3A_161 : i32
    %while3A_163 = arith.addi %while3A_161, %while3A_162 : i32
    %while3A_164 = arith.constant 1 : i32
    %while3A_165 = arith.divsi %while3A_162, %while3A_164 : i32
    %while3A_166 = arith.muli %while3A_165, %while3A_164 : i32
    %while3A_167 = arith.addi %while3A_161, %while3A_166 : i32
    %while3A_168 = arith.constant 1 : i32
    scf.for %while3A_190 = %while3A_161 to %while3A_167 step %while3A_168  : i32 {
      %mul3A_191 = arith.constant 16 : i32
      %mul3A_192 = arith.muli %while3A_190, %mul3A_191 : i32
      %get3A = arith.index_cast %mul3A_192 : i32 to index
      %get3A_193 = tpu.vector_load %arg12[%get3A] {strides = array<i32>} : memref<128xi32, #tpu.memory_space<vmem>>, vector<16xi32>,
      %mul3A_194 = arith.constant 16 : i32
      %mul3A_195 = arith.muli %while3A_190, %mul3A_194 : i32
      %get3A_196 = arith.index_cast %mul3A_195 : i32 to index
      %get3A_197 = tpu.vector_load %arg13[%get3A_196] {strides = array<i32>} : memref<128xi32, #tpu.memory_space<vmem>>, vector<16xi32>,
      %sub3A_198 = arith.constant 999936 : i32
      %sub3A_199 = vector.broadcast %sub3A_198 : i32 to vector<16xi32>
      %sub3A_200 = arith.subi %get3A_193, %sub3A_199 : vector<16xi32>
      %jit3A_201 = arith.constant 0 : i32
      %jit3A_202 = arith.constant 63 : i32
      %max3A = vector.broadcast %jit3A_201 : i32 to vector<16xi32>
      %max3A_203 = arith.maxsi %max3A, %sub3A_200 : vector<16xi32>
      %min3A_204 = vector.broadcast %jit3A_202 : i32 to vector<16xi32>
      %min3A_205 = arith.minsi %min3A_204, %max3A_203 : vector<16xi32>
      %broadcast_in_dim3A = arith.constant 0 : i32
      %broadcast_in_dim3A_206 = vector.broadcast %broadcast_in_dim3A : i32 to vector<16xi32>
      %gather3A = tpu.vector_load_idx %arg10[%broadcast_in_dim3A_206, %min3A_205] : memref<32x64xf32, #tpu.memory_space<vmem>>[vector<16xi32>, vector<16xi32>], vector<16xf32>,
      %mul3A_207 = arith.constant 16 : i32
      %mul3A_208 = arith.muli %while3A_190, %mul3A_207 : i32
      %add3A_209 = vector.broadcast %mul3A_208 : i32 to vector<16xi32>
      %add3A_210 = arith.addi %add3A_209, %iota3A : vector<16xi32>
      %broadcast_in_dim3A_211 = arith.constant 0 : i32
      %broadcast_in_dim3A_212 = vector.broadcast %broadcast_in_dim3A_211 : i32 to vector<16xi32>
      tpu.vector_store_idx %arg11[%add3A_210, %broadcast_in_dim3A_212], %gather3A : memref<128x128xf32, #tpu.memory_space<vmem>>[vector<16xi32>, vector<16xi32>], vector<16xf32>,
      %broadcast_in_dim3A_213 = arith.constant 1 : i32
      %broadcast_in_dim3A_214 = vector.broadcast %broadcast_in_dim3A_213 : i32 to vector<16xi32>
      %gather3A_215 = tpu.vector_load_idx %arg10[%broadcast_in_dim3A_214, %min3A_205] : memref<32x64xf32, #tpu.memory_space<vmem>>[vector<16xi32>, vector<16xi32>], vector<16xf32>,
      %mul3A_216 = arith.constant 16 : i32
      %mul3A_217 = arith.muli %while3A_190, %mul3A_216 : i32
      %add3A_218 = vector.broadcast %mul3A_217 : i32 to vector<16xi32>
      %add3A_219 = arith.addi %add3A_218, %iota3A : vector<16xi32>
      %broadcast_in_dim3A_220 = arith.constant 1 : i32
      %broadcast_in_dim3A_221 = vector.broadcast %broadcast_in_dim3A_220 : i32 to vector<16xi32>
      tpu.vector_store_idx %arg11[%add3A_219, %broadcast_in_dim3A_221], %gather3A_215 : memref<128x128xf32, #tpu.memory_space<vmem>>[vector<16xi32>, vector<16xi32>], vector<16xf32>,
      %broadcast_in_dim3A_222 = arith.constant 2 : i32
      %broadcast_in_dim3A_223 = vector.broadcast %broadcast_in_dim3A_222 : i32 to vector<16xi32>
      %gather3A_224 = tpu.vector_load_idx %arg10[%broadcast_in_dim3A_223, %min3A_205] : memref<32x64xf32, #tpu.memory_space<vmem>>[vector<16xi32>, vector<16xi32>], vector<16xf32>,
      %mul3A_225 = arith.constant 16 : i32
      %mul3A_226 = arith.muli %while3A_190, %mul3A_225 : i32
      %add3A_227 = vector.broadcast %mul3A_226 : i32 to vector<16xi32>
      %add3A_228 = arith.addi %add3A_227, %iota3A : vector<16xi32>
      %broadcast_in_dim3A_229 = arith.constant 2 : i32
      %broadcast_in_dim3A_230 = vector.broadcast %broadcast_in_dim3A_229 : i32 to vector<16xi32>
      tpu.vector_store_idx %arg11[%add3A_228, %broadcast_in_dim3A_230], %gather3A_224 : memref<128x128xf32, #tpu.memory_space<vmem>>[vector<16xi32>, vector<16xi32>], vector<16xf32>,
      %broadcast_in_dim3A_231 = arith.constant 3 : i32
      %broadcast_in_dim3A_232 = vector.broadcast %broadcast_in_dim3A_231 : i32 to vector<16xi32>
      %gather3A_233 = tpu.vector_load_idx %arg10[%broadcast_in_dim3A_232, %min3A_205] : memref<32x64xf32, #tpu.memory_space<vmem>>[vector<16xi32>, vector<16xi32>], vector<16xf32>,
      %mul3A_234 = arith.constant 16 : i32
      %mul3A_235 = arith.muli %while3A_190, %mul3A_234 : i32
      %add3A_236 = vector.broadcast %mul3A_235 : i32 to vector<16xi32>
      %add3A_237 = arith.addi %add3A_236, %iota3A : vector<16xi32>
      %broadcast_in_dim3A_238 = arith.constant 3 : i32
      %broadcast_in_dim3A_239 = vector.broadcast %broadcast_in_dim3A_238 : i32 to vector<16xi32>
      tpu.vector_store_idx %arg11[%add3A_237, %broadcast_in_dim3A_239], %gather3A_233 : memref<128x128xf32, #tpu.memory_space<vmem>>[vector<16xi32>, vector<16xi32>], vector<16xf32>,
      %broadcast_in_dim3A_240 = arith.constant 4 : i32
      %broadcast_in_dim3A_241 = vector.broadcast %broadcast_in_dim3A_240 : i32 to vector<16xi32>
      %gather3A_242 = tpu.vector_load_idx %arg10[%broadcast_in_dim3A_241, %min3A_205] : memref<32x64xf32, #tpu.memory_space<vmem>>[vector<16xi32>, vector<16xi32>], vector<16xf32>,
      %mul3A_243 = arith.constant 16 : i32
      %mul3A_244 = arith.muli %while3A_190, %mul3A_243 : i32
      %add3A_245 = vector.broadcast %mul3A_244 : i32 to vector<16xi32>
      %add3A_246 = arith.addi %add3A_245, %iota3A : vector<16xi32>
      %broadcast_in_dim3A_247 = arith.constant 4 : i32
      %broadcast_in_dim3A_248 = vector.broadcast %broadcast_in_dim3A_247 : i32 to vector<16xi32>
      tpu.vector_store_idx %arg11[%add3A_246, %broadcast_in_dim3A_248], %gather3A_242 : memref<128x128xf32, #tpu.memory_space<vmem>>[vector<16xi32>, vector<16xi32>], vector<16xf32>,
      %broadcast_in_dim3A_249 = arith.constant 5 : i32
      %broadcast_in_dim3A_250 = vector.broadcast %broadcast_in_dim3A_249 : i32 to vector<16xi32>
      %gather3A_251 = tpu.vector_load_idx %arg10[%broadcast_in_dim3A_250, %min3A_205] : memref<32x64xf32, #tpu.memory_space<vmem>>[vector<16xi32>, vector<16xi32>], vector<16xf32>,
      %mul3A_252 = arith.constant 16 : i32
      %mul3A_253 = arith.muli %while3A_190, %mul3A_252 : i32
      %add3A_254 = vector.broadcast %mul3A_253 : i32 to vector<16xi32>
      %add3A_255 = arith.addi %add3A_254, %iota3A : vector<16xi32>
      %broadcast_in_dim3A_256 = arith.constant 5 : i32
      %broadcast_in_dim3A_257 = vector.broadcast %broadcast_in_dim3A_256 : i32 to vector<16xi32>
      tpu.vector_store_idx %arg11[%add3A_255, %broadcast_in_dim3A_257], %gather3A_251 : memref<128x128xf32, #tpu.memory_space<vmem>>[vector<16xi32>, vector<16xi32>], vector<16xf32>,
      %broadcast_in_dim3A_258 = arith.constant 6 : i32
      %broadcast_in_dim3A_259 = vector.broadcast %broadcast_in_dim3A_258 : i32 to vector<16xi32>
      %gather3A_260 = tpu.vector_load_idx %arg10[%broadcast_in_dim3A_259, %min3A_205] : memref<32x64xf32, #tpu.memory_space<vmem>>[vector<16xi32>, vector<16xi32>], vector<16xf32>,
      %mul3A_261 = arith.constant 16 : i32
      %mul3A_262 = arith.muli %while3A_190, %mul3A_261 : i32
      %add3A_263 = vector.broadcast %mul3A_262 : i32 to vector<16xi32>
      %add3A_264 = arith.addi %add3A_263, %iota3A : vector<16xi32>
      %broadcast_in_dim3A_265 = arith.constant 6 : i32
      %broadcast_in_dim3A_266 = vector.broadcast %broadcast_in_dim3A_265 : i32 to vector<16xi32>
      tpu.vector_store_idx %arg11[%add3A_264, %broadcast_in_dim3A_266], %gather3A_260 : memref<128x128xf32, #tpu.memory_space<vmem>>[vector<16xi32>, vector<16xi32>], vector<16xf32>,
      %broadcast_in_dim3A_267 = arith.constant 7 : i32
      %broadcast_in_dim3A_268 = vector.broadcast %broadcast_in_dim3A_267 : i32 to vector<16xi32>
      %gather3A_269 = tpu.vector_load_idx %arg10[%broadcast_in_dim3A_268, %min3A_205] : memref<32x64xf32, #tpu.memory_space<vmem>>[vector<16xi32>, vector<16xi32>], vector<16xf32>,
      %mul3A_270 = arith.constant 16 : i32
      %mul3A_271 = arith.muli %while3A_190, %mul3A_270 : i32
      %add3A_272 = vector.broadcast %mul3A_271 : i32 to vector<16xi32>
      %add3A_273 = arith.addi %add3A_272, %iota3A : vector<16xi32>
      %broadcast_in_dim3A_274 = arith.constant 7 : i32
      %broadcast_in_dim3A_275 = vector.broadcast %broadcast_in_dim3A_274 : i32 to vector<16xi32>
      tpu.vector_store_idx %arg11[%add3A_273, %broadcast_in_dim3A_275], %gather3A_269 : memref<128x128xf32, #tpu.memory_space<vmem>>[vector<16xi32>, vector<16xi32>], vector<16xf32>,
      %broadcast_in_dim3A_276 = arith.constant 8 : i32
      %broadcast_in_dim3A_277 = vector.broadcast %broadcast_in_dim3A_276 : i32 to vector<16xi32>
      %gather3A_278 = tpu.vector_load_idx %arg10[%broadcast_in_dim3A_277, %min3A_205] : memref<32x64xf32, #tpu.memory_space<vmem>>[vector<16xi32>, vector<16xi32>], vector<16xf32>,
      %mul3A_279 = arith.constant 16 : i32
      %mul3A_280 = arith.muli %while3A_190, %mul3A_279 : i32
      %add3A_281 = vector.broadcast %mul3A_280 : i32 to vector<16xi32>
      %add3A_282 = arith.addi %add3A_281, %iota3A : vector<16xi32>
      %broadcast_in_dim3A_283 = arith.constant 8 : i32
      %broadcast_in_dim3A_284 = vector.broadcast %broadcast_in_dim3A_283 : i32 to vector<16xi32>
      tpu.vector_store_idx %arg11[%add3A_282, %broadcast_in_dim3A_284], %gather3A_278 : memref<128x128xf32, #tpu.memory_space<vmem>>[vector<16xi32>, vector<16xi32>], vector<16xf32>,
      %broadcast_in_dim3A_285 = arith.constant 9 : i32
      %broadcast_in_dim3A_286 = vector.broadcast %broadcast_in_dim3A_285 : i32 to vector<16xi32>
      %gather3A_287 = tpu.vector_load_idx %arg10[%broadcast_in_dim3A_286, %min3A_205] : memref<32x64xf32, #tpu.memory_space<vmem>>[vector<16xi32>, vector<16xi32>], vector<16xf32>,
      %mul3A_288 = arith.constant 16 : i32
      %mul3A_289 = arith.muli %while3A_190, %mul3A_288 : i32
      %add3A_290 = vector.broadcast %mul3A_289 : i32 to vector<16xi32>
      %add3A_291 = arith.addi %add3A_290, %iota3A : vector<16xi32>
      %broadcast_in_dim3A_292 = arith.constant 9 : i32
      %broadcast_in_dim3A_293 = vector.broadcast %broadcast_in_dim3A_292 : i32 to vector<16xi32>
      tpu.vector_store_idx %arg11[%add3A_291, %broadcast_in_dim3A_293], %gather3A_287 : memref<128x128xf32, #tpu.memory_space<vmem>>[vector<16xi32>, vector<16xi32>], vector<16xf32>,
      %broadcast_in_dim3A_294 = arith.constant 10 : i32
      %broadcast_in_dim3A_295 = vector.broadcast %broadcast_in_dim3A_294 : i32 to vector<16xi32>
      %gather3A_296 = tpu.vector_load_idx %arg10[%broadcast_in_dim3A_295, %min3A_205] : memref<32x64xf32, #tpu.memory_space<vmem>>[vector<16xi32>, vector<16xi32>], vector<16xf32>,
      %mul3A_297 = arith.constant 16 : i32
      %mul3A_298 = arith.muli %while3A_190, %mul3A_297 : i32
      %add3A_299 = vector.broadcast %mul3A_298 : i32 to vector<16xi32>
      %add3A_300 = arith.addi %add3A_299, %iota3A : vector<16xi32>
      %broadcast_in_dim3A_301 = arith.constant 10 : i32
      %broadcast_in_dim3A_302 = vector.broadcast %broadcast_in_dim3A_301 : i32 to vector<16xi32>
      tpu.vector_store_idx %arg11[%add3A_300, %broadcast_in_dim3A_302], %gather3A_296 : memref<128x128xf32, #tpu.memory_space<vmem>>[vector<16xi32>, vector<16xi32>], vector<16xf32>,
      %broadcast_in_dim3A_303 = arith.constant 11 : i32
      %broadcast_in_dim3A_304 = vector.broadcast %broadcast_in_dim3A_303 : i32 to vector<16xi32>
      %gather3A_305 = tpu.vector_load_idx %arg10[%broadcast_in_dim3A_304, %min3A_205] : memref<32x64xf32, #tpu.memory_space<vmem>>[vector<16xi32>, vector<16xi32>], vector<16xf32>,
      %mul3A_306 = arith.constant 16 : i32
      %mul3A_307 = arith.muli %while3A_190, %mul3A_306 : i32
      %add3A_308 = vector.broadcast %mul3A_307 : i32 to vector<16xi32>
      %add3A_309 = arith.addi %add3A_308, %iota3A : vector<16xi32>
      %broadcast_in_dim3A_310 = arith.constant 11 : i32
      %broadcast_in_dim3A_311 = vector.broadcast %broadcast_in_dim3A_310 : i32 to vector<16xi32>
      tpu.vector_store_idx %arg11[%add3A_309, %broadcast_in_dim3A_311], %gather3A_305 : memref<128x128xf32, #tpu.memory_space<vmem>>[vector<16xi32>, vector<16xi32>], vector<16xf32>,
      %broadcast_in_dim3A_312 = arith.constant 12 : i32
      %broadcast_in_dim3A_313 = vector.broadcast %broadcast_in_dim3A_312 : i32 to vector<16xi32>
      %gather3A_314 = tpu.vector_load_idx %arg10[%broadcast_in_dim3A_313, %min3A_205] : memref<32x64xf32, #tpu.memory_space<vmem>>[vector<16xi32>, vector<16xi32>], vector<16xf32>,
      %mul3A_315 = arith.constant 16 : i32
      %mul3A_316 = arith.muli %while3A_190, %mul3A_315 : i32
      %add3A_317 = vector.broadcast %mul3A_316 : i32 to vector<16xi32>
      %add3A_318 = arith.addi %add3A_317, %iota3A : vector<16xi32>
      %broadcast_in_dim3A_319 = arith.constant 12 : i32
      %broadcast_in_dim3A_320 = vector.broadcast %broadcast_in_dim3A_319 : i32 to vector<16xi32>
      tpu.vector_store_idx %arg11[%add3A_318, %broadcast_in_dim3A_320], %gather3A_314 : memref<128x128xf32, #tpu.memory_space<vmem>>[vector<16xi32>, vector<16xi32>], vector<16xf32>,
      %broadcast_in_dim3A_321 = arith.constant 13 : i32
      %broadcast_in_dim3A_322 = vector.broadcast %broadcast_in_dim3A_321 : i32 to vector<16xi32>
      %gather3A_323 = tpu.vector_load_idx %arg10[%broadcast_in_dim3A_322, %min3A_205] : memref<32x64xf32, #tpu.memory_space<vmem>>[vector<16xi32>, vector<16xi32>], vector<16xf32>,
      %mul3A_324 = arith.constant 16 : i32
      %mul3A_325 = arith.muli %while3A_190, %mul3A_324 : i32
      %add3A_326 = vector.broadcast %mul3A_325 : i32 to vector<16xi32>
      %add3A_327 = arith.addi %add3A_326, %iota3A : vector<16xi32>
      %broadcast_in_dim3A_328 = arith.constant 13 : i32
      %broadcast_in_dim3A_329 = vector.broadcast %broadcast_in_dim3A_328 : i32 to vector<16xi32>
      tpu.vector_store_idx %arg11[%add3A_327, %broadcast_in_dim3A_329], %gather3A_323 : memref<128x128xf32, #tpu.memory_space<vmem>>[vector<16xi32>, vector<16xi32>], vector<16xf32>,
      %broadcast_in_dim3A_330 = arith.constant 14 : i32
      %broadcast_in_dim3A_331 = vector.broadcast %broadcast_in_dim3A_330 : i32 to vector<16xi32>
      %gather3A_332 = tpu.vector_load_idx %arg10[%broadcast_in_dim3A_331, %min3A_205] : memref<32x64xf32, #tpu.memory_space<vmem>>[vector<16xi32>, vector<16xi32>], vector<16xf32>,
      %mul3A_333 = arith.constant 16 : i32
      %mul3A_334 = arith.muli %while3A_190, %mul3A_333 : i32
      %add3A_335 = vector.broadcast %mul3A_334 : i32 to vector<16xi32>
      %add3A_336 = arith.addi %add3A_335, %iota3A : vector<16xi32>
      %broadcast_in_dim3A_337 = arith.constant 14 : i32
      %broadcast_in_dim3A_338 = vector.broadcast %broadcast_in_dim3A_337 : i32 to vector<16xi32>
      tpu.vector_store_idx %arg11[%add3A_336, %broadcast_in_dim3A_338], %gather3A_332 : memref<128x128xf32, #tpu.memory_space<vmem>>[vector<16xi32>, vector<16xi32>], vector<16xf32>,
      %broadcast_in_dim3A_339 = arith.constant 15 : i32
      %broadcast_in_dim3A_340 = vector.broadcast %broadcast_in_dim3A_339 : i32 to vector<16xi32>
      %gather3A_341 = tpu.vector_load_idx %arg10[%broadcast_in_dim3A_340, %min3A_205] : memref<32x64xf32, #tpu.memory_space<vmem>>[vector<16xi32>, vector<16xi32>], vector<16xf32>,
      %mul3A_342 = arith.constant 16 : i32
      %mul3A_343 = arith.muli %while3A_190, %mul3A_342 : i32
      %add3A_344 = vector.broadcast %mul3A_343 : i32 to vector<16xi32>
      %add3A_345 = arith.addi %add3A_344, %iota3A : vector<16xi32>
      %broadcast_in_dim3A_346 = arith.constant 15 : i32
      %broadcast_in_dim3A_347 = vector.broadcast %broadcast_in_dim3A_346 : i32 to vector<16xi32>
      tpu.vector_store_idx %arg11[%add3A_345, %broadcast_in_dim3A_347], %gather3A_341 : memref<128x128xf32, #tpu.memory_space<vmem>>[vector<16xi32>, vector<16xi32>], vector<16xf32>,
      %broadcast_in_dim3A_348 = arith.constant 16 : i32
      %broadcast_in_dim3A_349 = vector.broadcast %broadcast_in_dim3A_348 : i32 to vector<16xi32>
      %gather3A_350 = tpu.vector_load_idx %arg10[%broadcast_in_dim3A_349, %min3A_205] : memref<32x64xf32, #tpu.memory_space<vmem>>[vector<16xi32>, vector<16xi32>], vector<16xf32>,
      %mul3A_351 = arith.constant 16 : i32
      %mul3A_352 = arith.muli %while3A_190, %mul3A_351 : i32
      %add3A_353 = vector.broadcast %mul3A_352 : i32 to vector<16xi32>
      %add3A_354 = arith.addi %add3A_353, %iota3A : vector<16xi32>
      %broadcast_in_dim3A_355 = arith.constant 16 : i32
      %broadcast_in_dim3A_356 = vector.broadcast %broadcast_in_dim3A_355 : i32 to vector<16xi32>
      tpu.vector_store_idx %arg11[%add3A_354, %broadcast_in_dim3A_356], %gather3A_350 : memref<128x128xf32, #tpu.memory_space<vmem>>[vector<16xi32>, vector<16xi32>], vector<16xf32>,
      %broadcast_in_dim3A_357 = arith.constant 17 : i32
      %broadcast_in_dim3A_358 = vector.broadcast %broadcast_in_dim3A_357 : i32 to vector<16xi32>
      %gather3A_359 = tpu.vector_load_idx %arg10[%broadcast_in_dim3A_358, %min3A_205] : memref<32x64xf32, #tpu.memory_space<vmem>>[vector<16xi32>, vector<16xi32>], vector<16xf32>,
      %mul3A_360 = arith.constant 16 : i32
      %mul3A_361 = arith.muli %while3A_190, %mul3A_360 : i32
      %add3A_362 = vector.broadcast %mul3A_361 : i32 to vector<16xi32>
      %add3A_363 = arith.addi %add3A_362, %iota3A : vector<16xi32>
      %broadcast_in_dim3A_364 = arith.constant 17 : i32
      %broadcast_in_dim3A_365 = vector.broadcast %broadcast_in_dim3A_364 : i32 to vector<16xi32>
      tpu.vector_store_idx %arg11[%add3A_363, %broadcast_in_dim3A_365], %gather3A_359 : memref<128x128xf32, #tpu.memory_space<vmem>>[vector<16xi32>, vector<16xi32>], vector<16xf32>,
      %broadcast_in_dim3A_366 = arith.constant 18 : i32
      %broadcast_in_dim3A_367 = vector.broadcast %broadcast_in_dim3A_366 : i32 to vector<16xi32>
      %gather3A_368 = tpu.vector_load_idx %arg10[%broadcast_in_dim3A_367, %min3A_205] : memref<32x64xf32, #tpu.memory_space<vmem>>[vector<16xi32>, vector<16xi32>], vector<16xf32>,
      %mul3A_369 = arith.constant 16 : i32
      %mul3A_370 = arith.muli %while3A_190, %mul3A_369 : i32
      %add3A_371 = vector.broadcast %mul3A_370 : i32 to vector<16xi32>
      %add3A_372 = arith.addi %add3A_371, %iota3A : vector<16xi32>
      %broadcast_in_dim3A_373 = arith.constant 18 : i32
      %broadcast_in_dim3A_374 = vector.broadcast %broadcast_in_dim3A_373 : i32 to vector<16xi32>
      tpu.vector_store_idx %arg11[%add3A_372, %broadcast_in_dim3A_374], %gather3A_368 : memref<128x128xf32, #tpu.memory_space<vmem>>[vector<16xi32>, vector<16xi32>], vector<16xf32>,
      %broadcast_in_dim3A_375 = arith.constant 19 : i32
      %broadcast_in_dim3A_376 = vector.broadcast %broadcast_in_dim3A_375 : i32 to vector<16xi32>
      %gather3A_377 = tpu.vector_load_idx %arg10[%broadcast_in_dim3A_376, %min3A_205] : memref<32x64xf32, #tpu.memory_space<vmem>>[vector<16xi32>, vector<16xi32>], vector<16xf32>,
      %mul3A_378 = arith.constant 16 : i32
      %mul3A_379 = arith.muli %while3A_190, %mul3A_378 : i32
      %add3A_380 = vector.broadcast %mul3A_379 : i32 to vector<16xi32>
      %add3A_381 = arith.addi %add3A_380, %iota3A : vector<16xi32>
      %broadcast_in_dim3A_382 = arith.constant 19 : i32
      %broadcast_in_dim3A_383 = vector.broadcast %broadcast_in_dim3A_382 : i32 to vector<16xi32>
      tpu.vector_store_idx %arg11[%add3A_381, %broadcast_in_dim3A_383], %gather3A_377 : memref<128x128xf32, #tpu.memory_space<vmem>>[vector<16xi32>, vector<16xi32>], vector<16xf32>,
      %broadcast_in_dim3A_384 = arith.constant 20 : i32
      %broadcast_in_dim3A_385 = vector.broadcast %broadcast_in_dim3A_384 : i32 to vector<16xi32>
      %gather3A_386 = tpu.vector_load_idx %arg10[%broadcast_in_dim3A_385, %min3A_205] : memref<32x64xf32, #tpu.memory_space<vmem>>[vector<16xi32>, vector<16xi32>], vector<16xf32>,
      %mul3A_387 = arith.constant 16 : i32
      %mul3A_388 = arith.muli %while3A_190, %mul3A_387 : i32
      %add3A_389 = vector.broadcast %mul3A_388 : i32 to vector<16xi32>
      %add3A_390 = arith.addi %add3A_389, %iota3A : vector<16xi32>
      %broadcast_in_dim3A_391 = arith.constant 20 : i32
      %broadcast_in_dim3A_392 = vector.broadcast %broadcast_in_dim3A_391 : i32 to vector<16xi32>
      tpu.vector_store_idx %arg11[%add3A_390, %broadcast_in_dim3A_392], %gather3A_386 : memref<128x128xf32, #tpu.memory_space<vmem>>[vector<16xi32>, vector<16xi32>], vector<16xf32>,
      %broadcast_in_dim3A_393 = arith.constant 21 : i32
      %broadcast_in_dim3A_394 = vector.broadcast %broadcast_in_dim3A_393 : i32 to vector<16xi32>
      %gather3A_395 = tpu.vector_load_idx %arg10[%broadcast_in_dim3A_394, %min3A_205] : memref<32x64xf32, #tpu.memory_space<vmem>>[vector<16xi32>, vector<16xi32>], vector<16xf32>,
      %mul3A_396 = arith.constant 16 : i32
      %mul3A_397 = arith.muli %while3A_190, %mul3A_396 : i32
      %add3A_398 = vector.broadcast %mul3A_397 : i32 to vector<16xi32>
      %add3A_399 = arith.addi %add3A_398, %iota3A : vector<16xi32>
      %broadcast_in_dim3A_400 = arith.constant 21 : i32
      %broadcast_in_dim3A_401 = vector.broadcast %broadcast_in_dim3A_400 : i32 to vector<16xi32>
      tpu.vector_store_idx %arg11[%add3A_399, %broadcast_in_dim3A_401], %gather3A_395 : memref<128x128xf32, #tpu.memory_space<vmem>>[vector<16xi32>, vector<16xi32>], vector<16xf32>,
      %broadcast_in_dim3A_402 = arith.constant 22 : i32
      %broadcast_in_dim3A_403 = vector.broadcast %broadcast_in_dim3A_402 : i32 to vector<16xi32>
      %gather3A_404 = tpu.vector_load_idx %arg10[%broadcast_in_dim3A_403, %min3A_205] : memref<32x64xf32, #tpu.memory_space<vmem>>[vector<16xi32>, vector<16xi32>], vector<16xf32>,
      %mul3A_405 = arith.constant 16 : i32
      %mul3A_406 = arith.muli %while3A_190, %mul3A_405 : i32
      %add3A_407 = vector.broadcast %mul3A_406 : i32 to vector<16xi32>
      %add3A_408 = arith.addi %add3A_407, %iota3A : vector<16xi32>
      %broadcast_in_dim3A_409 = arith.constant 22 : i32
      %broadcast_in_dim3A_410 = vector.broadcast %broadcast_in_dim3A_409 : i32 to vector<16xi32>
      tpu.vector_store_idx %arg11[%add3A_408, %broadcast_in_dim3A_410], %gather3A_404 : memref<128x128xf32, #tpu.memory_space<vmem>>[vector<16xi32>, vector<16xi32>], vector<16xf32>,
      %broadcast_in_dim3A_411 = arith.constant 23 : i32
      %broadcast_in_dim3A_412 = vector.broadcast %broadcast_in_dim3A_411 : i32 to vector<16xi32>
      %gather3A_413 = tpu.vector_load_idx %arg10[%broadcast_in_dim3A_412, %min3A_205] : memref<32x64xf32, #tpu.memory_space<vmem>>[vector<16xi32>, vector<16xi32>], vector<16xf32>,
      %mul3A_414 = arith.constant 16 : i32
      %mul3A_415 = arith.muli %while3A_190, %mul3A_414 : i32
      %add3A_416 = vector.broadcast %mul3A_415 : i32 to vector<16xi32>
      %add3A_417 = arith.addi %add3A_416, %iota3A : vector<16xi32>
      %broadcast_in_dim3A_418 = arith.constant 23 : i32
      %broadcast_in_dim3A_419 = vector.broadcast %broadcast_in_dim3A_418 : i32 to vector<16xi32>
      tpu.vector_store_idx %arg11[%add3A_417, %broadcast_in_dim3A_419], %gather3A_413 : memref<128x128xf32, #tpu.memory_space<vmem>>[vector<16xi32>, vector<16xi32>], vector<16xf32>,
      %broadcast_in_dim3A_420 = arith.constant 24 : i32
      %broadcast_in_dim3A_421 = vector.broadcast %broadcast_in_dim3A_420 : i32 to vector<16xi32>
      %gather3A_422 = tpu.vector_load_idx %arg10[%broadcast_in_dim3A_421, %min3A_205] : memref<32x64xf32, #tpu.memory_space<vmem>>[vector<16xi32>, vector<16xi32>], vector<16xf32>,
      %mul3A_423 = arith.constant 16 : i32
      %mul3A_424 = arith.muli %while3A_190, %mul3A_423 : i32
      %add3A_425 = vector.broadcast %mul3A_424 : i32 to vector<16xi32>
      %add3A_426 = arith.addi %add3A_425, %iota3A : vector<16xi32>
      %broadcast_in_dim3A_427 = arith.constant 24 : i32
      %broadcast_in_dim3A_428 = vector.broadcast %broadcast_in_dim3A_427 : i32 to vector<16xi32>
      tpu.vector_store_idx %arg11[%add3A_426, %broadcast_in_dim3A_428], %gather3A_422 : memref<128x128xf32, #tpu.memory_space<vmem>>[vector<16xi32>, vector<16xi32>], vector<16xf32>,
      %broadcast_in_dim3A_429 = arith.constant 25 : i32
      %broadcast_in_dim3A_430 = vector.broadcast %broadcast_in_dim3A_429 : i32 to vector<16xi32>
      %gather3A_431 = tpu.vector_load_idx %arg10[%broadcast_in_dim3A_430, %min3A_205] : memref<32x64xf32, #tpu.memory_space<vmem>>[vector<16xi32>, vector<16xi32>], vector<16xf32>,
      %mul3A_432 = arith.constant 16 : i32
      %mul3A_433 = arith.muli %while3A_190, %mul3A_432 : i32
      %add3A_434 = vector.broadcast %mul3A_433 : i32 to vector<16xi32>
      %add3A_435 = arith.addi %add3A_434, %iota3A : vector<16xi32>
      %broadcast_in_dim3A_436 = arith.constant 25 : i32
      %broadcast_in_dim3A_437 = vector.broadcast %broadcast_in_dim3A_436 : i32 to vector<16xi32>
      tpu.vector_store_idx %arg11[%add3A_435, %broadcast_in_dim3A_437], %gather3A_431 : memref<128x128xf32, #tpu.memory_space<vmem>>[vector<16xi32>, vector<16xi32>], vector<16xf32>,
      %broadcast_in_dim3A_438 = arith.constant 26 : i32
      %broadcast_in_dim3A_439 = vector.broadcast %broadcast_in_dim3A_438 : i32 to vector<16xi32>
      %gather3A_440 = tpu.vector_load_idx %arg10[%broadcast_in_dim3A_439, %min3A_205] : memref<32x64xf32, #tpu.memory_space<vmem>>[vector<16xi32>, vector<16xi32>], vector<16xf32>,
      %mul3A_441 = arith.constant 16 : i32
      %mul3A_442 = arith.muli %while3A_190, %mul3A_441 : i32
      %add3A_443 = vector.broadcast %mul3A_442 : i32 to vector<16xi32>
      %add3A_444 = arith.addi %add3A_443, %iota3A : vector<16xi32>
      %broadcast_in_dim3A_445 = arith.constant 26 : i32
      %broadcast_in_dim3A_446 = vector.broadcast %broadcast_in_dim3A_445 : i32 to vector<16xi32>
      tpu.vector_store_idx %arg11[%add3A_444, %broadcast_in_dim3A_446], %gather3A_440 : memref<128x128xf32, #tpu.memory_space<vmem>>[vector<16xi32>, vector<16xi32>], vector<16xf32>,
      %broadcast_in_dim3A_447 = arith.constant 27 : i32
      %broadcast_in_dim3A_448 = vector.broadcast %broadcast_in_dim3A_447 : i32 to vector<16xi32>
      %gather3A_449 = tpu.vector_load_idx %arg10[%broadcast_in_dim3A_448, %min3A_205] : memref<32x64xf32, #tpu.memory_space<vmem>>[vector<16xi32>, vector<16xi32>], vector<16xf32>,
      %mul3A_450 = arith.constant 16 : i32
      %mul3A_451 = arith.muli %while3A_190, %mul3A_450 : i32
      %add3A_452 = vector.broadcast %mul3A_451 : i32 to vector<16xi32>
      %add3A_453 = arith.addi %add3A_452, %iota3A : vector<16xi32>
      %broadcast_in_dim3A_454 = arith.constant 27 : i32
      %broadcast_in_dim3A_455 = vector.broadcast %broadcast_in_dim3A_454 : i32 to vector<16xi32>
      tpu.vector_store_idx %arg11[%add3A_453, %broadcast_in_dim3A_455], %gather3A_449 : memref<128x128xf32, #tpu.memory_space<vmem>>[vector<16xi32>, vector<16xi32>], vector<16xf32>,
      %broadcast_in_dim3A_456 = arith.constant 28 : i32
      %broadcast_in_dim3A_457 = vector.broadcast %broadcast_in_dim3A_456 : i32 to vector<16xi32>
      %gather3A_458 = tpu.vector_load_idx %arg10[%broadcast_in_dim3A_457, %min3A_205] : memref<32x64xf32, #tpu.memory_space<vmem>>[vector<16xi32>, vector<16xi32>], vector<16xf32>,
      %mul3A_459 = arith.constant 16 : i32
      %mul3A_460 = arith.muli %while3A_190, %mul3A_459 : i32
      %add3A_461 = vector.broadcast %mul3A_460 : i32 to vector<16xi32>
      %add3A_462 = arith.addi %add3A_461, %iota3A : vector<16xi32>
      %broadcast_in_dim3A_463 = arith.constant 28 : i32
      %broadcast_in_dim3A_464 = vector.broadcast %broadcast_in_dim3A_463 : i32 to vector<16xi32>
      tpu.vector_store_idx %arg11[%add3A_462, %broadcast_in_dim3A_464], %gather3A_458 : memref<128x128xf32, #tpu.memory_space<vmem>>[vector<16xi32>, vector<16xi32>], vector<16xf32>,
      %broadcast_in_dim3A_465 = arith.constant 29 : i32
      %broadcast_in_dim3A_466 = vector.broadcast %broadcast_in_dim3A_465 : i32 to vector<16xi32>
      %gather3A_467 = tpu.vector_load_idx %arg10[%broadcast_in_dim3A_466, %min3A_205] : memref<32x64xf32, #tpu.memory_space<vmem>>[vector<16xi32>, vector<16xi32>], vector<16xf32>,
      %mul3A_468 = arith.constant 16 : i32
      %mul3A_469 = arith.muli %while3A_190, %mul3A_468 : i32
      %add3A_470 = vector.broadcast %mul3A_469 : i32 to vector<16xi32>
      %add3A_471 = arith.addi %add3A_470, %iota3A : vector<16xi32>
      %broadcast_in_dim3A_472 = arith.constant 29 : i32
      %broadcast_in_dim3A_473 = vector.broadcast %broadcast_in_dim3A_472 : i32 to vector<16xi32>
      tpu.vector_store_idx %arg11[%add3A_471, %broadcast_in_dim3A_473], %gather3A_467 : memref<128x128xf32, #tpu.memory_space<vmem>>[vector<16xi32>, vector<16xi32>], vector<16xf32>,
      %broadcast_in_dim3A_474 = arith.constant 30 : i32
      %broadcast_in_dim3A_475 = vector.broadcast %broadcast_in_dim3A_474 : i32 to vector<16xi32>
      %gather3A_476 = tpu.vector_load_idx %arg10[%broadcast_in_dim3A_475, %min3A_205] : memref<32x64xf32, #tpu.memory_space<vmem>>[vector<16xi32>, vector<16xi32>], vector<16xf32>,
      %mul3A_477 = arith.constant 16 : i32
      %mul3A_478 = arith.muli %while3A_190, %mul3A_477 : i32
      %add3A_479 = vector.broadcast %mul3A_478 : i32 to vector<16xi32>
      %add3A_480 = arith.addi %add3A_479, %iota3A : vector<16xi32>
      %broadcast_in_dim3A_481 = arith.constant 30 : i32
      %broadcast_in_dim3A_482 = vector.broadcast %broadcast_in_dim3A_481 : i32 to vector<16xi32>
      tpu.vector_store_idx %arg11[%add3A_480, %broadcast_in_dim3A_482], %gather3A_476 : memref<128x128xf32, #tpu.memory_space<vmem>>[vector<16xi32>, vector<16xi32>], vector<16xf32>,
      %broadcast_in_dim3A_483 = arith.constant 31 : i32
      %broadcast_in_dim3A_484 = vector.broadcast %broadcast_in_dim3A_483 : i32 to vector<16xi32>
      %gather3A_485 = tpu.vector_load_idx %arg10[%broadcast_in_dim3A_484, %min3A_205] : memref<32x64xf32, #tpu.memory_space<vmem>>[vector<16xi32>, vector<16xi32>], vector<16xf32>,
      %mul3A_486 = arith.constant 16 : i32
      %mul3A_487 = arith.muli %while3A_190, %mul3A_486 : i32
      %add3A_488 = vector.broadcast %mul3A_487 : i32 to vector<16xi32>
      %add3A_489 = arith.addi %add3A_488, %iota3A : vector<16xi32>
      %broadcast_in_dim3A_490 = arith.constant 31 : i32
      %broadcast_in_dim3A_491 = vector.broadcast %broadcast_in_dim3A_490 : i32 to vector<16xi32>
      tpu.vector_store_idx %arg11[%add3A_489, %broadcast_in_dim3A_491], %gather3A_485 : memref<128x128xf32, #tpu.memory_space<vmem>>[vector<16xi32>, vector<16xi32>], vector<16xf32>,
    }
    %while3A_169 = arith.constant 1 : i32
    scf.for %while3A_190 = %while3A_167 to %while3A_163 step %while3A_169  : i32 {
      %mul3A_191 = arith.constant 16 : i32
      %mul3A_192 = arith.muli %while3A_190, %mul3A_191 : i32
      %get3A = arith.index_cast %mul3A_192 : i32 to index
      %get3A_193 = tpu.vector_load %arg12[%get3A] {strides = array<i32>} : memref<128xi32, #tpu.memory_space<vmem>>, vector<16xi32>,
      %mul3A_194 = arith.constant 16 : i32
      %mul3A_195 = arith.muli %while3A_190, %mul3A_194 : i32
      %get3A_196 = arith.index_cast %mul3A_195 : i32 to index
      %get3A_197 = tpu.vector_load %arg13[%get3A_196] {strides = array<i32>} : memref<128xi32, #tpu.memory_space<vmem>>, vector<16xi32>,
      %sub3A_198 = arith.constant 999936 : i32
      %sub3A_199 = vector.broadcast %sub3A_198 : i32 to vector<16xi32>
      %sub3A_200 = arith.subi %get3A_193, %sub3A_199 : vector<16xi32>
      %jit3A_201 = arith.constant 0 : i32
      %jit3A_202 = arith.constant 63 : i32
      %max3A = vector.broadcast %jit3A_201 : i32 to vector<16xi32>
      %max3A_203 = arith.maxsi %max3A, %sub3A_200 : vector<16xi32>
      %min3A_204 = vector.broadcast %jit3A_202 : i32 to vector<16xi32>
      %min3A_205 = arith.minsi %min3A_204, %max3A_203 : vector<16xi32>
      %broadcast_in_dim3A = arith.constant 0 : i32
      %broadcast_in_dim3A_206 = vector.broadcast %broadcast_in_dim3A : i32 to vector<16xi32>
      %gather3A = tpu.vector_load_idx %arg10[%broadcast_in_dim3A_206, %min3A_205] : memref<32x64xf32, #tpu.memory_space<vmem>>[vector<16xi32>, vector<16xi32>], vector<16xf32>,
      %mul3A_207 = arith.constant 16 : i32
      %mul3A_208 = arith.muli %while3A_190, %mul3A_207 : i32
      %add3A_209 = vector.broadcast %mul3A_208 : i32 to vector<16xi32>
      %add3A_210 = arith.addi %add3A_209, %iota3A : vector<16xi32>
      %broadcast_in_dim3A_211 = arith.constant 0 : i32
      %broadcast_in_dim3A_212 = vector.broadcast %broadcast_in_dim3A_211 : i32 to vector<16xi32>
      tpu.vector_store_idx %arg11[%add3A_210, %broadcast_in_dim3A_212], %gather3A : memref<128x128xf32, #tpu.memory_space<vmem>>[vector<16xi32>, vector<16xi32>], vector<16xf32>,
      %broadcast_in_dim3A_213 = arith.constant 1 : i32
      %broadcast_in_dim3A_214 = vector.broadcast %broadcast_in_dim3A_213 : i32 to vector<16xi32>
      %gather3A_215 = tpu.vector_load_idx %arg10[%broadcast_in_dim3A_214, %min3A_205] : memref<32x64xf32, #tpu.memory_space<vmem>>[vector<16xi32>, vector<16xi32>], vector<16xf32>,
      %mul3A_216 = arith.constant 16 : i32
      %mul3A_217 = arith.muli %while3A_190, %mul3A_216 : i32
      %add3A_218 = vector.broadcast %mul3A_217 : i32 to vector<16xi32>
      %add3A_219 = arith.addi %add3A_218, %iota3A : vector<16xi32>
      %broadcast_in_dim3A_220 = arith.constant 1 : i32
      %broadcast_in_dim3A_221 = vector.broadcast %broadcast_in_dim3A_220 : i32 to vector<16xi32>
      tpu.vector_store_idx %arg11[%add3A_219, %broadcast_in_dim3A_221], %gather3A_215 : memref<128x128xf32, #tpu.memory_space<vmem>>[vector<16xi32>, vector<16xi32>], vector<16xf32>,
      %broadcast_in_dim3A_222 = arith.constant 2 : i32
      %broadcast_in_dim3A_223 = vector.broadcast %broadcast_in_dim3A_222 : i32 to vector<16xi32>
      %gather3A_224 = tpu.vector_load_idx %arg10[%broadcast_in_dim3A_223, %min3A_205] : memref<32x64xf32, #tpu.memory_space<vmem>>[vector<16xi32>, vector<16xi32>], vector<16xf32>,
      %mul3A_225 = arith.constant 16 : i32
      %mul3A_226 = arith.muli %while3A_190, %mul3A_225 : i32
      %add3A_227 = vector.broadcast %mul3A_226 : i32 to vector<16xi32>
      %add3A_228 = arith.addi %add3A_227, %iota3A : vector<16xi32>
      %broadcast_in_dim3A_229 = arith.constant 2 : i32
      %broadcast_in_dim3A_230 = vector.broadcast %broadcast_in_dim3A_229 : i32 to vector<16xi32>
      tpu.vector_store_idx %arg11[%add3A_228, %broadcast_in_dim3A_230], %gather3A_224 : memref<128x128xf32, #tpu.memory_space<vmem>>[vector<16xi32>, vector<16xi32>], vector<16xf32>,
      %broadcast_in_dim3A_231 = arith.constant 3 : i32
      %broadcast_in_dim3A_232 = vector.broadcast %broadcast_in_dim3A_231 : i32 to vector<16xi32>
      %gather3A_233 = tpu.vector_load_idx %arg10[%broadcast_in_dim3A_232, %min3A_205] : memref<32x64xf32, #tpu.memory_space<vmem>>[vector<16xi32>, vector<16xi32>], vector<16xf32>,
      %mul3A_234 = arith.constant 16 : i32
      %mul3A_235 = arith.muli %while3A_190, %mul3A_234 : i32
      %add3A_236 = vector.broadcast %mul3A_235 : i32 to vector<16xi32>
      %add3A_237 = arith.addi %add3A_236, %iota3A : vector<16xi32>
      %broadcast_in_dim3A_238 = arith.constant 3 : i32
      %broadcast_in_dim3A_239 = vector.broadcast %broadcast_in_dim3A_238 : i32 to vector<16xi32>
      tpu.vector_store_idx %arg11[%add3A_237, %broadcast_in_dim3A_239], %gather3A_233 : memref<128x128xf32, #tpu.memory_space<vmem>>[vector<16xi32>, vector<16xi32>], vector<16xf32>,
      %broadcast_in_dim3A_240 = arith.constant 4 : i32
      %broadcast_in_dim3A_241 = vector.broadcast %broadcast_in_dim3A_240 : i32 to vector<16xi32>
      %gather3A_242 = tpu.vector_load_idx %arg10[%broadcast_in_dim3A_241, %min3A_205] : memref<32x64xf32, #tpu.memory_space<vmem>>[vector<16xi32>, vector<16xi32>], vector<16xf32>,
      %mul3A_243 = arith.constant 16 : i32
      %mul3A_244 = arith.muli %while3A_190, %mul3A_243 : i32
      %add3A_245 = vector.broadcast %mul3A_244 : i32 to vector<16xi32>
      %add3A_246 = arith.addi %add3A_245, %iota3A : vector<16xi32>
      %broadcast_in_dim3A_247 = arith.constant 4 : i32
      %broadcast_in_dim3A_248 = vector.broadcast %broadcast_in_dim3A_247 : i32 to vector<16xi32>
      tpu.vector_store_idx %arg11[%add3A_246, %broadcast_in_dim3A_248], %gather3A_242 : memref<128x128xf32, #tpu.memory_space<vmem>>[vector<16xi32>, vector<16xi32>], vector<16xf32>,
      %broadcast_in_dim3A_249 = arith.constant 5 : i32
      %broadcast_in_dim3A_250 = vector.broadcast %broadcast_in_dim3A_249 : i32 to vector<16xi32>
      %gather3A_251 = tpu.vector_load_idx %arg10[%broadcast_in_dim3A_250, %min3A_205] : memref<32x64xf32, #tpu.memory_space<vmem>>[vector<16xi32>, vector<16xi32>], vector<16xf32>,
      %mul3A_252 = arith.constant 16 : i32
      %mul3A_253 = arith.muli %while3A_190, %mul3A_252 : i32
      %add3A_254 = vector.broadcast %mul3A_253 : i32 to vector<16xi32>
      %add3A_255 = arith.addi %add3A_254, %iota3A : vector<16xi32>
      %broadcast_in_dim3A_256 = arith.constant 5 : i32
      %broadcast_in_dim3A_257 = vector.broadcast %broadcast_in_dim3A_256 : i32 to vector<16xi32>
      tpu.vector_store_idx %arg11[%add3A_255, %broadcast_in_dim3A_257], %gather3A_251 : memref<128x128xf32, #tpu.memory_space<vmem>>[vector<16xi32>, vector<16xi32>], vector<16xf32>,
      %broadcast_in_dim3A_258 = arith.constant 6 : i32
      %broadcast_in_dim3A_259 = vector.broadcast %broadcast_in_dim3A_258 : i32 to vector<16xi32>
      %gather3A_260 = tpu.vector_load_idx %arg10[%broadcast_in_dim3A_259, %min3A_205] : memref<32x64xf32, #tpu.memory_space<vmem>>[vector<16xi32>, vector<16xi32>], vector<16xf32>,
      %mul3A_261 = arith.constant 16 : i32
      %mul3A_262 = arith.muli %while3A_190, %mul3A_261 : i32
      %add3A_263 = vector.broadcast %mul3A_262 : i32 to vector<16xi32>
      %add3A_264 = arith.addi %add3A_263, %iota3A : vector<16xi32>
      %broadcast_in_dim3A_265 = arith.constant 6 : i32
      %broadcast_in_dim3A_266 = vector.broadcast %broadcast_in_dim3A_265 : i32 to vector<16xi32>
      tpu.vector_store_idx %arg11[%add3A_264, %broadcast_in_dim3A_266], %gather3A_260 : memref<128x128xf32, #tpu.memory_space<vmem>>[vector<16xi32>, vector<16xi32>], vector<16xf32>,
      %broadcast_in_dim3A_267 = arith.constant 7 : i32
      %broadcast_in_dim3A_268 = vector.broadcast %broadcast_in_dim3A_267 : i32 to vector<16xi32>
      %gather3A_269 = tpu.vector_load_idx %arg10[%broadcast_in_dim3A_268, %min3A_205] : memref<32x64xf32, #tpu.memory_space<vmem>>[vector<16xi32>, vector<16xi32>], vector<16xf32>,
      %mul3A_270 = arith.constant 16 : i32
      %mul3A_271 = arith.muli %while3A_190, %mul3A_270 : i32
      %add3A_272 = vector.broadcast %mul3A_271 : i32 to vector<16xi32>
      %add3A_273 = arith.addi %add3A_272, %iota3A : vector<16xi32>
      %broadcast_in_dim3A_274 = arith.constant 7 : i32
      %broadcast_in_dim3A_275 = vector.broadcast %broadcast_in_dim3A_274 : i32 to vector<16xi32>
      tpu.vector_store_idx %arg11[%add3A_273, %broadcast_in_dim3A_275], %gather3A_269 : memref<128x128xf32, #tpu.memory_space<vmem>>[vector<16xi32>, vector<16xi32>], vector<16xf32>,
      %broadcast_in_dim3A_276 = arith.constant 8 : i32
      %broadcast_in_dim3A_277 = vector.broadcast %broadcast_in_dim3A_276 : i32 to vector<16xi32>
      %gather3A_278 = tpu.vector_load_idx %arg10[%broadcast_in_dim3A_277, %min3A_205] : memref<32x64xf32, #tpu.memory_space<vmem>>[vector<16xi32>, vector<16xi32>], vector<16xf32>,
      %mul3A_279 = arith.constant 16 : i32
      %mul3A_280 = arith.muli %while3A_190, %mul3A_279 : i32
      %add3A_281 = vector.broadcast %mul3A_280 : i32 to vector<16xi32>
      %add3A_282 = arith.addi %add3A_281, %iota3A : vector<16xi32>
      %broadcast_in_dim3A_283 = arith.constant 8 : i32
      %broadcast_in_dim3A_284 = vector.broadcast %broadcast_in_dim3A_283 : i32 to vector<16xi32>
      tpu.vector_store_idx %arg11[%add3A_282, %broadcast_in_dim3A_284], %gather3A_278 : memref<128x128xf32, #tpu.memory_space<vmem>>[vector<16xi32>, vector<16xi32>], vector<16xf32>,
      %broadcast_in_dim3A_285 = arith.constant 9 : i32
      %broadcast_in_dim3A_286 = vector.broadcast %broadcast_in_dim3A_285 : i32 to vector<16xi32>
      %gather3A_287 = tpu.vector_load_idx %arg10[%broadcast_in_dim3A_286, %min3A_205] : memref<32x64xf32, #tpu.memory_space<vmem>>[vector<16xi32>, vector<16xi32>], vector<16xf32>,
      %mul3A_288 = arith.constant 16 : i32
      %mul3A_289 = arith.muli %while3A_190, %mul3A_288 : i32
      %add3A_290 = vector.broadcast %mul3A_289 : i32 to vector<16xi32>
      %add3A_291 = arith.addi %add3A_290, %iota3A : vector<16xi32>
      %broadcast_in_dim3A_292 = arith.constant 9 : i32
      %broadcast_in_dim3A_293 = vector.broadcast %broadcast_in_dim3A_292 : i32 to vector<16xi32>
      tpu.vector_store_idx %arg11[%add3A_291, %broadcast_in_dim3A_293], %gather3A_287 : memref<128x128xf32, #tpu.memory_space<vmem>>[vector<16xi32>, vector<16xi32>], vector<16xf32>,
      %broadcast_in_dim3A_294 = arith.constant 10 : i32
      %broadcast_in_dim3A_295 = vector.broadcast %broadcast_in_dim3A_294 : i32 to vector<16xi32>
      %gather3A_296 = tpu.vector_load_idx %arg10[%broadcast_in_dim3A_295, %min3A_205] : memref<32x64xf32, #tpu.memory_space<vmem>>[vector<16xi32>, vector<16xi32>], vector<16xf32>,
      %mul3A_297 = arith.constant 16 : i32
      %mul3A_298 = arith.muli %while3A_190, %mul3A_297 : i32
      %add3A_299 = vector.broadcast %mul3A_298 : i32 to vector<16xi32>
      %add3A_300 = arith.addi %add3A_299, %iota3A : vector<16xi32>
      %broadcast_in_dim3A_301 = arith.constant 10 : i32
      %broadcast_in_dim3A_302 = vector.broadcast %broadcast_in_dim3A_301 : i32 to vector<16xi32>
      tpu.vector_store_idx %arg11[%add3A_300, %broadcast_in_dim3A_302], %gather3A_296 : memref<128x128xf32, #tpu.memory_space<vmem>>[vector<16xi32>, vector<16xi32>], vector<16xf32>,
      %broadcast_in_dim3A_303 = arith.constant 11 : i32
      %broadcast_in_dim3A_304 = vector.broadcast %broadcast_in_dim3A_303 : i32 to vector<16xi32>
      %gather3A_305 = tpu.vector_load_idx %arg10[%broadcast_in_dim3A_304, %min3A_205] : memref<32x64xf32, #tpu.memory_space<vmem>>[vector<16xi32>, vector<16xi32>], vector<16xf32>,
      %mul3A_306 = arith.constant 16 : i32
      %mul3A_307 = arith.muli %while3A_190, %mul3A_306 : i32
      %add3A_308 = vector.broadcast %mul3A_307 : i32 to vector<16xi32>
      %add3A_309 = arith.addi %add3A_308, %iota3A : vector<16xi32>
      %broadcast_in_dim3A_310 = arith.constant 11 : i32
      %broadcast_in_dim3A_311 = vector.broadcast %broadcast_in_dim3A_310 : i32 to vector<16xi32>
      tpu.vector_store_idx %arg11[%add3A_309, %broadcast_in_dim3A_311], %gather3A_305 : memref<128x128xf32, #tpu.memory_space<vmem>>[vector<16xi32>, vector<16xi32>], vector<16xf32>,
      %broadcast_in_dim3A_312 = arith.constant 12 : i32
      %broadcast_in_dim3A_313 = vector.broadcast %broadcast_in_dim3A_312 : i32 to vector<16xi32>
      %gather3A_314 = tpu.vector_load_idx %arg10[%broadcast_in_dim3A_313, %min3A_205] : memref<32x64xf32, #tpu.memory_space<vmem>>[vector<16xi32>, vector<16xi32>], vector<16xf32>,
      %mul3A_315 = arith.constant 16 : i32
      %mul3A_316 = arith.muli %while3A_190, %mul3A_315 : i32
      %add3A_317 = vector.broadcast %mul3A_316 : i32 to vector<16xi32>
      %add3A_318 = arith.addi %add3A_317, %iota3A : vector<16xi32>
      %broadcast_in_dim3A_319 = arith.constant 12 : i32
      %broadcast_in_dim3A_320 = vector.broadcast %broadcast_in_dim3A_319 : i32 to vector<16xi32>
      tpu.vector_store_idx %arg11[%add3A_318, %broadcast_in_dim3A_320], %gather3A_314 : memref<128x128xf32, #tpu.memory_space<vmem>>[vector<16xi32>, vector<16xi32>], vector<16xf32>,
      %broadcast_in_dim3A_321 = arith.constant 13 : i32
      %broadcast_in_dim3A_322 = vector.broadcast %broadcast_in_dim3A_321 : i32 to vector<16xi32>
      %gather3A_323 = tpu.vector_load_idx %arg10[%broadcast_in_dim3A_322, %min3A_205] : memref<32x64xf32, #tpu.memory_space<vmem>>[vector<16xi32>, vector<16xi32>], vector<16xf32>,
      %mul3A_324 = arith.constant 16 : i32
      %mul3A_325 = arith.muli %while3A_190, %mul3A_324 : i32
      %add3A_326 = vector.broadcast %mul3A_325 : i32 to vector<16xi32>
      %add3A_327 = arith.addi %add3A_326, %iota3A : vector<16xi32>
      %broadcast_in_dim3A_328 = arith.constant 13 : i32
      %broadcast_in_dim3A_329 = vector.broadcast %broadcast_in_dim3A_328 : i32 to vector<16xi32>
      tpu.vector_store_idx %arg11[%add3A_327, %broadcast_in_dim3A_329], %gather3A_323 : memref<128x128xf32, #tpu.memory_space<vmem>>[vector<16xi32>, vector<16xi32>], vector<16xf32>,
      %broadcast_in_dim3A_330 = arith.constant 14 : i32
      %broadcast_in_dim3A_331 = vector.broadcast %broadcast_in_dim3A_330 : i32 to vector<16xi32>
      %gather3A_332 = tpu.vector_load_idx %arg10[%broadcast_in_dim3A_331, %min3A_205] : memref<32x64xf32, #tpu.memory_space<vmem>>[vector<16xi32>, vector<16xi32>], vector<16xf32>,
      %mul3A_333 = arith.constant 16 : i32
      %mul3A_334 = arith.muli %while3A_190, %mul3A_333 : i32
      %add3A_335 = vector.broadcast %mul3A_334 : i32 to vector<16xi32>
      %add3A_336 = arith.addi %add3A_335, %iota3A : vector<16xi32>
      %broadcast_in_dim3A_337 = arith.constant 14 : i32
      %broadcast_in_dim3A_338 = vector.broadcast %broadcast_in_dim3A_337 : i32 to vector<16xi32>
      tpu.vector_store_idx %arg11[%add3A_336, %broadcast_in_dim3A_338], %gather3A_332 : memref<128x128xf32, #tpu.memory_space<vmem>>[vector<16xi32>, vector<16xi32>], vector<16xf32>,
      %broadcast_in_dim3A_339 = arith.constant 15 : i32
      %broadcast_in_dim3A_340 = vector.broadcast %broadcast_in_dim3A_339 : i32 to vector<16xi32>
      %gather3A_341 = tpu.vector_load_idx %arg10[%broadcast_in_dim3A_340, %min3A_205] : memref<32x64xf32, #tpu.memory_space<vmem>>[vector<16xi32>, vector<16xi32>], vector<16xf32>,
      %mul3A_342 = arith.constant 16 : i32
      %mul3A_343 = arith.muli %while3A_190, %mul3A_342 : i32
      %add3A_344 = vector.broadcast %mul3A_343 : i32 to vector<16xi32>
      %add3A_345 = arith.addi %add3A_344, %iota3A : vector<16xi32>
      %broadcast_in_dim3A_346 = arith.constant 15 : i32
      %broadcast_in_dim3A_347 = vector.broadcast %broadcast_in_dim3A_346 : i32 to vector<16xi32>
      tpu.vector_store_idx %arg11[%add3A_345, %broadcast_in_dim3A_347], %gather3A_341 : memref<128x128xf32, #tpu.memory_space<vmem>>[vector<16xi32>, vector<16xi32>], vector<16xf32>,
      %broadcast_in_dim3A_348 = arith.constant 16 : i32
      %broadcast_in_dim3A_349 = vector.broadcast %broadcast_in_dim3A_348 : i32 to vector<16xi32>
      %gather3A_350 = tpu.vector_load_idx %arg10[%broadcast_in_dim3A_349, %min3A_205] : memref<32x64xf32, #tpu.memory_space<vmem>>[vector<16xi32>, vector<16xi32>], vector<16xf32>,
      %mul3A_351 = arith.constant 16 : i32
      %mul3A_352 = arith.muli %while3A_190, %mul3A_351 : i32
      %add3A_353 = vector.broadcast %mul3A_352 : i32 to vector<16xi32>
      %add3A_354 = arith.addi %add3A_353, %iota3A : vector<16xi32>
      %broadcast_in_dim3A_355 = arith.constant 16 : i32
      %broadcast_in_dim3A_356 = vector.broadcast %broadcast_in_dim3A_355 : i32 to vector<16xi32>
      tpu.vector_store_idx %arg11[%add3A_354, %broadcast_in_dim3A_356], %gather3A_350 : memref<128x128xf32, #tpu.memory_space<vmem>>[vector<16xi32>, vector<16xi32>], vector<16xf32>,
      %broadcast_in_dim3A_357 = arith.constant 17 : i32
      %broadcast_in_dim3A_358 = vector.broadcast %broadcast_in_dim3A_357 : i32 to vector<16xi32>
      %gather3A_359 = tpu.vector_load_idx %arg10[%broadcast_in_dim3A_358, %min3A_205] : memref<32x64xf32, #tpu.memory_space<vmem>>[vector<16xi32>, vector<16xi32>], vector<16xf32>,
      %mul3A_360 = arith.constant 16 : i32
      %mul3A_361 = arith.muli %while3A_190, %mul3A_360 : i32
      %add3A_362 = vector.broadcast %mul3A_361 : i32 to vector<16xi32>
      %add3A_363 = arith.addi %add3A_362, %iota3A : vector<16xi32>
      %broadcast_in_dim3A_364 = arith.constant 17 : i32
      %broadcast_in_dim3A_365 = vector.broadcast %broadcast_in_dim3A_364 : i32 to vector<16xi32>
      tpu.vector_store_idx %arg11[%add3A_363, %broadcast_in_dim3A_365], %gather3A_359 : memref<128x128xf32, #tpu.memory_space<vmem>>[vector<16xi32>, vector<16xi32>], vector<16xf32>,
      %broadcast_in_dim3A_366 = arith.constant 18 : i32
      %broadcast_in_dim3A_367 = vector.broadcast %broadcast_in_dim3A_366 : i32 to vector<16xi32>
      %gather3A_368 = tpu.vector_load_idx %arg10[%broadcast_in_dim3A_367, %min3A_205] : memref<32x64xf32, #tpu.memory_space<vmem>>[vector<16xi32>, vector<16xi32>], vector<16xf32>,
      %mul3A_369 = arith.constant 16 : i32
      %mul3A_370 = arith.muli %while3A_190, %mul3A_369 : i32
      %add3A_371 = vector.broadcast %mul3A_370 : i32 to vector<16xi32>
      %add3A_372 = arith.addi %add3A_371, %iota3A : vector<16xi32>
      %broadcast_in_dim3A_373 = arith.constant 18 : i32
      %broadcast_in_dim3A_374 = vector.broadcast %broadcast_in_dim3A_373 : i32 to vector<16xi32>
      tpu.vector_store_idx %arg11[%add3A_372, %broadcast_in_dim3A_374], %gather3A_368 : memref<128x128xf32, #tpu.memory_space<vmem>>[vector<16xi32>, vector<16xi32>], vector<16xf32>,
      %broadcast_in_dim3A_375 = arith.constant 19 : i32
      %broadcast_in_dim3A_376 = vector.broadcast %broadcast_in_dim3A_375 : i32 to vector<16xi32>
      %gather3A_377 = tpu.vector_load_idx %arg10[%broadcast_in_dim3A_376, %min3A_205] : memref<32x64xf32, #tpu.memory_space<vmem>>[vector<16xi32>, vector<16xi32>], vector<16xf32>,
      %mul3A_378 = arith.constant 16 : i32
      %mul3A_379 = arith.muli %while3A_190, %mul3A_378 : i32
      %add3A_380 = vector.broadcast %mul3A_379 : i32 to vector<16xi32>
      %add3A_381 = arith.addi %add3A_380, %iota3A : vector<16xi32>
      %broadcast_in_dim3A_382 = arith.constant 19 : i32
      %broadcast_in_dim3A_383 = vector.broadcast %broadcast_in_dim3A_382 : i32 to vector<16xi32>
      tpu.vector_store_idx %arg11[%add3A_381, %broadcast_in_dim3A_383], %gather3A_377 : memref<128x128xf32, #tpu.memory_space<vmem>>[vector<16xi32>, vector<16xi32>], vector<16xf32>,
      %broadcast_in_dim3A_384 = arith.constant 20 : i32
      %broadcast_in_dim3A_385 = vector.broadcast %broadcast_in_dim3A_384 : i32 to vector<16xi32>
      %gather3A_386 = tpu.vector_load_idx %arg10[%broadcast_in_dim3A_385, %min3A_205] : memref<32x64xf32, #tpu.memory_space<vmem>>[vector<16xi32>, vector<16xi32>], vector<16xf32>,
      %mul3A_387 = arith.constant 16 : i32
      %mul3A_388 = arith.muli %while3A_190, %mul3A_387 : i32
      %add3A_389 = vector.broadcast %mul3A_388 : i32 to vector<16xi32>
      %add3A_390 = arith.addi %add3A_389, %iota3A : vector<16xi32>
      %broadcast_in_dim3A_391 = arith.constant 20 : i32
      %broadcast_in_dim3A_392 = vector.broadcast %broadcast_in_dim3A_391 : i32 to vector<16xi32>
      tpu.vector_store_idx %arg11[%add3A_390, %broadcast_in_dim3A_392], %gather3A_386 : memref<128x128xf32, #tpu.memory_space<vmem>>[vector<16xi32>, vector<16xi32>], vector<16xf32>,
      %broadcast_in_dim3A_393 = arith.constant 21 : i32
      %broadcast_in_dim3A_394 = vector.broadcast %broadcast_in_dim3A_393 : i32 to vector<16xi32>
      %gather3A_395 = tpu.vector_load_idx %arg10[%broadcast_in_dim3A_394, %min3A_205] : memref<32x64xf32, #tpu.memory_space<vmem>>[vector<16xi32>, vector<16xi32>], vector<16xf32>,
      %mul3A_396 = arith.constant 16 : i32
      %mul3A_397 = arith.muli %while3A_190, %mul3A_396 : i32
      %add3A_398 = vector.broadcast %mul3A_397 : i32 to vector<16xi32>
      %add3A_399 = arith.addi %add3A_398, %iota3A : vector<16xi32>
      %broadcast_in_dim3A_400 = arith.constant 21 : i32
      %broadcast_in_dim3A_401 = vector.broadcast %broadcast_in_dim3A_400 : i32 to vector<16xi32>
      tpu.vector_store_idx %arg11[%add3A_399, %broadcast_in_dim3A_401], %gather3A_395 : memref<128x128xf32, #tpu.memory_space<vmem>>[vector<16xi32>, vector<16xi32>], vector<16xf32>,
      %broadcast_in_dim3A_402 = arith.constant 22 : i32
      %broadcast_in_dim3A_403 = vector.broadcast %broadcast_in_dim3A_402 : i32 to vector<16xi32>
      %gather3A_404 = tpu.vector_load_idx %arg10[%broadcast_in_dim3A_403, %min3A_205] : memref<32x64xf32, #tpu.memory_space<vmem>>[vector<16xi32>, vector<16xi32>], vector<16xf32>,
      %mul3A_405 = arith.constant 16 : i32
      %mul3A_406 = arith.muli %while3A_190, %mul3A_405 : i32
      %add3A_407 = vector.broadcast %mul3A_406 : i32 to vector<16xi32>
      %add3A_408 = arith.addi %add3A_407, %iota3A : vector<16xi32>
      %broadcast_in_dim3A_409 = arith.constant 22 : i32
      %broadcast_in_dim3A_410 = vector.broadcast %broadcast_in_dim3A_409 : i32 to vector<16xi32>
      tpu.vector_store_idx %arg11[%add3A_408, %broadcast_in_dim3A_410], %gather3A_404 : memref<128x128xf32, #tpu.memory_space<vmem>>[vector<16xi32>, vector<16xi32>], vector<16xf32>,
      %broadcast_in_dim3A_411 = arith.constant 23 : i32
      %broadcast_in_dim3A_412 = vector.broadcast %broadcast_in_dim3A_411 : i32 to vector<16xi32>
      %gather3A_413 = tpu.vector_load_idx %arg10[%broadcast_in_dim3A_412, %min3A_205] : memref<32x64xf32, #tpu.memory_space<vmem>>[vector<16xi32>, vector<16xi32>], vector<16xf32>,
      %mul3A_414 = arith.constant 16 : i32
      %mul3A_415 = arith.muli %while3A_190, %mul3A_414 : i32
      %add3A_416 = vector.broadcast %mul3A_415 : i32 to vector<16xi32>
      %add3A_417 = arith.addi %add3A_416, %iota3A : vector<16xi32>
      %broadcast_in_dim3A_418 = arith.constant 23 : i32
      %broadcast_in_dim3A_419 = vector.broadcast %broadcast_in_dim3A_418 : i32 to vector<16xi32>
      tpu.vector_store_idx %arg11[%add3A_417, %broadcast_in_dim3A_419], %gather3A_413 : memref<128x128xf32, #tpu.memory_space<vmem>>[vector<16xi32>, vector<16xi32>], vector<16xf32>,
      %broadcast_in_dim3A_420 = arith.constant 24 : i32
      %broadcast_in_dim3A_421 = vector.broadcast %broadcast_in_dim3A_420 : i32 to vector<16xi32>
      %gather3A_422 = tpu.vector_load_idx %arg10[%broadcast_in_dim3A_421, %min3A_205] : memref<32x64xf32, #tpu.memory_space<vmem>>[vector<16xi32>, vector<16xi32>], vector<16xf32>,
      %mul3A_423 = arith.constant 16 : i32
      %mul3A_424 = arith.muli %while3A_190, %mul3A_423 : i32
      %add3A_425 = vector.broadcast %mul3A_424 : i32 to vector<16xi32>
      %add3A_426 = arith.addi %add3A_425, %iota3A : vector<16xi32>
      %broadcast_in_dim3A_427 = arith.constant 24 : i32
      %broadcast_in_dim3A_428 = vector.broadcast %broadcast_in_dim3A_427 : i32 to vector<16xi32>
      tpu.vector_store_idx %arg11[%add3A_426, %broadcast_in_dim3A_428], %gather3A_422 : memref<128x128xf32, #tpu.memory_space<vmem>>[vector<16xi32>, vector<16xi32>], vector<16xf32>,
      %broadcast_in_dim3A_429 = arith.constant 25 : i32
      %broadcast_in_dim3A_430 = vector.broadcast %broadcast_in_dim3A_429 : i32 to vector<16xi32>
      %gather3A_431 = tpu.vector_load_idx %arg10[%broadcast_in_dim3A_430, %min3A_205] : memref<32x64xf32, #tpu.memory_space<vmem>>[vector<16xi32>, vector<16xi32>], vector<16xf32>,
      %mul3A_432 = arith.constant 16 : i32
      %mul3A_433 = arith.muli %while3A_190, %mul3A_432 : i32
      %add3A_434 = vector.broadcast %mul3A_433 : i32 to vector<16xi32>
      %add3A_435 = arith.addi %add3A_434, %iota3A : vector<16xi32>
      %broadcast_in_dim3A_436 = arith.constant 25 : i32
      %broadcast_in_dim3A_437 = vector.broadcast %broadcast_in_dim3A_436 : i32 to vector<16xi32>
      tpu.vector_store_idx %arg11[%add3A_435, %broadcast_in_dim3A_437], %gather3A_431 : memref<128x128xf32, #tpu.memory_space<vmem>>[vector<16xi32>, vector<16xi32>], vector<16xf32>,
      %broadcast_in_dim3A_438 = arith.constant 26 : i32
      %broadcast_in_dim3A_439 = vector.broadcast %broadcast_in_dim3A_438 : i32 to vector<16xi32>
      %gather3A_440 = tpu.vector_load_idx %arg10[%broadcast_in_dim3A_439, %min3A_205] : memref<32x64xf32, #tpu.memory_space<vmem>>[vector<16xi32>, vector<16xi32>], vector<16xf32>,
      %mul3A_441 = arith.constant 16 : i32
      %mul3A_442 = arith.muli %while3A_190, %mul3A_441 : i32
      %add3A_443 = vector.broadcast %mul3A_442 : i32 to vector<16xi32>
      %add3A_444 = arith.addi %add3A_443, %iota3A : vector<16xi32>
      %broadcast_in_dim3A_445 = arith.constant 26 : i32
      %broadcast_in_dim3A_446 = vector.broadcast %broadcast_in_dim3A_445 : i32 to vector<16xi32>
      tpu.vector_store_idx %arg11[%add3A_444, %broadcast_in_dim3A_446], %gather3A_440 : memref<128x128xf32, #tpu.memory_space<vmem>>[vector<16xi32>, vector<16xi32>], vector<16xf32>,
      %broadcast_in_dim3A_447 = arith.constant 27 : i32
      %broadcast_in_dim3A_448 = vector.broadcast %broadcast_in_dim3A_447 : i32 to vector<16xi32>
      %gather3A_449 = tpu.vector_load_idx %arg10[%broadcast_in_dim3A_448, %min3A_205] : memref<32x64xf32, #tpu.memory_space<vmem>>[vector<16xi32>, vector<16xi32>], vector<16xf32>,
      %mul3A_450 = arith.constant 16 : i32
      %mul3A_451 = arith.muli %while3A_190, %mul3A_450 : i32
      %add3A_452 = vector.broadcast %mul3A_451 : i32 to vector<16xi32>
      %add3A_453 = arith.addi %add3A_452, %iota3A : vector<16xi32>
      %broadcast_in_dim3A_454 = arith.constant 27 : i32
      %broadcast_in_dim3A_455 = vector.broadcast %broadcast_in_dim3A_454 : i32 to vector<16xi32>
      tpu.vector_store_idx %arg11[%add3A_453, %broadcast_in_dim3A_455], %gather3A_449 : memref<128x128xf32, #tpu.memory_space<vmem>>[vector<16xi32>, vector<16xi32>], vector<16xf32>,
      %broadcast_in_dim3A_456 = arith.constant 28 : i32
      %broadcast_in_dim3A_457 = vector.broadcast %broadcast_in_dim3A_456 : i32 to vector<16xi32>
      %gather3A_458 = tpu.vector_load_idx %arg10[%broadcast_in_dim3A_457, %min3A_205] : memref<32x64xf32, #tpu.memory_space<vmem>>[vector<16xi32>, vector<16xi32>], vector<16xf32>,
      %mul3A_459 = arith.constant 16 : i32
      %mul3A_460 = arith.muli %while3A_190, %mul3A_459 : i32
      %add3A_461 = vector.broadcast %mul3A_460 : i32 to vector<16xi32>
      %add3A_462 = arith.addi %add3A_461, %iota3A : vector<16xi32>
      %broadcast_in_dim3A_463 = arith.constant 28 : i32
      %broadcast_in_dim3A_464 = vector.broadcast %broadcast_in_dim3A_463 : i32 to vector<16xi32>
      tpu.vector_store_idx %arg11[%add3A_462, %broadcast_in_dim3A_464], %gather3A_458 : memref<128x128xf32, #tpu.memory_space<vmem>>[vector<16xi32>, vector<16xi32>], vector<16xf32>,
      %broadcast_in_dim3A_465 = arith.constant 29 : i32
      %broadcast_in_dim3A_466 = vector.broadcast %broadcast_in_dim3A_465 : i32 to vector<16xi32>
      %gather3A_467 = tpu.vector_load_idx %arg10[%broadcast_in_dim3A_466, %min3A_205] : memref<32x64xf32, #tpu.memory_space<vmem>>[vector<16xi32>, vector<16xi32>], vector<16xf32>,
      %mul3A_468 = arith.constant 16 : i32
      %mul3A_469 = arith.muli %while3A_190, %mul3A_468 : i32
      %add3A_470 = vector.broadcast %mul3A_469 : i32 to vector<16xi32>
      %add3A_471 = arith.addi %add3A_470, %iota3A : vector<16xi32>
      %broadcast_in_dim3A_472 = arith.constant 29 : i32
      %broadcast_in_dim3A_473 = vector.broadcast %broadcast_in_dim3A_472 : i32 to vector<16xi32>
      tpu.vector_store_idx %arg11[%add3A_471, %broadcast_in_dim3A_473], %gather3A_467 : memref<128x128xf32, #tpu.memory_space<vmem>>[vector<16xi32>, vector<16xi32>], vector<16xf32>,
      %broadcast_in_dim3A_474 = arith.constant 30 : i32
      %broadcast_in_dim3A_475 = vector.broadcast %broadcast_in_dim3A_474 : i32 to vector<16xi32>
      %gather3A_476 = tpu.vector_load_idx %arg10[%broadcast_in_dim3A_475, %min3A_205] : memref<32x64xf32, #tpu.memory_space<vmem>>[vector<16xi32>, vector<16xi32>], vector<16xf32>,
      %mul3A_477 = arith.constant 16 : i32
      %mul3A_478 = arith.muli %while3A_190, %mul3A_477 : i32
      %add3A_479 = vector.broadcast %mul3A_478 : i32 to vector<16xi32>
      %add3A_480 = arith.addi %add3A_479, %iota3A : vector<16xi32>
      %broadcast_in_dim3A_481 = arith.constant 30 : i32
      %broadcast_in_dim3A_482 = vector.broadcast %broadcast_in_dim3A_481 : i32 to vector<16xi32>
      tpu.vector_store_idx %arg11[%add3A_480, %broadcast_in_dim3A_482], %gather3A_476 : memref<128x128xf32, #tpu.memory_space<vmem>>[vector<16xi32>, vector<16xi32>], vector<16xf32>,
      %broadcast_in_dim3A_483 = arith.constant 31 : i32
      %broadcast_in_dim3A_484 = vector.broadcast %broadcast_in_dim3A_483 : i32 to vector<16xi32>
      %gather3A_485 = tpu.vector_load_idx %arg10[%broadcast_in_dim3A_484, %min3A_205] : memref<32x64xf32, #tpu.memory_space<vmem>>[vector<16xi32>, vector<16xi32>], vector<16xf32>,
      %mul3A_486 = arith.constant 16 : i32
      %mul3A_487 = arith.muli %while3A_190, %mul3A_486 : i32
      %add3A_488 = vector.broadcast %mul3A_487 : i32 to vector<16xi32>
      %add3A_489 = arith.addi %add3A_488, %iota3A : vector<16xi32>
      %broadcast_in_dim3A_490 = arith.constant 31 : i32
      %broadcast_in_dim3A_491 = vector.broadcast %broadcast_in_dim3A_490 : i32 to vector<16xi32>
      tpu.vector_store_idx %arg11[%add3A_489, %broadcast_in_dim3A_491], %gather3A_485 : memref<128x128xf32, #tpu.memory_space<vmem>>[vector<16xi32>, vector<16xi32>], vector<16xf32>,
    }
    %while3A_170 = arith.constant 0 : i32
    %while3A_171 = arith.constant 0 : i32
    %while3A_172 = arith.subi %min3A_159, %while3A_171 : i32
    %while3A_173 = arith.addi %while3A_171, %while3A_172 : i32
    %while3A_174 = arith.constant 1 : i32
    %while3A_175 = arith.divsi %while3A_172, %while3A_174 : i32
    %while3A_176 = arith.muli %while3A_175, %while3A_174 : i32
    %while3A_177 = arith.addi %while3A_171, %while3A_176 : i32
    %while3A_178 = arith.constant 1 : i32
    scf.for %while3A_190 = %while3A_171 to %while3A_177 step %while3A_178  : i32 {
      %mul3A_191 = arith.constant 16 : i32
      %mul3A_192 = arith.muli %while3A_190, %mul3A_191 : i32
      %mul3A_193 = arith.constant 16 : i32
      %mul3A_194 = arith.muli %while3A_190, %mul3A_193 : i32
      %get3A = arith.index_cast %mul3A_194 : i32 to index
      %get3A_195 = tpu.vector_load %arg13[%get3A] {strides = array<i32>} : memref<128xi32, #tpu.memory_space<vmem>>, vector<16xi32>,
      %dma_start3A_196 = arith.constant 0 : i32
      %dma_start3A_197 = tpu.memref_slice %arg11[%mul3A_192, %dma_start3A_196] : memref<128x128xf32, #tpu.memory_space<vmem>> -> memref<16x128xf32, #tpu.memory_space<vmem>>
      %dma_start3A_198 = arith.constant 0 : i32
      %dma_start3A_199 = arith.constant 0 : i32
      %dma_start3A_200 = tpu.memref_slice %arg4[%dma_start3A_198, %dma_start3A_199] : memref<32784x128xf32, #tpu.memory_space<hbm>> -> memref<32784x128xf32, #tpu.memory_space<hbm>>
      tpu.enqueue_indirect_dma source(%dma_start3A_197 : memref<16x128xf32, #tpu.memory_space<vmem>>) target(%dma_start3A_200 : memref<32784x128xf32, #tpu.memory_space<hbm>>) offsets(%get3A_195 : vector<16xi32>) semaphore(%arg18 : memref<!tpu.dma_semaphore, #tpu.memory_space<semaphore_mem>>)
    }
    %while3A_179 = arith.constant 1 : i32
    scf.for %while3A_190 = %while3A_177 to %while3A_173 step %while3A_179  : i32 {
      %mul3A_191 = arith.constant 16 : i32
      %mul3A_192 = arith.muli %while3A_190, %mul3A_191 : i32
      %mul3A_193 = arith.constant 16 : i32
      %mul3A_194 = arith.muli %while3A_190, %mul3A_193 : i32
      %get3A = arith.index_cast %mul3A_194 : i32 to index
      %get3A_195 = tpu.vector_load %arg13[%get3A] {strides = array<i32>} : memref<128xi32, #tpu.memory_space<vmem>>, vector<16xi32>,
      %dma_start3A_196 = arith.constant 0 : i32
      %dma_start3A_197 = tpu.memref_slice %arg11[%mul3A_192, %dma_start3A_196] : memref<128x128xf32, #tpu.memory_space<vmem>> -> memref<16x128xf32, #tpu.memory_space<vmem>>
      %dma_start3A_198 = arith.constant 0 : i32
      %dma_start3A_199 = arith.constant 0 : i32
      %dma_start3A_200 = tpu.memref_slice %arg4[%dma_start3A_198, %dma_start3A_199] : memref<32784x128xf32, #tpu.memory_space<hbm>> -> memref<32784x128xf32, #tpu.memory_space<hbm>>
      tpu.enqueue_indirect_dma source(%dma_start3A_197 : memref<16x128xf32, #tpu.memory_space<vmem>>) target(%dma_start3A_200 : memref<32784x128xf32, #tpu.memory_space<hbm>>) offsets(%get3A_195 : vector<16xi32>) semaphore(%arg18 : memref<!tpu.dma_semaphore, #tpu.memory_space<semaphore_mem>>)
    }
    %while3A_180 = arith.constant 0 : i32
    %while3A_181 = arith.constant 0 : i32
    %while3A_182 = arith.subi %min3A_159, %while3A_181 : i32
    %while3A_183 = arith.addi %while3A_181, %while3A_182 : i32
    %while3A_184 = arith.constant 1 : i32
    %while3A_185 = arith.divsi %while3A_182, %while3A_184 : i32
    %while3A_186 = arith.muli %while3A_185, %while3A_184 : i32
    %while3A_187 = arith.addi %while3A_181, %while3A_186 : i32
    %while3A_188 = arith.constant 1 : i32
    scf.for %while3A_190 = %while3A_181 to %while3A_187 step %while3A_188  : i32 {
      %dma_wait3A_191 = arith.constant 0 : i32
      %dma_wait3A_192 = arith.constant 0 : i32
      %dma_wait3A_193 = tpu.memref_slice %arg11[%dma_wait3A_191, %dma_wait3A_192] : memref<128x128xf32, #tpu.memory_space<vmem>> -> memref<16x128xf32, #tpu.memory_space<vmem>>
      %dma_wait3A_194 = arith.constant 0 : i32
      %dma_wait3A_195 = arith.constant 0 : i32
      %dma_wait3A_196 = tpu.memref_slice %arg4[%dma_wait3A_194, %dma_wait3A_195] : memref<32784x128xf32, #tpu.memory_space<hbm>> -> memref<16x128xf32, #tpu.memory_space<hbm>>
      %dma_wait3A_197 = arith.constant 0 : i32
      %dma_wait3A_198 = arith.constant 0 : i32
      %dma_wait3A_199 = tpu.memref_slice %arg4[%dma_wait3A_197, %dma_wait3A_198] : memref<32784x128xf32, #tpu.memory_space<hbm>> -> memref<16x128xf32, #tpu.memory_space<hbm>>
      %dma_wait3A_200 = arith.constant 0 : i32
      %dma_wait3A_201 = arith.constant 0 : i32
      %dma_wait3A_202 = tpu.memref_slice %arg11[%dma_wait3A_200, %dma_wait3A_201] : memref<128x128xf32, #tpu.memory_space<vmem>> -> memref<16x128xf32, #tpu.memory_space<vmem>>
      tpu.wait_dma2 semaphore(%arg18 : memref<!tpu.dma_semaphore, #tpu.memory_space<semaphore_mem>>) src(%dma_wait3A_202 : memref<16x128xf32, #tpu.memory_space<vmem>>) dst(%dma_wait3A_199 : memref<16x128xf32, #tpu.memory_space<hbm>>)
    }
    %while3A_189 = arith.constant 1 : i32
    scf.for %while3A_190 = %while3A_187 to %while3A_183 step %while3A_189  : i32 {
      %dma_wait3A_191 = arith.constant 0 : i32
      %dma_wait3A_192 = arith.constant 0 : i32
      %dma_wait3A_193 = tpu.memref_slice %arg11[%dma_wait3A_191, %dma_wait3A_192] : memref<128x128xf32, #tpu.memory_space<vmem>> -> memref<16x128xf32, #tpu.memory_space<vmem>>
      %dma_wait3A_194 = arith.constant 0 : i32
      %dma_wait3A_195 = arith.constant 0 : i32
      %dma_wait3A_196 = tpu.memref_slice %arg4[%dma_wait3A_194, %dma_wait3A_195] : memref<32784x128xf32, #tpu.memory_space<hbm>> -> memref<16x128xf32, #tpu.memory_space<hbm>>
      %dma_wait3A_197 = arith.constant 0 : i32
      %dma_wait3A_198 = arith.constant 0 : i32
      %dma_wait3A_199 = tpu.memref_slice %arg4[%dma_wait3A_197, %dma_wait3A_198] : memref<32784x128xf32, #tpu.memory_space<hbm>> -> memref<16x128xf32, #tpu.memory_space<hbm>>
      %dma_wait3A_200 = arith.constant 0 : i32
      %dma_wait3A_201 = arith.constant 0 : i32
      %dma_wait3A_202 = tpu.memref_slice %arg11[%dma_wait3A_200, %dma_wait3A_201] : memref<128x128xf32, #tpu.memory_space<vmem>> -> memref<16x128xf32, #tpu.memory_space<vmem>>
      tpu.wait_dma2 semaphore(%arg18 : memref<!tpu.dma_semaphore, #tpu.memory_space<semaphore_mem>>) src(%dma_wait3A_202 : memref<16x128xf32, #tpu.memory_space<vmem>>) dst(%dma_wait3A_199 : memref<16x128xf32, #tpu.memory_space<hbm>>)
    }
    return
  }
}

module attributes {stable_mosaic.version = 14 : i64} {
  func.func @_tc_loss_body(%arg0: memref<32784x128xf32, #tpu.memory_space<vmem>>, %arg1: memref<128x128xf32, #tpu.memory_space<vmem>>, %arg2: memref<1x1xf32, #tpu.memory_space<smem>>) attributes {dimension_semantics = [], scalar_prefetch = 0 : i64, scratch_operands = 0 : i64, tpu.core_type = #tpu.core_type<tc>} {
    %get3A = arith.constant 0 : index
    %get3A_0 = arith.constant 0 : index
    %get3A_1 = vector.load %arg0[%get3A, %get3A_0] : memref<32784x128xf32, #tpu.memory_space<vmem>>, vector<16384x128xf32>
    %get3A_2 = arith.constant 16384 : index
    %get3A_3 = arith.constant 0 : index
    %get3A_4 = vector.load %arg0[%get3A_2, %get3A_3] : memref<32784x128xf32, #tpu.memory_space<vmem>>, vector<16384x128xf32>
    %get3A_5 = arith.constant 0 : index
    %get3A_6 = arith.constant 0 : index
    %get3A_7 = vector.load %arg1[%get3A_5, %get3A_6] : memref<128x128xf32, #tpu.memory_space<vmem>>, vector<128x128xf32>
    %reshape3A = vector.shape_cast %get3A_7 : vector<128x128xf32> to vector<16384xf32>
    %mul3A = arith.mulf %get3A_1, %get3A_1 : vector<16384x128xf32>
    %reduce_sum3A = arith.constant dense<0.000000e+00> : vector<16384xf32>
    %reduce_sum3A_8 = vector.multi_reduction <add>, %mul3A, %reduce_sum3A [1] : vector<16384x128xf32> to vector<16384xf32>
    %mul3A_9 = arith.mulf %get3A_4, %get3A_4 : vector<16384x128xf32>
    %reduce_sum3A_10 = arith.constant dense<0.000000e+00> : vector<16384xf32>
    %reduce_sum3A_11 = vector.multi_reduction <add>, %mul3A_9, %reduce_sum3A_10 [1] : vector<16384x128xf32> to vector<16384xf32>
    %sub3A = arith.subf %get3A_1, %get3A_4 : vector<16384x128xf32>
    %mul3A_12 = arith.mulf %sub3A, %sub3A : vector<16384x128xf32>
    %reduce_sum3A_13 = arith.constant dense<0.000000e+00> : vector<16384xf32>
    %reduce_sum3A_14 = vector.multi_reduction <add>, %mul3A_12, %reduce_sum3A_13 [1] : vector<16384x128xf32> to vector<16384xf32>
    %sub3A_15 = arith.constant 1.000000e+00 : f32
    %sub3A_16 = vector.broadcast %sub3A_15 : f32 to vector<16384xf32>
    %sub3A_17 = arith.subf %sub3A_16, %reduce_sum3A_8 : vector<16384xf32>
    %sub3A_18 = arith.constant 1.000000e+00 : f32
    %sub3A_19 = vector.broadcast %sub3A_18 : f32 to vector<16384xf32>
    %sub3A_20 = arith.subf %sub3A_19, %reduce_sum3A_11 : vector<16384xf32>
    %mul3A_21 = arith.mulf %sub3A_17, %sub3A_20 : vector<16384xf32>
    %mul3A_22 = arith.constant 2.000000e+00 : f32
    %mul3A_23 = vector.broadcast %mul3A_22 : f32 to vector<16384xf32>
    %mul3A_24 = arith.mulf %mul3A_23, %reduce_sum3A_14 : vector<16384xf32>
    %div3A = arith.divf %mul3A_24, %mul3A_21 : vector<16384xf32>
    %add3A = arith.constant 1.000000e+00 : f32
    %add3A_25 = vector.broadcast %add3A : f32 to vector<16384xf32>
    %add3A_26 = arith.addf %add3A_25, %div3A : vector<16384xf32>
    %mul3A_27 = arith.mulf %add3A_26, %add3A_26 : vector<16384xf32>
    %sub3A_28 = arith.constant 1.000000e+00 : f32
    %sub3A_29 = vector.broadcast %sub3A_28 : f32 to vector<16384xf32>
    %sub3A_30 = arith.subf %mul3A_27, %sub3A_29 : vector<16384xf32>
    %sqrt3A = math.sqrt %sub3A_30 : vector<16384xf32>
    %add3A_31 = arith.addf %add3A_26, %sqrt3A : vector<16384xf32>
    %log3A = math.log %add3A_31 : vector<16384xf32>
    %sub3A_32 = arith.constant 1.000000e+00 : f32
    %sub3A_33 = vector.broadcast %sub3A_32 : f32 to vector<16384xf32>
    %sub3A_34 = arith.subf %sub3A_33, %reshape3A : vector<16384xf32>
    %mul3A_35 = arith.constant 2.000000e+00 : f32
    %mul3A_36 = vector.broadcast %mul3A_35 : f32 to vector<16384xf32>
    %mul3A_37 = arith.mulf %mul3A_36, %sub3A_34 : vector<16384xf32>
    %exp3A = math.exp %mul3A_37 : vector<16384xf32>
    %div3A_38 = arith.divf %log3A, %reshape3A : vector<16384xf32>
    %sub3A_39 = arith.constant 1.000000e+00 : f32
    %sub3A_40 = vector.broadcast %sub3A_39 : f32 to vector<16384xf32>
    %sub3A_41 = arith.subf %div3A_38, %sub3A_40 : vector<16384xf32>
    %integer_pow3A = arith.mulf %sub3A_41, %sub3A_41 : vector<16384xf32>
    %mul3A_42 = arith.mulf %exp3A, %integer_pow3A : vector<16384xf32>
    %div3A_43 = arith.constant 4.99999506E+11 : f32
    %div3A_44 = vector.broadcast %div3A_43 : f32 to vector<16384xf32>
    %div3A_45 = arith.divf %mul3A_42, %div3A_44 : vector<16384xf32>
    %reduce_sum3A_46 = vector.shape_cast %div3A_45 : vector<16384xf32> to vector<1x16384xf32>
    %reduce_sum3A_47 = arith.constant dense<0.000000e+00> : vector<1xf32>
    %reduce_sum3A_48 = vector.multi_reduction <add>, %reduce_sum3A_46, %reduce_sum3A_47 [1] : vector<1x16384xf32> to vector<1xf32>
    %reduce_sum3A_49 = vector.shape_cast %reduce_sum3A_48 : vector<1xf32> to vector<1x1xf32>
    %reduce_sum3A_50 = vector.extract %reduce_sum3A_49[0, 0] : f32 from vector<1x1xf32>
    %swap3A = arith.constant 0 : index
    %swap3A_51 = arith.constant 0 : index
    %swap3A_52 = memref.load %arg2[%swap3A, %swap3A_51] : memref<1x1xf32, #tpu.memory_space<smem>>
    memref.store %reduce_sum3A_50, %arg2[%swap3A, %swap3A_51] : memref<1x1xf32, #tpu.memory_space<smem>>
    return
  }
}

</mosaic_0001>

<sc_bundles>
// kernel: kernel.4.cloned.1.call-start
scs
__scs_entry_jumppad:
0x0: {  	(pc) =	sbr.rel $0x88, $3  }
0x1: {  	(tag) =	ssettag $0x0;
	lr =	simm.s32 $0x1  }
0x2: {  	[smem:$0x3F9E] =	sst lr;
	_ =	strace $0xD0000000  }
0x3: {  	_ = 	snop  }
0x4: {  	_ = 	snop  }
0x5: {  	_ = 	snop  }
0x6: {  	_ = 	snop  }
0x7: {  	_ = 	snop  }
__scs_overlays_trampoline_lowered:
0x8: {  	[smem:$0x3FAD] =	sst s0  }
0x9: {  	[smem:$0x3FAE] =	sst s1  }
0xa: {  	[smem:$0x3FAF] =	sst s2  }
0xb: {  	[smem:$0x3FB0] =	sst s3  }
0xc: {  	[smem:$0x3FB1] =	sst s4  }
0xd: {  	[smem:$0x3FB2] =	sst s5  }
0xe: {  	[smem:$0x3FB3] =	sst s6  }
0xf: {  	[smem:$0x3FB4] =	sst s7  }
0x10: {  	[smem:$0x3FB5] =	sst s8  }
0x11: {  	[smem:$0x3FB6] =	sst s9;
	s0 =	simm.s32 @!p0 $0x0  }
0x12: {  	s1 =	sld [smem:$0x3F9C];
	s0 =	simm.s32 @p0 $0x1  }
0x13: {  	[smem:$0x3FB7] =	sst s0;
	s0 =	simm.s32 @!p1 $0x0  }
0x14: {  	s2 =	sld [smem:$0x3F9B];
	s0 =	simm.s32 @p1 $0x1  }
0x15: {  	[smem:$0x3FB8] =	sst s0;
	s0 =	simm.s32 @!p2 $0x0  }
0x16: {  	s3 =	sld [smem:$0x3FDB];
	s0 =	simm.s32 @p2 $0x1  }
0x17: {  	s4 =	simm.s32 $0x1BF5;
	[smem:$0x3FBA] =	sst s0  }
0x18: {  	s0 =	sld [smem:$0x3F9D];
	_ =	swait.ge [sflag:s4], $0x0  }
0x19: {  	s7 =	sld [smem:$0x3F9E]  }
0x1a: {  	s8 =	sadd.s32 $0xFFFFE003, lr  }
0x1b: {  	s9 =	sadd.s32 $0xFFFFFEF7, lr;
	s5 =	simm.s32 $0xFFFFFFFF;
	p2 =	slt.u32 s8, $0xFFFFF086  }
0x1c: {  	p1 =	slt.u32 s9, $0xF7A;
	s5 =	simm.s32 @!p2 $0x0  }
0x1d: {  	s5 =	simm.s32 @p1 $0x1;
	p0 =	seq.s32 s7, s2  }
0x1e: {  	s7 =	smul.u32 @!p0 $0xF7A, s2;
	p2 =	seq.s32 @!p0 s5, $0x0  }
0x1f: {  	s9 =	smul.u32 $0xF7A, s1;
	s8 =	simm.s32 @!p0 $0x1BF5;
	p2 =	por !p2, p0  }
0x20: {  	[sflag:s8] =	ssyncset.s32 @!p0 $0xFFFFF086;
	s6 =	sadd.s32 @!p0 s3, s7;
	s7 =	simm.s32 @!p0 $0x108  }
0x21: {  	s3 =	sadd.s32 s3, s9;
	s6 =	sadd.s32 @!p0 $0x88, s6;
	s7 =	simm.s32 @p2 $0x1082  }
0x22: {  	[simem:s7], [sflag:s8] =	dma.local @!p0 [hbm:s6], $0xF7A  }
0x23: {  	s9 =	sor.u32 $0xD0000000, s2;
	s6 =	simm.s32 $0x108;
	_ =	swait.ge @!p0 [sflag:s8], $0x0  }
0x24: {  	s3 =	sadd.s32 $0x88, s3;
	s6 =	simm.s32 @!p1 $0x1082;
	[sflag:s4] =	ssyncset.s32 $0xFFFFF086  }
0x25: {  	[simem:s6], [sflag:s4] =	dma.local [hbm:s3], $0xF7A  }
0x26: {  	[smem:$0x3F9E] =	sst s1;
	(tag) =	ssettag s2;
	_ =	strace s9  }
0x27: {  	s1 =	sld [smem:$0x3FAE]  }
0x28: {  	s2 =	sld [smem:$0x3FAF]  }
0x29: {  	s4 =	sld [smem:$0x3FB1]  }
0x2a: {  	p0 =	seq.s32 s5, $0x0;
	s5 =	sld [smem:$0x3FB2]  }
0x2b: {  	s6 =	sld [smem:$0x3FB3]  }
0x2c: {  	s7 =	sld [smem:$0x3FB4]  }
0x2d: {  	s3 =	simm.s32 $0x108;
	s8 =	sld [smem:$0x3FB5]  }
0x2e: {  	s3 =	simm.s32 @!p0 $0x1082;
	s9 =	sld [smem:$0x3FB6]  }
0x2f: {  	lr =	sadd.s32 s0, s3;
	s0 =	sld [smem:$0x3FAD]  }
0x30: {  	s3 =	sld [smem:$0x3FB0]  }
0x31: {  	[smem:$0x3FB9] =	sst s10  }
0x32: {  	s10 =	sld [smem:$0x3FB7];
	_ =	sdelay $0x3  }
0x33: {  	p0 =	seq.s32 s10, $0x1;
	s10 =	sld [smem:$0x3FB9];
	_ =	sdelay $0x3  }
0x34: {  	[smem:$0x3FB9] =	sst s10  }
0x35: {  	s10 =	sld [smem:$0x3FB8];
	_ =	sdelay $0x3  }
0x36: {  	p1 =	seq.s32 s10, $0x1;
	s10 =	sld [smem:$0x3FB9];
	_ =	sdelay $0x3  }
0x37: {  	[smem:$0x3FB9] =	sst s10  }
0x38: {  	s10 =	sld [smem:$0x3FBA]  }
0x39: {  	_ = 	snop;
	(pc) =	sbr.ind lr, $3  }
0x3a: {  	_ = 	snop  }
0x3b: {  	_ = 	snop  }
0x3c: {  	p2 =	seq.s32 s10, $0x1;
	s10 =	sld [smem:$0x3FB9]  }
0x3d: {  	_ =	shalt  }
0x3e: {  	_ =	shalt  }
0x3f: {  	_ =	shalt  }
0x40: {  	_ =	shalt  }
0x41: {  	_ =	shalt  }
0x42: {  	_ =	shalt  }
0x43: {  	_ =	shalt  }
0x44: {  	_ =	shalt  }
0x45: {  	_ =	shalt  }
0x46: {  	_ =	shalt  }
0x47: {  	_ =	shalt  }
0x48: {  	_ =	shalt  }
0x49: {  	_ =	shalt  }
0x4a: {  	_ =	shalt  }
0x4b: {  	_ =	shalt  }
0x4c: {  	_ =	shalt  }
0x4d: {  	_ =	shalt  }
0x4e: {  	_ =	shalt  }
0x4f: {  	_ =	shalt  }
0x50: {  	_ =	shalt  }
0x51: {  	_ =	shalt  }
0x52: {  	_ =	shalt  }
0x53: {  	_ =	shalt  }
0x54: {  	_ =	shalt  }
0x55: {  	_ =	shalt  }
0x56: {  	_ =	shalt  }
0x57: {  	_ =	shalt  }
0x58: {  	_ =	shalt  }
0x59: {  	_ =	shalt  }
0x5a: {  	_ =	shalt  }
0x5b: {  	_ =	shalt  }
0x5c: {  	_ =	shalt  }
0x5d: {  	_ =	shalt  }
0x5e: {  	_ =	shalt  }
0x5f: {  	_ =	shalt  }
0x60: {  	_ =	shalt  }
0x61: {  	_ =	shalt  }
0x62: {  	_ =	shalt  }
0x63: {  	_ =	shalt  }
0x64: {  	_ =	shalt  }
0x65: {  	_ =	shalt  }
0x66: {  	_ =	shalt  }
0x67: {  	_ =	shalt  }
0x68: {  	_ =	shalt  }
0x69: {  	_ =	shalt  }
0x6a: {  	_ =	shalt  }
0x6b: {  	_ =	shalt  }
0x6c: {  	_ =	shalt  }
0x6d: {  	_ =	shalt  }
0x6e: {  	_ =	shalt  }
0x6f: {  	_ =	shalt  }
0x70: {  	_ =	shalt  }
0x71: {  	_ =	shalt  }
0x72: {  	_ =	shalt  }
0x73: {  	_ =	shalt  }
0x74: {  	_ =	shalt  }
0x75: {  	_ =	shalt  }
0x76: {  	_ =	shalt  }
0x77: {  	_ =	shalt  }
0x78: {  	_ =	shalt  }
0x79: {  	_ =	shalt  }
0x7a: {  	_ =	shalt  }
0x7b: {  	_ =	shalt  }
0x7c: {  	_ =	shalt  }
0x7d: {  	_ =	shalt  }
0x7e: {  	_ =	shalt  }
0x7f: {  	_ =	shalt  }
0x80: {  	_ =	shalt  }
0x81: {  	_ =	shalt  }
0x82: {  	_ =	shalt  }
0x83: {  	_ =	shalt  }
0x84: {  	_ =	shalt  }
0x85: {  	_ =	shalt  }
0x86: {  	_ =	shalt  }
0x87: {  	_ =	shalt  }
.Lfunc_end0:
.L_simem_size_0:
called_computation_lowered:
.L_overlay_start_0:
0x88: {  	s2 =	sld [smem:$0x3FD9]  }
0x89: {  	s3 =	sld [smem:$0x3FFE];
	_ =	sdelay $0x1  }
0x8a: {  	s1 =	srdreg.scid  }
0x8b: {  	s0 =	sand.u32 $0x1, s1  }
0x8c: {  	s17 =	sshll.u32 s0, $0xA;
	s2 =	sadd.s32 s3, s2  }
0x8d: {  	s2 =	sadd.s32 s2, s17  }
0x8e: {  	[smem:$0x3FC5] =	sst s2  }
0x8f: {  	_ = 	snop  }
0x90: {  	s2 =	sld [smem:$0x3FC7];
	(tm) =	ssettm $0x1  }
0x91: {  	s18 =	sld [smem:$0x3FFB];
	_ =	sdelay $0x3  }
0x92: {  	_ =	strace s18  }
0x93: {  	s3 =	sld [smem:$0x3FFC];
	_ =	sdelay $0x3  }
0x94: {  	_ =	strace s3  }
0x95: {  	s3 =	sld [smem:$0x3FFD];
	_ =	sdelay $0x3  }
0x96: {  	_ =	strace s3  }
0x97: {  	_ =	strace $0x8FFFFFFF  }
0x98: {  	s19 =	sld [smem:$0x3FDB];
	_ =	sdelay $0x1  }
0x99: {  	s4 =	simm.s32 $_scs_section_size  }
0x9a: {  	s5 =	simm.s32 $_size__tile_overlayer_lowered;
	s6 =	simm.s32 $_tile_overlayer_lowered  }
0x9b: {  	s22 =	simm.s32 $0x1BFF;
	s21 =	sshll.u32 s6, $0x1;
	s3 =	sadd.s32 s4, s19  }
0x9c: {  	s7 =	simm.s32 $0x0;
	s20 =	sshll.u32 s5, $0x1;
	s5 =	sadd.s32 s21, s3  }
0x9d: {  	[timem:s7], [sflag:s22] =	dma.local [hbm:s5], s20  }
0x9e: {  	_ =	swait.ge [sflag:s22], s20  }
0x9f: {  	s4 =	ssub.s32 $0x0, s20;
	[sflag:s22] =	ssyncset.done $0x0  }
0xa0: {  	[sflag:s22] =	ssyncadd.s32 s4;
	_ =	sdelay $0x1  }
0xa1: {  	s23 =	simm.s32 $0x1B8B  }
0xa2: {  	_ =	swait.ge [sflag:s23], $0x1  }
0xa3: {  	[sflag:s23] =	ssyncset.done $0x0  }
0xa4: {  	s25 =	simm.s32 $0x1B8E;
	s24 =	sld [smem:$0x3FFE];
	[sflag:s23] =	ssyncadd.s32 $0xFFFFFFFF  }
0xa5: {  	s26 =	simm.s32 $execute0_lowered;
	[smem:$0x3FD2] =	sst s25  }
0xa6: {  	s5 =	sshll.u32 s26, $0x1;
	_ =	strace $0x80000046;
	[dreg:$0x1] =	wrdreg $0xFFFFFFFF  }
0xa7: {  	s28 =	simm.s32 $_size_execute0_lowered;
	s3 =	sadd.s32 s3, s5;
	[dreg:$0x0] =	wrdreg $0x0  }
0xa8: {  	s5 =	sshll.u32 s28, $0x1;
	[dreg:$0x2] =	wrdreg s3  }
0xa9: {  	[dreg:$0x3] =	wrdreg s5  }
0xaa: {  	[dreg:$0x4] =	wrdreg $0xC0  }
0xab: {  	_ =	task [dreg:s7], $0x5FFFF  }
0xac: {  	[dreg:$0x1] =	wrdreg $0xFFFFFFFF  }
0xad: {  	[dreg:$0x0] =	wrdreg $0x60  }
0xae: {  	[dreg:$0x2] =	wrdreg s2  }
0xaf: {  	[dreg:$0x3] =	wrdreg s24  }
0xb0: {  	[dreg:$0x4] =	wrdreg $0x9  }
0xb1: {  	_ =	task.clear_ibuf [dreg:s7], $0x5FFFF;
	_ =	strace $0x90000046  }
0xb2: {  	s29 =	simm.s32 $0x9;
	_ =	strace $0x80000048  }
0xb3: {  	_ =	swait.ge [sflag:s29], $0x1  }
0xb4: {  	[sflag:s29] =	ssyncadd.s32 $0xFFFFFFFF  }
0xb5: {  	_ =	strace $0x90000048  }
0xb6: {  	_ =	sfence  }
0xb7: {  	s30 =	sld [smem:$0x0];
	_ =	sdelay $0x2  }
0xb8: {  	s31 =	sshll.u32 s1, $0xD;
	s1 =	sshrl.u32 s1, $0x2  }
0xb9: {  	s3 =	sand.u32 $0x4000, s31;
	s1 =	sadd.s32 s1, s30  }
0xba: {  	s0 =	sor.u32 s3, s0;
	s1 =	sshll.u32 s1, $0x11  }
0xbb: {  	s0 =	sor.u32 s1, s0  }
0xbc: {  	s0 =	sadd.s32 $0x8F2B, s0  }
0xbd: {  	[sflag:s0] =	ssyncadd.remote.s32 $0x1  }
0xbe: {  	_ =	sfence.sel $0xFFFF  }
0xbf: {  	[dreg:$0x0] =	wrdreg $0xFFFFFFFF;
	(pc) =	sbr.abs _section_cstart, $3  }
0xc0: {  	[dreg:$0x1] =	wrdreg $0xFFFFFFFF  }
0xc1: {  	_ =	task.clear_ibuf [dreg:s7], $0x2FFFF;
	_ =	strace $0x9FFFFFFF  }
0xc2: {  	(tm) =	ssettm $0x7FFFFFFF  }
0xc3: {  	_ =	shalt  }
tec
execute0_lowered:
.L_overlay_start_1:
0x0: {  	(tag) =	ssettag $0x1  }
0x1: {  	s1 =	rddreg [dreg:$0x0]  }
0x2: {  	s0 =	rddreg [dreg:$0x1];
	s2 =	simm.s32 $0x0;
	s3 =	srdreg.scid  }
0x3: {  	s28 =	stileid.u32;
	s11 =	simm.s32 $0x2000;
	s12 =	simm.s32 $0x7A1400  }
0x4: {  	s13 =	simm.s32 $0x9000;
	s14 =	simm.s32 $0x11000;
	s16 =	simm.s32 $0x19000  }
0x5: {  	s18 =	simm.s32 $0x5;
	s19 =	simm.s32 $0x3;
	s20 =	simm.s32 $0x4  }
0x6: {  	s21 =	simm.s32 $0x2;
	s22 =	simm.s32 $0x0;
	s5 =	sand.u32 $0x1, s3  }
0x7: {  	[smem:$0x7FF] =	sst s2;
	s4 =	sadd.s32 $0xA00, s0;
	s6 =	ssub.s32 $0x2, s5  }
0x8: {  	s8 =	sshll.u32 s28, $0x10;
	s9 =	sshll.u32 s5, $0xF;
	s7 =	sshrl.u32 s6, $0x1  }
.Ltmp0:
0x9: {  	s29 =	ssub.s32 s6, s7;
	s6 =	sor.u32 s9, s8;
	(pc) =	sbr.rel .LBB2_1-.Ltmp0, $4  }
0xa: {  	_ =	strace $0x80000047;
	s5 =	sadd.s32 $0x1A00, s0;
	s30 =	smin.u32 s6, $0xEC200  }
0xb: {  	v4 =	vlaneseq.u32;
	s8 =	smin.u32 s6, $0xF3E00;
	s9 =	sor.u32 $0x400, s6;
	s10 =	smax.u32 s29, $0x1  }
0xc: {  	v2 =	vimm.f32 $0.0e+00;
	vm0 =	vmmov $0xffff;
	v3 =	vor.u32 $0x8000, v4;
	s17 =	sadd.s32 $0x8000, s30;
	s7 =	sadd.s32 s1, s8;
	s31 =	smin.u32 s9, $0xF3E00  }
0xd: {  	v4 =	vmul.u32 $0x80, v4;
	v0 =	vmov s6;
	s9 =	sadd.s32 $0xF4200, s1;
	s8 =	sadd.s32 s1, s31;
	v1 =	vmov s17;
	s17 =	simm.s32 $0x1  }
.LBB2_57:
0xe: {  	[sflag:s18] =	ssyncadd.s32 $0xFFFFF800  }
.LBB2_58:
0xf: {  	s22 =	sadd.s32 $0x1, s22  }
0x10: {  	p0 =	sne.s32 s22, s10  }
.Ltmp1:
0x11: {  	_ = 	snop;
	(pc) =	sbr.rel @!p0 .LBB2_59-.Ltmp1, $1  }
0x12: {  	_ =	sdelay $0x3  }
.LBB2_1:
0x13: {  	[tilespmem:s13], [sflag:$0x2] =	stream.strided.gather [hbm4b:s7+s11], $0x8000, s12, s11, $0x38;
	[tilespmem:$0x1E100] =	vst v63  }
0x14: {  	_ = 	snop  }
0x15: {  	[tilespmem:s14], [sflag:$0x3] =	stream.strided.gather [hbm4b:s8+s11], $0x8000, s12, s11, $0x38;
	[tilespmem:$0x1E100] =	vst v63  }
0x16: {  	s0 =	simm.s32 $0x400  }
0x17: {  	[tilespmem:s16], [sflag:$0x4] =	stream.strided.gather [hbm4b:s9+s0], $0x1000, s12, s0, $0x38;
	[tilespmem:$0x1E100] =	vst v63  }
0x18: {  	_ = 	snop  }
0x19: {  	[tilespmem:s2], [sflag:$0x1] =	stream.linear.gather [hbm4b:s4+s2], $0x8000, $0x38;
	[tilespmem:$0x1E100] =	vst v63  }
0x1a: {  	_ =	swait.ge [sflag:s17], $0x8000  }
0x1b: {  	[sflag:s17] =	ssyncset.done $0x0  }
0x1c: {  	s23 =	simm.s32 $0x200;
	s0 =	simm.s32 $0x0;
	[sflag:s17] =	ssyncadd.s32 $0xFFFF8000  }
.LBB2_2:
0x1d: {  	p0 =	sne.s32 s23, $0xFE00;
	[tilespmem:s0+$0x1A070] =	vst v2  }
0x1e: {  	[tilespmem:s0+$0x1A000] =	vst v2  }
0x1f: {  	[tilespmem:s0+$0x1A010] =	vst v2  }
.Ltmp2:
0x20: {  	[tilespmem:s0+$0x1A020] =	vst v2;
	(pc) =	sbr.rel @p0 .LBB2_2-.Ltmp2, $4  }
0x21: {  	[tilespmem:s0+$0x1A030] =	vst v2  }
0x22: {  	[tilespmem:s0+$0x1A040] =	vst v2  }
0x23: {  	[tilespmem:s0+$0x1A050] =	vst v2  }
0x24: {  	[tilespmem:s0+$0x1A060] =	vst v2;
	s0 =	sshra.s32 s23, $0x2;
	s23 =	sadd.s32 $0x200, s23  }
0x25: {  	[tilespmem:s0+$0x1A070] =	vst v2  }
0x26: {  	[tilespmem:s0+$0x1A000] =	vst v2  }
0x27: {  	[tilespmem:s0+$0x1A010] =	vst v2  }
0x28: {  	[tilespmem:s0+$0x1A020] =	vst v2  }
0x29: {  	[tilespmem:s0+$0x1A030] =	vst v2  }
0x2a: {  	[tilespmem:s0+$0x1A040] =	vst v2  }
0x2b: {  	[tilespmem:s0+$0x1A050] =	vst v2  }
0x2c: {  	s23 =	simm.s32 $0x0;
	[tilespmem:s0+$0x1A060] =	vst v2;
	s0 =	simm.s32 $0x0  }
.LBB2_4:
0x2d: {  	p0 =	sne.s32 s0, $0x1FC0  }
.Ltmp3:
0x2e: {  	_ = 	snop;
	(pc) =	sbr.rel @p0 .LBB2_4-.Ltmp3, $4  }
0x2f: {  	_ = 	snop  }
0x30: {  	s24 =	sshra.s32 s0, $0x2  }
0x31: {  	[tilespmem:s24+$0x8000] =	vst v0  }
0x32: {  	s0 =	sadd.s32 $0x40, s0;
	[tilespmem:s24+$0x8800] =	vst v3  }
0x33: {  	s24 =	simm.s32 $0x20  }
0x34: {  	v7 =	vld [tilespmem:s24+$0xFFFFFFF0]  }
0x35: {  	v8 =	vld [tilespmem:s24+$0xFFFFFFE0];
	_ =	sdelay $0x2  }
0x36: {  	v6 =	vld [tilespmem:s24+$0x0]  }
0x37: {  	vm1 =	vge.s32 v7, v0;
	vm2 =	vlt.s32 v7, v1;
	vm3 =	vgt.s32 v7, $0xF41FF  }
0x38: {  	vm4 =	vge.s32 v8, v0;
	vm5 =	vlt.s32 v8, v1;
	vm1 =	vmand vm1, vm2  }
0x39: {  	v5 =	vld [tilespmem:s24+$0x10];
	vm13 =	vgt.s32 v8, $0xF41FF;
	vm2 =	vmand vm4, vm5;
	vm3 =	vmor vm3, vm1  }
0x3a: {  	vm4 =	vmor vm13, vm2;
	v9 =	vmpcnt.ones.xlane vm3  }
0x3b: {  	vm1 =	vlt.s32 v6, v1;
	vm2 =	vge.s32 v6, v0;
	v10 =	vmpcnt.ones.xlane vm4  }
0x3c: {  	vm1 =	vmand vm2, vm1;
	vm2 =	vgt.s32 v6, $0xF41FF;
	v9 =	vxor.u32 $0x80000000, v9  }
0x3d: {  	vm2 =	vmor vm2, vm1;
	v10 =	vxor.u32 $0x80000000, v10;
	(xrf0) =	vmax.scan.msk.u32 $0xffff, v9  }
0x3e: {  	vm14 =	vlt.s32 v5, v1;
	vm6 =	vge.s32 v5, v0;
	v9 =	vmpcnt.ones.xlane vm2;
	(xrf0) =	vmax.scan.msk.u32 $0xffff, v10  }
0x3f: {  	vm15 =	vgt.s32 v5, $0xF41FF;
	vm1 =	vmand vm6, vm14  }
0x40: {  	vm1 =	vmor vm15, vm1;
	v9 =	vxor.u32 $0x80000000, v9  }
0x41: {  	v10 =	vmpcnt.ones.xlane vm1  }
0x42: {  	(xrf0) =	vmax.scan.msk.u32 $0xffff, v9  }
0x43: {  	v10 =	vxor.u32 $0x80000000, v10;
	v9, _, _ =	vpop (xrf0)  }
0x44: {  	(xrf0) =	vmax.scan.msk.u32 $0xffff, v10;
	v11, _, _ =	vpop (xrf0);
	(v2sf) =	vpush v9, $0xF  }
0x45: {  	(v2sf) =	vpush v11, $0xF;
	_ =	sdelay $0x2  }
0x46: {  	v9, _, _ =	vpop (xrf0)  }
0x47: {  	(v2sf) =	vpush v9, $0xF  }
0x48: {  	v9, _, _ =	vpop (xrf0)  }
0x49: {  	(v2sf) =	vpush v9, $0xF;
	_ =	sdelay $0x7  }
0x4a: {  	s0 =	spop (v2sf)  }
0x4b: {  	s28 =	simm.s32 $0x10;
	s25 =	spop (v2sf)  }
0x4c: {  	s30 =	simm.s32 $0x0;
	s31 =	simm.s32 $0x20;
	s26 =	sxor.u32 $0x80000000, s25  }
0x4d: {  	s0 =	sxor.u32 $0x80000000, s0;
	s25 =	simm.s32 $0x40;
	p2 =	slt.s32 s26, $0x1  }
0x4e: {  	p0 =	slt.s32 s0, $0x1;
	s29 =	sadd.s32 $0x0, s26;
	p1 =	por @!p2 $0x1, $0x1  }
0x4f: {  	s3 =	spop (v2sf);
	p3 =	slt.s32 @!p0 s29, $0x7F0;
	p1 =	por !p1, p2  }
0x50: {  	v9 =	vlaneseq.u32 @!p2;
	s3 =	sxor.u32 $0x80000000, s3;
	s26 =	sadd.s32 s29, s0;
	s30 =	simm.s32 @p1 $0x7F0  }
0x51: {  	p3 =	por !p3, p0;
	v9 =	vor.u32 @!p2 s23, v9;
	p1 =	slt.s32 s3, $0x1;
	s15 =	spop (v2sf);
	[tilespmem:s30+$0x8000] =	vst.msk @!p2 vm4, v8  }
0x52: {  	s29 =	simm.s32 @p3 $0x7F0;
	v8 =	vlaneseq.u32 @!p0;
	s0 =	sxor.u32 $0x80000000, s15;
	[tilespmem:s30+$0x8800] =	vst.msk @!p2 vm4, v9;
	p2 =	slt.s32 @!p1 s26, $0x7F0  }
0x53: {  	v8 =	vor.u32 @!p0 s28, v8;
	v9 =	vlaneseq.u32 @!p1;
	s28 =	sadd.s32 s26, s3;
	[tilespmem:s29+$0x8000] =	vst.msk @!p0 vm3, v7;
	p3 =	por !p2, p1;
	p2 =	slt.s32 s0, $0x1  }
0x54: {  	v7 =	vor.u32 @!p1 s31, v9;
	s0 =	sadd.s32 s28, s0;
	[tilespmem:s29+$0x8800] =	vst.msk @!p0 vm3, v8;
	s26 =	simm.s32 @p3 $0x7F0;
	p3 =	slt.s32 @!p2 s28, $0x7F0;
	v8 =	vlaneseq.u32 @!p2  }
.LBB2_6:
0x55: {  	p3 =	por !p3, p2  }
0x56: {  	[tilespmem:s26+$0x8000] =	vst.msk @!p1 vm2, v6;
	s24 =	sadd.s32 $0x40, s24;
	s3 =	smov.u32 s25;
	s25 =	sadd.s32 $0x40, s25  }
0x57: {  	s23 =	sadd.s32 $0x30, s23;
	p0 =	sne.s32 s25, $0x8000;
	[tilespmem:s26+$0x8800] =	vst.msk @!p1 vm2, v7;
	s28 =	simm.s32 @p3 $0x7F0  }
0x58: {  	[tilespmem:s28+$0x8000] =	vst.msk @!p2 vm1, v5;
	v5 =	vor.u32 @!p2 s23, v8;
	s23 =	smov.u32 s3  }
0x59: {  	[tilespmem:s28+$0x8800] =	vst.msk @!p2 vm1, v5  }
0x5a: {  	v7 =	vld [tilespmem:s24+$0xFFFFFFF0]  }
0x5b: {  	v8 =	vld [tilespmem:s24+$0xFFFFFFE0]  }
0x5c: {  	v6 =	vld [tilespmem:s24+$0x0]  }
0x5d: {  	v5 =	vld [tilespmem:s24+$0x10];
	_ =	sdelay $0x1  }
0x5e: {  	vm1 =	vge.s32 v7, v0;
	vm2 =	vlt.s32 v7, v1;
	vm3 =	vgt.s32 v7, $0xF41FF  }
0x5f: {  	vm4 =	vge.s32 v8, v0;
	vm5 =	vlt.s32 v8, v1;
	vm1 =	vmand vm1, vm2  }
0x60: {  	vm2 =	vmand vm4, vm5;
	vm4 =	vgt.s32 v8, $0xF41FF;
	vm3 =	vmor vm3, vm1  }
0x61: {  	vm1 =	vlt.s32 v6, v1;
	vm4 =	vmor vm4, vm2;
	v9 =	vmpcnt.ones.xlane vm3  }
0x62: {  	vm2 =	vge.s32 v6, v0;
	vm5 =	vlt.s32 v5, v1;
	v10 =	vmpcnt.ones.xlane vm4  }
0x63: {  	vm1 =	vmand vm2, vm1;
	vm2 =	vge.s32 v5, v0;
	v9 =	vxor.u32 $0x80000000, v9  }
0x64: {  	vm6 =	vgt.s32 v6, $0xF41FF;
	vm5 =	vmand vm2, vm5;
	v10 =	vxor.u32 $0x80000000, v10;
	(xrf0) =	vmax.scan.msk.u32 $0xffff, v9  }
0x65: {  	vm2 =	vmor vm6, vm1;
	(xrf0) =	vmax.scan.msk.u32 $0xffff, v10  }
0x66: {  	vm1 =	vgt.s32 v5, $0xF41FF;
	v9 =	vmpcnt.ones.xlane vm2  }
0x67: {  	vm1 =	vmor vm1, vm5  }
0x68: {  	v12 =	vmpcnt.ones.xlane vm1;
	v9 =	vxor.u32 $0x80000000, v9  }
0x69: {  	(xrf0) =	vmax.scan.msk.u32 $0xffff, v9  }
0x6a: {  	v9 =	vxor.u32 $0x80000000, v12;
	v10, _, _ =	vpop (xrf0)  }
0x6b: {  	v11, _, _ =	vpop (xrf0);
	(v2sf) =	vpush v10, $0xF;
	(xrf0) =	vmax.scan.msk.u32 $0xffff, v9  }
0x6c: {  	(v2sf) =	vpush v11, $0xF;
	_ =	sdelay $0x2  }
0x6d: {  	v9, _, _ =	vpop (xrf0)  }
0x6e: {  	(v2sf) =	vpush v9, $0xF  }
0x6f: {  	v9, _, _ =	vpop (xrf0)  }
0x70: {  	(v2sf) =	vpush v9, $0xF;
	_ =	sdelay $0x7  }
0x71: {  	s3 =	spop (v2sf)  }
0x72: {  	s26 =	spop (v2sf)  }
0x73: {  	s28 =	sadd.s32 $0x20, s23;
	s3 =	sxor.u32 $0x80000000, s3;
	s26 =	sxor.u32 $0x80000000, s26  }
0x74: {  	p3 =	slt.s32 s3, $0x1;
	p2 =	slt.s32 s26, $0x1;
	s29 =	sadd.s32 s0, s26  }
0x75: {  	s26 =	sadd.s32 $0x10, s23;
	v10 =	vlaneseq.u32 @!p3;
	p1 =	slt.s32 @!p2 s0, $0x7F0;
	v9 =	vlaneseq.u32 @!p2;
	p4 =	slt.s32 @!p3 s29, $0x7F0  }
0x76: {  	v10 =	vor.u32 @!p3 s26, v10;
	p1 =	por !p1, p2;
	v9 =	vor.u32 @!p2 s23, v9;
	p4 =	por !p4, p3;
	s26 =	spop (v2sf)  }
.Ltmp4:
0x77: {  	s30 =	sxor.u32 $0x80000000, s26;
	s0 =	simm.s32 @p1 $0x7F0;
	(pc) =	sbr.rel @p0 .LBB2_6-.Ltmp4, $4  }
0x78: {  	s26 =	sadd.s32 s29, s3;
	[tilespmem:s0+$0x8000] =	vst.msk @!p2 vm4, v8;
	p1 =	slt.s32 s30, $0x1;
	s3 =	spop (v2sf)  }
0x79: {  	s29 =	simm.s32 @p4 $0x7F0;
	s3 =	sxor.u32 $0x80000000, s3;
	[tilespmem:s0+$0x8800] =	vst.msk @!p2 vm4, v9;
	p2 =	slt.s32 @!p1 s26, $0x7F0;
	v8 =	vlaneseq.u32 @!p1  }
0x7a: {  	[tilespmem:s29+$0x8000] =	vst.msk @!p3 vm3, v7;
	p4 =	por !p2, p1;
	v7 =	vor.u32 @!p1 s28, v8;
	s28 =	sadd.s32 s26, s30;
	p2 =	slt.s32 s3, $0x1  }
0x7b: {  	[tilespmem:s29+$0x8800] =	vst.msk @!p3 vm3, v10;
	s26 =	simm.s32 @p4 $0x7F0;
	p3 =	slt.s32 @!p2 s28, $0x7F0;
	v8 =	vlaneseq.u32 @!p2;
	s0 =	sadd.s32 s28, s3  }
0x7c: {  	s0 =	sadd.s32 $0xF, s0  }
0x7d: {  	s3 =	sand.u32 $0xF, s0  }
0x7e: {  	s24 =	sshra.s32 s0, $0x1F;
	p0 =	slt.s32 s0, $0x1;
	p4 =	sne.s32 s3, $0x0  }
0x7f: {  	s29 =	sshrl.u32 s24, $0x1C;
	p0 =	por !p0, !p4  }
0x80: {  	s3 =	simm.s32 $0x1;
	s0 =	sadd.s32 s29, s0;
	p0 =	por !p0, !p0  }
0x81: {  	s0 =	sshra.s32 s0, $0x4;
	s3 =	simm.s32 @!p0 $0x0  }
0x82: {  	s0 =	ssub.s32 s0, s3  }
0x83: {  	s3 =	sadd.s32 $0x3, s0  }
0x84: {  	p3 =	por !p3, p2;
	s30 =	sand.u32 $0x3, s3  }
0x85: {  	p5 =	slt.s32 s0, $0xFFFFFFFE;
	s0 =	sadd.s32 $0x30, s23;
	p6 =	sne.s32 s30, $0x0  }
.Ltmp5:
0x86: {  	s31 =	sshrl.u32 s3, $0x1E;
	p0 =	por !p5, !p6;
	(pc) =	sbr.rel .LBB2_8-.Ltmp5, $4  }
0x87: {  	[tilespmem:s26+$0x8000] =	vst.msk @!p1 vm2, v6;
	s23 =	simm.s32 $0x1;
	s3 =	sadd.s32 s31, s3;
	p0 =	por !p0, !p0  }
0x88: {  	[tilespmem:s26+$0x8800] =	vst.msk @!p1 vm2, v7;
	s28 =	simm.s32 @p3 $0x7F0;
	s3 =	sshra.s32 s3, $0x2;
	s23 =	simm.s32 @!p0 $0x0  }
0x89: {  	[tilespmem:s28+$0x8000] =	vst.msk @!p2 vm1, v5;
	v5 =	vor.u32 @!p2 s0, v8;
	s23 =	ssub.s32 s3, s23  }
0x8a: {  	s25 =	simm.s32 $0x0;
	s24 =	simm.s32 $0x0;
	[tilespmem:s28+$0x8800] =	vst.msk @!p2 vm1, v5;
	p0 =	sgt.s32 s23, $0x0  }
.LBB2_38:
0x8b: {  	s26 =	simm.s32 $0x1A000  }
.LBB2_42:
0x8c: {  	_ =	sdelay $0x1  }
0x8d: {  	s3 =	sadd.s32 @p3 $0x800, s26  }
0x8e: {  	s29 =	smov.u32 @p3 s3  }
0x8f: {  	[hbm4b:s5+s2] =	stream.indirect_vreg.scatter [tilespmem:s29], [sflag:$0x5], $0x80, v5, vm0, $0xb8;
	[tilespmem:$0x1E100] =	vst v63  }
.LBB2_43:
0x90: {  	p3 =	sgt.u32 s24, $0x1D  }
0x91: {  	p2 =	por !p2, !p2;
	p4 =	sne.s32 @!p3 s28, $0x0  }
0x92: {  	s3 =	sadd.s32 $0x2, s24;
	p2 =	por p3, p2;
	p4 =	por p4, p3  }
0x93: {  	s24 =	sadd.s32 $0x1, s24;
	s15 =	sshll.u32 @!p4 s3, $0xA;
	s3 =	sshll.u32 @!p2 s3, $0xA  }
0x94: {  	s26 =	simm.s32 @!p4 $0x2000;
	s15 =	sadd.s32 @!p4 s6, s15;
	s3 =	sadd.s32 @!p2 s6, s3  }
0x95: {  	s28 =	simm.s32 @!p4 $0x7A1400;
	s15 =	smin.u32 @!p4 s15, $0xF3E00;
	s3 =	smin.u32 @!p2 s3, $0xF3E00  }
0x96: {  	s29 =	simm.s32 @!p4 $0x9000;
	s15 =	sadd.s32 @!p4 s1, s15;
	s3 =	sadd.s32 @!p2 s1, s3  }
0x97: {  	[tilespmem:s29], [sflag:$0x2] =	stream.strided.gather @!p4 [hbm4b:s15+s26], $0x8000, s28, s26, $0x38;
	[tilespmem:$0x1E100] =	vst v63  }
0x98: {  	s15 =	simm.s32 @!p2 $0x2000;
	s26 =	simm.s32 @!p2 $0x7A1400;
	s28 =	simm.s32 @!p2 $0x11000  }
0x99: {  	[tilespmem:s28], [sflag:$0x3] =	stream.strided.gather @!p2 [hbm4b:s3+s15], $0x8000, s26, s15, $0x38;
	[tilespmem:$0x1E100] =	vst v63  }
0x9a: {  	p2 =	seq.s32 s24, $0x20  }
.Ltmp6:
0x9b: {  	_ = 	snop;
	(pc) =	sbr.rel @p2 .LBB2_11-.Ltmp6, $1  }
0x9c: {  	_ =	sdelay $0x3  }
.LBB2_8:
0x9d: {  	p1 =	sgt.s32 s25, $0x0  }
.Ltmp7:
0x9e: {  	_ = 	snop;
	(pc) =	sbr.rel @!p1 .LBB2_9-.Ltmp7, $1  }
0x9f: {  	_ =	sdelay $0x3  }
0xa0: {  	p1 =	seq.s32 s25, $0x1  }
.Ltmp8:
0xa1: {  	_ = 	snop;
	(pc) =	sbr.rel @p1 .LBB2_19-.Ltmp8, $3  }
0xa2: {  	_ =	sdelay $0x1  }
0xa3: {  	_ =	swait.ge [sflag:s18], $0x800  }
0xa4: {  	s0 =	sadd.s32 $0xFFFFFFFF, s25;
	[sflag:s18] =	ssyncset.done $0x0  }
.LBB2_18:
0xa5: {  	p1 =	seq.s32 s0, $0x1;
	s0 =	sadd.s32 $0xFFFFFFFF, s0;
	[sflag:s18] =	ssyncadd.s32 $0xFFFFF800  }
.Ltmp9:
0xa6: {  	(pc) =	sbr.rel @!p1 .LBB2_18-.Ltmp9, $3  }
0xa7: {  	_ =	sdelay $0x1  }
0xa8: {  	_ =	swait.ge [sflag:s18], $0x800  }
0xa9: {  	[sflag:s18] =	ssyncset.done $0x0  }
.LBB2_19:
0xaa: {  	[sflag:s18] =	ssyncadd.s32 $0xFFFFF800  }
.LBB2_9:
0xab: {  	[tilespmem:$0x1E000] =	vst v0  }
0xac: {  	[tilespmem:$0x1E080] =	vst v3  }
0xad: {  	[tilespmem:$0x1E010] =	vst v0  }
0xae: {  	[tilespmem:$0x1E090] =	vst v3  }
0xaf: {  	[tilespmem:$0x1E020] =	vst v0  }
0xb0: {  	[tilespmem:$0x1E0A0] =	vst v3  }
0xb1: {  	[tilespmem:$0x1E030] =	vst v0  }
0xb2: {  	[tilespmem:$0x1E0B0] =	vst v3  }
0xb3: {  	[tilespmem:$0x1E040] =	vst v0  }
0xb4: {  	[tilespmem:$0x1E0C0] =	vst v3  }
0xb5: {  	[tilespmem:$0x1E050] =	vst v0  }
.Ltmp10:
0xb6: {  	[tilespmem:$0x1E0D0] =	vst v3;
	(pc) =	sbr.rel @!p0 .LBB2_10-.Ltmp10, $4  }
0xb7: {  	[tilespmem:$0x1E060] =	vst v0  }
0xb8: {  	[tilespmem:$0x1E0E0] =	vst v3  }
0xb9: {  	[tilespmem:$0x1E070] =	vst v0  }
0xba: {  	[tilespmem:$0x1E0F0] =	vst v3  }
0xbb: {  	s25 =	simm.s32 $0x8020  }
0xbc: {  	v7 =	vld [tilespmem:s25+$0xFFFFFFE0]  }
0xbd: {  	v9 =	vld [tilespmem:s25+$0x0]  }
0xbe: {  	v10 =	vld [tilespmem:s25+$0xFFFFFFF0];
	_ =	sdelay $0x2  }
0xbf: {  	v5 =	vmov s24  }
0xc0: {  	v6 =	vsub.s32 v7, v0;
	vm1 =	vge.s32 v7, v0;
	vm3 =	vlt.s32 v7, $0xF4200  }
0xc1: {  	v8 =	vsub.s32 v9, v0;
	v11 =	vsub.s32 v10, v0;
	v6 =	vshra.s32 v6, $0xA  }
0xc2: {  	vm4 =	vlt.s32 v9, $0xF4200;
	vm5 =	vlt.s32 v10, $0xF4200;
	vm2 =	veq.s32 v6, v5;
	v6 =	vld [tilespmem:s25+$0x10]  }
0xc3: {  	v11 =	vshra.s32 v11, $0xA;
	v8 =	vshra.s32 v8, $0xA;
	vm2 =	vmand vm3, vm2  }
0xc4: {  	vm6 =	veq.s32 v8, v5;
	vm2 =	vmand vm1, vm2;
	vm1 =	veq.s32 v11, v5  }
0xc5: {  	vm3 =	vge.s32 v10, v0;
	v12 =	vmpcnt.ones.xlane vm2;
	vm1 =	vmand vm5, vm1  }
0xc6: {  	vm13 =	vmand vm4, vm6;
	vm4 =	vmand vm3, vm1  }
0xc7: {  	vm1 =	vge.s32 v9, v0;
	v8 =	vxor.u32 $0x80000000, v12;
	v11 =	vsub.s32 v6, v0  }
0xc8: {  	vm3 =	vmand vm1, vm13;
	(xrf0) =	vmax.scan.msk.u32 $0xffff, v8;
	v8 =	vmpcnt.ones.xlane vm4;
	v11 =	vshra.s32 v11, $0xA  }
0xc9: {  	vm1 =	vlt.s32 v6, $0xF4200;
	v63 =	vmpcnt.ones.xlane vm3;
	vm14 =	veq.s32 v11, v5  }
0xca: {  	vm15 =	vge.s32 v6, v0;
	v8 =	vxor.u32 $0x80000000, v8;
	vm1 =	vmand vm1, vm14  }
0xcb: {  	v11 =	vxor.u32 $0x80000000, v63;
	vm1 =	vmand vm15, vm1;
	(xrf0) =	vmax.scan.msk.u32 $0xffff, v8  }
0xcc: {  	v8 =	vmpcnt.ones.xlane vm1;
	_ =	sdelay $0x1  }
0xcd: {  	(xrf0) =	vmax.scan.msk.u32 $0xffff, v11;
	v11, _, _ =	vpop (xrf0);
	v8 =	vxor.u32 $0x80000000, v8  }
0xce: {  	(v2sf) =	vpush v11, $0xF;
	_ =	sdelay $0x1  }
0xcf: {  	(xrf0) =	vmax.scan.msk.u32 $0xffff, v8;
	v8, _, _ =	vpop (xrf0)  }
0xd0: {  	(v2sf) =	vpush v8, $0xF;
	_ =	sdelay $0x3  }
0xd1: {  	v8, _, _ =	vpop (xrf0)  }
0xd2: {  	(v2sf) =	vpush v8, $0xF  }
0xd3: {  	v8, _, _ =	vpop (xrf0)  }
0xd4: {  	(v2sf) =	vpush v8, $0xF;
	_ =	sdelay $0x4  }
0xd5: {  	s0 =	spop (v2sf)  }
0xd6: {  	s0 =	sxor.u32 $0x80000000, s0  }
0xd7: {  	s26 =	simm.s32 $0x8820;
	p1 =	slt.s32 s0, $0x1  }
0xd8: {  	v11 =	vld @!p1 [tilespmem:s26+$0xFFFFFFE0];
	s28 =	spop (v2sf)  }
0xd9: {  	s3 =	simm.s32 $0x0;
	p2 =	por @!p1 $0x1, $0x1;
	s28 =	sxor.u32 $0x80000000, s28  }
0xda: {  	v12 =	vld [tilespmem:s26+$0xFFFFFFF0];
	s30 =	sadd.s32 $0x0, s0;
	p2 =	por !p2, p1;
	p3 =	slt.s32 s28, $0x1  }
0xdb: {  	v13 =	vld [tilespmem:s26+$0x0];
	s3 =	simm.s32 @p2 $0x70;
	p2 =	slt.s32 @!p3 s30, $0x70  }
0xdc: {  	v8 =	vld [tilespmem:s26+$0x10];
	[tilespmem:s3+$0x1E000] =	vst.msk @!p1 vm2, v7;
	p2 =	por !p2, p3  }
0xdd: {  	s29 =	spop (v2sf);
	s31 =	sadd.s32 s30, s28;
	[tilespmem:s3+$0x1E080] =	vst.msk @!p1 vm2, v11;
	s30 =	simm.s32 @p2 $0x70  }
0xde: {  	s29 =	sxor.u32 $0x80000000, s29;
	s28 =	sadd.s32 $0xFFFFFFFF, s23;
	[tilespmem:s30+$0x1E000] =	vst.msk @!p3 vm4, v10  }
0xdf: {  	p4 =	slt.s32 s29, $0x1;
	s15 =	spop (v2sf);
	[tilespmem:s30+$0x1E080] =	vst.msk @!p3 vm4, v12;
	p3 =	sne.s32 s28, $0x0  }
.Ltmp11:
0xe0: {  	s15 =	sxor.u32 $0x80000000, s15;
	p1 =	slt.s32 @!p4 s31, $0x70;
	(pc) =	sbr.rel @!p3 .LBB2_22-.Ltmp11, $4  }
0xe1: {  	s0 =	sadd.s32 s31, s29;
	p1 =	por !p1, p4;
	p2 =	slt.s32 s15, $0x1  }
0xe2: {  	s31 =	simm.s32 @p1 $0x70;
	p1 =	slt.s32 @!p2 s0, $0x70  }
0xe3: {  	[tilespmem:s31+$0x1E000] =	vst.msk @!p4 vm3, v9;
	p1 =	por !p1, p2  }
0xe4: {  	s29 =	sadd.s32 s0, s15;
	[tilespmem:s31+$0x1E080] =	vst.msk @!p4 vm3, v13;
	s0 =	simm.s32 @p1 $0x70  }
.LBB2_21:
0xe5: {  	s28 =	sadd.s32 $0xFFFFFFFF, s28;
	[tilespmem:s0+$0x1E000] =	vst.msk @!p2 vm1, v6;
	s26 =	sadd.s32 $0x40, s26;
	s25 =	sadd.s32 $0x40, s25  }
0xe6: {  	p1 =	sne.s32 s28, $0x0;
	[tilespmem:s0+$0x1E080] =	vst.msk @!p2 vm1, v8  }
0xe7: {  	v9 =	vld [tilespmem:s25+$0xFFFFFFE0];
	_ =	sdelay $0x1  }
0xe8: {  	v7 =	vld [tilespmem:s25+$0x0]  }
0xe9: {  	v10 =	vld [tilespmem:s25+$0xFFFFFFF0];
	_ =	sdelay $0x1  }
0xea: {  	v6 =	vsub.s32 v9, v0  }
0xeb: {  	vm1 =	vge.s32 v9, v0;
	v8 =	vshra.s32 v6, $0xA;
	v6 =	vld [tilespmem:s25+$0x10]  }
0xec: {  	vm3 =	vlt.s32 v9, $0xF4200;
	vm2 =	veq.s32 v8, v5;
	v8 =	vsub.s32 v7, v0  }
0xed: {  	vm2 =	vmand vm3, vm2;
	v11 =	vsub.s32 v10, v0;
	vm3 =	vge.s32 v10, v0  }
0xee: {  	v8 =	vshra.s32 v8, $0xA;
	vm2 =	vmand vm1, vm2;
	v11 =	vshra.s32 v11, $0xA  }
0xef: {  	vm4 =	vlt.s32 v7, $0xF4200;
	v12 =	vmpcnt.ones.xlane vm2;
	vm1 =	veq.s32 v11, v5  }
0xf0: {  	vm5 =	vlt.s32 v10, $0xF4200;
	vm6 =	veq.s32 v8, v5;
	vm7 =	vlt.s32 v6, $0xF4200  }
0xf1: {  	vm1 =	vmand vm5, vm1;
	vm5 =	vmand vm4, vm6;
	v8 =	vxor.u32 $0x80000000, v12  }
0xf2: {  	v11 =	vsub.s32 v6, v0;
	vm4 =	vmand vm3, vm1;
	vm1 =	vge.s32 v7, v0;
	(xrf0) =	vmax.scan.msk.u32 $0xffff, v8  }
0xf3: {  	v11 =	vshra.s32 v11, $0xA;
	v8 =	vmpcnt.ones.xlane vm4;
	vm3 =	vmand vm1, vm5  }
0xf4: {  	vm1 =	veq.s32 v11, v5;
	v12 =	vmpcnt.ones.xlane vm3  }
0xf5: {  	vm5 =	vge.s32 v6, v0;
	vm1 =	vmand vm7, vm1;
	v8 =	vxor.u32 $0x80000000, v8  }
0xf6: {  	vm1 =	vmand vm5, vm1;
	v12 =	vxor.u32 $0x80000000, v12;
	(xrf0) =	vmax.scan.msk.u32 $0xffff, v8  }
0xf7: {  	v8 =	vmpcnt.ones.xlane vm1;
	(xrf0) =	vmax.scan.msk.u32 $0xffff, v12  }
0xf8: {  	v11, _, _ =	vpop (xrf0)  }
0xf9: {  	v8 =	vxor.u32 $0x80000000, v8;
	(v2sf) =	vpush v11, $0xF  }
0xfa: {  	(xrf0) =	vmax.scan.msk.u32 $0xffff, v8;
	_ =	sdelay $0x1  }
0xfb: {  	v8, _, _ =	vpop (xrf0)  }
0xfc: {  	(v2sf) =	vpush v8, $0xF;
	v8, _, _ =	vpop (xrf0)  }
0xfd: {  	(v2sf) =	vpush v8, $0xF;
	_ =	sdelay $0x1  }
0xfe: {  	v8, _, _ =	vpop (xrf0)  }
0xff: {  	(v2sf) =	vpush v8, $0xF;
	_ =	sdelay $0x6  }
0x100: {  	s0 =	spop (v2sf)  }
0x101: {  	s0 =	sxor.u32 $0x80000000, s0  }
0x102: {  	p2 =	slt.s32 s0, $0x1  }
0x103: {  	p3 =	slt.s32 @!p2 s29, $0x70  }
0x104: {  	v11 =	vld @!p2 [tilespmem:s26+$0xFFFFFFE0];
	p4 =	por !p3, p2;
	s3 =	spop (v2sf)  }
0x105: {  	s3 =	sxor.u32 $0x80000000, s3;
	v8 =	vld [tilespmem:s26+$0x10];
	s15 =	spop (v2sf)  }
0x106: {  	s30 =	sadd.s32 s29, s0;
	v12 =	vld [tilespmem:s26+$0xFFFFFFF0];
	s15 =	sxor.u32 $0x80000000, s15;
	p3 =	slt.s32 s3, $0x1  }
0x107: {  	s29 =	simm.s32 @p4 $0x70;
	s3 =	sadd.s32 s30, s3;
	v13 =	vld [tilespmem:s26+$0x0];
	p4 =	slt.s32 @!p3 s30, $0x70  }
0x108: {  	s0 =	spop (v2sf)  }
0x109: {  	[tilespmem:s29+$0x1E000] =	vst.msk @!p2 vm2, v9;
	p5 =	por !p4, p3;
	p4 =	slt.s32 s15, $0x1;
	s31 =	sxor.u32 $0x80000000, s0  }
.Ltmp12:
0x10a: {  	[tilespmem:s29+$0x1E080] =	vst.msk @!p2 vm2, v11;
	s30 =	simm.s32 @p5 $0x70;
	p2 =	slt.s32 @!p4 s3, $0x70;
	(pc) =	sbr.rel @p1 .LBB2_21-.Ltmp12, $4  }
0x10b: {  	s0 =	sadd.s32 s3, s15;
	[tilespmem:s30+$0x1E000] =	vst.msk @!p3 vm4, v10;
	p5 =	por !p2, p4;
	p2 =	slt.s32 s31, $0x1  }
0x10c: {  	s29 =	sadd.s32 s0, s31;
	[tilespmem:s30+$0x1E080] =	vst.msk @!p3 vm4, v12;
	s3 =	simm.s32 @p5 $0x70;
	p3 =	slt.s32 @!p2 s0, $0x70  }
0x10d: {  	[tilespmem:s3+$0x1E000] =	vst.msk @!p4 vm3, v7;
	p3 =	por !p3, p2  }
0x10e: {  	[tilespmem:s3+$0x1E080] =	vst.msk @!p4 vm3, v13;
	s0 =	simm.s32 @p3 $0x70  }
.LBB2_22:
.Ltmp13:
0x10f: {  	(pc) =	sbr.rel .LBB2_23-.Ltmp13, $3  }
0x110: {  	_ =	sdelay $0x1  }
0x111: {  	[tilespmem:s0+$0x1E000] =	vst.msk @!p2 vm1, v6  }
0x112: {  	[tilespmem:s0+$0x1E080] =	vst.msk @!p2 vm1, v8;
	s0 =	sadd.s32 $0xF, s29  }
.LBB2_10:
0x113: {  	s0 =	simm.s32 $0xF  }
.LBB2_23:
0x114: {  	s3 =	sand.u32 $0xF, s0;
	s15 =	sshra.s32 s0, $0x1F;
	p1 =	slt.s32 s0, $0x1  }
0x115: {  	s28 =	sand.u32 $0x1, s24;
	p2 =	sne.s32 s3, $0x0;
	s30 =	sshrl.u32 s15, $0x1C  }
0x116: {  	s3 =	simm.s32 $0x1;
	p1 =	por !p1, !p2;
	p2 =	seq.s32 s28, $0x1  }
.Ltmp14:
0x117: {  	s31 =	sadd.s32 s30, s0;
	p1 =	por !p1, !p1;
	(pc) =	sbr.rel @p2 .LBB2_34-.Ltmp14, $4  }
0x118: {  	s0 =	sshra.s32 s31, $0x4;
	s3 =	simm.s32 @!p1 $0x0  }
0x119: {  	s0 =	ssub.s32 s0, s3  }
0x11a: {  	p1 =	slt.s32 s0, $0x8;
	s25 =	smov.u32 s0  }
0x11b: {  	s25 =	simm.s32 @!p1 $0x8  }
0x11c: {  	p3 =	slt.s32 s0, $0x1  }
.Ltmp15:
0x11d: {  	_ = 	snop;
	(pc) =	sbr.rel @p3 .LBB2_33-.Ltmp15, $4  }
0x11e: {  	_ = 	snop  }
0x11f: {  	_ =	swait.ge [sflag:s21], $0x8000  }
0x120: {  	[sflag:s21] =	ssyncset.done $0x0  }
0x121: {  	[sflag:s21] =	ssyncadd.s32 $0xFFFF8000  }
0x122: {  	s3 =	sshll.u32 s24, $0xA  }
0x123: {  	s3 =	sadd.s32 s6, s3  }
0x124: {  	s3 =	smin.u32 s3, $0xF3E00  }
0x125: {  	s30 =	simm.s32 $0x1E000;
	s31 =	simm.s32 $0x0;
	s26 =	smov.u32 s25;
	v5 =	vmov s3  }
.LBB2_26:
0x126: {  	v6 =	vld [tilespmem:s30+$0x0];
	_ =	sdelay $0x4  }
0x127: {  	v6 =	vsub.s32 v6, v5  }
0x128: {  	vm1 =	vgt.s32 v6, $0x0  }
0x129: {  	v6 =	vnsel vm1, $0x0, v6  }
0x12a: {  	v6 =	vmin.u32 v6, $0x3FF  }
0x12b: {  	v7 =	vshll.u32 v6, $0x3  }
0x12c: {  	v8 =	vand.u32 $0x7F, v6;
	v7 =	vand.u32 $0x1C00, v7  }
0x12d: {  	v8 =	vor.u32 v8, v7;
	_ =	sdelay $0x2  }
0x12e: {  	v9 =	vmov s31  }
0x12f: {  	v9 =	vshll.u32 v9, $0x7  }
0x130: {  	v9 =	vor.u32 v4, v9;
	v10 =	vld.idx.msk [tilespmem:v8+s13+$0x0], $0xffff  }
0x131: {  	v11 =	vor.u32 $0x80, v8;
	_ =	sdelay $0x2  }
0x132: {  	s29 =	simm.s32 $0x1A000  }
0x133: {  	[tilespmem:v9+s29+$0x0] =	vst.idx.msk $0xffff, v10  }
0x134: {  	v56 =	vor.u32 $0x1, v9;
	v10 =	vld.idx.msk [tilespmem:v11+s13+$0x0], $0xffff  }
0x135: {  	v12 =	vor.u32 $0x100, v8;
	_ =	sdelay $0x3  }
0x136: {  	[tilespmem:v56+s29+$0x0] =	vst.idx.msk $0xffff, v10  }
0x137: {  	v57 =	vor.u32 $0x2, v9;
	v10 =	vld.idx.msk [tilespmem:v12+s13+$0x0], $0xffff  }
0x138: {  	v58 =	vor.u32 $0x180, v8;
	_ =	sdelay $0x3  }
0x139: {  	[tilespmem:v57+s29+$0x0] =	vst.idx.msk $0xffff, v10  }
0x13a: {  	v59 =	vor.u32 $0x3, v9;
	v10 =	vld.idx.msk [tilespmem:v58+s13+$0x0], $0xffff  }
0x13b: {  	v60 =	vor.u32 $0x200, v8;
	_ =	sdelay $0x3  }
0x13c: {  	[tilespmem:v59+s29+$0x0] =	vst.idx.msk $0xffff, v10  }
0x13d: {  	v61 =	vor.u32 $0x4, v9;
	v10 =	vld.idx.msk [tilespmem:v60+s13+$0x0], $0xffff  }
0x13e: {  	v62 =	vor.u32 $0x280, v8;
	_ =	sdelay $0x3  }
0x13f: {  	[tilespmem:v61+s29+$0x0] =	vst.idx.msk $0xffff, v10  }
0x140: {  	v63 =	vor.u32 $0x5, v9;
	v10 =	vld.idx.msk [tilespmem:v62+s13+$0x0], $0xffff  }
0x141: {  	v16 =	vor.u32 $0x300, v8;
	_ =	sdelay $0x3  }
0x142: {  	[tilespmem:v63+s29+$0x0] =	vst.idx.msk $0xffff, v10  }
0x143: {  	v17 =	vor.u32 $0x6, v9;
	v6 =	vor.u32 v6, v7;
	v10 =	vld.idx.msk [tilespmem:v16+s13+$0x0], $0xffff  }
0x144: {  	v7 =	vor.u32 $0x380, v6;
	_ =	sdelay $0x3  }
0x145: {  	[tilespmem:v17+s29+$0x0] =	vst.idx.msk $0xffff, v10  }
0x146: {  	v18 =	vor.u32 $0x7, v9;
	v7 =	vld.idx.msk [tilespmem:v7+s13+$0x0], $0xffff  }
0x147: {  	v19 =	vor.u32 $0x2000, v8;
	_ =	sdelay $0x3  }
0x148: {  	[tilespmem:v18+s29+$0x0] =	vst.idx.msk $0xffff, v7  }
0x149: {  	v20 =	vor.u32 $0x8, v9;
	v7 =	vld.idx.msk [tilespmem:v19+s13+$0x0], $0xffff  }
0x14a: {  	v21 =	vor.u32 $0x2080, v8;
	_ =	sdelay $0x3  }
0x14b: {  	[tilespmem:v20+s29+$0x0] =	vst.idx.msk $0xffff, v7  }
0x14c: {  	v22 =	vor.u32 $0x9, v9;
	v7 =	vld.idx.msk [tilespmem:v21+s13+$0x0], $0xffff  }
0x14d: {  	v23 =	vor.u32 $0x2100, v8;
	_ =	sdelay $0x3  }
0x14e: {  	[tilespmem:v22+s29+$0x0] =	vst.idx.msk $0xffff, v7  }
0x14f: {  	v24 =	vor.u32 $0xA, v9;
	v7 =	vld.idx.msk [tilespmem:v23+s13+$0x0], $0xffff  }
0x150: {  	v25 =	vor.u32 $0x2180, v8;
	_ =	sdelay $0x3  }
0x151: {  	[tilespmem:v24+s29+$0x0] =	vst.idx.msk $0xffff, v7  }
0x152: {  	v26 =	vor.u32 $0xB, v9;
	v7 =	vld.idx.msk [tilespmem:v25+s13+$0x0], $0xffff  }
0x153: {  	v27 =	vor.u32 $0x2200, v8;
	_ =	sdelay $0x3  }
0x154: {  	[tilespmem:v26+s29+$0x0] =	vst.idx.msk $0xffff, v7  }
0x155: {  	v28 =	vor.u32 $0xC, v9;
	v7 =	vld.idx.msk [tilespmem:v27+s13+$0x0], $0xffff  }
0x156: {  	v29 =	vor.u32 $0x2280, v8;
	_ =	sdelay $0x3  }
0x157: {  	[tilespmem:v28+s29+$0x0] =	vst.idx.msk $0xffff, v7  }
0x158: {  	v30 =	vor.u32 $0xD, v9;
	v7 =	vld.idx.msk [tilespmem:v29+s13+$0x0], $0xffff  }
0x159: {  	v31 =	vor.u32 $0x2300, v8;
	_ =	sdelay $0x3  }
0x15a: {  	[tilespmem:v30+s29+$0x0] =	vst.idx.msk $0xffff, v7  }
0x15b: {  	v32 =	vor.u32 $0xE, v9;
	v7 =	vld.idx.msk [tilespmem:v31+s13+$0x0], $0xffff  }
0x15c: {  	v33 =	vor.u32 $0x2380, v6;
	_ =	sdelay $0x3  }
0x15d: {  	[tilespmem:v32+s29+$0x0] =	vst.idx.msk $0xffff, v7  }
0x15e: {  	v34 =	vor.u32 $0xF, v9;
	v7 =	vld.idx.msk [tilespmem:v33+s13+$0x0], $0xffff  }
0x15f: {  	v35 =	vor.u32 $0x4000, v8;
	_ =	sdelay $0x3  }
0x160: {  	[tilespmem:v34+s29+$0x0] =	vst.idx.msk $0xffff, v7  }
0x161: {  	v36 =	vor.u32 $0x10, v9;
	v7 =	vld.idx.msk [tilespmem:v35+s13+$0x0], $0xffff  }
0x162: {  	v37 =	vor.u32 $0x4080, v8;
	_ =	sdelay $0x3  }
0x163: {  	[tilespmem:v36+s29+$0x0] =	vst.idx.msk $0xffff, v7  }
0x164: {  	v38 =	vor.u32 $0x11, v9;
	v7 =	vld.idx.msk [tilespmem:v37+s13+$0x0], $0xffff  }
0x165: {  	v39 =	vor.u32 $0x4100, v8;
	_ =	sdelay $0x3  }
0x166: {  	[tilespmem:v38+s29+$0x0] =	vst.idx.msk $0xffff, v7  }
0x167: {  	v40 =	vor.u32 $0x12, v9;
	v7 =	vld.idx.msk [tilespmem:v39+s13+$0x0], $0xffff  }
0x168: {  	v41 =	vor.u32 $0x4180, v8;
	_ =	sdelay $0x3  }
0x169: {  	[tilespmem:v40+s29+$0x0] =	vst.idx.msk $0xffff, v7  }
0x16a: {  	v42 =	vor.u32 $0x13, v9;
	v7 =	vld.idx.msk [tilespmem:v41+s13+$0x0], $0xffff  }
0x16b: {  	v43 =	vor.u32 $0x4200, v8;
	_ =	sdelay $0x3  }
0x16c: {  	[tilespmem:v42+s29+$0x0] =	vst.idx.msk $0xffff, v7  }
0x16d: {  	v44 =	vor.u32 $0x14, v9;
	v7 =	vld.idx.msk [tilespmem:v43+s13+$0x0], $0xffff  }
0x16e: {  	v45 =	vor.u32 $0x4280, v8;
	_ =	sdelay $0x3  }
0x16f: {  	[tilespmem:v44+s29+$0x0] =	vst.idx.msk $0xffff, v7  }
0x170: {  	v46 =	vor.u32 $0x15, v9;
	v7 =	vld.idx.msk [tilespmem:v45+s13+$0x0], $0xffff  }
0x171: {  	v47 =	vor.u32 $0x4300, v8;
	_ =	sdelay $0x3  }
0x172: {  	[tilespmem:v46+s29+$0x0] =	vst.idx.msk $0xffff, v7  }
0x173: {  	v48 =	vor.u32 $0x16, v9;
	v7 =	vld.idx.msk [tilespmem:v47+s13+$0x0], $0xffff  }
0x174: {  	v49 =	vor.u32 $0x4380, v6;
	_ =	sdelay $0x3  }
0x175: {  	[tilespmem:v48+s29+$0x0] =	vst.idx.msk $0xffff, v7  }
0x176: {  	v50 =	vor.u32 $0x17, v9;
	v7 =	vld.idx.msk [tilespmem:v49+s13+$0x0], $0xffff  }
0x177: {  	v51 =	vor.u32 $0x6000, v8;
	_ =	sdelay $0x3  }
0x178: {  	[tilespmem:v50+s29+$0x0] =	vst.idx.msk $0xffff, v7  }
0x179: {  	v52 =	vor.u32 $0x18, v9;
	v7 =	vld.idx.msk [tilespmem:v51+s13+$0x0], $0xffff  }
0x17a: {  	v53 =	vor.u32 $0x6080, v8;
	_ =	sdelay $0x3  }
0x17b: {  	[tilespmem:v52+s29+$0x0] =	vst.idx.msk $0xffff, v7  }
0x17c: {  	v54 =	vor.u32 $0x19, v9;
	v7 =	vld.idx.msk [tilespmem:v53+s13+$0x0], $0xffff  }
0x17d: {  	v55 =	vor.u32 $0x6100, v8;
	_ =	sdelay $0x3  }
0x17e: {  	[tilespmem:v54+s29+$0x0] =	vst.idx.msk $0xffff, v7  }
0x17f: {  	v56 =	vor.u32 $0x1A, v9;
	v7 =	vld.idx.msk [tilespmem:v55+s13+$0x0], $0xffff  }
0x180: {  	v57 =	vor.u32 $0x6180, v8;
	_ =	sdelay $0x3  }
0x181: {  	[tilespmem:v56+s29+$0x0] =	vst.idx.msk $0xffff, v7  }
0x182: {  	v58 =	vor.u32 $0x1B, v9;
	v7 =	vld.idx.msk [tilespmem:v57+s13+$0x0], $0xffff  }
0x183: {  	v59 =	vor.u32 $0x6200, v8;
	_ =	sdelay $0x3  }
0x184: {  	[tilespmem:v58+s29+$0x0] =	vst.idx.msk $0xffff, v7  }
0x185: {  	v60 =	vor.u32 $0x1C, v9;
	v7 =	vld.idx.msk [tilespmem:v59+s13+$0x0], $0xffff  }
0x186: {  	v61 =	vor.u32 $0x6280, v8;
	_ =	sdelay $0x3  }
0x187: {  	[tilespmem:v60+s29+$0x0] =	vst.idx.msk $0xffff, v7  }
0x188: {  	v62 =	vor.u32 $0x1D, v9;
	v7 =	vld.idx.msk [tilespmem:v61+s13+$0x0], $0xffff  }
0x189: {  	v8 =	vor.u32 $0x6300, v8;
	_ =	sdelay $0x3  }
0x18a: {  	[tilespmem:v62+s29+$0x0] =	vst.idx.msk $0xffff, v7  }
0x18b: {  	v63 =	vor.u32 $0x1E, v9;
	v7 =	vld.idx.msk [tilespmem:v8+s13+$0x0], $0xffff  }
0x18c: {  	v6 =	vor.u32 $0x6380, v6;
	_ =	sdelay $0x3  }
0x18d: {  	[tilespmem:v63+s29+$0x0] =	vst.idx.msk $0xffff, v7  }
0x18e: {  	p3 =	sne.s32 s26, $0x1;
	v7 =	vor.u32 $0x1F, v9;
	v6 =	vld.idx.msk [tilespmem:v6+s13+$0x0], $0xffff  }
.Ltmp16:
0x18f: {  	_ = 	snop;
	(pc) =	sbr.rel @p3 .LBB2_26-.Ltmp16, $2  }
0x190: {  	_ =	sdelay $0x2  }
0x191: {  	s30 =	sadd.s32 $0x10, s30;
	s31 =	sadd.s32 $0x10, s31;
	s26 =	sadd.s32 $0xFFFFFFFF, s26;
	[tilespmem:v7+s29+$0x0] =	vst.idx.msk $0xffff, v6  }
0x192: {  	p4 =	sne.s32 s25, $0x1  }
.Ltmp17:
0x193: {  	_ = 	snop;
	(pc) =	sbr.rel @!p4 .LBB2_28-.Ltmp17, $3  }
0x194: {  	_ =	sdelay $0x1  }
0x195: {  	s3 =	simm.s32 $0x1E080  }
0x196: {  	s26 =	sadd.s32 $0xFFFFFFFF, s25;
	p3 =	por $0x0, $0x0;
	v5 =	vld [tilespmem:s3+$0x0]  }
0x197: {  	_ =	sdelay $0x3  }
0x198: {  	p4 =	sne.s32 s26, $0x1  }
.Ltmp18:
0x199: {  	_ = 	snop;
	(pc) =	sbr.rel @!p4 .LBB2_30-.Ltmp18, $4  }
0x19a: {  	_ = 	snop  }
0x19b: {  	s30 =	simm.s32 $0x1E090  }
0x19c: {  	[hbm4b:s5+s2] =	stream.indirect_vreg.scatter [tilespmem:s29], [sflag:$0x5], $0x80, v5, vm0, $0xb8;
	[tilespmem:$0x1E100] =	vst v63  }
0x19d: {  	s31 =	sadd.s32 $0xFFFFFFFF, s26;
	p3 =	por $0x1, $0x1;
	s26 =	simm.s32 $0x1A000;
	v5 =	vld [tilespmem:s30+$0x0]  }
.LBB2_31:
0x19e: {  	p4 =	sne.s32 s31, $0x1;
	_ =	sdelay $0x3  }
.Ltmp19:
0x19f: {  	(pc) =	sbr.rel @p4 .LBB2_31-.Ltmp19, $4  }
0x1a0: {  	_ = 	snop  }
0x1a1: {  	s30 =	sadd.s32 $0x10, s30;
	s26 =	sadd.s32 $0x800, s26  }
0x1a2: {  	[hbm4b:s5+s2] =	stream.indirect_vreg.scatter [tilespmem:s26], [sflag:$0x5], $0x80, v5, vm0, $0xb8;
	[tilespmem:$0x1E100] =	vst v63  }
0x1a3: {  	s31 =	sadd.s32 $0xFFFFFFFF, s31;
	v5 =	vld [tilespmem:s30+$0x0]  }
.LBB2_32:
0x1a4: {  	_ =	sdelay $0x5  }
0x1a5: {  	s3 =	sadd.s32 @p3 $0x800, s26  }
0x1a6: {  	s29 =	smov.u32 @p3 s3  }
0x1a7: {  	[hbm4b:s5+s2] =	stream.indirect_vreg.scatter [tilespmem:s29], [sflag:$0x5], $0x80, v5, vm0, $0xb8;
	[tilespmem:$0x1E100] =	vst v63  }
.LBB2_33:
0x1a8: {  	p3 =	seq.s32 s28, $0x0  }
.Ltmp20:
0x1a9: {  	_ = 	snop;
	(pc) =	sbr.rel @p3 .LBB2_43-.Ltmp20, $1  }
0x1aa: {  	_ =	sdelay $0x3  }
.LBB2_34:
0x1ab: {  	p3 =	slt.s32 s0, $0x1  }
.Ltmp21:
0x1ac: {  	_ = 	snop;
	(pc) =	sbr.rel @p3 .LBB2_43-.Ltmp21, $4  }
0x1ad: {  	_ = 	snop  }
0x1ae: {  	_ =	swait.ge [sflag:s19], $0x8000  }
0x1af: {  	[sflag:s19] =	ssyncset.done $0x0  }
0x1b0: {  	[sflag:s19] =	ssyncadd.s32 $0xFFFF8000  }
0x1b1: {  	s3 =	sshll.u32 s24, $0xA  }
0x1b2: {  	s3 =	sadd.s32 s6, s3  }
0x1b3: {  	s3 =	smin.u32 s3, $0xF3E00  }
0x1b4: {  	s30 =	simm.s32 $0x1E000;
	s31 =	simm.s32 $0x0;
	s26 =	smov.u32 s25;
	v5 =	vmov s3  }
.LBB2_36:
0x1b5: {  	v6 =	vld [tilespmem:s30+$0x0];
	_ =	sdelay $0x4  }
0x1b6: {  	v6 =	vsub.s32 v6, v5  }
0x1b7: {  	vm1 =	vgt.s32 v6, $0x0  }
0x1b8: {  	v6 =	vnsel vm1, $0x0, v6  }
0x1b9: {  	v6 =	vmin.u32 v6, $0x3FF  }
0x1ba: {  	v7 =	vshll.u32 v6, $0x3  }
0x1bb: {  	v8 =	vand.u32 $0x7F, v6;
	v7 =	vand.u32 $0x1C00, v7  }
0x1bc: {  	v8 =	vor.u32 v8, v7;
	_ =	sdelay $0x2  }
0x1bd: {  	v9 =	vmov s31  }
0x1be: {  	v9 =	vshll.u32 v9, $0x7  }
0x1bf: {  	v9 =	vor.u32 v4, v9;
	v10 =	vld.idx.msk [tilespmem:v8+s14+$0x0], $0xffff  }
0x1c0: {  	v11 =	vor.u32 $0x80, v8;
	_ =	sdelay $0x2  }
0x1c1: {  	s29 =	simm.s32 $0x1A000  }
0x1c2: {  	[tilespmem:v9+s29+$0x0] =	vst.idx.msk $0xffff, v10  }
0x1c3: {  	v56 =	vor.u32 $0x1, v9;
	v10 =	vld.idx.msk [tilespmem:v11+s14+$0x0], $0xffff  }
0x1c4: {  	v12 =	vor.u32 $0x100, v8;
	_ =	sdelay $0x3  }
0x1c5: {  	[tilespmem:v56+s29+$0x0] =	vst.idx.msk $0xffff, v10  }
0x1c6: {  	v57 =	vor.u32 $0x2, v9;
	v10 =	vld.idx.msk [tilespmem:v12+s14+$0x0], $0xffff  }
0x1c7: {  	v58 =	vor.u32 $0x180, v8;
	_ =	sdelay $0x3  }
0x1c8: {  	[tilespmem:v57+s29+$0x0] =	vst.idx.msk $0xffff, v10  }
0x1c9: {  	v59 =	vor.u32 $0x3, v9;
	v10 =	vld.idx.msk [tilespmem:v58+s14+$0x0], $0xffff  }
0x1ca: {  	v60 =	vor.u32 $0x200, v8;
	_ =	sdelay $0x3  }
0x1cb: {  	[tilespmem:v59+s29+$0x0] =	vst.idx.msk $0xffff, v10  }
0x1cc: {  	v61 =	vor.u32 $0x4, v9;
	v10 =	vld.idx.msk [tilespmem:v60+s14+$0x0], $0xffff  }
0x1cd: {  	v62 =	vor.u32 $0x280, v8;
	_ =	sdelay $0x3  }
0x1ce: {  	[tilespmem:v61+s29+$0x0] =	vst.idx.msk $0xffff, v10  }
0x1cf: {  	v63 =	vor.u32 $0x5, v9;
	v10 =	vld.idx.msk [tilespmem:v62+s14+$0x0], $0xffff  }
0x1d0: {  	v16 =	vor.u32 $0x300, v8;
	_ =	sdelay $0x3  }
0x1d1: {  	[tilespmem:v63+s29+$0x0] =	vst.idx.msk $0xffff, v10  }
0x1d2: {  	v17 =	vor.u32 $0x6, v9;
	v6 =	vor.u32 v6, v7;
	v10 =	vld.idx.msk [tilespmem:v16+s14+$0x0], $0xffff  }
0x1d3: {  	v7 =	vor.u32 $0x380, v6;
	_ =	sdelay $0x3  }
0x1d4: {  	[tilespmem:v17+s29+$0x0] =	vst.idx.msk $0xffff, v10  }
0x1d5: {  	v18 =	vor.u32 $0x7, v9;
	v7 =	vld.idx.msk [tilespmem:v7+s14+$0x0], $0xffff  }
0x1d6: {  	v19 =	vor.u32 $0x2000, v8;
	_ =	sdelay $0x3  }
0x1d7: {  	[tilespmem:v18+s29+$0x0] =	vst.idx.msk $0xffff, v7  }
0x1d8: {  	v20 =	vor.u32 $0x8, v9;
	v7 =	vld.idx.msk [tilespmem:v19+s14+$0x0], $0xffff  }
0x1d9: {  	v21 =	vor.u32 $0x2080, v8;
	_ =	sdelay $0x3  }
0x1da: {  	[tilespmem:v20+s29+$0x0] =	vst.idx.msk $0xffff, v7  }
0x1db: {  	v22 =	vor.u32 $0x9, v9;
	v7 =	vld.idx.msk [tilespmem:v21+s14+$0x0], $0xffff  }
0x1dc: {  	v23 =	vor.u32 $0x2100, v8;
	_ =	sdelay $0x3  }
0x1dd: {  	[tilespmem:v22+s29+$0x0] =	vst.idx.msk $0xffff, v7  }
0x1de: {  	v24 =	vor.u32 $0xA, v9;
	v7 =	vld.idx.msk [tilespmem:v23+s14+$0x0], $0xffff  }
0x1df: {  	v25 =	vor.u32 $0x2180, v8;
	_ =	sdelay $0x3  }
0x1e0: {  	[tilespmem:v24+s29+$0x0] =	vst.idx.msk $0xffff, v7  }
0x1e1: {  	v26 =	vor.u32 $0xB, v9;
	v7 =	vld.idx.msk [tilespmem:v25+s14+$0x0], $0xffff  }
0x1e2: {  	v27 =	vor.u32 $0x2200, v8;
	_ =	sdelay $0x3  }
0x1e3: {  	[tilespmem:v26+s29+$0x0] =	vst.idx.msk $0xffff, v7  }
0x1e4: {  	v28 =	vor.u32 $0xC, v9;
	v7 =	vld.idx.msk [tilespmem:v27+s14+$0x0], $0xffff  }
0x1e5: {  	v29 =	vor.u32 $0x2280, v8;
	_ =	sdelay $0x3  }
0x1e6: {  	[tilespmem:v28+s29+$0x0] =	vst.idx.msk $0xffff, v7  }
0x1e7: {  	v30 =	vor.u32 $0xD, v9;
	v7 =	vld.idx.msk [tilespmem:v29+s14+$0x0], $0xffff  }
0x1e8: {  	v31 =	vor.u32 $0x2300, v8;
	_ =	sdelay $0x3  }
0x1e9: {  	[tilespmem:v30+s29+$0x0] =	vst.idx.msk $0xffff, v7  }
0x1ea: {  	v32 =	vor.u32 $0xE, v9;
	v7 =	vld.idx.msk [tilespmem:v31+s14+$0x0], $0xffff  }
0x1eb: {  	v33 =	vor.u32 $0x2380, v6;
	_ =	sdelay $0x3  }
0x1ec: {  	[tilespmem:v32+s29+$0x0] =	vst.idx.msk $0xffff, v7  }
0x1ed: {  	v34 =	vor.u32 $0xF, v9;
	v7 =	vld.idx.msk [tilespmem:v33+s14+$0x0], $0xffff  }
0x1ee: {  	v35 =	vor.u32 $0x4000, v8;
	_ =	sdelay $0x3  }
0x1ef: {  	[tilespmem:v34+s29+$0x0] =	vst.idx.msk $0xffff, v7  }
0x1f0: {  	v36 =	vor.u32 $0x10, v9;
	v7 =	vld.idx.msk [tilespmem:v35+s14+$0x0], $0xffff  }
0x1f1: {  	v37 =	vor.u32 $0x4080, v8;
	_ =	sdelay $0x3  }
0x1f2: {  	[tilespmem:v36+s29+$0x0] =	vst.idx.msk $0xffff, v7  }
0x1f3: {  	v38 =	vor.u32 $0x11, v9;
	v7 =	vld.idx.msk [tilespmem:v37+s14+$0x0], $0xffff  }
0x1f4: {  	v39 =	vor.u32 $0x4100, v8;
	_ =	sdelay $0x3  }
0x1f5: {  	[tilespmem:v38+s29+$0x0] =	vst.idx.msk $0xffff, v7  }
0x1f6: {  	v40 =	vor.u32 $0x12, v9;
	v7 =	vld.idx.msk [tilespmem:v39+s14+$0x0], $0xffff  }
0x1f7: {  	v41 =	vor.u32 $0x4180, v8;
	_ =	sdelay $0x3  }
0x1f8: {  	[tilespmem:v40+s29+$0x0] =	vst.idx.msk $0xffff, v7  }
0x1f9: {  	v42 =	vor.u32 $0x13, v9;
	v7 =	vld.idx.msk [tilespmem:v41+s14+$0x0], $0xffff  }
0x1fa: {  	v43 =	vor.u32 $0x4200, v8;
	_ =	sdelay $0x3  }
0x1fb: {  	[tilespmem:v42+s29+$0x0] =	vst.idx.msk $0xffff, v7  }
0x1fc: {  	v44 =	vor.u32 $0x14, v9;
	v7 =	vld.idx.msk [tilespmem:v43+s14+$0x0], $0xffff  }
0x1fd: {  	v45 =	vor.u32 $0x4280, v8;
	_ =	sdelay $0x3  }
0x1fe: {  	[tilespmem:v44+s29+$0x0] =	vst.idx.msk $0xffff, v7  }
0x1ff: {  	v46 =	vor.u32 $0x15, v9;
	v7 =	vld.idx.msk [tilespmem:v45+s14+$0x0], $0xffff  }
0x200: {  	v47 =	vor.u32 $0x4300, v8;
	_ =	sdelay $0x3  }
0x201: {  	[tilespmem:v46+s29+$0x0] =	vst.idx.msk $0xffff, v7  }
0x202: {  	v48 =	vor.u32 $0x16, v9;
	v7 =	vld.idx.msk [tilespmem:v47+s14+$0x0], $0xffff  }
0x203: {  	v49 =	vor.u32 $0x4380, v6;
	_ =	sdelay $0x3  }
0x204: {  	[tilespmem:v48+s29+$0x0] =	vst.idx.msk $0xffff, v7  }
0x205: {  	v50 =	vor.u32 $0x17, v9;
	v7 =	vld.idx.msk [tilespmem:v49+s14+$0x0], $0xffff  }
0x206: {  	v51 =	vor.u32 $0x6000, v8;
	_ =	sdelay $0x3  }
0x207: {  	[tilespmem:v50+s29+$0x0] =	vst.idx.msk $0xffff, v7  }
0x208: {  	v52 =	vor.u32 $0x18, v9;
	v7 =	vld.idx.msk [tilespmem:v51+s14+$0x0], $0xffff  }
0x209: {  	v53 =	vor.u32 $0x6080, v8;
	_ =	sdelay $0x3  }
0x20a: {  	[tilespmem:v52+s29+$0x0] =	vst.idx.msk $0xffff, v7  }
0x20b: {  	v54 =	vor.u32 $0x19, v9;
	v7 =	vld.idx.msk [tilespmem:v53+s14+$0x0], $0xffff  }
0x20c: {  	v55 =	vor.u32 $0x6100, v8;
	_ =	sdelay $0x3  }
0x20d: {  	[tilespmem:v54+s29+$0x0] =	vst.idx.msk $0xffff, v7  }
0x20e: {  	v56 =	vor.u32 $0x1A, v9;
	v7 =	vld.idx.msk [tilespmem:v55+s14+$0x0], $0xffff  }
0x20f: {  	v57 =	vor.u32 $0x6180, v8;
	_ =	sdelay $0x3  }
0x210: {  	[tilespmem:v56+s29+$0x0] =	vst.idx.msk $0xffff, v7  }
0x211: {  	v58 =	vor.u32 $0x1B, v9;
	v7 =	vld.idx.msk [tilespmem:v57+s14+$0x0], $0xffff  }
0x212: {  	v59 =	vor.u32 $0x6200, v8;
	_ =	sdelay $0x3  }
0x213: {  	[tilespmem:v58+s29+$0x0] =	vst.idx.msk $0xffff, v7  }
0x214: {  	v60 =	vor.u32 $0x1C, v9;
	v7 =	vld.idx.msk [tilespmem:v59+s14+$0x0], $0xffff  }
0x215: {  	v61 =	vor.u32 $0x6280, v8;
	_ =	sdelay $0x3  }
0x216: {  	[tilespmem:v60+s29+$0x0] =	vst.idx.msk $0xffff, v7  }
0x217: {  	v62 =	vor.u32 $0x1D, v9;
	v7 =	vld.idx.msk [tilespmem:v61+s14+$0x0], $0xffff  }
0x218: {  	v8 =	vor.u32 $0x6300, v8;
	_ =	sdelay $0x3  }
0x219: {  	[tilespmem:v62+s29+$0x0] =	vst.idx.msk $0xffff, v7  }
0x21a: {  	v63 =	vor.u32 $0x1E, v9;
	v7 =	vld.idx.msk [tilespmem:v8+s14+$0x0], $0xffff  }
0x21b: {  	v6 =	vor.u32 $0x6380, v6;
	_ =	sdelay $0x3  }
0x21c: {  	[tilespmem:v63+s29+$0x0] =	vst.idx.msk $0xffff, v7  }
0x21d: {  	p3 =	sne.s32 s26, $0x1;
	v7 =	vor.u32 $0x1F, v9;
	v6 =	vld.idx.msk [tilespmem:v6+s14+$0x0], $0xffff  }
.Ltmp22:
0x21e: {  	_ = 	snop;
	(pc) =	sbr.rel @p3 .LBB2_36-.Ltmp22, $2  }
0x21f: {  	_ =	sdelay $0x2  }
0x220: {  	s30 =	sadd.s32 $0x10, s30;
	s31 =	sadd.s32 $0x10, s31;
	s26 =	sadd.s32 $0xFFFFFFFF, s26;
	[tilespmem:v7+s29+$0x0] =	vst.idx.msk $0xffff, v6  }
0x221: {  	p4 =	sne.s32 s25, $0x1  }
.Ltmp23:
0x222: {  	s3 =	simm.s32 $0x1E080;
	(pc) =	sbr.rel @!p4 .LBB2_38-.Ltmp23, $2  }
0x223: {  	v5 =	vld [tilespmem:s3+$0x0];
	_ =	sdelay $0x2  }
0x224: {  	s26 =	sadd.s32 $0xFFFFFFFF, s25;
	p3 =	por $0x0, $0x0  }
0x225: {  	_ =	sdelay $0x3  }
0x226: {  	p4 =	sne.s32 s26, $0x1  }
0x227: {  	[hbm4b:s5+s2] =	stream.indirect_vreg.scatter [tilespmem:s29], [sflag:$0x5], $0x80, v5, vm0, $0xb8;
	[tilespmem:$0x1E100] =	vst v63  }
.Ltmp24:
0x228: {  	s30 =	simm.s32 $0x1E090;
	(pc) =	sbr.rel @!p4 .LBB2_40-.Ltmp24, $2  }
0x229: {  	v5 =	vld [tilespmem:s30+$0x0];
	_ =	sdelay $0x2  }
0x22a: {  	s31 =	sadd.s32 $0xFFFFFFFF, s26;
	p3 =	por $0x1, $0x1;
	s26 =	simm.s32 $0x1A000  }
.LBB2_41:
0x22b: {  	p4 =	sne.s32 s31, $0x1;
	_ =	sdelay $0x3  }
.Ltmp25:
0x22c: {  	(pc) =	sbr.rel @p4 .LBB2_41-.Ltmp25, $4  }
0x22d: {  	_ = 	snop  }
0x22e: {  	s30 =	sadd.s32 $0x10, s30;
	s26 =	sadd.s32 $0x800, s26  }
0x22f: {  	[hbm4b:s5+s2] =	stream.indirect_vreg.scatter [tilespmem:s26], [sflag:$0x5], $0x80, v5, vm0, $0xb8;
	[tilespmem:$0x1E100] =	vst v63  }
0x230: {  	s31 =	sadd.s32 $0xFFFFFFFF, s31;
	v5 =	vld [tilespmem:s30+$0x0]  }
.Ltmp26:
0x231: {  	_ = 	snop;
	(pc) =	sbr.rel .LBB2_42-.Ltmp26, $1  }
0x232: {  	_ =	sdelay $0x3  }
.LBB2_40:
.Ltmp27:
0x233: {  	(pc) =	sbr.rel .LBB2_42-.Ltmp27, $2  }
0x234: {  	_ =	sdelay $0x2  }
0x235: {  	s26 =	simm.s32 $0x1A000  }
.LBB2_28:
.Ltmp28:
0x236: {  	(pc) =	sbr.rel .LBB2_32-.Ltmp28, $2  }
0x237: {  	_ =	sdelay $0x2  }
0x238: {  	s26 =	simm.s32 $0x1A000  }
.LBB2_30:
.Ltmp29:
0x239: {  	(pc) =	sbr.rel .LBB2_32-.Ltmp29, $2  }
0x23a: {  	_ =	sdelay $0x2  }
0x23b: {  	s26 =	simm.s32 $0x1A000  }
.LBB2_11:
0x23c: {  	p0 =	slt.s32 s0, $0x1  }
.Ltmp30:
0x23d: {  	_ = 	snop;
	(pc) =	sbr.rel @p0 .LBB2_15-.Ltmp30, $1  }
0x23e: {  	_ =	sdelay $0x3  }
0x23f: {  	s0 =	simm.s32 @!p1 $0x8  }
0x240: {  	p0 =	sne.s32 s0, $0x1  }
.Ltmp31:
0x241: {  	_ = 	snop;
	(pc) =	sbr.rel @!p0 .LBB2_14-.Ltmp31, $3  }
0x242: {  	_ =	sdelay $0x1  }
0x243: {  	_ =	swait.ge [sflag:s18], $0x800  }
0x244: {  	s0 =	sadd.s32 $0xFFFFFFFF, s0;
	[sflag:s18] =	ssyncset.done $0x0  }
.LBB2_13:
0x245: {  	p0 =	sne.s32 s0, $0x1;
	s0 =	sadd.s32 $0xFFFFFFFF, s0;
	[sflag:s18] =	ssyncadd.s32 $0xFFFFF800  }
.Ltmp32:
0x246: {  	(pc) =	sbr.rel @p0 .LBB2_13-.Ltmp32, $3  }
0x247: {  	_ =	sdelay $0x1  }
0x248: {  	_ =	swait.ge [sflag:s18], $0x800  }
0x249: {  	[sflag:s18] =	ssyncset.done $0x0  }
.LBB2_14:
0x24a: {  	[sflag:s18] =	ssyncadd.s32 $0xFFFFF800  }
.LBB2_15:
0x24b: {  	_ =	swait.ge [sflag:s20], $0x1000  }
0x24c: {  	[sflag:s20] =	ssyncset.done $0x0  }
0x24d: {  	[sflag:s20] =	ssyncadd.s32 $0xFFFFF000  }
0x24e: {  	[tilespmem:$0x1E000] =	vst v0  }
0x24f: {  	[tilespmem:$0x1E080] =	vst v3  }
0x250: {  	[tilespmem:$0x1E010] =	vst v0  }
0x251: {  	[tilespmem:$0x1E090] =	vst v3  }
0x252: {  	[tilespmem:$0x1E020] =	vst v0  }
0x253: {  	[tilespmem:$0x1E0A0] =	vst v3  }
0x254: {  	[tilespmem:$0x1E030] =	vst v0  }
0x255: {  	[tilespmem:$0x1E0B0] =	vst v3  }
0x256: {  	[tilespmem:$0x1E040] =	vst v0  }
0x257: {  	[tilespmem:$0x1E0C0] =	vst v3  }
0x258: {  	p0 =	slt.s32 s23, $0x1;
	[tilespmem:$0x1E050] =	vst v0  }
.Ltmp33:
0x259: {  	[tilespmem:$0x1E0D0] =	vst v3;
	(pc) =	sbr.rel @p0 .LBB2_16-.Ltmp33, $4  }
0x25a: {  	[tilespmem:$0x1E060] =	vst v0  }
0x25b: {  	[tilespmem:$0x1E0E0] =	vst v3  }
0x25c: {  	[tilespmem:$0x1E070] =	vst v0  }
0x25d: {  	[tilespmem:$0x1E0F0] =	vst v3  }
0x25e: {  	s24 =	simm.s32 $0x8020  }
0x25f: {  	v6 =	vld [tilespmem:s24+$0xFFFFFFE0];
	_ =	sdelay $0x1  }
0x260: {  	v7 =	vld [tilespmem:s24+$0x0]  }
0x261: {  	v8 =	vld [tilespmem:s24+$0xFFFFFFF0];
	_ =	sdelay $0x1  }
0x262: {  	vm1 =	vgt.s32 v6, $0xF41FF  }
0x263: {  	v9 =	vld [tilespmem:s24+$0x10];
	v5 =	vmpcnt.ones.xlane vm1  }
0x264: {  	vm1 =	vgt.s32 v7, $0xF41FF  }
0x265: {  	v10 =	vmpcnt.ones.xlane vm1;
	vm1 =	vgt.s32 v8, $0xF41FF;
	v5 =	vxor.u32 $0x80000000, v5  }
0x266: {  	v11 =	vmpcnt.ones.xlane vm1;
	(xrf0) =	vmax.scan.msk.u32 $0xffff, v5  }
0x267: {  	v5 =	vxor.u32 $0x80000000, v10  }
0x268: {  	vm1 =	vgt.s32 v9, $0xF41FF;
	(xrf0) =	vmax.scan.msk.u32 $0xffff, v5;
	v5 =	vxor.u32 $0x80000000, v11  }
0x269: {  	(xrf0) =	vmax.scan.msk.u32 $0xffff, v5;
	v5 =	vmpcnt.ones.xlane vm1;
	_ =	sdelay $0x1  }
0x26a: {  	v5 =	vxor.u32 $0x80000000, v5  }
0x26b: {  	v63, _, _ =	vpop (xrf0)  }
0x26c: {  	(v2sf) =	vpush v63, $0xF  }
0x26d: {  	(xrf0) =	vmax.scan.msk.u32 $0xffff, v5;
	v5, _, _ =	vpop (xrf0)  }
0x26e: {  	(v2sf) =	vpush v5, $0xF;
	v5, _, _ =	vpop (xrf0)  }
0x26f: {  	(v2sf) =	vpush v5, $0xF;
	_ =	sdelay $0x5  }
0x270: {  	v5, _, _ =	vpop (xrf0)  }
0x271: {  	(v2sf) =	vpush v5, $0xF;
	_ =	sdelay $0x4  }
0x272: {  	s0 =	spop (v2sf)  }
0x273: {  	s0 =	sxor.u32 $0x80000000, s0  }
0x274: {  	s25 =	simm.s32 $0x8820;
	s3 =	spop (v2sf);
	p1 =	slt.s32 s0, $0x1  }
0x275: {  	s26 =	spop (v2sf);
	v10 =	vld @!p1 [tilespmem:s25+$0xFFFFFFE0]  }
0x276: {  	s15 =	simm.s32 $0x0;
	p0 =	por @!p1 $0x1, $0x1;
	s26 =	sxor.u32 $0x80000000, s26  }
0x277: {  	v11 =	vld [tilespmem:s25+$0xFFFFFFF0];
	s0 =	sadd.s32 $0x0, s0;
	p3 =	por !p0, p1;
	p2 =	slt.s32 s26, $0x1  }
0x278: {  	v12 =	vld [tilespmem:s25+$0x0];
	vm1 =	vgt.s32 @!p1 v6, $0xF41FF;
	s15 =	simm.s32 @p3 $0x70;
	p3 =	slt.s32 @!p2 s0, $0x70  }
0x279: {  	v5 =	vld [tilespmem:s25+$0x10];
	s3 =	sxor.u32 $0x80000000, s3;
	[tilespmem:s15+$0x1E000] =	vst.msk @!p1 vm1, v6;
	p3 =	por !p3, p2  }
0x27a: {  	p0 =	slt.s32 s3, $0x1;
	s28 =	sadd.s32 s0, s26;
	s0 =	simm.s32 @p3 $0x70;
	[tilespmem:s15+$0x1E080] =	vst.msk @!p1 vm1, v10;
	vm1 =	vgt.s32 @!p2 v8, $0xF41FF  }
0x27b: {  	p4 =	slt.s32 @!p0 s28, $0x70;
	s26 =	sadd.s32 s28, s3;
	[tilespmem:s0+$0x1E000] =	vst.msk @!p2 vm1, v8  }
0x27c: {  	s31 =	spop (v2sf);
	p3 =	por !p4, p0;
	[tilespmem:s0+$0x1E080] =	vst.msk @!p2 vm1, v11;
	s0 =	sadd.s32 $0xFFFFFFFF, s23  }
0x27d: {  	s29 =	sxor.u32 $0x80000000, s31;
	s28 =	simm.s32 @p3 $0x70;
	p3 =	sne.s32 s0, $0x0  }
.Ltmp34:
0x27e: {  	p1 =	slt.s32 s29, $0x1;
	(pc) =	sbr.rel @!p3 .LBB2_46-.Ltmp34, $4  }
0x27f: {  	vm1 =	vgt.s32 @!p0 v7, $0xF41FF;
	p2 =	slt.s32 @!p1 s26, $0x70  }
0x280: {  	[tilespmem:s28+$0x1E000] =	vst.msk @!p0 vm1, v7;
	p2 =	por !p2, p1  }
0x281: {  	s23 =	sadd.s32 s26, s29;
	[tilespmem:s28+$0x1E080] =	vst.msk @!p0 vm1, v12;
	vm1 =	vgt.s32 @!p1 v9, $0xF41FF;
	s26 =	simm.s32 @p2 $0x70  }
0x282: {  	[tilespmem:s26+$0x1E000] =	vst.msk @!p1 vm1, v9  }
.LBB2_45:
0x283: {  	s0 =	sadd.s32 $0xFFFFFFFF, s0;
	[tilespmem:s26+$0x1E080] =	vst.msk @!p1 vm1, v5;
	s25 =	sadd.s32 $0x40, s25;
	s24 =	sadd.s32 $0x40, s24  }
0x284: {  	v6 =	vld [tilespmem:s24+$0xFFFFFFE0];
	p0 =	sne.s32 s0, $0x0  }
0x285: {  	v7 =	vld [tilespmem:s24+$0x0];
	_ =	sdelay $0x1  }
0x286: {  	v8 =	vld [tilespmem:s24+$0xFFFFFFF0];
	_ =	sdelay $0x1  }
0x287: {  	vm1 =	vgt.s32 v6, $0xF41FF;
	v9 =	vld [tilespmem:s24+$0x10]  }
0x288: {  	v5 =	vmpcnt.ones.xlane vm1;
	vm1 =	vgt.s32 v7, $0xF41FF  }
0x289: {  	v10 =	vmpcnt.ones.xlane vm1  }
0x28a: {  	v5 =	vxor.u32 $0x80000000, v5;
	vm1 =	vgt.s32 v8, $0xF41FF  }
0x28b: {  	v11 =	vmpcnt.ones.xlane vm1;
	v10 =	vxor.u32 $0x80000000, v10;
	(xrf0) =	vmax.scan.msk.u32 $0xffff, v5  }
0x28c: {  	vm1 =	vgt.s32 v9, $0xF41FF;
	(xrf0) =	vmax.scan.msk.u32 $0xffff, v10  }
0x28d: {  	v5 =	vxor.u32 $0x80000000, v11;
	v10 =	vmpcnt.ones.xlane vm1  }
0x28e: {  	(xrf0) =	vmax.scan.msk.u32 $0xffff, v5  }
0x28f: {  	v10 =	vxor.u32 $0x80000000, v10  }
0x290: {  	(xrf0) =	vmax.scan.msk.u32 $0xffff, v10  }
0x291: {  	v5, _, _ =	vpop (xrf0)  }
0x292: {  	(v2sf) =	vpush v5, $0xF;
	v5, _, _ =	vpop (xrf0)  }
0x293: {  	(v2sf) =	vpush v5, $0xF  }
0x294: {  	v5, _, _ =	vpop (xrf0)  }
0x295: {  	(v2sf) =	vpush v5, $0xF  }
0x296: {  	v5, _, _ =	vpop (xrf0)  }
0x297: {  	(v2sf) =	vpush v5, $0xF;
	_ =	sdelay $0x9  }
0x298: {  	s3 =	spop (v2sf)  }
0x299: {  	s3 =	sxor.u32 $0x80000000, s3;
	s15 =	spop (v2sf)  }
0x29a: {  	p1 =	slt.s32 s3, $0x1;
	s3 =	sadd.s32 s23, s3  }
0x29b: {  	s15 =	sxor.u32 $0x80000000, s15;
	v10 =	vld @!p1 [tilespmem:s25+$0xFFFFFFE0];
	p2 =	slt.s32 @!p1 s23, $0x70;
	s26 =	spop (v2sf)  }
0x29c: {  	s26 =	sxor.u32 $0x80000000, s26;
	v5 =	vld [tilespmem:s25+$0x10];
	p4 =	por !p2, p1;
	p2 =	slt.s32 s15, $0x1  }
0x29d: {  	v11 =	vld [tilespmem:s25+$0xFFFFFFF0];
	p3 =	slt.s32 s26, $0x1;
	s28 =	sadd.s32 s3, s26;
	s26 =	spop (v2sf)  }
0x29e: {  	vm1 =	vgt.s32 @!p1 v6, $0xF41FF;
	s23 =	simm.s32 @p4 $0x70;
	v12 =	vld [tilespmem:s25+$0x0];
	p4 =	slt.s32 @!p3 s3, $0x70;
	p5 =	slt.s32 @!p2 s28, $0x70  }
0x29f: {  	s29 =	sxor.u32 $0x80000000, s26;
	[tilespmem:s23+$0x1E000] =	vst.msk @!p1 vm1, v6;
	p4 =	por !p4, p3;
	p5 =	por !p5, p2  }
0x2a0: {  	[tilespmem:s23+$0x1E080] =	vst.msk @!p1 vm1, v10;
	vm1 =	vgt.s32 @!p3 v8, $0xF41FF;
	s3 =	simm.s32 @p4 $0x70  }
.Ltmp35:
0x2a1: {  	s26 =	sadd.s32 s28, s15;
	p1 =	slt.s32 s29, $0x1;
	[tilespmem:s3+$0x1E000] =	vst.msk @!p3 vm1, v8;
	(pc) =	sbr.rel @p0 .LBB2_45-.Ltmp35, $4  }
0x2a2: {  	s28 =	simm.s32 @p5 $0x70;
	s23 =	sadd.s32 s26, s29;
	[tilespmem:s3+$0x1E080] =	vst.msk @!p3 vm1, v11;
	vm1 =	vgt.s32 @!p2 v7, $0xF41FF;
	p3 =	slt.s32 @!p1 s26, $0x70  }
0x2a3: {  	[tilespmem:s28+$0x1E000] =	vst.msk @!p2 vm1, v7;
	p3 =	por !p3, p1  }
0x2a4: {  	[tilespmem:s28+$0x1E080] =	vst.msk @!p2 vm1, v12;
	vm1 =	vgt.s32 @!p1 v9, $0xF41FF;
	s26 =	simm.s32 @p3 $0x70  }
0x2a5: {  	[tilespmem:s26+$0x1E000] =	vst.msk @!p1 vm1, v9  }
.LBB2_46:
.Ltmp36:
0x2a6: {  	(pc) =	sbr.rel .LBB2_47-.Ltmp36, $2  }
0x2a7: {  	_ =	sdelay $0x2  }
0x2a8: {  	[tilespmem:s26+$0x1E080] =	vst.msk @!p1 vm1, v5;
	s0 =	sadd.s32 $0xF, s23  }
.LBB2_16:
0x2a9: {  	s0 =	simm.s32 $0xF  }
.LBB2_47:
0x2aa: {  	s3 =	sand.u32 $0xF, s0  }
0x2ab: {  	s15 =	sshra.s32 s0, $0x1F;
	p0 =	slt.s32 s0, $0x1;
	p1 =	sne.s32 s3, $0x0  }
0x2ac: {  	s30 =	sshrl.u32 s15, $0x1C;
	p0 =	por !p0, !p1  }
0x2ad: {  	s3 =	simm.s32 $0x1;
	s31 =	sadd.s32 s30, s0;
	p0 =	por !p0, !p0  }
0x2ae: {  	s0 =	sshra.s32 s31, $0x4;
	s3 =	simm.s32 @!p0 $0x0  }
0x2af: {  	s24 =	ssub.s32 s0, s3  }
0x2b0: {  	p0 =	slt.s32 s24, $0x1  }
.Ltmp37:
0x2b1: {  	_ = 	snop;
	(pc) =	sbr.rel @p0 .LBB2_58-.Ltmp37, $1  }
0x2b2: {  	_ =	sdelay $0x3  }
0x2b3: {  	p0 =	slt.s32 s24, $0x8  }
0x2b4: {  	s24 =	simm.s32 @!p0 $0x8  }
0x2b5: {  	s0 =	simm.s32 $0x1E000;
	s25 =	simm.s32 $0x0;
	s26 =	smov.u32 s24  }
.LBB2_49:
0x2b6: {  	v5 =	vld [tilespmem:s0+$0x0];
	_ =	sdelay $0x4  }
0x2b7: {  	v5 =	vadd.s32 $0xFFF0BE00, v5  }
0x2b8: {  	vm1 =	vgt.s32 v5, $0x0  }
0x2b9: {  	v5 =	vnsel vm1, $0x0, v5  }
0x2ba: {  	v5 =	vmin.u32 v5, $0x3F;
	_ =	sdelay $0x2  }
0x2bb: {  	v6 =	vmov s25  }
0x2bc: {  	v6 =	vshll.u32 v6, $0x7  }
0x2bd: {  	v6 =	vor.u32 v4, v6;
	v7 =	vld.idx.msk [tilespmem:v5+s16+$0x0], $0xffff  }
0x2be: {  	v8 =	vor.u32 $0x80, v5;
	_ =	sdelay $0x2  }
0x2bf: {  	s23 =	simm.s32 $0x1A000  }
0x2c0: {  	[tilespmem:v6+s23+$0x0] =	vst.idx.msk $0xffff, v7  }
0x2c1: {  	v58 =	vor.u32 $0x1, v6;
	v7 =	vld.idx.msk [tilespmem:v8+s16+$0x0], $0xffff  }
0x2c2: {  	v9 =	vor.u32 $0x100, v5;
	_ =	sdelay $0x3  }
0x2c3: {  	[tilespmem:v58+s23+$0x0] =	vst.idx.msk $0xffff, v7  }
0x2c4: {  	v59 =	vor.u32 $0x2, v6;
	v7 =	vld.idx.msk [tilespmem:v9+s16+$0x0], $0xffff  }
0x2c5: {  	v60 =	vor.u32 $0x180, v5;
	_ =	sdelay $0x3  }
0x2c6: {  	[tilespmem:v59+s23+$0x0] =	vst.idx.msk $0xffff, v7  }
0x2c7: {  	v61 =	vor.u32 $0x3, v6;
	v7 =	vld.idx.msk [tilespmem:v60+s16+$0x0], $0xffff  }
0x2c8: {  	v62 =	vor.u32 $0x200, v5;
	_ =	sdelay $0x3  }
0x2c9: {  	[tilespmem:v61+s23+$0x0] =	vst.idx.msk $0xffff, v7  }
0x2ca: {  	v63 =	vor.u32 $0x4, v6;
	v7 =	vld.idx.msk [tilespmem:v62+s16+$0x0], $0xffff  }
0x2cb: {  	v12 =	vor.u32 $0x280, v5;
	_ =	sdelay $0x3  }
0x2cc: {  	[tilespmem:v63+s23+$0x0] =	vst.idx.msk $0xffff, v7  }
0x2cd: {  	v13 =	vor.u32 $0x5, v6;
	v7 =	vld.idx.msk [tilespmem:v12+s16+$0x0], $0xffff  }
0x2ce: {  	v14 =	vor.u32 $0x300, v5;
	_ =	sdelay $0x3  }
0x2cf: {  	[tilespmem:v13+s23+$0x0] =	vst.idx.msk $0xffff, v7  }
0x2d0: {  	v15 =	vor.u32 $0x6, v6;
	v7 =	vld.idx.msk [tilespmem:v14+s16+$0x0], $0xffff  }
0x2d1: {  	v16 =	vor.u32 $0x380, v5;
	_ =	sdelay $0x3  }
0x2d2: {  	[tilespmem:v15+s23+$0x0] =	vst.idx.msk $0xffff, v7  }
0x2d3: {  	v17 =	vor.u32 $0x7, v6;
	v7 =	vld.idx.msk [tilespmem:v16+s16+$0x0], $0xffff  }
0x2d4: {  	v18 =	vor.u32 $0x400, v5;
	_ =	sdelay $0x3  }
0x2d5: {  	[tilespmem:v17+s23+$0x0] =	vst.idx.msk $0xffff, v7  }
0x2d6: {  	v19 =	vor.u32 $0x8, v6;
	v7 =	vld.idx.msk [tilespmem:v18+s16+$0x0], $0xffff  }
0x2d7: {  	v20 =	vor.u32 $0x480, v5;
	_ =	sdelay $0x3  }
0x2d8: {  	[tilespmem:v19+s23+$0x0] =	vst.idx.msk $0xffff, v7  }
0x2d9: {  	v21 =	vor.u32 $0x9, v6;
	v7 =	vld.idx.msk [tilespmem:v20+s16+$0x0], $0xffff  }
0x2da: {  	v22 =	vor.u32 $0x500, v5;
	_ =	sdelay $0x3  }
0x2db: {  	[tilespmem:v21+s23+$0x0] =	vst.idx.msk $0xffff, v7  }
0x2dc: {  	v23 =	vor.u32 $0xA, v6;
	v7 =	vld.idx.msk [tilespmem:v22+s16+$0x0], $0xffff  }
0x2dd: {  	v24 =	vor.u32 $0x580, v5;
	_ =	sdelay $0x3  }
0x2de: {  	[tilespmem:v23+s23+$0x0] =	vst.idx.msk $0xffff, v7  }
0x2df: {  	v25 =	vor.u32 $0xB, v6;
	v7 =	vld.idx.msk [tilespmem:v24+s16+$0x0], $0xffff  }
0x2e0: {  	v26 =	vor.u32 $0x600, v5;
	_ =	sdelay $0x3  }
0x2e1: {  	[tilespmem:v25+s23+$0x0] =	vst.idx.msk $0xffff, v7  }
0x2e2: {  	v27 =	vor.u32 $0xC, v6;
	v7 =	vld.idx.msk [tilespmem:v26+s16+$0x0], $0xffff  }
0x2e3: {  	v28 =	vor.u32 $0x680, v5;
	_ =	sdelay $0x3  }
0x2e4: {  	[tilespmem:v27+s23+$0x0] =	vst.idx.msk $0xffff, v7  }
0x2e5: {  	v29 =	vor.u32 $0xD, v6;
	v7 =	vld.idx.msk [tilespmem:v28+s16+$0x0], $0xffff  }
0x2e6: {  	v30 =	vor.u32 $0x700, v5;
	_ =	sdelay $0x3  }
0x2e7: {  	[tilespmem:v29+s23+$0x0] =	vst.idx.msk $0xffff, v7  }
0x2e8: {  	v31 =	vor.u32 $0xE, v6;
	v7 =	vld.idx.msk [tilespmem:v30+s16+$0x0], $0xffff  }
0x2e9: {  	v32 =	vor.u32 $0x780, v5;
	_ =	sdelay $0x3  }
0x2ea: {  	[tilespmem:v31+s23+$0x0] =	vst.idx.msk $0xffff, v7  }
0x2eb: {  	v33 =	vor.u32 $0xF, v6;
	v7 =	vld.idx.msk [tilespmem:v32+s16+$0x0], $0xffff  }
0x2ec: {  	v34 =	vor.u32 $0x800, v5;
	_ =	sdelay $0x3  }
0x2ed: {  	[tilespmem:v33+s23+$0x0] =	vst.idx.msk $0xffff, v7  }
0x2ee: {  	v35 =	vor.u32 $0x10, v6;
	v7 =	vld.idx.msk [tilespmem:v34+s16+$0x0], $0xffff  }
0x2ef: {  	v36 =	vor.u32 $0x880, v5;
	_ =	sdelay $0x3  }
0x2f0: {  	[tilespmem:v35+s23+$0x0] =	vst.idx.msk $0xffff, v7  }
0x2f1: {  	v37 =	vor.u32 $0x11, v6;
	v7 =	vld.idx.msk [tilespmem:v36+s16+$0x0], $0xffff  }
0x2f2: {  	v38 =	vor.u32 $0x900, v5;
	_ =	sdelay $0x3  }
0x2f3: {  	[tilespmem:v37+s23+$0x0] =	vst.idx.msk $0xffff, v7  }
0x2f4: {  	v39 =	vor.u32 $0x12, v6;
	v7 =	vld.idx.msk [tilespmem:v38+s16+$0x0], $0xffff  }
0x2f5: {  	v40 =	vor.u32 $0x980, v5;
	_ =	sdelay $0x3  }
0x2f6: {  	[tilespmem:v39+s23+$0x0] =	vst.idx.msk $0xffff, v7  }
0x2f7: {  	v41 =	vor.u32 $0x13, v6;
	v7 =	vld.idx.msk [tilespmem:v40+s16+$0x0], $0xffff  }
0x2f8: {  	v42 =	vor.u32 $0xA00, v5;
	_ =	sdelay $0x3  }
0x2f9: {  	[tilespmem:v41+s23+$0x0] =	vst.idx.msk $0xffff, v7  }
0x2fa: {  	v43 =	vor.u32 $0x14, v6;
	v7 =	vld.idx.msk [tilespmem:v42+s16+$0x0], $0xffff  }
0x2fb: {  	v44 =	vor.u32 $0xA80, v5;
	_ =	sdelay $0x3  }
0x2fc: {  	[tilespmem:v43+s23+$0x0] =	vst.idx.msk $0xffff, v7  }
0x2fd: {  	v45 =	vor.u32 $0x15, v6;
	v7 =	vld.idx.msk [tilespmem:v44+s16+$0x0], $0xffff  }
0x2fe: {  	v46 =	vor.u32 $0xB00, v5;
	_ =	sdelay $0x3  }
0x2ff: {  	[tilespmem:v45+s23+$0x0] =	vst.idx.msk $0xffff, v7  }
0x300: {  	v47 =	vor.u32 $0x16, v6;
	v7 =	vld.idx.msk [tilespmem:v46+s16+$0x0], $0xffff  }
0x301: {  	v48 =	vor.u32 $0xB80, v5;
	_ =	sdelay $0x3  }
0x302: {  	[tilespmem:v47+s23+$0x0] =	vst.idx.msk $0xffff, v7  }
0x303: {  	v49 =	vor.u32 $0x17, v6;
	v7 =	vld.idx.msk [tilespmem:v48+s16+$0x0], $0xffff  }
0x304: {  	v50 =	vor.u32 $0xC00, v5;
	_ =	sdelay $0x3  }
0x305: {  	[tilespmem:v49+s23+$0x0] =	vst.idx.msk $0xffff, v7  }
0x306: {  	v51 =	vor.u32 $0x18, v6;
	v7 =	vld.idx.msk [tilespmem:v50+s16+$0x0], $0xffff  }
0x307: {  	v52 =	vor.u32 $0xC80, v5;
	_ =	sdelay $0x3  }
0x308: {  	[tilespmem:v51+s23+$0x0] =	vst.idx.msk $0xffff, v7  }
0x309: {  	v53 =	vor.u32 $0x19, v6;
	v7 =	vld.idx.msk [tilespmem:v52+s16+$0x0], $0xffff  }
0x30a: {  	v54 =	vor.u32 $0xD00, v5;
	_ =	sdelay $0x3  }
0x30b: {  	[tilespmem:v53+s23+$0x0] =	vst.idx.msk $0xffff, v7  }
0x30c: {  	v55 =	vor.u32 $0x1A, v6;
	v7 =	vld.idx.msk [tilespmem:v54+s16+$0x0], $0xffff  }
0x30d: {  	v56 =	vor.u32 $0xD80, v5;
	_ =	sdelay $0x3  }
0x30e: {  	[tilespmem:v55+s23+$0x0] =	vst.idx.msk $0xffff, v7  }
0x30f: {  	v57 =	vor.u32 $0x1B, v6;
	v7 =	vld.idx.msk [tilespmem:v56+s16+$0x0], $0xffff  }
0x310: {  	v58 =	vor.u32 $0xE00, v5;
	_ =	sdelay $0x3  }
0x311: {  	[tilespmem:v57+s23+$0x0] =	vst.idx.msk $0xffff, v7  }
0x312: {  	v59 =	vor.u32 $0x1C, v6;
	v7 =	vld.idx.msk [tilespmem:v58+s16+$0x0], $0xffff  }
0x313: {  	v60 =	vor.u32 $0xE80, v5;
	_ =	sdelay $0x3  }
0x314: {  	[tilespmem:v59+s23+$0x0] =	vst.idx.msk $0xffff, v7  }
0x315: {  	v61 =	vor.u32 $0x1D, v6;
	v7 =	vld.idx.msk [tilespmem:v60+s16+$0x0], $0xffff  }
0x316: {  	v62 =	vor.u32 $0xF00, v5;
	_ =	sdelay $0x3  }
0x317: {  	[tilespmem:v61+s23+$0x0] =	vst.idx.msk $0xffff, v7  }
0x318: {  	v63 =	vor.u32 $0x1E, v6;
	v7 =	vld.idx.msk [tilespmem:v62+s16+$0x0], $0xffff  }
0x319: {  	v5 =	vor.u32 $0xF80, v5;
	_ =	sdelay $0x3  }
0x31a: {  	[tilespmem:v63+s23+$0x0] =	vst.idx.msk $0xffff, v7  }
0x31b: {  	p0 =	sne.s32 s26, $0x1;
	v6 =	vor.u32 $0x1F, v6;
	v5 =	vld.idx.msk [tilespmem:v5+s16+$0x0], $0xffff  }
.Ltmp38:
0x31c: {  	_ = 	snop;
	(pc) =	sbr.rel @p0 .LBB2_49-.Ltmp38, $2  }
0x31d: {  	_ =	sdelay $0x2  }
0x31e: {  	s0 =	sadd.s32 $0x10, s0;
	s25 =	sadd.s32 $0x10, s25;
	s26 =	sadd.s32 $0xFFFFFFFF, s26;
	[tilespmem:v6+s23+$0x0] =	vst.idx.msk $0xffff, v5  }
0x31f: {  	p0 =	sne.s32 s24, $0x1  }
.Ltmp39:
0x320: {  	_ = 	snop;
	(pc) =	sbr.rel @!p0 .LBB2_51-.Ltmp39, $3  }
0x321: {  	_ =	sdelay $0x1  }
0x322: {  	s0 =	simm.s32 $0x1E080  }
0x323: {  	p1 =	por $0x0, $0x0;
	v5 =	vld [tilespmem:s0+$0x0];
	s0 =	sadd.s32 $0xFFFFFFFF, s24  }
0x324: {  	_ =	sdelay $0x3  }
0x325: {  	p2 =	sne.s32 s0, $0x1  }
.Ltmp40:
0x326: {  	_ = 	snop;
	(pc) =	sbr.rel @!p2 .LBB2_53-.Ltmp40, $4  }
0x327: {  	_ = 	snop  }
0x328: {  	s25 =	simm.s32 $0x1E090  }
0x329: {  	[hbm4b:s5+s2] =	stream.indirect_vreg.scatter [tilespmem:s23], [sflag:$0x5], $0x80, v5, vm0, $0xb8;
	[tilespmem:$0x1E100] =	vst v63  }
0x32a: {  	s26 =	sadd.s32 $0xFFFFFFFF, s0;
	p1 =	por $0x1, $0x1;
	s24 =	simm.s32 $0x1A000;
	v5 =	vld [tilespmem:s25+$0x0]  }
.LBB2_54:
0x32b: {  	p2 =	sne.s32 s26, $0x1;
	_ =	sdelay $0x3  }
.Ltmp41:
0x32c: {  	(pc) =	sbr.rel @p2 .LBB2_54-.Ltmp41, $4  }
0x32d: {  	_ = 	snop  }
0x32e: {  	s25 =	sadd.s32 $0x10, s25;
	s24 =	sadd.s32 $0x800, s24  }
0x32f: {  	[hbm4b:s5+s2] =	stream.indirect_vreg.scatter [tilespmem:s24], [sflag:$0x5], $0x80, v5, vm0, $0xb8;
	[tilespmem:$0x1E100] =	vst v63  }
0x330: {  	s26 =	sadd.s32 $0xFFFFFFFF, s26;
	v5 =	vld [tilespmem:s25+$0x0]  }
.LBB2_55:
0x331: {  	_ =	sdelay $0x5  }
.Ltmp42:
0x332: {  	s3 =	sadd.s32 @p1 $0x800, s24;
	(pc) =	sbr.rel @!p0 .LBB2_57-.Ltmp42, $4  }
0x333: {  	s23 =	smov.u32 @p1 s3  }
0x334: {  	[hbm4b:s5+s2] =	stream.indirect_vreg.scatter [tilespmem:s23], [sflag:$0x5], $0x80, v5, vm0, $0xb8;
	[tilespmem:$0x1E100] =	vst v63  }
0x335: {  	_ =	swait.ge [sflag:s18], $0x800  }
0x336: {  	[sflag:s18] =	ssyncset.done $0x0  }
.LBB2_56:
0x337: {  	p0 =	sne.s32 s0, $0x1;
	s0 =	sadd.s32 $0xFFFFFFFF, s0;
	[sflag:s18] =	ssyncadd.s32 $0xFFFFF800  }
.Ltmp43:
0x338: {  	(pc) =	sbr.rel @p0 .LBB2_56-.Ltmp43, $3  }
0x339: {  	_ =	sdelay $0x1  }
0x33a: {  	_ =	swait.ge [sflag:s18], $0x800  }
0x33b: {  	[sflag:s18] =	ssyncset.done $0x0  }
.Ltmp44:
0x33c: {  	_ = 	snop;
	(pc) =	sbr.rel .LBB2_57-.Ltmp44, $1  }
0x33d: {  	_ =	sdelay $0x3  }
.LBB2_51:
.Ltmp45:
0x33e: {  	(pc) =	sbr.rel .LBB2_55-.Ltmp45, $2  }
0x33f: {  	_ =	sdelay $0x2  }
0x340: {  	s24 =	simm.s32 $0x1A000  }
.LBB2_53:
.Ltmp46:
0x341: {  	(pc) =	sbr.rel .LBB2_55-.Ltmp46, $2  }
0x342: {  	_ =	sdelay $0x2  }
0x343: {  	s24 =	simm.s32 $0x1A000  }
.LBB2_59:
0x344: {  	_ =	sfence.sel $0x180000  }
0x345: {  	[bflag:$0x0] =	sbarrier.arrive $0xFFFF  }
0x346: {  	_ =	strace $0x90000047  }
0x347: {  	s0 =	stileid.u32;
	[bflag:$0x2] =	sbarrier.arrive $0xFFFF  }
0x348: {  	p0 =	sne.s32 s0, $0x0;
	s0 =	rddreg [dreg:$0x2]  }
0x349: {  	s0 =	sadd.s32 @!p0 $0x100000, s0  }
0x34a: {  	[sflag:s0] =	ssyncadd.tile.s32 @!p0 $0x1;
	_ =	shalt  }
.Lfunc_end2:
_tile_overlayer_lowered:
.L_overlay_start_2:
0x34b: {  	(tag) =	ssettag $0x2  }
0x34c: {  	s0 =	rddreg [dreg:$0x0];
	s2 =	stileid.u32  }
0x34d: {  	s1 =	rddreg [dreg:$0x1];
	p0 =	sne.s32 s2, $0x0  }
0x34e: {  	s3 =	rddreg [dreg:$0x2];
	[bflag:$0x3] =	sbarrier.arrive $0xFFFF;
	s2 =	simm.s32 @!p0 $0x1C06  }
0x34f: {  	[timem:s3], [sflag:s2] =	dma.local @!p0 [hbm:s0], s1  }
0x350: {  	s0 =	simm.s32 @!p0 $0x6  }
0x351: {  	_ =	swait.ge @!p0 [sflag:s0], s1  }
0x352: {  	s1 =	ssub.s32 @!p0 $0x0, s1;
	[sflag:s0] =	ssyncset.done @!p0 $0x0  }
0x353: {  	[sflag:s0] =	ssyncadd.s32 @!p0 s1  }
0x354: {  	[bflag:$0x3] =	sbarrier.arrive $0xFFFF  }
0x355: {  	_ =	shalt  }

</sc_bundles>
